<compile_context>
chip_gen: v7x
topology: tpu7x:2x2x1
jax: 0.10.2.dev20260603
libtpu: 0.0.44.dev20260713+nightly
codegen_flags: <defaults>
</compile_context>

<pallas_src>
import jax
import jax.numpy as jnp
from jax import lax
from jax.experimental import pallas as pl
from jax.experimental.pallas import tpu as pltpu
from jax.experimental.pallas import tpu_sc as plsc

SEQ, BATCH, VOCAB = 50, 1024, 1000
ROWS = SEQ * BATCH
NC, NS, L = 2, 16, 16
NW = NC * NS
BS = 128
SPB = BATCH // BS
NSLABS = SEQ * SPB
JMAX = -(-NSLABS // NW)
NFULL = NSLABS - NW * (JMAX - 1)


def _slab_coords(sigma):
    s = sigma // SPB
    b0 = (sigma % SPB) * BS
    return s, b0


def _body(in_hbm, out_hbm, idx2d, buf, dsem, isem):
    wid = lax.axis_index("s") * NC + lax.axis_index("c")
    has_last = wid < NFULL

    def idx_copy(j):
        sigma = jnp.minimum(wid + NW * j, NSLABS - 1)
        s, b0 = _slab_coords(sigma)
        return pltpu.make_async_copy(
            in_hbm.at[pl.ds(s * BATCH + b0, BS)], idx2d.at[j], isem
        )

    for j in range(JMAX - 1):
        idx_copy(j).start()

    @pl.when(has_last)
    def _():
        idx_copy(JMAX - 1).start()

    zeros16 = jnp.zeros((L,), jnp.float32)

    def ztile(vt, carry):
        v0 = vt * 8
        for r in range(8):
            for c in range(BS // L):
                buf[v0 + r, pl.ds(c * L, L)] = zeros16
        return carry

    lax.fori_loop(0, VOCAB // 8, ztile, None)

    for j in range(JMAX - 1):
        idx_copy(j).wait()

    @pl.when(has_last)
    def _():
        idx_copy(JMAX - 1).wait()

    iota = lax.broadcasted_iota(jnp.int32, (L,), 0)
    ones16 = jnp.ones((L,), jnp.float32)

    def scat(j, val):
        for g in range(BS // L):
            rows = idx2d[j, pl.ds(g * L, L)]
            plsc.store_scatter(buf, [rows, g * L + iota], val)

    def slab_copy(j):
        sigma = jnp.minimum(wid + NW * j, NSLABS - 1)
        s, b0 = _slab_coords(sigma)
        return pltpu.make_async_copy(
            buf, out_hbm.at[s, pl.ds(0, VOCAB), pl.ds(b0, BS)], dsem
        )

    for j in range(JMAX):
        def step(j=j):
            if j > 0:
                slab_copy(j - 1).wait()
                scat(j - 1, zeros16)
            scat(j, ones16)
            slab_copy(j).start()

        if j == JMAX - 1:
            pl.when(has_last)(step)
        else:
            step()

    slab_copy(0).wait()


def _onehot_sc(flat_idx):
    mesh = plsc.VectorSubcoreMesh(core_axis_name="c", subcore_axis_name="s")
    return pl.kernel(
        _body,
        mesh=mesh,
        out_type=jax.ShapeDtypeStruct((SEQ, VOCAB, BATCH), jnp.float32),
        scratch_types=[
            pltpu.VMEM((JMAX, BS), jnp.int32),
            pltpu.VMEM((VOCAB, BS), jnp.float32),
            pltpu.SemaphoreType.DMA,
            pltpu.SemaphoreType.DMA,
        ],
        compiler_params=pltpu.CompilerParams(
            use_tc_tiling_on_sc=True, needs_layout_passes=False
        ),
    )(flat_idx)


def kernel(input):
    flat_idx = input.reshape(ROWS).astype(jnp.int32)
    out = _onehot_sc(flat_idx)
    return jnp.swapaxes(out, 1, 2)

# --- scband reference (transcript-rebuilt; emitter-appended) ---
"""Pipeline reference for scband-one-hot-embedding-46153718563329 (READ-ONLY COPY).

The authoritative reference and input builder live on the scoring server;
editing this copy changes nothing except your own understanding.
"""

import jax, jax.numpy as jnp
import numpy as np

INPUT_SIZE = 1000


def setup_inputs(seed: int = 0) -> dict:
    key = jax.random.key(seed)
    inp = jax.random.randint(key, (50, 1024), 0, INPUT_SIZE, dtype=jnp.int64 if jax.config.jax_enable_x64 else jnp.int32)
    return {"input": inp}


def reference(input) -> jnp.ndarray:
    # Faithful translation of OneHotEmbedding.forward for dim()==2 input.
    seqlen, batch_size = input.shape
    flat_idx = input.reshape(-1)
    rows = jnp.arange(seqlen * batch_size)
    one_hot = jnp.zeros((seqlen * batch_size, INPUT_SIZE), dtype=jnp.float32)
    # torch scatter_(1, idx, 1) -> overwrite-with-1 at (row, idx) positions
    one_hot = one_hot.at[rows, flat_idx].set(1.0)
    one_hot = one_hot.reshape(seqlen, batch_size, INPUT_SIZE)
    return one_hot

if __name__ == "__main__":
    import jax
    _d = setup_inputs()
    print(jax.jit(kernel)(*tuple(_d.values())))

</pallas_src>

<mosaic_0001>
#map = affine_map<(d0, d1) -> (0)>
#map1 = affine_map<(d0, d1) -> (0, 0, 0)>
module attributes {stable_mosaic.version = 14 : i64} {
  func.func @_body(%arg0: i32, %arg1: i32, %arg2: memref<51200xi32, #tpu.memory_space<hbm>>, %arg3: memref<50x1000x1024xf32, #tpu.memory_space<hbm>>, %arg4: memref<13x128xi32, #tpu.memory_space<vmem>>, %arg5: memref<1000x128xf32, #tpu.memory_space<vmem>>, %arg6: memref<!tpu.dma_semaphore, #tpu.memory_space<semaphore_mem>>, %arg7: memref<!tpu.dma_semaphore, #tpu.memory_space<semaphore_mem>>) attributes {dimension_semantics = [#tpu.dimension_semantics<core_parallel>, #tpu.dimension_semantics<subcore_parallel>], iteration_bounds = array<i64: 2, 16>, scalar_prefetch = 0 : i64, scratch_operands = 4 : i64, tpu.core_type = #tpu.core_type<sc_vector_subcore>, window_params = [{transform_indices = #map}, {transform_indices = #map1}]} {
    %mul3A = arith.constant 2 : i32
    %mul3A_0 = arith.muli %arg1, %mul3A : i32
    %add3A = arith.addi %mul3A_0, %arg0 : i32
    %lt3A = arith.constant 16 : i32
    %lt3A_1 = arith.cmpi slt, %add3A, %lt3A : i32
    %add3A_2 = arith.constant 0 : i32
    %add3A_3 = arith.addi %add3A, %add3A_2 : i32
    %min3A = arith.constant 399 : i32
    %min3A_4 = arith.minsi %add3A_3, %min3A : i32
    %jit3A = arith.constant 8 : i32
    %div3A = arith.divsi %min3A_4, %jit3A : i32
    %sign3A = arith.constant 0 : i32
    %sign3A_5 = arith.cmpi sgt, %min3A_4, %sign3A : i32
    %sign3A_6 = arith.extui %sign3A_5 : i1 to i32
    %sign3A_7 = arith.constant 0 : i32
    %sign3A_8 = arith.cmpi slt, %min3A_4, %sign3A_7 : i32
    %sign3A_9 = arith.extui %sign3A_8 : i1 to i32
    %sign3A_10 = arith.subi %sign3A_6, %sign3A_9 : i32
    %sign3A_11 = arith.constant 0 : i32
    %sign3A_12 = arith.cmpi sgt, %jit3A, %sign3A_11 : i32
    %sign3A_13 = arith.extui %sign3A_12 : i1 to i32
    %sign3A_14 = arith.constant 0 : i32
    %sign3A_15 = arith.cmpi slt, %jit3A, %sign3A_14 : i32
    %sign3A_16 = arith.extui %sign3A_15 : i1 to i32
    %sign3A_17 = arith.subi %sign3A_13, %sign3A_16 : i32
    %ne3A = arith.cmpi ne, %sign3A_10, %sign3A_17 : i32
    %rem3A = arith.remsi %min3A_4, %jit3A : i32
    %ne3A_18 = arith.constant 0 : i32
    %ne3A_19 = arith.cmpi ne, %rem3A, %ne3A_18 : i32
    %and3A = arith.andi %ne3A, %ne3A_19 : i1
    %sub3A = arith.constant 1 : i32
    %sub3A_20 = arith.subi %div3A, %sub3A : i32
    %select_n3A = arith.select %and3A, %sub3A_20, %div3A : i32
    %jit3A_21 = arith.constant 8 : i32
    %eq3A = arith.constant 0 : i32
    %eq3A_22 = arith.cmpi eq, %jit3A_21, %eq3A : i32
    %jit3A_23 = arith.constant 1 : i32
    %select_n3A_24 = arith.select %eq3A_22, %jit3A_23, %jit3A_21 : i32
    %rem3A_25 = arith.remsi %min3A_4, %select_n3A_24 : i32
    %ne3A_26 = arith.constant 0 : i32
    %ne3A_27 = arith.cmpi ne, %rem3A_25, %ne3A_26 : i32
    %lt3A_28 = arith.constant 0 : i32
    %lt3A_29 = arith.cmpi slt, %rem3A_25, %lt3A_28 : i32
    %lt3A_30 = arith.constant 0 : i32
    %lt3A_31 = arith.cmpi slt, %select_n3A_24, %lt3A_30 : i32
    %ne3A_32 = arith.xori %lt3A_29, %lt3A_31 : i1
    %and3A_33 = arith.andi %ne3A_32, %ne3A_27 : i1
    %add3A_34 = arith.addi %rem3A_25, %select_n3A_24 : i32
    %select_n3A_35 = arith.select %and3A_33, %add3A_34, %rem3A_25 : i32
    %mul3A_36 = arith.constant 128 : i32
    %mul3A_37 = arith.muli %select_n3A_35, %mul3A_36 : i32
    %mul3A_38 = arith.constant 1024 : i32
    %mul3A_39 = arith.muli %select_n3A, %mul3A_38 : i32
    %add3A_40 = arith.addi %mul3A_39, %mul3A_37 : i32
    %dma_start3A = arith.constant 0 : i32
    %dma_start3A_41 = arith.constant 0 : i32
    %dma_start3A_42 = tpu.memref_slice %arg4[%dma_start3A, %dma_start3A_41] : memref<13x128xi32, #tpu.memory_space<vmem>> -> memref<1x128xi32, #tpu.memory_space<vmem>>
    %dma_start3A_43 = tpu.memref_squeeze %dma_start3A_42 : memref<1x128xi32, #tpu.memory_space<vmem>> -> memref<128xi32, #tpu.memory_space<vmem>>
    %dma_start3A_44 = tpu.memref_slice %arg2[%add3A_40] : memref<51200xi32, #tpu.memory_space<hbm>> -> memref<128xi32, #tpu.memory_space<hbm>>
    %dma_start3A_45 = arith.constant 0 : i32
    %dma_start3A_46 = tpu.memref_slice %arg4[%dma_start3A, %dma_start3A_45] : memref<13x128xi32, #tpu.memory_space<vmem>> -> memref<1x128xi32, #tpu.memory_space<vmem>>
    %dma_start3A_47 = tpu.memref_squeeze %dma_start3A_46 : memref<1x128xi32, #tpu.memory_space<vmem>> -> memref<128xi32, #tpu.memory_space<vmem>>
    %dma_start3A_48 = tpu.memref_slice %arg2[%add3A_40] : memref<51200xi32, #tpu.memory_space<hbm>> -> memref<128xi32, #tpu.memory_space<hbm>>
    tpu.enqueue_dma source(%dma_start3A_48 : memref<128xi32, #tpu.memory_space<hbm>>) target(%dma_start3A_47 : memref<128xi32, #tpu.memory_space<vmem>>) target_semaphore(%arg7 : memref<!tpu.dma_semaphore, #tpu.memory_space<semaphore_mem>>)
    %add3A_49 = arith.constant 32 : i32
    %add3A_50 = arith.addi %add3A, %add3A_49 : i32
    %min3A_51 = arith.constant 399 : i32
    %min3A_52 = arith.minsi %add3A_50, %min3A_51 : i32
    %jit3A_53 = arith.constant 8 : i32
    %div3A_54 = arith.divsi %min3A_52, %jit3A_53 : i32
    %sign3A_55 = arith.constant 0 : i32
    %sign3A_56 = arith.cmpi sgt, %min3A_52, %sign3A_55 : i32
    %sign3A_57 = arith.extui %sign3A_56 : i1 to i32
    %sign3A_58 = arith.constant 0 : i32
    %sign3A_59 = arith.cmpi slt, %min3A_52, %sign3A_58 : i32
    %sign3A_60 = arith.extui %sign3A_59 : i1 to i32
    %sign3A_61 = arith.subi %sign3A_57, %sign3A_60 : i32
    %sign3A_62 = arith.constant 0 : i32
    %sign3A_63 = arith.cmpi sgt, %jit3A_53, %sign3A_62 : i32
    %sign3A_64 = arith.extui %sign3A_63 : i1 to i32
    %sign3A_65 = arith.constant 0 : i32
    %sign3A_66 = arith.cmpi slt, %jit3A_53, %sign3A_65 : i32
    %sign3A_67 = arith.extui %sign3A_66 : i1 to i32
    %sign3A_68 = arith.subi %sign3A_64, %sign3A_67 : i32
    %ne3A_69 = arith.cmpi ne, %sign3A_61, %sign3A_68 : i32
    %rem3A_70 = arith.remsi %min3A_52, %jit3A_53 : i32
    %ne3A_71 = arith.constant 0 : i32
    %ne3A_72 = arith.cmpi ne, %rem3A_70, %ne3A_71 : i32
    %and3A_73 = arith.andi %ne3A_69, %ne3A_72 : i1
    %sub3A_74 = arith.constant 1 : i32
    %sub3A_75 = arith.subi %div3A_54, %sub3A_74 : i32
    %select_n3A_76 = arith.select %and3A_73, %sub3A_75, %div3A_54 : i32
    %jit3A_77 = arith.constant 8 : i32
    %eq3A_78 = arith.constant 0 : i32
    %eq3A_79 = arith.cmpi eq, %jit3A_77, %eq3A_78 : i32
    %jit3A_80 = arith.constant 1 : i32
    %select_n3A_81 = arith.select %eq3A_79, %jit3A_80, %jit3A_77 : i32
    %rem3A_82 = arith.remsi %min3A_52, %select_n3A_81 : i32
    %ne3A_83 = arith.constant 0 : i32
    %ne3A_84 = arith.cmpi ne, %rem3A_82, %ne3A_83 : i32
    %lt3A_85 = arith.constant 0 : i32
    %lt3A_86 = arith.cmpi slt, %rem3A_82, %lt3A_85 : i32
    %lt3A_87 = arith.constant 0 : i32
    %lt3A_88 = arith.cmpi slt, %select_n3A_81, %lt3A_87 : i32
    %ne3A_89 = arith.xori %lt3A_86, %lt3A_88 : i1
    %and3A_90 = arith.andi %ne3A_89, %ne3A_84 : i1
    %add3A_91 = arith.addi %rem3A_82, %select_n3A_81 : i32
    %select_n3A_92 = arith.select %and3A_90, %add3A_91, %rem3A_82 : i32
    %mul3A_93 = arith.constant 128 : i32
    %mul3A_94 = arith.muli %select_n3A_92, %mul3A_93 : i32
    %mul3A_95 = arith.constant 1024 : i32
    %mul3A_96 = arith.muli %select_n3A_76, %mul3A_95 : i32
    %add3A_97 = arith.addi %mul3A_96, %mul3A_94 : i32
    %dma_start3A_98 = arith.constant 1 : i32
    %dma_start3A_99 = arith.constant 0 : i32
    %dma_start3A_100 = tpu.memref_slice %arg4[%dma_start3A_98, %dma_start3A_99] : memref<13x128xi32, #tpu.memory_space<vmem>> -> memref<1x128xi32, #tpu.memory_space<vmem>>
    %dma_start3A_101 = tpu.memref_squeeze %dma_start3A_100 : memref<1x128xi32, #tpu.memory_space<vmem>> -> memref<128xi32, #tpu.memory_space<vmem>>
    %dma_start3A_102 = tpu.memref_slice %arg2[%add3A_97] : memref<51200xi32, #tpu.memory_space<hbm>> -> memref<128xi32, #tpu.memory_space<hbm>>
    %dma_start3A_103 = arith.constant 0 : i32
    %dma_start3A_104 = tpu.memref_slice %arg4[%dma_start3A_98, %dma_start3A_103] : memref<13x128xi32, #tpu.memory_space<vmem>> -> memref<1x128xi32, #tpu.memory_space<vmem>>
    %dma_start3A_105 = tpu.memref_squeeze %dma_start3A_104 : memref<1x128xi32, #tpu.memory_space<vmem>> -> memref<128xi32, #tpu.memory_space<vmem>>
    %dma_start3A_106 = tpu.memref_slice %arg2[%add3A_97] : memref<51200xi32, #tpu.memory_space<hbm>> -> memref<128xi32, #tpu.memory_space<hbm>>
    tpu.enqueue_dma source(%dma_start3A_106 : memref<128xi32, #tpu.memory_space<hbm>>) target(%dma_start3A_105 : memref<128xi32, #tpu.memory_space<vmem>>) target_semaphore(%arg7 : memref<!tpu.dma_semaphore, #tpu.memory_space<semaphore_mem>>)
    %add3A_107 = arith.constant 64 : i32
    %add3A_108 = arith.addi %add3A, %add3A_107 : i32
    %min3A_109 = arith.constant 399 : i32
    %min3A_110 = arith.minsi %add3A_108, %min3A_109 : i32
    %jit3A_111 = arith.constant 8 : i32
    %div3A_112 = arith.divsi %min3A_110, %jit3A_111 : i32
    %sign3A_113 = arith.constant 0 : i32
    %sign3A_114 = arith.cmpi sgt, %min3A_110, %sign3A_113 : i32
    %sign3A_115 = arith.extui %sign3A_114 : i1 to i32
    %sign3A_116 = arith.constant 0 : i32
    %sign3A_117 = arith.cmpi slt, %min3A_110, %sign3A_116 : i32
    %sign3A_118 = arith.extui %sign3A_117 : i1 to i32
    %sign3A_119 = arith.subi %sign3A_115, %sign3A_118 : i32
    %sign3A_120 = arith.constant 0 : i32
    %sign3A_121 = arith.cmpi sgt, %jit3A_111, %sign3A_120 : i32
    %sign3A_122 = arith.extui %sign3A_121 : i1 to i32
    %sign3A_123 = arith.constant 0 : i32
    %sign3A_124 = arith.cmpi slt, %jit3A_111, %sign3A_123 : i32
    %sign3A_125 = arith.extui %sign3A_124 : i1 to i32
    %sign3A_126 = arith.subi %sign3A_122, %sign3A_125 : i32
    %ne3A_127 = arith.cmpi ne, %sign3A_119, %sign3A_126 : i32
    %rem3A_128 = arith.remsi %min3A_110, %jit3A_111 : i32
    %ne3A_129 = arith.constant 0 : i32
    %ne3A_130 = arith.cmpi ne, %rem3A_128, %ne3A_129 : i32
    %and3A_131 = arith.andi %ne3A_127, %ne3A_130 : i1
    %sub3A_132 = arith.constant 1 : i32
    %sub3A_133 = arith.subi %div3A_112, %sub3A_132 : i32
    %select_n3A_134 = arith.select %and3A_131, %sub3A_133, %div3A_112 : i32
    %jit3A_135 = arith.constant 8 : i32
    %eq3A_136 = arith.constant 0 : i32
    %eq3A_137 = arith.cmpi eq, %jit3A_135, %eq3A_136 : i32
    %jit3A_138 = arith.constant 1 : i32
    %select_n3A_139 = arith.select %eq3A_137, %jit3A_138, %jit3A_135 : i32
    %rem3A_140 = arith.remsi %min3A_110, %select_n3A_139 : i32
    %ne3A_141 = arith.constant 0 : i32
    %ne3A_142 = arith.cmpi ne, %rem3A_140, %ne3A_141 : i32
    %lt3A_143 = arith.constant 0 : i32
    %lt3A_144 = arith.cmpi slt, %rem3A_140, %lt3A_143 : i32
    %lt3A_145 = arith.constant 0 : i32
    %lt3A_146 = arith.cmpi slt, %select_n3A_139, %lt3A_145 : i32
    %ne3A_147 = arith.xori %lt3A_144, %lt3A_146 : i1
    %and3A_148 = arith.andi %ne3A_147, %ne3A_142 : i1
    %add3A_149 = arith.addi %rem3A_140, %select_n3A_139 : i32
    %select_n3A_150 = arith.select %and3A_148, %add3A_149, %rem3A_140 : i32
    %mul3A_151 = arith.constant 128 : i32
    %mul3A_152 = arith.muli %select_n3A_150, %mul3A_151 : i32
    %mul3A_153 = arith.constant 1024 : i32
    %mul3A_154 = arith.muli %select_n3A_134, %mul3A_153 : i32
    %add3A_155 = arith.addi %mul3A_154, %mul3A_152 : i32
    %dma_start3A_156 = arith.constant 2 : i32
    %dma_start3A_157 = arith.constant 0 : i32
    %dma_start3A_158 = tpu.memref_slice %arg4[%dma_start3A_156, %dma_start3A_157] : memref<13x128xi32, #tpu.memory_space<vmem>> -> memref<1x128xi32, #tpu.memory_space<vmem>>
    %dma_start3A_159 = tpu.memref_squeeze %dma_start3A_158 : memref<1x128xi32, #tpu.memory_space<vmem>> -> memref<128xi32, #tpu.memory_space<vmem>>
    %dma_start3A_160 = tpu.memref_slice %arg2[%add3A_155] : memref<51200xi32, #tpu.memory_space<hbm>> -> memref<128xi32, #tpu.memory_space<hbm>>
    %dma_start3A_161 = arith.constant 0 : i32
    %dma_start3A_162 = tpu.memref_slice %arg4[%dma_start3A_156, %dma_start3A_161] : memref<13x128xi32, #tpu.memory_space<vmem>> -> memref<1x128xi32, #tpu.memory_space<vmem>>
    %dma_start3A_163 = tpu.memref_squeeze %dma_start3A_162 : memref<1x128xi32, #tpu.memory_space<vmem>> -> memref<128xi32, #tpu.memory_space<vmem>>
    %dma_start3A_164 = tpu.memref_slice %arg2[%add3A_155] : memref<51200xi32, #tpu.memory_space<hbm>> -> memref<128xi32, #tpu.memory_space<hbm>>
    tpu.enqueue_dma source(%dma_start3A_164 : memref<128xi32, #tpu.memory_space<hbm>>) target(%dma_start3A_163 : memref<128xi32, #tpu.memory_space<vmem>>) target_semaphore(%arg7 : memref<!tpu.dma_semaphore, #tpu.memory_space<semaphore_mem>>)
    %add3A_165 = arith.constant 96 : i32
    %add3A_166 = arith.addi %add3A, %add3A_165 : i32
    %min3A_167 = arith.constant 399 : i32
    %min3A_168 = arith.minsi %add3A_166, %min3A_167 : i32
    %jit3A_169 = arith.constant 8 : i32
    %div3A_170 = arith.divsi %min3A_168, %jit3A_169 : i32
    %sign3A_171 = arith.constant 0 : i32
    %sign3A_172 = arith.cmpi sgt, %min3A_168, %sign3A_171 : i32
    %sign3A_173 = arith.extui %sign3A_172 : i1 to i32
    %sign3A_174 = arith.constant 0 : i32
    %sign3A_175 = arith.cmpi slt, %min3A_168, %sign3A_174 : i32
    %sign3A_176 = arith.extui %sign3A_175 : i1 to i32
    %sign3A_177 = arith.subi %sign3A_173, %sign3A_176 : i32
    %sign3A_178 = arith.constant 0 : i32
    %sign3A_179 = arith.cmpi sgt, %jit3A_169, %sign3A_178 : i32
    %sign3A_180 = arith.extui %sign3A_179 : i1 to i32
    %sign3A_181 = arith.constant 0 : i32
    %sign3A_182 = arith.cmpi slt, %jit3A_169, %sign3A_181 : i32
    %sign3A_183 = arith.extui %sign3A_182 : i1 to i32
    %sign3A_184 = arith.subi %sign3A_180, %sign3A_183 : i32
    %ne3A_185 = arith.cmpi ne, %sign3A_177, %sign3A_184 : i32
    %rem3A_186 = arith.remsi %min3A_168, %jit3A_169 : i32
    %ne3A_187 = arith.constant 0 : i32
    %ne3A_188 = arith.cmpi ne, %rem3A_186, %ne3A_187 : i32
    %and3A_189 = arith.andi %ne3A_185, %ne3A_188 : i1
    %sub3A_190 = arith.constant 1 : i32
    %sub3A_191 = arith.subi %div3A_170, %sub3A_190 : i32
    %select_n3A_192 = arith.select %and3A_189, %sub3A_191, %div3A_170 : i32
    %jit3A_193 = arith.constant 8 : i32
    %eq3A_194 = arith.constant 0 : i32
    %eq3A_195 = arith.cmpi eq, %jit3A_193, %eq3A_194 : i32
    %jit3A_196 = arith.constant 1 : i32
    %select_n3A_197 = arith.select %eq3A_195, %jit3A_196, %jit3A_193 : i32
    %rem3A_198 = arith.remsi %min3A_168, %select_n3A_197 : i32
    %ne3A_199 = arith.constant 0 : i32
    %ne3A_200 = arith.cmpi ne, %rem3A_198, %ne3A_199 : i32
    %lt3A_201 = arith.constant 0 : i32
    %lt3A_202 = arith.cmpi slt, %rem3A_198, %lt3A_201 : i32
    %lt3A_203 = arith.constant 0 : i32
    %lt3A_204 = arith.cmpi slt, %select_n3A_197, %lt3A_203 : i32
    %ne3A_205 = arith.xori %lt3A_202, %lt3A_204 : i1
    %and3A_206 = arith.andi %ne3A_205, %ne3A_200 : i1
    %add3A_207 = arith.addi %rem3A_198, %select_n3A_197 : i32
    %select_n3A_208 = arith.select %and3A_206, %add3A_207, %rem3A_198 : i32
    %mul3A_209 = arith.constant 128 : i32
    %mul3A_210 = arith.muli %select_n3A_208, %mul3A_209 : i32
    %mul3A_211 = arith.constant 1024 : i32
    %mul3A_212 = arith.muli %select_n3A_192, %mul3A_211 : i32
    %add3A_213 = arith.addi %mul3A_212, %mul3A_210 : i32
    %dma_start3A_214 = arith.constant 3 : i32
    %dma_start3A_215 = arith.constant 0 : i32
    %dma_start3A_216 = tpu.memref_slice %arg4[%dma_start3A_214, %dma_start3A_215] : memref<13x128xi32, #tpu.memory_space<vmem>> -> memref<1x128xi32, #tpu.memory_space<vmem>>
    %dma_start3A_217 = tpu.memref_squeeze %dma_start3A_216 : memref<1x128xi32, #tpu.memory_space<vmem>> -> memref<128xi32, #tpu.memory_space<vmem>>
    %dma_start3A_218 = tpu.memref_slice %arg2[%add3A_213] : memref<51200xi32, #tpu.memory_space<hbm>> -> memref<128xi32, #tpu.memory_space<hbm>>
    %dma_start3A_219 = arith.constant 0 : i32
    %dma_start3A_220 = tpu.memref_slice %arg4[%dma_start3A_214, %dma_start3A_219] : memref<13x128xi32, #tpu.memory_space<vmem>> -> memref<1x128xi32, #tpu.memory_space<vmem>>
    %dma_start3A_221 = tpu.memref_squeeze %dma_start3A_220 : memref<1x128xi32, #tpu.memory_space<vmem>> -> memref<128xi32, #tpu.memory_space<vmem>>
    %dma_start3A_222 = tpu.memref_slice %arg2[%add3A_213] : memref<51200xi32, #tpu.memory_space<hbm>> -> memref<128xi32, #tpu.memory_space<hbm>>
    tpu.enqueue_dma source(%dma_start3A_222 : memref<128xi32, #tpu.memory_space<hbm>>) target(%dma_start3A_221 : memref<128xi32, #tpu.memory_space<vmem>>) target_semaphore(%arg7 : memref<!tpu.dma_semaphore, #tpu.memory_space<semaphore_mem>>)
    %add3A_223 = arith.constant 128 : i32
    %add3A_224 = arith.addi %add3A, %add3A_223 : i32
    %min3A_225 = arith.constant 399 : i32
    %min3A_226 = arith.minsi %add3A_224, %min3A_225 : i32
    %jit3A_227 = arith.constant 8 : i32
    %div3A_228 = arith.divsi %min3A_226, %jit3A_227 : i32
    %sign3A_229 = arith.constant 0 : i32
    %sign3A_230 = arith.cmpi sgt, %min3A_226, %sign3A_229 : i32
    %sign3A_231 = arith.extui %sign3A_230 : i1 to i32
    %sign3A_232 = arith.constant 0 : i32
    %sign3A_233 = arith.cmpi slt, %min3A_226, %sign3A_232 : i32
    %sign3A_234 = arith.extui %sign3A_233 : i1 to i32
    %sign3A_235 = arith.subi %sign3A_231, %sign3A_234 : i32
    %sign3A_236 = arith.constant 0 : i32
    %sign3A_237 = arith.cmpi sgt, %jit3A_227, %sign3A_236 : i32
    %sign3A_238 = arith.extui %sign3A_237 : i1 to i32
    %sign3A_239 = arith.constant 0 : i32
    %sign3A_240 = arith.cmpi slt, %jit3A_227, %sign3A_239 : i32
    %sign3A_241 = arith.extui %sign3A_240 : i1 to i32
    %sign3A_242 = arith.subi %sign3A_238, %sign3A_241 : i32
    %ne3A_243 = arith.cmpi ne, %sign3A_235, %sign3A_242 : i32
    %rem3A_244 = arith.remsi %min3A_226, %jit3A_227 : i32
    %ne3A_245 = arith.constant 0 : i32
    %ne3A_246 = arith.cmpi ne, %rem3A_244, %ne3A_245 : i32
    %and3A_247 = arith.andi %ne3A_243, %ne3A_246 : i1
    %sub3A_248 = arith.constant 1 : i32
    %sub3A_249 = arith.subi %div3A_228, %sub3A_248 : i32
    %select_n3A_250 = arith.select %and3A_247, %sub3A_249, %div3A_228 : i32
    %jit3A_251 = arith.constant 8 : i32
    %eq3A_252 = arith.constant 0 : i32
    %eq3A_253 = arith.cmpi eq, %jit3A_251, %eq3A_252 : i32
    %jit3A_254 = arith.constant 1 : i32
    %select_n3A_255 = arith.select %eq3A_253, %jit3A_254, %jit3A_251 : i32
    %rem3A_256 = arith.remsi %min3A_226, %select_n3A_255 : i32
    %ne3A_257 = arith.constant 0 : i32
    %ne3A_258 = arith.cmpi ne, %rem3A_256, %ne3A_257 : i32
    %lt3A_259 = arith.constant 0 : i32
    %lt3A_260 = arith.cmpi slt, %rem3A_256, %lt3A_259 : i32
    %lt3A_261 = arith.constant 0 : i32
    %lt3A_262 = arith.cmpi slt, %select_n3A_255, %lt3A_261 : i32
    %ne3A_263 = arith.xori %lt3A_260, %lt3A_262 : i1
    %and3A_264 = arith.andi %ne3A_263, %ne3A_258 : i1
    %add3A_265 = arith.addi %rem3A_256, %select_n3A_255 : i32
    %select_n3A_266 = arith.select %and3A_264, %add3A_265, %rem3A_256 : i32
    %mul3A_267 = arith.constant 128 : i32
    %mul3A_268 = arith.muli %select_n3A_266, %mul3A_267 : i32
    %mul3A_269 = arith.constant 1024 : i32
    %mul3A_270 = arith.muli %select_n3A_250, %mul3A_269 : i32
    %add3A_271 = arith.addi %mul3A_270, %mul3A_268 : i32
    %dma_start3A_272 = arith.constant 4 : i32
    %dma_start3A_273 = arith.constant 0 : i32
    %dma_start3A_274 = tpu.memref_slice %arg4[%dma_start3A_272, %dma_start3A_273] : memref<13x128xi32, #tpu.memory_space<vmem>> -> memref<1x128xi32, #tpu.memory_space<vmem>>
    %dma_start3A_275 = tpu.memref_squeeze %dma_start3A_274 : memref<1x128xi32, #tpu.memory_space<vmem>> -> memref<128xi32, #tpu.memory_space<vmem>>
    %dma_start3A_276 = tpu.memref_slice %arg2[%add3A_271] : memref<51200xi32, #tpu.memory_space<hbm>> -> memref<128xi32, #tpu.memory_space<hbm>>
    %dma_start3A_277 = arith.constant 0 : i32
    %dma_start3A_278 = tpu.memref_slice %arg4[%dma_start3A_272, %dma_start3A_277] : memref<13x128xi32, #tpu.memory_space<vmem>> -> memref<1x128xi32, #tpu.memory_space<vmem>>
    %dma_start3A_279 = tpu.memref_squeeze %dma_start3A_278 : memref<1x128xi32, #tpu.memory_space<vmem>> -> memref<128xi32, #tpu.memory_space<vmem>>
    %dma_start3A_280 = tpu.memref_slice %arg2[%add3A_271] : memref<51200xi32, #tpu.memory_space<hbm>> -> memref<128xi32, #tpu.memory_space<hbm>>
    tpu.enqueue_dma source(%dma_start3A_280 : memref<128xi32, #tpu.memory_space<hbm>>) target(%dma_start3A_279 : memref<128xi32, #tpu.memory_space<vmem>>) target_semaphore(%arg7 : memref<!tpu.dma_semaphore, #tpu.memory_space<semaphore_mem>>)
    %add3A_281 = arith.constant 160 : i32
    %add3A_282 = arith.addi %add3A, %add3A_281 : i32
    %min3A_283 = arith.constant 399 : i32
    %min3A_284 = arith.minsi %add3A_282, %min3A_283 : i32
    %jit3A_285 = arith.constant 8 : i32
    %div3A_286 = arith.divsi %min3A_284, %jit3A_285 : i32
    %sign3A_287 = arith.constant 0 : i32
    %sign3A_288 = arith.cmpi sgt, %min3A_284, %sign3A_287 : i32
    %sign3A_289 = arith.extui %sign3A_288 : i1 to i32
    %sign3A_290 = arith.constant 0 : i32
    %sign3A_291 = arith.cmpi slt, %min3A_284, %sign3A_290 : i32
    %sign3A_292 = arith.extui %sign3A_291 : i1 to i32
    %sign3A_293 = arith.subi %sign3A_289, %sign3A_292 : i32
    %sign3A_294 = arith.constant 0 : i32
    %sign3A_295 = arith.cmpi sgt, %jit3A_285, %sign3A_294 : i32
    %sign3A_296 = arith.extui %sign3A_295 : i1 to i32
    %sign3A_297 = arith.constant 0 : i32
    %sign3A_298 = arith.cmpi slt, %jit3A_285, %sign3A_297 : i32
    %sign3A_299 = arith.extui %sign3A_298 : i1 to i32
    %sign3A_300 = arith.subi %sign3A_296, %sign3A_299 : i32
    %ne3A_301 = arith.cmpi ne, %sign3A_293, %sign3A_300 : i32
    %rem3A_302 = arith.remsi %min3A_284, %jit3A_285 : i32
    %ne3A_303 = arith.constant 0 : i32
    %ne3A_304 = arith.cmpi ne, %rem3A_302, %ne3A_303 : i32
    %and3A_305 = arith.andi %ne3A_301, %ne3A_304 : i1
    %sub3A_306 = arith.constant 1 : i32
    %sub3A_307 = arith.subi %div3A_286, %sub3A_306 : i32
    %select_n3A_308 = arith.select %and3A_305, %sub3A_307, %div3A_286 : i32
    %jit3A_309 = arith.constant 8 : i32
    %eq3A_310 = arith.constant 0 : i32
    %eq3A_311 = arith.cmpi eq, %jit3A_309, %eq3A_310 : i32
    %jit3A_312 = arith.constant 1 : i32
    %select_n3A_313 = arith.select %eq3A_311, %jit3A_312, %jit3A_309 : i32
    %rem3A_314 = arith.remsi %min3A_284, %select_n3A_313 : i32
    %ne3A_315 = arith.constant 0 : i32
    %ne3A_316 = arith.cmpi ne, %rem3A_314, %ne3A_315 : i32
    %lt3A_317 = arith.constant 0 : i32
    %lt3A_318 = arith.cmpi slt, %rem3A_314, %lt3A_317 : i32
    %lt3A_319 = arith.constant 0 : i32
    %lt3A_320 = arith.cmpi slt, %select_n3A_313, %lt3A_319 : i32
    %ne3A_321 = arith.xori %lt3A_318, %lt3A_320 : i1
    %and3A_322 = arith.andi %ne3A_321, %ne3A_316 : i1
    %add3A_323 = arith.addi %rem3A_314, %select_n3A_313 : i32
    %select_n3A_324 = arith.select %and3A_322, %add3A_323, %rem3A_314 : i32
    %mul3A_325 = arith.constant 128 : i32
    %mul3A_326 = arith.muli %select_n3A_324, %mul3A_325 : i32
    %mul3A_327 = arith.constant 1024 : i32
    %mul3A_328 = arith.muli %select_n3A_308, %mul3A_327 : i32
    %add3A_329 = arith.addi %mul3A_328, %mul3A_326 : i32
    %dma_start3A_330 = arith.constant 5 : i32
    %dma_start3A_331 = arith.constant 0 : i32
    %dma_start3A_332 = tpu.memref_slice %arg4[%dma_start3A_330, %dma_start3A_331] : memref<13x128xi32, #tpu.memory_space<vmem>> -> memref<1x128xi32, #tpu.memory_space<vmem>>
    %dma_start3A_333 = tpu.memref_squeeze %dma_start3A_332 : memref<1x128xi32, #tpu.memory_space<vmem>> -> memref<128xi32, #tpu.memory_space<vmem>>
    %dma_start3A_334 = tpu.memref_slice %arg2[%add3A_329] : memref<51200xi32, #tpu.memory_space<hbm>> -> memref<128xi32, #tpu.memory_space<hbm>>
    %dma_start3A_335 = arith.constant 0 : i32
    %dma_start3A_336 = tpu.memref_slice %arg4[%dma_start3A_330, %dma_start3A_335] : memref<13x128xi32, #tpu.memory_space<vmem>> -> memref<1x128xi32, #tpu.memory_space<vmem>>
    %dma_start3A_337 = tpu.memref_squeeze %dma_start3A_336 : memref<1x128xi32, #tpu.memory_space<vmem>> -> memref<128xi32, #tpu.memory_space<vmem>>
    %dma_start3A_338 = tpu.memref_slice %arg2[%add3A_329] : memref<51200xi32, #tpu.memory_space<hbm>> -> memref<128xi32, #tpu.memory_space<hbm>>
    tpu.enqueue_dma source(%dma_start3A_338 : memref<128xi32, #tpu.memory_space<hbm>>) target(%dma_start3A_337 : memref<128xi32, #tpu.memory_space<vmem>>) target_semaphore(%arg7 : memref<!tpu.dma_semaphore, #tpu.memory_space<semaphore_mem>>)
    %add3A_339 = arith.constant 192 : i32
    %add3A_340 = arith.addi %add3A, %add3A_339 : i32
    %min3A_341 = arith.constant 399 : i32
    %min3A_342 = arith.minsi %add3A_340, %min3A_341 : i32
    %jit3A_343 = arith.constant 8 : i32
    %div3A_344 = arith.divsi %min3A_342, %jit3A_343 : i32
    %sign3A_345 = arith.constant 0 : i32
    %sign3A_346 = arith.cmpi sgt, %min3A_342, %sign3A_345 : i32
    %sign3A_347 = arith.extui %sign3A_346 : i1 to i32
    %sign3A_348 = arith.constant 0 : i32
    %sign3A_349 = arith.cmpi slt, %min3A_342, %sign3A_348 : i32
    %sign3A_350 = arith.extui %sign3A_349 : i1 to i32
    %sign3A_351 = arith.subi %sign3A_347, %sign3A_350 : i32
    %sign3A_352 = arith.constant 0 : i32
    %sign3A_353 = arith.cmpi sgt, %jit3A_343, %sign3A_352 : i32
    %sign3A_354 = arith.extui %sign3A_353 : i1 to i32
    %sign3A_355 = arith.constant 0 : i32
    %sign3A_356 = arith.cmpi slt, %jit3A_343, %sign3A_355 : i32
    %sign3A_357 = arith.extui %sign3A_356 : i1 to i32
    %sign3A_358 = arith.subi %sign3A_354, %sign3A_357 : i32
    %ne3A_359 = arith.cmpi ne, %sign3A_351, %sign3A_358 : i32
    %rem3A_360 = arith.remsi %min3A_342, %jit3A_343 : i32
    %ne3A_361 = arith.constant 0 : i32
    %ne3A_362 = arith.cmpi ne, %rem3A_360, %ne3A_361 : i32
    %and3A_363 = arith.andi %ne3A_359, %ne3A_362 : i1
    %sub3A_364 = arith.constant 1 : i32
    %sub3A_365 = arith.subi %div3A_344, %sub3A_364 : i32
    %select_n3A_366 = arith.select %and3A_363, %sub3A_365, %div3A_344 : i32
    %jit3A_367 = arith.constant 8 : i32
    %eq3A_368 = arith.constant 0 : i32
    %eq3A_369 = arith.cmpi eq, %jit3A_367, %eq3A_368 : i32
    %jit3A_370 = arith.constant 1 : i32
    %select_n3A_371 = arith.select %eq3A_369, %jit3A_370, %jit3A_367 : i32
    %rem3A_372 = arith.remsi %min3A_342, %select_n3A_371 : i32
    %ne3A_373 = arith.constant 0 : i32
    %ne3A_374 = arith.cmpi ne, %rem3A_372, %ne3A_373 : i32
    %lt3A_375 = arith.constant 0 : i32
    %lt3A_376 = arith.cmpi slt, %rem3A_372, %lt3A_375 : i32
    %lt3A_377 = arith.constant 0 : i32
    %lt3A_378 = arith.cmpi slt, %select_n3A_371, %lt3A_377 : i32
    %ne3A_379 = arith.xori %lt3A_376, %lt3A_378 : i1
    %and3A_380 = arith.andi %ne3A_379, %ne3A_374 : i1
    %add3A_381 = arith.addi %rem3A_372, %select_n3A_371 : i32
    %select_n3A_382 = arith.select %and3A_380, %add3A_381, %rem3A_372 : i32
    %mul3A_383 = arith.constant 128 : i32
    %mul3A_384 = arith.muli %select_n3A_382, %mul3A_383 : i32
    %mul3A_385 = arith.constant 1024 : i32
    %mul3A_386 = arith.muli %select_n3A_366, %mul3A_385 : i32
    %add3A_387 = arith.addi %mul3A_386, %mul3A_384 : i32
    %dma_start3A_388 = arith.constant 6 : i32
    %dma_start3A_389 = arith.constant 0 : i32
    %dma_start3A_390 = tpu.memref_slice %arg4[%dma_start3A_388, %dma_start3A_389] : memref<13x128xi32, #tpu.memory_space<vmem>> -> memref<1x128xi32, #tpu.memory_space<vmem>>
    %dma_start3A_391 = tpu.memref_squeeze %dma_start3A_390 : memref<1x128xi32, #tpu.memory_space<vmem>> -> memref<128xi32, #tpu.memory_space<vmem>>
    %dma_start3A_392 = tpu.memref_slice %arg2[%add3A_387] : memref<51200xi32, #tpu.memory_space<hbm>> -> memref<128xi32, #tpu.memory_space<hbm>>
    %dma_start3A_393 = arith.constant 0 : i32
    %dma_start3A_394 = tpu.memref_slice %arg4[%dma_start3A_388, %dma_start3A_393] : memref<13x128xi32, #tpu.memory_space<vmem>> -> memref<1x128xi32, #tpu.memory_space<vmem>>
    %dma_start3A_395 = tpu.memref_squeeze %dma_start3A_394 : memref<1x128xi32, #tpu.memory_space<vmem>> -> memref<128xi32, #tpu.memory_space<vmem>>
    %dma_start3A_396 = tpu.memref_slice %arg2[%add3A_387] : memref<51200xi32, #tpu.memory_space<hbm>> -> memref<128xi32, #tpu.memory_space<hbm>>
    tpu.enqueue_dma source(%dma_start3A_396 : memref<128xi32, #tpu.memory_space<hbm>>) target(%dma_start3A_395 : memref<128xi32, #tpu.memory_space<vmem>>) target_semaphore(%arg7 : memref<!tpu.dma_semaphore, #tpu.memory_space<semaphore_mem>>)
    %add3A_397 = arith.constant 224 : i32
    %add3A_398 = arith.addi %add3A, %add3A_397 : i32
    %min3A_399 = arith.constant 399 : i32
    %min3A_400 = arith.minsi %add3A_398, %min3A_399 : i32
    %jit3A_401 = arith.constant 8 : i32
    %div3A_402 = arith.divsi %min3A_400, %jit3A_401 : i32
    %sign3A_403 = arith.constant 0 : i32
    %sign3A_404 = arith.cmpi sgt, %min3A_400, %sign3A_403 : i32
    %sign3A_405 = arith.extui %sign3A_404 : i1 to i32
    %sign3A_406 = arith.constant 0 : i32
    %sign3A_407 = arith.cmpi slt, %min3A_400, %sign3A_406 : i32
    %sign3A_408 = arith.extui %sign3A_407 : i1 to i32
    %sign3A_409 = arith.subi %sign3A_405, %sign3A_408 : i32
    %sign3A_410 = arith.constant 0 : i32
    %sign3A_411 = arith.cmpi sgt, %jit3A_401, %sign3A_410 : i32
    %sign3A_412 = arith.extui %sign3A_411 : i1 to i32
    %sign3A_413 = arith.constant 0 : i32
    %sign3A_414 = arith.cmpi slt, %jit3A_401, %sign3A_413 : i32
    %sign3A_415 = arith.extui %sign3A_414 : i1 to i32
    %sign3A_416 = arith.subi %sign3A_412, %sign3A_415 : i32
    %ne3A_417 = arith.cmpi ne, %sign3A_409, %sign3A_416 : i32
    %rem3A_418 = arith.remsi %min3A_400, %jit3A_401 : i32
    %ne3A_419 = arith.constant 0 : i32
    %ne3A_420 = arith.cmpi ne, %rem3A_418, %ne3A_419 : i32
    %and3A_421 = arith.andi %ne3A_417, %ne3A_420 : i1
    %sub3A_422 = arith.constant 1 : i32
    %sub3A_423 = arith.subi %div3A_402, %sub3A_422 : i32
    %select_n3A_424 = arith.select %and3A_421, %sub3A_423, %div3A_402 : i32
    %jit3A_425 = arith.constant 8 : i32
    %eq3A_426 = arith.constant 0 : i32
    %eq3A_427 = arith.cmpi eq, %jit3A_425, %eq3A_426 : i32
    %jit3A_428 = arith.constant 1 : i32
    %select_n3A_429 = arith.select %eq3A_427, %jit3A_428, %jit3A_425 : i32
    %rem3A_430 = arith.remsi %min3A_400, %select_n3A_429 : i32
    %ne3A_431 = arith.constant 0 : i32
    %ne3A_432 = arith.cmpi ne, %rem3A_430, %ne3A_431 : i32
    %lt3A_433 = arith.constant 0 : i32
    %lt3A_434 = arith.cmpi slt, %rem3A_430, %lt3A_433 : i32
    %lt3A_435 = arith.constant 0 : i32
    %lt3A_436 = arith.cmpi slt, %select_n3A_429, %lt3A_435 : i32
    %ne3A_437 = arith.xori %lt3A_434, %lt3A_436 : i1
    %and3A_438 = arith.andi %ne3A_437, %ne3A_432 : i1
    %add3A_439 = arith.addi %rem3A_430, %select_n3A_429 : i32
    %select_n3A_440 = arith.select %and3A_438, %add3A_439, %rem3A_430 : i32
    %mul3A_441 = arith.constant 128 : i32
    %mul3A_442 = arith.muli %select_n3A_440, %mul3A_441 : i32
    %mul3A_443 = arith.constant 1024 : i32
    %mul3A_444 = arith.muli %select_n3A_424, %mul3A_443 : i32
    %add3A_445 = arith.addi %mul3A_444, %mul3A_442 : i32
    %dma_start3A_446 = arith.constant 7 : i32
    %dma_start3A_447 = arith.constant 0 : i32
    %dma_start3A_448 = tpu.memref_slice %arg4[%dma_start3A_446, %dma_start3A_447] : memref<13x128xi32, #tpu.memory_space<vmem>> -> memref<1x128xi32, #tpu.memory_space<vmem>>
    %dma_start3A_449 = tpu.memref_squeeze %dma_start3A_448 : memref<1x128xi32, #tpu.memory_space<vmem>> -> memref<128xi32, #tpu.memory_space<vmem>>
    %dma_start3A_450 = tpu.memref_slice %arg2[%add3A_445] : memref<51200xi32, #tpu.memory_space<hbm>> -> memref<128xi32, #tpu.memory_space<hbm>>
    %dma_start3A_451 = arith.constant 0 : i32
    %dma_start3A_452 = tpu.memref_slice %arg4[%dma_start3A_446, %dma_start3A_451] : memref<13x128xi32, #tpu.memory_space<vmem>> -> memref<1x128xi32, #tpu.memory_space<vmem>>
    %dma_start3A_453 = tpu.memref_squeeze %dma_start3A_452 : memref<1x128xi32, #tpu.memory_space<vmem>> -> memref<128xi32, #tpu.memory_space<vmem>>
    %dma_start3A_454 = tpu.memref_slice %arg2[%add3A_445] : memref<51200xi32, #tpu.memory_space<hbm>> -> memref<128xi32, #tpu.memory_space<hbm>>
    tpu.enqueue_dma source(%dma_start3A_454 : memref<128xi32, #tpu.memory_space<hbm>>) target(%dma_start3A_453 : memref<128xi32, #tpu.memory_space<vmem>>) target_semaphore(%arg7 : memref<!tpu.dma_semaphore, #tpu.memory_space<semaphore_mem>>)
    %add3A_455 = arith.constant 256 : i32
    %add3A_456 = arith.addi %add3A, %add3A_455 : i32
    %min3A_457 = arith.constant 399 : i32
    %min3A_458 = arith.minsi %add3A_456, %min3A_457 : i32
    %jit3A_459 = arith.constant 8 : i32
    %div3A_460 = arith.divsi %min3A_458, %jit3A_459 : i32
    %sign3A_461 = arith.constant 0 : i32
    %sign3A_462 = arith.cmpi sgt, %min3A_458, %sign3A_461 : i32
    %sign3A_463 = arith.extui %sign3A_462 : i1 to i32
    %sign3A_464 = arith.constant 0 : i32
    %sign3A_465 = arith.cmpi slt, %min3A_458, %sign3A_464 : i32
    %sign3A_466 = arith.extui %sign3A_465 : i1 to i32
    %sign3A_467 = arith.subi %sign3A_463, %sign3A_466 : i32
    %sign3A_468 = arith.constant 0 : i32
    %sign3A_469 = arith.cmpi sgt, %jit3A_459, %sign3A_468 : i32
    %sign3A_470 = arith.extui %sign3A_469 : i1 to i32
    %sign3A_471 = arith.constant 0 : i32
    %sign3A_472 = arith.cmpi slt, %jit3A_459, %sign3A_471 : i32
    %sign3A_473 = arith.extui %sign3A_472 : i1 to i32
    %sign3A_474 = arith.subi %sign3A_470, %sign3A_473 : i32
    %ne3A_475 = arith.cmpi ne, %sign3A_467, %sign3A_474 : i32
    %rem3A_476 = arith.remsi %min3A_458, %jit3A_459 : i32
    %ne3A_477 = arith.constant 0 : i32
    %ne3A_478 = arith.cmpi ne, %rem3A_476, %ne3A_477 : i32
    %and3A_479 = arith.andi %ne3A_475, %ne3A_478 : i1
    %sub3A_480 = arith.constant 1 : i32
    %sub3A_481 = arith.subi %div3A_460, %sub3A_480 : i32
    %select_n3A_482 = arith.select %and3A_479, %sub3A_481, %div3A_460 : i32
    %jit3A_483 = arith.constant 8 : i32
    %eq3A_484 = arith.constant 0 : i32
    %eq3A_485 = arith.cmpi eq, %jit3A_483, %eq3A_484 : i32
    %jit3A_486 = arith.constant 1 : i32
    %select_n3A_487 = arith.select %eq3A_485, %jit3A_486, %jit3A_483 : i32
    %rem3A_488 = arith.remsi %min3A_458, %select_n3A_487 : i32
    %ne3A_489 = arith.constant 0 : i32
    %ne3A_490 = arith.cmpi ne, %rem3A_488, %ne3A_489 : i32
    %lt3A_491 = arith.constant 0 : i32
    %lt3A_492 = arith.cmpi slt, %rem3A_488, %lt3A_491 : i32
    %lt3A_493 = arith.constant 0 : i32
    %lt3A_494 = arith.cmpi slt, %select_n3A_487, %lt3A_493 : i32
    %ne3A_495 = arith.xori %lt3A_492, %lt3A_494 : i1
    %and3A_496 = arith.andi %ne3A_495, %ne3A_490 : i1
    %add3A_497 = arith.addi %rem3A_488, %select_n3A_487 : i32
    %select_n3A_498 = arith.select %and3A_496, %add3A_497, %rem3A_488 : i32
    %mul3A_499 = arith.constant 128 : i32
    %mul3A_500 = arith.muli %select_n3A_498, %mul3A_499 : i32
    %mul3A_501 = arith.constant 1024 : i32
    %mul3A_502 = arith.muli %select_n3A_482, %mul3A_501 : i32
    %add3A_503 = arith.addi %mul3A_502, %mul3A_500 : i32
    %dma_start3A_504 = arith.constant 8 : i32
    %dma_start3A_505 = arith.constant 0 : i32
    %dma_start3A_506 = tpu.memref_slice %arg4[%dma_start3A_504, %dma_start3A_505] : memref<13x128xi32, #tpu.memory_space<vmem>> -> memref<1x128xi32, #tpu.memory_space<vmem>>
    %dma_start3A_507 = tpu.memref_squeeze %dma_start3A_506 : memref<1x128xi32, #tpu.memory_space<vmem>> -> memref<128xi32, #tpu.memory_space<vmem>>
    %dma_start3A_508 = tpu.memref_slice %arg2[%add3A_503] : memref<51200xi32, #tpu.memory_space<hbm>> -> memref<128xi32, #tpu.memory_space<hbm>>
    %dma_start3A_509 = arith.constant 0 : i32
    %dma_start3A_510 = tpu.memref_slice %arg4[%dma_start3A_504, %dma_start3A_509] : memref<13x128xi32, #tpu.memory_space<vmem>> -> memref<1x128xi32, #tpu.memory_space<vmem>>
    %dma_start3A_511 = tpu.memref_squeeze %dma_start3A_510 : memref<1x128xi32, #tpu.memory_space<vmem>> -> memref<128xi32, #tpu.memory_space<vmem>>
    %dma_start3A_512 = tpu.memref_slice %arg2[%add3A_503] : memref<51200xi32, #tpu.memory_space<hbm>> -> memref<128xi32, #tpu.memory_space<hbm>>
    tpu.enqueue_dma source(%dma_start3A_512 : memref<128xi32, #tpu.memory_space<hbm>>) target(%dma_start3A_511 : memref<128xi32, #tpu.memory_space<vmem>>) target_semaphore(%arg7 : memref<!tpu.dma_semaphore, #tpu.memory_space<semaphore_mem>>)
    %add3A_513 = arith.constant 288 : i32
    %add3A_514 = arith.addi %add3A, %add3A_513 : i32
    %min3A_515 = arith.constant 399 : i32
    %min3A_516 = arith.minsi %add3A_514, %min3A_515 : i32
    %jit3A_517 = arith.constant 8 : i32
    %div3A_518 = arith.divsi %min3A_516, %jit3A_517 : i32
    %sign3A_519 = arith.constant 0 : i32
    %sign3A_520 = arith.cmpi sgt, %min3A_516, %sign3A_519 : i32
    %sign3A_521 = arith.extui %sign3A_520 : i1 to i32
    %sign3A_522 = arith.constant 0 : i32
    %sign3A_523 = arith.cmpi slt, %min3A_516, %sign3A_522 : i32
    %sign3A_524 = arith.extui %sign3A_523 : i1 to i32
    %sign3A_525 = arith.subi %sign3A_521, %sign3A_524 : i32
    %sign3A_526 = arith.constant 0 : i32
    %sign3A_527 = arith.cmpi sgt, %jit3A_517, %sign3A_526 : i32
    %sign3A_528 = arith.extui %sign3A_527 : i1 to i32
    %sign3A_529 = arith.constant 0 : i32
    %sign3A_530 = arith.cmpi slt, %jit3A_517, %sign3A_529 : i32
    %sign3A_531 = arith.extui %sign3A_530 : i1 to i32
    %sign3A_532 = arith.subi %sign3A_528, %sign3A_531 : i32
    %ne3A_533 = arith.cmpi ne, %sign3A_525, %sign3A_532 : i32
    %rem3A_534 = arith.remsi %min3A_516, %jit3A_517 : i32
    %ne3A_535 = arith.constant 0 : i32
    %ne3A_536 = arith.cmpi ne, %rem3A_534, %ne3A_535 : i32
    %and3A_537 = arith.andi %ne3A_533, %ne3A_536 : i1
    %sub3A_538 = arith.constant 1 : i32
    %sub3A_539 = arith.subi %div3A_518, %sub3A_538 : i32
    %select_n3A_540 = arith.select %and3A_537, %sub3A_539, %div3A_518 : i32
    %jit3A_541 = arith.constant 8 : i32
    %eq3A_542 = arith.constant 0 : i32
    %eq3A_543 = arith.cmpi eq, %jit3A_541, %eq3A_542 : i32
    %jit3A_544 = arith.constant 1 : i32
    %select_n3A_545 = arith.select %eq3A_543, %jit3A_544, %jit3A_541 : i32
    %rem3A_546 = arith.remsi %min3A_516, %select_n3A_545 : i32
    %ne3A_547 = arith.constant 0 : i32
    %ne3A_548 = arith.cmpi ne, %rem3A_546, %ne3A_547 : i32
    %lt3A_549 = arith.constant 0 : i32
    %lt3A_550 = arith.cmpi slt, %rem3A_546, %lt3A_549 : i32
    %lt3A_551 = arith.constant 0 : i32
    %lt3A_552 = arith.cmpi slt, %select_n3A_545, %lt3A_551 : i32
    %ne3A_553 = arith.xori %lt3A_550, %lt3A_552 : i1
    %and3A_554 = arith.andi %ne3A_553, %ne3A_548 : i1
    %add3A_555 = arith.addi %rem3A_546, %select_n3A_545 : i32
    %select_n3A_556 = arith.select %and3A_554, %add3A_555, %rem3A_546 : i32
    %mul3A_557 = arith.constant 128 : i32
    %mul3A_558 = arith.muli %select_n3A_556, %mul3A_557 : i32
    %mul3A_559 = arith.constant 1024 : i32
    %mul3A_560 = arith.muli %select_n3A_540, %mul3A_559 : i32
    %add3A_561 = arith.addi %mul3A_560, %mul3A_558 : i32
    %dma_start3A_562 = arith.constant 9 : i32
    %dma_start3A_563 = arith.constant 0 : i32
    %dma_start3A_564 = tpu.memref_slice %arg4[%dma_start3A_562, %dma_start3A_563] : memref<13x128xi32, #tpu.memory_space<vmem>> -> memref<1x128xi32, #tpu.memory_space<vmem>>
    %dma_start3A_565 = tpu.memref_squeeze %dma_start3A_564 : memref<1x128xi32, #tpu.memory_space<vmem>> -> memref<128xi32, #tpu.memory_space<vmem>>
    %dma_start3A_566 = tpu.memref_slice %arg2[%add3A_561] : memref<51200xi32, #tpu.memory_space<hbm>> -> memref<128xi32, #tpu.memory_space<hbm>>
    %dma_start3A_567 = arith.constant 0 : i32
    %dma_start3A_568 = tpu.memref_slice %arg4[%dma_start3A_562, %dma_start3A_567] : memref<13x128xi32, #tpu.memory_space<vmem>> -> memref<1x128xi32, #tpu.memory_space<vmem>>
    %dma_start3A_569 = tpu.memref_squeeze %dma_start3A_568 : memref<1x128xi32, #tpu.memory_space<vmem>> -> memref<128xi32, #tpu.memory_space<vmem>>
    %dma_start3A_570 = tpu.memref_slice %arg2[%add3A_561] : memref<51200xi32, #tpu.memory_space<hbm>> -> memref<128xi32, #tpu.memory_space<hbm>>
    tpu.enqueue_dma source(%dma_start3A_570 : memref<128xi32, #tpu.memory_space<hbm>>) target(%dma_start3A_569 : memref<128xi32, #tpu.memory_space<vmem>>) target_semaphore(%arg7 : memref<!tpu.dma_semaphore, #tpu.memory_space<semaphore_mem>>)
    %add3A_571 = arith.constant 320 : i32
    %add3A_572 = arith.addi %add3A, %add3A_571 : i32
    %min3A_573 = arith.constant 399 : i32
    %min3A_574 = arith.minsi %add3A_572, %min3A_573 : i32
    %jit3A_575 = arith.constant 8 : i32
    %div3A_576 = arith.divsi %min3A_574, %jit3A_575 : i32
    %sign3A_577 = arith.constant 0 : i32
    %sign3A_578 = arith.cmpi sgt, %min3A_574, %sign3A_577 : i32
    %sign3A_579 = arith.extui %sign3A_578 : i1 to i32
    %sign3A_580 = arith.constant 0 : i32
    %sign3A_581 = arith.cmpi slt, %min3A_574, %sign3A_580 : i32
    %sign3A_582 = arith.extui %sign3A_581 : i1 to i32
    %sign3A_583 = arith.subi %sign3A_579, %sign3A_582 : i32
    %sign3A_584 = arith.constant 0 : i32
    %sign3A_585 = arith.cmpi sgt, %jit3A_575, %sign3A_584 : i32
    %sign3A_586 = arith.extui %sign3A_585 : i1 to i32
    %sign3A_587 = arith.constant 0 : i32
    %sign3A_588 = arith.cmpi slt, %jit3A_575, %sign3A_587 : i32
    %sign3A_589 = arith.extui %sign3A_588 : i1 to i32
    %sign3A_590 = arith.subi %sign3A_586, %sign3A_589 : i32
    %ne3A_591 = arith.cmpi ne, %sign3A_583, %sign3A_590 : i32
    %rem3A_592 = arith.remsi %min3A_574, %jit3A_575 : i32
    %ne3A_593 = arith.constant 0 : i32
    %ne3A_594 = arith.cmpi ne, %rem3A_592, %ne3A_593 : i32
    %and3A_595 = arith.andi %ne3A_591, %ne3A_594 : i1
    %sub3A_596 = arith.constant 1 : i32
    %sub3A_597 = arith.subi %div3A_576, %sub3A_596 : i32
    %select_n3A_598 = arith.select %and3A_595, %sub3A_597, %div3A_576 : i32
    %jit3A_599 = arith.constant 8 : i32
    %eq3A_600 = arith.constant 0 : i32
    %eq3A_601 = arith.cmpi eq, %jit3A_599, %eq3A_600 : i32
    %jit3A_602 = arith.constant 1 : i32
    %select_n3A_603 = arith.select %eq3A_601, %jit3A_602, %jit3A_599 : i32
    %rem3A_604 = arith.remsi %min3A_574, %select_n3A_603 : i32
    %ne3A_605 = arith.constant 0 : i32
    %ne3A_606 = arith.cmpi ne, %rem3A_604, %ne3A_605 : i32
    %lt3A_607 = arith.constant 0 : i32
    %lt3A_608 = arith.cmpi slt, %rem3A_604, %lt3A_607 : i32
    %lt3A_609 = arith.constant 0 : i32
    %lt3A_610 = arith.cmpi slt, %select_n3A_603, %lt3A_609 : i32
    %ne3A_611 = arith.xori %lt3A_608, %lt3A_610 : i1
    %and3A_612 = arith.andi %ne3A_611, %ne3A_606 : i1
    %add3A_613 = arith.addi %rem3A_604, %select_n3A_603 : i32
    %select_n3A_614 = arith.select %and3A_612, %add3A_613, %rem3A_604 : i32
    %mul3A_615 = arith.constant 128 : i32
    %mul3A_616 = arith.muli %select_n3A_614, %mul3A_615 : i32
    %mul3A_617 = arith.constant 1024 : i32
    %mul3A_618 = arith.muli %select_n3A_598, %mul3A_617 : i32
    %add3A_619 = arith.addi %mul3A_618, %mul3A_616 : i32
    %dma_start3A_620 = arith.constant 10 : i32
    %dma_start3A_621 = arith.constant 0 : i32
    %dma_start3A_622 = tpu.memref_slice %arg4[%dma_start3A_620, %dma_start3A_621] : memref<13x128xi32, #tpu.memory_space<vmem>> -> memref<1x128xi32, #tpu.memory_space<vmem>>
    %dma_start3A_623 = tpu.memref_squeeze %dma_start3A_622 : memref<1x128xi32, #tpu.memory_space<vmem>> -> memref<128xi32, #tpu.memory_space<vmem>>
    %dma_start3A_624 = tpu.memref_slice %arg2[%add3A_619] : memref<51200xi32, #tpu.memory_space<hbm>> -> memref<128xi32, #tpu.memory_space<hbm>>
    %dma_start3A_625 = arith.constant 0 : i32
    %dma_start3A_626 = tpu.memref_slice %arg4[%dma_start3A_620, %dma_start3A_625] : memref<13x128xi32, #tpu.memory_space<vmem>> -> memref<1x128xi32, #tpu.memory_space<vmem>>
    %dma_start3A_627 = tpu.memref_squeeze %dma_start3A_626 : memref<1x128xi32, #tpu.memory_space<vmem>> -> memref<128xi32, #tpu.memory_space<vmem>>
    %dma_start3A_628 = tpu.memref_slice %arg2[%add3A_619] : memref<51200xi32, #tpu.memory_space<hbm>> -> memref<128xi32, #tpu.memory_space<hbm>>
    tpu.enqueue_dma source(%dma_start3A_628 : memref<128xi32, #tpu.memory_space<hbm>>) target(%dma_start3A_627 : memref<128xi32, #tpu.memory_space<vmem>>) target_semaphore(%arg7 : memref<!tpu.dma_semaphore, #tpu.memory_space<semaphore_mem>>)
    %add3A_629 = arith.constant 352 : i32
    %add3A_630 = arith.addi %add3A, %add3A_629 : i32
    %min3A_631 = arith.constant 399 : i32
    %min3A_632 = arith.minsi %add3A_630, %min3A_631 : i32
    %jit3A_633 = arith.constant 8 : i32
    %div3A_634 = arith.divsi %min3A_632, %jit3A_633 : i32
    %sign3A_635 = arith.constant 0 : i32
    %sign3A_636 = arith.cmpi sgt, %min3A_632, %sign3A_635 : i32
    %sign3A_637 = arith.extui %sign3A_636 : i1 to i32
    %sign3A_638 = arith.constant 0 : i32
    %sign3A_639 = arith.cmpi slt, %min3A_632, %sign3A_638 : i32
    %sign3A_640 = arith.extui %sign3A_639 : i1 to i32
    %sign3A_641 = arith.subi %sign3A_637, %sign3A_640 : i32
    %sign3A_642 = arith.constant 0 : i32
    %sign3A_643 = arith.cmpi sgt, %jit3A_633, %sign3A_642 : i32
    %sign3A_644 = arith.extui %sign3A_643 : i1 to i32
    %sign3A_645 = arith.constant 0 : i32
    %sign3A_646 = arith.cmpi slt, %jit3A_633, %sign3A_645 : i32
    %sign3A_647 = arith.extui %sign3A_646 : i1 to i32
    %sign3A_648 = arith.subi %sign3A_644, %sign3A_647 : i32
    %ne3A_649 = arith.cmpi ne, %sign3A_641, %sign3A_648 : i32
    %rem3A_650 = arith.remsi %min3A_632, %jit3A_633 : i32
    %ne3A_651 = arith.constant 0 : i32
    %ne3A_652 = arith.cmpi ne, %rem3A_650, %ne3A_651 : i32
    %and3A_653 = arith.andi %ne3A_649, %ne3A_652 : i1
    %sub3A_654 = arith.constant 1 : i32
    %sub3A_655 = arith.subi %div3A_634, %sub3A_654 : i32
    %select_n3A_656 = arith.select %and3A_653, %sub3A_655, %div3A_634 : i32
    %jit3A_657 = arith.constant 8 : i32
    %eq3A_658 = arith.constant 0 : i32
    %eq3A_659 = arith.cmpi eq, %jit3A_657, %eq3A_658 : i32
    %jit3A_660 = arith.constant 1 : i32
    %select_n3A_661 = arith.select %eq3A_659, %jit3A_660, %jit3A_657 : i32
    %rem3A_662 = arith.remsi %min3A_632, %select_n3A_661 : i32
    %ne3A_663 = arith.constant 0 : i32
    %ne3A_664 = arith.cmpi ne, %rem3A_662, %ne3A_663 : i32
    %lt3A_665 = arith.constant 0 : i32
    %lt3A_666 = arith.cmpi slt, %rem3A_662, %lt3A_665 : i32
    %lt3A_667 = arith.constant 0 : i32
    %lt3A_668 = arith.cmpi slt, %select_n3A_661, %lt3A_667 : i32
    %ne3A_669 = arith.xori %lt3A_666, %lt3A_668 : i1
    %and3A_670 = arith.andi %ne3A_669, %ne3A_664 : i1
    %add3A_671 = arith.addi %rem3A_662, %select_n3A_661 : i32
    %select_n3A_672 = arith.select %and3A_670, %add3A_671, %rem3A_662 : i32
    %mul3A_673 = arith.constant 128 : i32
    %mul3A_674 = arith.muli %select_n3A_672, %mul3A_673 : i32
    %mul3A_675 = arith.constant 1024 : i32
    %mul3A_676 = arith.muli %select_n3A_656, %mul3A_675 : i32
    %add3A_677 = arith.addi %mul3A_676, %mul3A_674 : i32
    %dma_start3A_678 = arith.constant 11 : i32
    %dma_start3A_679 = arith.constant 0 : i32
    %dma_start3A_680 = tpu.memref_slice %arg4[%dma_start3A_678, %dma_start3A_679] : memref<13x128xi32, #tpu.memory_space<vmem>> -> memref<1x128xi32, #tpu.memory_space<vmem>>
    %dma_start3A_681 = tpu.memref_squeeze %dma_start3A_680 : memref<1x128xi32, #tpu.memory_space<vmem>> -> memref<128xi32, #tpu.memory_space<vmem>>
    %dma_start3A_682 = tpu.memref_slice %arg2[%add3A_677] : memref<51200xi32, #tpu.memory_space<hbm>> -> memref<128xi32, #tpu.memory_space<hbm>>
    %dma_start3A_683 = arith.constant 0 : i32
    %dma_start3A_684 = tpu.memref_slice %arg4[%dma_start3A_678, %dma_start3A_683] : memref<13x128xi32, #tpu.memory_space<vmem>> -> memref<1x128xi32, #tpu.memory_space<vmem>>
    %dma_start3A_685 = tpu.memref_squeeze %dma_start3A_684 : memref<1x128xi32, #tpu.memory_space<vmem>> -> memref<128xi32, #tpu.memory_space<vmem>>
    %dma_start3A_686 = tpu.memref_slice %arg2[%add3A_677] : memref<51200xi32, #tpu.memory_space<hbm>> -> memref<128xi32, #tpu.memory_space<hbm>>
    tpu.enqueue_dma source(%dma_start3A_686 : memref<128xi32, #tpu.memory_space<hbm>>) target(%dma_start3A_685 : memref<128xi32, #tpu.memory_space<vmem>>) target_semaphore(%arg7 : memref<!tpu.dma_semaphore, #tpu.memory_space<semaphore_mem>>)
    %convert_element_type3A = arith.extui %lt3A_1 : i1 to i32
    %cond3A = arith.constant 0 : i32
    %cond3A_687 = arith.cmpi ne, %convert_element_type3A, %cond3A : i32
    scf.if %cond3A_687 {
      %add3A_3931 = arith.constant 384 : i32
      %add3A_3932 = arith.addi %add3A, %add3A_3931 : i32
      %min3A_3933 = arith.constant 399 : i32
      %min3A_3934 = arith.minsi %add3A_3932, %min3A_3933 : i32
      %jit3A_3935 = arith.constant 8 : i32
      %div3A_3936 = arith.divsi %min3A_3934, %jit3A_3935 : i32
      %sign3A_3937 = arith.constant 0 : i32
      %sign3A_3938 = arith.cmpi sgt, %min3A_3934, %sign3A_3937 : i32
      %sign3A_3939 = arith.extui %sign3A_3938 : i1 to i32
      %sign3A_3940 = arith.constant 0 : i32
      %sign3A_3941 = arith.cmpi slt, %min3A_3934, %sign3A_3940 : i32
      %sign3A_3942 = arith.extui %sign3A_3941 : i1 to i32
      %sign3A_3943 = arith.subi %sign3A_3939, %sign3A_3942 : i32
      %sign3A_3944 = arith.constant 0 : i32
      %sign3A_3945 = arith.cmpi sgt, %jit3A_3935, %sign3A_3944 : i32
      %sign3A_3946 = arith.extui %sign3A_3945 : i1 to i32
      %sign3A_3947 = arith.constant 0 : i32
      %sign3A_3948 = arith.cmpi slt, %jit3A_3935, %sign3A_3947 : i32
      %sign3A_3949 = arith.extui %sign3A_3948 : i1 to i32
      %sign3A_3950 = arith.subi %sign3A_3946, %sign3A_3949 : i32
      %ne3A_3951 = arith.cmpi ne, %sign3A_3943, %sign3A_3950 : i32
      %rem3A_3952 = arith.remsi %min3A_3934, %jit3A_3935 : i32
      %ne3A_3953 = arith.constant 0 : i32
      %ne3A_3954 = arith.cmpi ne, %rem3A_3952, %ne3A_3953 : i32
      %and3A_3955 = arith.andi %ne3A_3951, %ne3A_3954 : i1
      %sub3A_3956 = arith.constant 1 : i32
      %sub3A_3957 = arith.subi %div3A_3936, %sub3A_3956 : i32
      %select_n3A_3958 = arith.select %and3A_3955, %sub3A_3957, %div3A_3936 : i32
      %jit3A_3959 = arith.constant 8 : i32
      %eq3A_3960 = arith.constant 0 : i32
      %eq3A_3961 = arith.cmpi eq, %jit3A_3959, %eq3A_3960 : i32
      %jit3A_3962 = arith.constant 1 : i32
      %select_n3A_3963 = arith.select %eq3A_3961, %jit3A_3962, %jit3A_3959 : i32
      %rem3A_3964 = arith.remsi %min3A_3934, %select_n3A_3963 : i32
      %ne3A_3965 = arith.constant 0 : i32
      %ne3A_3966 = arith.cmpi ne, %rem3A_3964, %ne3A_3965 : i32
      %lt3A_3967 = arith.constant 0 : i32
      %lt3A_3968 = arith.cmpi slt, %rem3A_3964, %lt3A_3967 : i32
      %lt3A_3969 = arith.constant 0 : i32
      %lt3A_3970 = arith.cmpi slt, %select_n3A_3963, %lt3A_3969 : i32
      %ne3A_3971 = arith.xori %lt3A_3968, %lt3A_3970 : i1
      %and3A_3972 = arith.andi %ne3A_3971, %ne3A_3966 : i1
      %add3A_3973 = arith.addi %rem3A_3964, %select_n3A_3963 : i32
      %select_n3A_3974 = arith.select %and3A_3972, %add3A_3973, %rem3A_3964 : i32
      %mul3A_3975 = arith.constant 128 : i32
      %mul3A_3976 = arith.muli %select_n3A_3974, %mul3A_3975 : i32
      %mul3A_3977 = arith.constant 1024 : i32
      %mul3A_3978 = arith.muli %select_n3A_3958, %mul3A_3977 : i32
      %add3A_3979 = arith.addi %mul3A_3978, %mul3A_3976 : i32
      %dma_start3A_3980 = arith.constant 12 : i32
      %dma_start3A_3981 = arith.constant 0 : i32
      %dma_start3A_3982 = tpu.memref_slice %arg4[%dma_start3A_3980, %dma_start3A_3981] : memref<13x128xi32, #tpu.memory_space<vmem>> -> memref<1x128xi32, #tpu.memory_space<vmem>>
      %dma_start3A_3983 = tpu.memref_squeeze %dma_start3A_3982 : memref<1x128xi32, #tpu.memory_space<vmem>> -> memref<128xi32, #tpu.memory_space<vmem>>
      %dma_start3A_3984 = tpu.memref_slice %arg2[%add3A_3979] : memref<51200xi32, #tpu.memory_space<hbm>> -> memref<128xi32, #tpu.memory_space<hbm>>
      %dma_start3A_3985 = arith.constant 0 : i32
      %dma_start3A_3986 = tpu.memref_slice %arg4[%dma_start3A_3980, %dma_start3A_3985] : memref<13x128xi32, #tpu.memory_space<vmem>> -> memref<1x128xi32, #tpu.memory_space<vmem>>
      %dma_start3A_3987 = tpu.memref_squeeze %dma_start3A_3986 : memref<1x128xi32, #tpu.memory_space<vmem>> -> memref<128xi32, #tpu.memory_space<vmem>>
      %dma_start3A_3988 = tpu.memref_slice %arg2[%add3A_3979] : memref<51200xi32, #tpu.memory_space<hbm>> -> memref<128xi32, #tpu.memory_space<hbm>>
      tpu.enqueue_dma source(%dma_start3A_3988 : memref<128xi32, #tpu.memory_space<hbm>>) target(%dma_start3A_3987 : memref<128xi32, #tpu.memory_space<vmem>>) target_semaphore(%arg7 : memref<!tpu.dma_semaphore, #tpu.memory_space<semaphore_mem>>)
    } else {
    }
    %broadcast_in_dim3A = arith.constant 0.000000e+00 : f32
    %broadcast_in_dim3A_688 = vector.broadcast %broadcast_in_dim3A : f32 to vector<16xf32>
    %scan3A = arith.constant 0 : i32
    %scan3A_689 = arith.constant 125 : i32
    %scan3A_690 = arith.addi %scan3A, %scan3A_689 : i32
    %scan3A_691 = arith.constant 1 : i32
    scf.for %scan3A_3931 = %scan3A to %scan3A_690 step %scan3A_691  : i32 {
      %mul3A_3932 = arith.constant 8 : i32
      %mul3A_3933 = arith.muli %scan3A_3931, %mul3A_3932 : i32
      %add3A_3934 = arith.constant 0 : i32
      %add3A_3935 = arith.addi %mul3A_3933, %add3A_3934 : i32
      %swap3A = arith.index_cast %add3A_3935 : i32 to index
      %swap3A_3936 = arith.constant 0 : index
      %swap3A_3937 = tpu.vector_load %arg5[%swap3A, %swap3A_3936] {strides = array<i32>} : memref<1000x128xf32, #tpu.memory_space<vmem>>, vector<16xf32>,
      tpu.vector_store %arg5[%swap3A, %swap3A_3936], %broadcast_in_dim3A_688 {strides = array<i32>} : memref<1000x128xf32, #tpu.memory_space<vmem>>, vector<16xf32>,
      %add3A_3938 = arith.constant 0 : i32
      %add3A_3939 = arith.addi %mul3A_3933, %add3A_3938 : i32
      %swap3A_3940 = arith.index_cast %add3A_3939 : i32 to index
      %swap3A_3941 = arith.constant 16 : index
      %swap3A_3942 = tpu.vector_load %arg5[%swap3A_3940, %swap3A_3941] {strides = array<i32>} : memref<1000x128xf32, #tpu.memory_space<vmem>>, vector<16xf32>,
      tpu.vector_store %arg5[%swap3A_3940, %swap3A_3941], %broadcast_in_dim3A_688 {strides = array<i32>} : memref<1000x128xf32, #tpu.memory_space<vmem>>, vector<16xf32>,
      %add3A_3943 = arith.constant 0 : i32
      %add3A_3944 = arith.addi %mul3A_3933, %add3A_3943 : i32
      %swap3A_3945 = arith.index_cast %add3A_3944 : i32 to index
      %swap3A_3946 = arith.constant 32 : index
      %swap3A_3947 = tpu.vector_load %arg5[%swap3A_3945, %swap3A_3946] {strides = array<i32>} : memref<1000x128xf32, #tpu.memory_space<vmem>>, vector<16xf32>,
      tpu.vector_store %arg5[%swap3A_3945, %swap3A_3946], %broadcast_in_dim3A_688 {strides = array<i32>} : memref<1000x128xf32, #tpu.memory_space<vmem>>, vector<16xf32>,
      %add3A_3948 = arith.constant 0 : i32
      %add3A_3949 = arith.addi %mul3A_3933, %add3A_3948 : i32
      %swap3A_3950 = arith.index_cast %add3A_3949 : i32 to index
      %swap3A_3951 = arith.constant 48 : index
      %swap3A_3952 = tpu.vector_load %arg5[%swap3A_3950, %swap3A_3951] {strides = array<i32>} : memref<1000x128xf32, #tpu.memory_space<vmem>>, vector<16xf32>,
      tpu.vector_store %arg5[%swap3A_3950, %swap3A_3951], %broadcast_in_dim3A_688 {strides = array<i32>} : memref<1000x128xf32, #tpu.memory_space<vmem>>, vector<16xf32>,
      %add3A_3953 = arith.constant 0 : i32
      %add3A_3954 = arith.addi %mul3A_3933, %add3A_3953 : i32
      %swap3A_3955 = arith.index_cast %add3A_3954 : i32 to index
      %swap3A_3956 = arith.constant 64 : index
      %swap3A_3957 = tpu.vector_load %arg5[%swap3A_3955, %swap3A_3956] {strides = array<i32>} : memref<1000x128xf32, #tpu.memory_space<vmem>>, vector<16xf32>,
      tpu.vector_store %arg5[%swap3A_3955, %swap3A_3956], %broadcast_in_dim3A_688 {strides = array<i32>} : memref<1000x128xf32, #tpu.memory_space<vmem>>, vector<16xf32>,
      %add3A_3958 = arith.constant 0 : i32
      %add3A_3959 = arith.addi %mul3A_3933, %add3A_3958 : i32
      %swap3A_3960 = arith.index_cast %add3A_3959 : i32 to index
      %swap3A_3961 = arith.constant 80 : index
      %swap3A_3962 = tpu.vector_load %arg5[%swap3A_3960, %swap3A_3961] {strides = array<i32>} : memref<1000x128xf32, #tpu.memory_space<vmem>>, vector<16xf32>,
      tpu.vector_store %arg5[%swap3A_3960, %swap3A_3961], %broadcast_in_dim3A_688 {strides = array<i32>} : memref<1000x128xf32, #tpu.memory_space<vmem>>, vector<16xf32>,
      %add3A_3963 = arith.constant 0 : i32
      %add3A_3964 = arith.addi %mul3A_3933, %add3A_3963 : i32
      %swap3A_3965 = arith.index_cast %add3A_3964 : i32 to index
      %swap3A_3966 = arith.constant 96 : index
      %swap3A_3967 = tpu.vector_load %arg5[%swap3A_3965, %swap3A_3966] {strides = array<i32>} : memref<1000x128xf32, #tpu.memory_space<vmem>>, vector<16xf32>,
      tpu.vector_store %arg5[%swap3A_3965, %swap3A_3966], %broadcast_in_dim3A_688 {strides = array<i32>} : memref<1000x128xf32, #tpu.memory_space<vmem>>, vector<16xf32>,
      %add3A_3968 = arith.constant 0 : i32
      %add3A_3969 = arith.addi %mul3A_3933, %add3A_3968 : i32
      %swap3A_3970 = arith.index_cast %add3A_3969 : i32 to index
      %swap3A_3971 = arith.constant 112 : index
      %swap3A_3972 = tpu.vector_load %arg5[%swap3A_3970, %swap3A_3971] {strides = array<i32>} : memref<1000x128xf32, #tpu.memory_space<vmem>>, vector<16xf32>,
      tpu.vector_store %arg5[%swap3A_3970, %swap3A_3971], %broadcast_in_dim3A_688 {strides = array<i32>} : memref<1000x128xf32, #tpu.memory_space<vmem>>, vector<16xf32>,
      %add3A_3973 = arith.constant 1 : i32
      %add3A_3974 = arith.addi %mul3A_3933, %add3A_3973 : i32
      %swap3A_3975 = arith.index_cast %add3A_3974 : i32 to index
      %swap3A_3976 = arith.constant 0 : index
      %swap3A_3977 = tpu.vector_load %arg5[%swap3A_3975, %swap3A_3976] {strides = array<i32>} : memref<1000x128xf32, #tpu.memory_space<vmem>>, vector<16xf32>,
      tpu.vector_store %arg5[%swap3A_3975, %swap3A_3976], %broadcast_in_dim3A_688 {strides = array<i32>} : memref<1000x128xf32, #tpu.memory_space<vmem>>, vector<16xf32>,
      %add3A_3978 = arith.constant 1 : i32
      %add3A_3979 = arith.addi %mul3A_3933, %add3A_3978 : i32
      %swap3A_3980 = arith.index_cast %add3A_3979 : i32 to index
      %swap3A_3981 = arith.constant 16 : index
      %swap3A_3982 = tpu.vector_load %arg5[%swap3A_3980, %swap3A_3981] {strides = array<i32>} : memref<1000x128xf32, #tpu.memory_space<vmem>>, vector<16xf32>,
      tpu.vector_store %arg5[%swap3A_3980, %swap3A_3981], %broadcast_in_dim3A_688 {strides = array<i32>} : memref<1000x128xf32, #tpu.memory_space<vmem>>, vector<16xf32>,
      %add3A_3983 = arith.constant 1 : i32
      %add3A_3984 = arith.addi %mul3A_3933, %add3A_3983 : i32
      %swap3A_3985 = arith.index_cast %add3A_3984 : i32 to index
      %swap3A_3986 = arith.constant 32 : index
      %swap3A_3987 = tpu.vector_load %arg5[%swap3A_3985, %swap3A_3986] {strides = array<i32>} : memref<1000x128xf32, #tpu.memory_space<vmem>>, vector<16xf32>,
      tpu.vector_store %arg5[%swap3A_3985, %swap3A_3986], %broadcast_in_dim3A_688 {strides = array<i32>} : memref<1000x128xf32, #tpu.memory_space<vmem>>, vector<16xf32>,
      %add3A_3988 = arith.constant 1 : i32
      %add3A_3989 = arith.addi %mul3A_3933, %add3A_3988 : i32
      %swap3A_3990 = arith.index_cast %add3A_3989 : i32 to index
      %swap3A_3991 = arith.constant 48 : index
      %swap3A_3992 = tpu.vector_load %arg5[%swap3A_3990, %swap3A_3991] {strides = array<i32>} : memref<1000x128xf32, #tpu.memory_space<vmem>>, vector<16xf32>,
      tpu.vector_store %arg5[%swap3A_3990, %swap3A_3991], %broadcast_in_dim3A_688 {strides = array<i32>} : memref<1000x128xf32, #tpu.memory_space<vmem>>, vector<16xf32>,
      %add3A_3993 = arith.constant 1 : i32
      %add3A_3994 = arith.addi %mul3A_3933, %add3A_3993 : i32
      %swap3A_3995 = arith.index_cast %add3A_3994 : i32 to index
      %swap3A_3996 = arith.constant 64 : index
      %swap3A_3997 = tpu.vector_load %arg5[%swap3A_3995, %swap3A_3996] {strides = array<i32>} : memref<1000x128xf32, #tpu.memory_space<vmem>>, vector<16xf32>,
      tpu.vector_store %arg5[%swap3A_3995, %swap3A_3996], %broadcast_in_dim3A_688 {strides = array<i32>} : memref<1000x128xf32, #tpu.memory_space<vmem>>, vector<16xf32>,
      %add3A_3998 = arith.constant 1 : i32
      %add3A_3999 = arith.addi %mul3A_3933, %add3A_3998 : i32
      %swap3A_4000 = arith.index_cast %add3A_3999 : i32 to index
      %swap3A_4001 = arith.constant 80 : index
      %swap3A_4002 = tpu.vector_load %arg5[%swap3A_4000, %swap3A_4001] {strides = array<i32>} : memref<1000x128xf32, #tpu.memory_space<vmem>>, vector<16xf32>,
      tpu.vector_store %arg5[%swap3A_4000, %swap3A_4001], %broadcast_in_dim3A_688 {strides = array<i32>} : memref<1000x128xf32, #tpu.memory_space<vmem>>, vector<16xf32>,
      %add3A_4003 = arith.constant 1 : i32
      %add3A_4004 = arith.addi %mul3A_3933, %add3A_4003 : i32
      %swap3A_4005 = arith.index_cast %add3A_4004 : i32 to index
      %swap3A_4006 = arith.constant 96 : index
      %swap3A_4007 = tpu.vector_load %arg5[%swap3A_4005, %swap3A_4006] {strides = array<i32>} : memref<1000x128xf32, #tpu.memory_space<vmem>>, vector<16xf32>,
      tpu.vector_store %arg5[%swap3A_4005, %swap3A_4006], %broadcast_in_dim3A_688 {strides = array<i32>} : memref<1000x128xf32, #tpu.memory_space<vmem>>, vector<16xf32>,
      %add3A_4008 = arith.constant 1 : i32
      %add3A_4009 = arith.addi %mul3A_3933, %add3A_4008 : i32
      %swap3A_4010 = arith.index_cast %add3A_4009 : i32 to index
      %swap3A_4011 = arith.constant 112 : index
      %swap3A_4012 = tpu.vector_load %arg5[%swap3A_4010, %swap3A_4011] {strides = array<i32>} : memref<1000x128xf32, #tpu.memory_space<vmem>>, vector<16xf32>,
      tpu.vector_store %arg5[%swap3A_4010, %swap3A_4011], %broadcast_in_dim3A_688 {strides = array<i32>} : memref<1000x128xf32, #tpu.memory_space<vmem>>, vector<16xf32>,
      %add3A_4013 = arith.constant 2 : i32
      %add3A_4014 = arith.addi %mul3A_3933, %add3A_4013 : i32
      %swap3A_4015 = arith.index_cast %add3A_4014 : i32 to index
      %swap3A_4016 = arith.constant 0 : index
      %swap3A_4017 = tpu.vector_load %arg5[%swap3A_4015, %swap3A_4016] {strides = array<i32>} : memref<1000x128xf32, #tpu.memory_space<vmem>>, vector<16xf32>,
      tpu.vector_store %arg5[%swap3A_4015, %swap3A_4016], %broadcast_in_dim3A_688 {strides = array<i32>} : memref<1000x128xf32, #tpu.memory_space<vmem>>, vector<16xf32>,
      %add3A_4018 = arith.constant 2 : i32
      %add3A_4019 = arith.addi %mul3A_3933, %add3A_4018 : i32
      %swap3A_4020 = arith.index_cast %add3A_4019 : i32 to index
      %swap3A_4021 = arith.constant 16 : index
      %swap3A_4022 = tpu.vector_load %arg5[%swap3A_4020, %swap3A_4021] {strides = array<i32>} : memref<1000x128xf32, #tpu.memory_space<vmem>>, vector<16xf32>,
      tpu.vector_store %arg5[%swap3A_4020, %swap3A_4021], %broadcast_in_dim3A_688 {strides = array<i32>} : memref<1000x128xf32, #tpu.memory_space<vmem>>, vector<16xf32>,
      %add3A_4023 = arith.constant 2 : i32
      %add3A_4024 = arith.addi %mul3A_3933, %add3A_4023 : i32
      %swap3A_4025 = arith.index_cast %add3A_4024 : i32 to index
      %swap3A_4026 = arith.constant 32 : index
      %swap3A_4027 = tpu.vector_load %arg5[%swap3A_4025, %swap3A_4026] {strides = array<i32>} : memref<1000x128xf32, #tpu.memory_space<vmem>>, vector<16xf32>,
      tpu.vector_store %arg5[%swap3A_4025, %swap3A_4026], %broadcast_in_dim3A_688 {strides = array<i32>} : memref<1000x128xf32, #tpu.memory_space<vmem>>, vector<16xf32>,
      %add3A_4028 = arith.constant 2 : i32
      %add3A_4029 = arith.addi %mul3A_3933, %add3A_4028 : i32
      %swap3A_4030 = arith.index_cast %add3A_4029 : i32 to index
      %swap3A_4031 = arith.constant 48 : index
      %swap3A_4032 = tpu.vector_load %arg5[%swap3A_4030, %swap3A_4031] {strides = array<i32>} : memref<1000x128xf32, #tpu.memory_space<vmem>>, vector<16xf32>,
      tpu.vector_store %arg5[%swap3A_4030, %swap3A_4031], %broadcast_in_dim3A_688 {strides = array<i32>} : memref<1000x128xf32, #tpu.memory_space<vmem>>, vector<16xf32>,
      %add3A_4033 = arith.constant 2 : i32
      %add3A_4034 = arith.addi %mul3A_3933, %add3A_4033 : i32
      %swap3A_4035 = arith.index_cast %add3A_4034 : i32 to index
      %swap3A_4036 = arith.constant 64 : index
      %swap3A_4037 = tpu.vector_load %arg5[%swap3A_4035, %swap3A_4036] {strides = array<i32>} : memref<1000x128xf32, #tpu.memory_space<vmem>>, vector<16xf32>,
      tpu.vector_store %arg5[%swap3A_4035, %swap3A_4036], %broadcast_in_dim3A_688 {strides = array<i32>} : memref<1000x128xf32, #tpu.memory_space<vmem>>, vector<16xf32>,
      %add3A_4038 = arith.constant 2 : i32
      %add3A_4039 = arith.addi %mul3A_3933, %add3A_4038 : i32
      %swap3A_4040 = arith.index_cast %add3A_4039 : i32 to index
      %swap3A_4041 = arith.constant 80 : index
      %swap3A_4042 = tpu.vector_load %arg5[%swap3A_4040, %swap3A_4041] {strides = array<i32>} : memref<1000x128xf32, #tpu.memory_space<vmem>>, vector<16xf32>,
      tpu.vector_store %arg5[%swap3A_4040, %swap3A_4041], %broadcast_in_dim3A_688 {strides = array<i32>} : memref<1000x128xf32, #tpu.memory_space<vmem>>, vector<16xf32>,
      %add3A_4043 = arith.constant 2 : i32
      %add3A_4044 = arith.addi %mul3A_3933, %add3A_4043 : i32
      %swap3A_4045 = arith.index_cast %add3A_4044 : i32 to index
      %swap3A_4046 = arith.constant 96 : index
      %swap3A_4047 = tpu.vector_load %arg5[%swap3A_4045, %swap3A_4046] {strides = array<i32>} : memref<1000x128xf32, #tpu.memory_space<vmem>>, vector<16xf32>,
      tpu.vector_store %arg5[%swap3A_4045, %swap3A_4046], %broadcast_in_dim3A_688 {strides = array<i32>} : memref<1000x128xf32, #tpu.memory_space<vmem>>, vector<16xf32>,
      %add3A_4048 = arith.constant 2 : i32
      %add3A_4049 = arith.addi %mul3A_3933, %add3A_4048 : i32
      %swap3A_4050 = arith.index_cast %add3A_4049 : i32 to index
      %swap3A_4051 = arith.constant 112 : index
      %swap3A_4052 = tpu.vector_load %arg5[%swap3A_4050, %swap3A_4051] {strides = array<i32>} : memref<1000x128xf32, #tpu.memory_space<vmem>>, vector<16xf32>,
      tpu.vector_store %arg5[%swap3A_4050, %swap3A_4051], %broadcast_in_dim3A_688 {strides = array<i32>} : memref<1000x128xf32, #tpu.memory_space<vmem>>, vector<16xf32>,
      %add3A_4053 = arith.constant 3 : i32
      %add3A_4054 = arith.addi %mul3A_3933, %add3A_4053 : i32
      %swap3A_4055 = arith.index_cast %add3A_4054 : i32 to index
      %swap3A_4056 = arith.constant 0 : index
      %swap3A_4057 = tpu.vector_load %arg5[%swap3A_4055, %swap3A_4056] {strides = array<i32>} : memref<1000x128xf32, #tpu.memory_space<vmem>>, vector<16xf32>,
      tpu.vector_store %arg5[%swap3A_4055, %swap3A_4056], %broadcast_in_dim3A_688 {strides = array<i32>} : memref<1000x128xf32, #tpu.memory_space<vmem>>, vector<16xf32>,
      %add3A_4058 = arith.constant 3 : i32
      %add3A_4059 = arith.addi %mul3A_3933, %add3A_4058 : i32
      %swap3A_4060 = arith.index_cast %add3A_4059 : i32 to index
      %swap3A_4061 = arith.constant 16 : index
      %swap3A_4062 = tpu.vector_load %arg5[%swap3A_4060, %swap3A_4061] {strides = array<i32>} : memref<1000x128xf32, #tpu.memory_space<vmem>>, vector<16xf32>,
      tpu.vector_store %arg5[%swap3A_4060, %swap3A_4061], %broadcast_in_dim3A_688 {strides = array<i32>} : memref<1000x128xf32, #tpu.memory_space<vmem>>, vector<16xf32>,
      %add3A_4063 = arith.constant 3 : i32
      %add3A_4064 = arith.addi %mul3A_3933, %add3A_4063 : i32
      %swap3A_4065 = arith.index_cast %add3A_4064 : i32 to index
      %swap3A_4066 = arith.constant 32 : index
      %swap3A_4067 = tpu.vector_load %arg5[%swap3A_4065, %swap3A_4066] {strides = array<i32>} : memref<1000x128xf32, #tpu.memory_space<vmem>>, vector<16xf32>,
      tpu.vector_store %arg5[%swap3A_4065, %swap3A_4066], %broadcast_in_dim3A_688 {strides = array<i32>} : memref<1000x128xf32, #tpu.memory_space<vmem>>, vector<16xf32>,
      %add3A_4068 = arith.constant 3 : i32
      %add3A_4069 = arith.addi %mul3A_3933, %add3A_4068 : i32
      %swap3A_4070 = arith.index_cast %add3A_4069 : i32 to index
      %swap3A_4071 = arith.constant 48 : index
      %swap3A_4072 = tpu.vector_load %arg5[%swap3A_4070, %swap3A_4071] {strides = array<i32>} : memref<1000x128xf32, #tpu.memory_space<vmem>>, vector<16xf32>,
      tpu.vector_store %arg5[%swap3A_4070, %swap3A_4071], %broadcast_in_dim3A_688 {strides = array<i32>} : memref<1000x128xf32, #tpu.memory_space<vmem>>, vector<16xf32>,
      %add3A_4073 = arith.constant 3 : i32
      %add3A_4074 = arith.addi %mul3A_3933, %add3A_4073 : i32
      %swap3A_4075 = arith.index_cast %add3A_4074 : i32 to index
      %swap3A_4076 = arith.constant 64 : index
      %swap3A_4077 = tpu.vector_load %arg5[%swap3A_4075, %swap3A_4076] {strides = array<i32>} : memref<1000x128xf32, #tpu.memory_space<vmem>>, vector<16xf32>,
      tpu.vector_store %arg5[%swap3A_4075, %swap3A_4076], %broadcast_in_dim3A_688 {strides = array<i32>} : memref<1000x128xf32, #tpu.memory_space<vmem>>, vector<16xf32>,
      %add3A_4078 = arith.constant 3 : i32
      %add3A_4079 = arith.addi %mul3A_3933, %add3A_4078 : i32
      %swap3A_4080 = arith.index_cast %add3A_4079 : i32 to index
      %swap3A_4081 = arith.constant 80 : index
      %swap3A_4082 = tpu.vector_load %arg5[%swap3A_4080, %swap3A_4081] {strides = array<i32>} : memref<1000x128xf32, #tpu.memory_space<vmem>>, vector<16xf32>,
      tpu.vector_store %arg5[%swap3A_4080, %swap3A_4081], %broadcast_in_dim3A_688 {strides = array<i32>} : memref<1000x128xf32, #tpu.memory_space<vmem>>, vector<16xf32>,
      %add3A_4083 = arith.constant 3 : i32
      %add3A_4084 = arith.addi %mul3A_3933, %add3A_4083 : i32
      %swap3A_4085 = arith.index_cast %add3A_4084 : i32 to index
      %swap3A_4086 = arith.constant 96 : index
      %swap3A_4087 = tpu.vector_load %arg5[%swap3A_4085, %swap3A_4086] {strides = array<i32>} : memref<1000x128xf32, #tpu.memory_space<vmem>>, vector<16xf32>,
      tpu.vector_store %arg5[%swap3A_4085, %swap3A_4086], %broadcast_in_dim3A_688 {strides = array<i32>} : memref<1000x128xf32, #tpu.memory_space<vmem>>, vector<16xf32>,
      %add3A_4088 = arith.constant 3 : i32
      %add3A_4089 = arith.addi %mul3A_3933, %add3A_4088 : i32
      %swap3A_4090 = arith.index_cast %add3A_4089 : i32 to index
      %swap3A_4091 = arith.constant 112 : index
      %swap3A_4092 = tpu.vector_load %arg5[%swap3A_4090, %swap3A_4091] {strides = array<i32>} : memref<1000x128xf32, #tpu.memory_space<vmem>>, vector<16xf32>,
      tpu.vector_store %arg5[%swap3A_4090, %swap3A_4091], %broadcast_in_dim3A_688 {strides = array<i32>} : memref<1000x128xf32, #tpu.memory_space<vmem>>, vector<16xf32>,
      %add3A_4093 = arith.constant 4 : i32
      %add3A_4094 = arith.addi %mul3A_3933, %add3A_4093 : i32
      %swap3A_4095 = arith.index_cast %add3A_4094 : i32 to index
      %swap3A_4096 = arith.constant 0 : index
      %swap3A_4097 = tpu.vector_load %arg5[%swap3A_4095, %swap3A_4096] {strides = array<i32>} : memref<1000x128xf32, #tpu.memory_space<vmem>>, vector<16xf32>,
      tpu.vector_store %arg5[%swap3A_4095, %swap3A_4096], %broadcast_in_dim3A_688 {strides = array<i32>} : memref<1000x128xf32, #tpu.memory_space<vmem>>, vector<16xf32>,
      %add3A_4098 = arith.constant 4 : i32
      %add3A_4099 = arith.addi %mul3A_3933, %add3A_4098 : i32
      %swap3A_4100 = arith.index_cast %add3A_4099 : i32 to index
      %swap3A_4101 = arith.constant 16 : index
      %swap3A_4102 = tpu.vector_load %arg5[%swap3A_4100, %swap3A_4101] {strides = array<i32>} : memref<1000x128xf32, #tpu.memory_space<vmem>>, vector<16xf32>,
      tpu.vector_store %arg5[%swap3A_4100, %swap3A_4101], %broadcast_in_dim3A_688 {strides = array<i32>} : memref<1000x128xf32, #tpu.memory_space<vmem>>, vector<16xf32>,
      %add3A_4103 = arith.constant 4 : i32
      %add3A_4104 = arith.addi %mul3A_3933, %add3A_4103 : i32
      %swap3A_4105 = arith.index_cast %add3A_4104 : i32 to index
      %swap3A_4106 = arith.constant 32 : index
      %swap3A_4107 = tpu.vector_load %arg5[%swap3A_4105, %swap3A_4106] {strides = array<i32>} : memref<1000x128xf32, #tpu.memory_space<vmem>>, vector<16xf32>,
      tpu.vector_store %arg5[%swap3A_4105, %swap3A_4106], %broadcast_in_dim3A_688 {strides = array<i32>} : memref<1000x128xf32, #tpu.memory_space<vmem>>, vector<16xf32>,
      %add3A_4108 = arith.constant 4 : i32
      %add3A_4109 = arith.addi %mul3A_3933, %add3A_4108 : i32
      %swap3A_4110 = arith.index_cast %add3A_4109 : i32 to index
      %swap3A_4111 = arith.constant 48 : index
      %swap3A_4112 = tpu.vector_load %arg5[%swap3A_4110, %swap3A_4111] {strides = array<i32>} : memref<1000x128xf32, #tpu.memory_space<vmem>>, vector<16xf32>,
      tpu.vector_store %arg5[%swap3A_4110, %swap3A_4111], %broadcast_in_dim3A_688 {strides = array<i32>} : memref<1000x128xf32, #tpu.memory_space<vmem>>, vector<16xf32>,
      %add3A_4113 = arith.constant 4 : i32
      %add3A_4114 = arith.addi %mul3A_3933, %add3A_4113 : i32
      %swap3A_4115 = arith.index_cast %add3A_4114 : i32 to index
      %swap3A_4116 = arith.constant 64 : index
      %swap3A_4117 = tpu.vector_load %arg5[%swap3A_4115, %swap3A_4116] {strides = array<i32>} : memref<1000x128xf32, #tpu.memory_space<vmem>>, vector<16xf32>,
      tpu.vector_store %arg5[%swap3A_4115, %swap3A_4116], %broadcast_in_dim3A_688 {strides = array<i32>} : memref<1000x128xf32, #tpu.memory_space<vmem>>, vector<16xf32>,
      %add3A_4118 = arith.constant 4 : i32
      %add3A_4119 = arith.addi %mul3A_3933, %add3A_4118 : i32
      %swap3A_4120 = arith.index_cast %add3A_4119 : i32 to index
      %swap3A_4121 = arith.constant 80 : index
      %swap3A_4122 = tpu.vector_load %arg5[%swap3A_4120, %swap3A_4121] {strides = array<i32>} : memref<1000x128xf32, #tpu.memory_space<vmem>>, vector<16xf32>,
      tpu.vector_store %arg5[%swap3A_4120, %swap3A_4121], %broadcast_in_dim3A_688 {strides = array<i32>} : memref<1000x128xf32, #tpu.memory_space<vmem>>, vector<16xf32>,
      %add3A_4123 = arith.constant 4 : i32
      %add3A_4124 = arith.addi %mul3A_3933, %add3A_4123 : i32
      %swap3A_4125 = arith.index_cast %add3A_4124 : i32 to index
      %swap3A_4126 = arith.constant 96 : index
      %swap3A_4127 = tpu.vector_load %arg5[%swap3A_4125, %swap3A_4126] {strides = array<i32>} : memref<1000x128xf32, #tpu.memory_space<vmem>>, vector<16xf32>,
      tpu.vector_store %arg5[%swap3A_4125, %swap3A_4126], %broadcast_in_dim3A_688 {strides = array<i32>} : memref<1000x128xf32, #tpu.memory_space<vmem>>, vector<16xf32>,
      %add3A_4128 = arith.constant 4 : i32
      %add3A_4129 = arith.addi %mul3A_3933, %add3A_4128 : i32
      %swap3A_4130 = arith.index_cast %add3A_4129 : i32 to index
      %swap3A_4131 = arith.constant 112 : index
      %swap3A_4132 = tpu.vector_load %arg5[%swap3A_4130, %swap3A_4131] {strides = array<i32>} : memref<1000x128xf32, #tpu.memory_space<vmem>>, vector<16xf32>,
      tpu.vector_store %arg5[%swap3A_4130, %swap3A_4131], %broadcast_in_dim3A_688 {strides = array<i32>} : memref<1000x128xf32, #tpu.memory_space<vmem>>, vector<16xf32>,
      %add3A_4133 = arith.constant 5 : i32
      %add3A_4134 = arith.addi %mul3A_3933, %add3A_4133 : i32
      %swap3A_4135 = arith.index_cast %add3A_4134 : i32 to index
      %swap3A_4136 = arith.constant 0 : index
      %swap3A_4137 = tpu.vector_load %arg5[%swap3A_4135, %swap3A_4136] {strides = array<i32>} : memref<1000x128xf32, #tpu.memory_space<vmem>>, vector<16xf32>,
      tpu.vector_store %arg5[%swap3A_4135, %swap3A_4136], %broadcast_in_dim3A_688 {strides = array<i32>} : memref<1000x128xf32, #tpu.memory_space<vmem>>, vector<16xf32>,
      %add3A_4138 = arith.constant 5 : i32
      %add3A_4139 = arith.addi %mul3A_3933, %add3A_4138 : i32
      %swap3A_4140 = arith.index_cast %add3A_4139 : i32 to index
      %swap3A_4141 = arith.constant 16 : index
      %swap3A_4142 = tpu.vector_load %arg5[%swap3A_4140, %swap3A_4141] {strides = array<i32>} : memref<1000x128xf32, #tpu.memory_space<vmem>>, vector<16xf32>,
      tpu.vector_store %arg5[%swap3A_4140, %swap3A_4141], %broadcast_in_dim3A_688 {strides = array<i32>} : memref<1000x128xf32, #tpu.memory_space<vmem>>, vector<16xf32>,
      %add3A_4143 = arith.constant 5 : i32
      %add3A_4144 = arith.addi %mul3A_3933, %add3A_4143 : i32
      %swap3A_4145 = arith.index_cast %add3A_4144 : i32 to index
      %swap3A_4146 = arith.constant 32 : index
      %swap3A_4147 = tpu.vector_load %arg5[%swap3A_4145, %swap3A_4146] {strides = array<i32>} : memref<1000x128xf32, #tpu.memory_space<vmem>>, vector<16xf32>,
      tpu.vector_store %arg5[%swap3A_4145, %swap3A_4146], %broadcast_in_dim3A_688 {strides = array<i32>} : memref<1000x128xf32, #tpu.memory_space<vmem>>, vector<16xf32>,
      %add3A_4148 = arith.constant 5 : i32
      %add3A_4149 = arith.addi %mul3A_3933, %add3A_4148 : i32
      %swap3A_4150 = arith.index_cast %add3A_4149 : i32 to index
      %swap3A_4151 = arith.constant 48 : index
      %swap3A_4152 = tpu.vector_load %arg5[%swap3A_4150, %swap3A_4151] {strides = array<i32>} : memref<1000x128xf32, #tpu.memory_space<vmem>>, vector<16xf32>,
      tpu.vector_store %arg5[%swap3A_4150, %swap3A_4151], %broadcast_in_dim3A_688 {strides = array<i32>} : memref<1000x128xf32, #tpu.memory_space<vmem>>, vector<16xf32>,
      %add3A_4153 = arith.constant 5 : i32
      %add3A_4154 = arith.addi %mul3A_3933, %add3A_4153 : i32
      %swap3A_4155 = arith.index_cast %add3A_4154 : i32 to index
      %swap3A_4156 = arith.constant 64 : index
      %swap3A_4157 = tpu.vector_load %arg5[%swap3A_4155, %swap3A_4156] {strides = array<i32>} : memref<1000x128xf32, #tpu.memory_space<vmem>>, vector<16xf32>,
      tpu.vector_store %arg5[%swap3A_4155, %swap3A_4156], %broadcast_in_dim3A_688 {strides = array<i32>} : memref<1000x128xf32, #tpu.memory_space<vmem>>, vector<16xf32>,
      %add3A_4158 = arith.constant 5 : i32
      %add3A_4159 = arith.addi %mul3A_3933, %add3A_4158 : i32
      %swap3A_4160 = arith.index_cast %add3A_4159 : i32 to index
      %swap3A_4161 = arith.constant 80 : index
      %swap3A_4162 = tpu.vector_load %arg5[%swap3A_4160, %swap3A_4161] {strides = array<i32>} : memref<1000x128xf32, #tpu.memory_space<vmem>>, vector<16xf32>,
      tpu.vector_store %arg5[%swap3A_4160, %swap3A_4161], %broadcast_in_dim3A_688 {strides = array<i32>} : memref<1000x128xf32, #tpu.memory_space<vmem>>, vector<16xf32>,
      %add3A_4163 = arith.constant 5 : i32
      %add3A_4164 = arith.addi %mul3A_3933, %add3A_4163 : i32
      %swap3A_4165 = arith.index_cast %add3A_4164 : i32 to index
      %swap3A_4166 = arith.constant 96 : index
      %swap3A_4167 = tpu.vector_load %arg5[%swap3A_4165, %swap3A_4166] {strides = array<i32>} : memref<1000x128xf32, #tpu.memory_space<vmem>>, vector<16xf32>,
      tpu.vector_store %arg5[%swap3A_4165, %swap3A_4166], %broadcast_in_dim3A_688 {strides = array<i32>} : memref<1000x128xf32, #tpu.memory_space<vmem>>, vector<16xf32>,
      %add3A_4168 = arith.constant 5 : i32
      %add3A_4169 = arith.addi %mul3A_3933, %add3A_4168 : i32
      %swap3A_4170 = arith.index_cast %add3A_4169 : i32 to index
      %swap3A_4171 = arith.constant 112 : index
      %swap3A_4172 = tpu.vector_load %arg5[%swap3A_4170, %swap3A_4171] {strides = array<i32>} : memref<1000x128xf32, #tpu.memory_space<vmem>>, vector<16xf32>,
      tpu.vector_store %arg5[%swap3A_4170, %swap3A_4171], %broadcast_in_dim3A_688 {strides = array<i32>} : memref<1000x128xf32, #tpu.memory_space<vmem>>, vector<16xf32>,
      %add3A_4173 = arith.constant 6 : i32
      %add3A_4174 = arith.addi %mul3A_3933, %add3A_4173 : i32
      %swap3A_4175 = arith.index_cast %add3A_4174 : i32 to index
      %swap3A_4176 = arith.constant 0 : index
      %swap3A_4177 = tpu.vector_load %arg5[%swap3A_4175, %swap3A_4176] {strides = array<i32>} : memref<1000x128xf32, #tpu.memory_space<vmem>>, vector<16xf32>,
      tpu.vector_store %arg5[%swap3A_4175, %swap3A_4176], %broadcast_in_dim3A_688 {strides = array<i32>} : memref<1000x128xf32, #tpu.memory_space<vmem>>, vector<16xf32>,
      %add3A_4178 = arith.constant 6 : i32
      %add3A_4179 = arith.addi %mul3A_3933, %add3A_4178 : i32
      %swap3A_4180 = arith.index_cast %add3A_4179 : i32 to index
      %swap3A_4181 = arith.constant 16 : index
      %swap3A_4182 = tpu.vector_load %arg5[%swap3A_4180, %swap3A_4181] {strides = array<i32>} : memref<1000x128xf32, #tpu.memory_space<vmem>>, vector<16xf32>,
      tpu.vector_store %arg5[%swap3A_4180, %swap3A_4181], %broadcast_in_dim3A_688 {strides = array<i32>} : memref<1000x128xf32, #tpu.memory_space<vmem>>, vector<16xf32>,
      %add3A_4183 = arith.constant 6 : i32
      %add3A_4184 = arith.addi %mul3A_3933, %add3A_4183 : i32
      %swap3A_4185 = arith.index_cast %add3A_4184 : i32 to index
      %swap3A_4186 = arith.constant 32 : index
      %swap3A_4187 = tpu.vector_load %arg5[%swap3A_4185, %swap3A_4186] {strides = array<i32>} : memref<1000x128xf32, #tpu.memory_space<vmem>>, vector<16xf32>,
      tpu.vector_store %arg5[%swap3A_4185, %swap3A_4186], %broadcast_in_dim3A_688 {strides = array<i32>} : memref<1000x128xf32, #tpu.memory_space<vmem>>, vector<16xf32>,
      %add3A_4188 = arith.constant 6 : i32
      %add3A_4189 = arith.addi %mul3A_3933, %add3A_4188 : i32
      %swap3A_4190 = arith.index_cast %add3A_4189 : i32 to index
      %swap3A_4191 = arith.constant 48 : index
      %swap3A_4192 = tpu.vector_load %arg5[%swap3A_4190, %swap3A_4191] {strides = array<i32>} : memref<1000x128xf32, #tpu.memory_space<vmem>>, vector<16xf32>,
      tpu.vector_store %arg5[%swap3A_4190, %swap3A_4191], %broadcast_in_dim3A_688 {strides = array<i32>} : memref<1000x128xf32, #tpu.memory_space<vmem>>, vector<16xf32>,
      %add3A_4193 = arith.constant 6 : i32
      %add3A_4194 = arith.addi %mul3A_3933, %add3A_4193 : i32
      %swap3A_4195 = arith.index_cast %add3A_4194 : i32 to index
      %swap3A_4196 = arith.constant 64 : index
      %swap3A_4197 = tpu.vector_load %arg5[%swap3A_4195, %swap3A_4196] {strides = array<i32>} : memref<1000x128xf32, #tpu.memory_space<vmem>>, vector<16xf32>,
      tpu.vector_store %arg5[%swap3A_4195, %swap3A_4196], %broadcast_in_dim3A_688 {strides = array<i32>} : memref<1000x128xf32, #tpu.memory_space<vmem>>, vector<16xf32>,
      %add3A_4198 = arith.constant 6 : i32
      %add3A_4199 = arith.addi %mul3A_3933, %add3A_4198 : i32
      %swap3A_4200 = arith.index_cast %add3A_4199 : i32 to index
      %swap3A_4201 = arith.constant 80 : index
      %swap3A_4202 = tpu.vector_load %arg5[%swap3A_4200, %swap3A_4201] {strides = array<i32>} : memref<1000x128xf32, #tpu.memory_space<vmem>>, vector<16xf32>,
      tpu.vector_store %arg5[%swap3A_4200, %swap3A_4201], %broadcast_in_dim3A_688 {strides = array<i32>} : memref<1000x128xf32, #tpu.memory_space<vmem>>, vector<16xf32>,
      %add3A_4203 = arith.constant 6 : i32
      %add3A_4204 = arith.addi %mul3A_3933, %add3A_4203 : i32
      %swap3A_4205 = arith.index_cast %add3A_4204 : i32 to index
      %swap3A_4206 = arith.constant 96 : index
      %swap3A_4207 = tpu.vector_load %arg5[%swap3A_4205, %swap3A_4206] {strides = array<i32>} : memref<1000x128xf32, #tpu.memory_space<vmem>>, vector<16xf32>,
      tpu.vector_store %arg5[%swap3A_4205, %swap3A_4206], %broadcast_in_dim3A_688 {strides = array<i32>} : memref<1000x128xf32, #tpu.memory_space<vmem>>, vector<16xf32>,
      %add3A_4208 = arith.constant 6 : i32
      %add3A_4209 = arith.addi %mul3A_3933, %add3A_4208 : i32
      %swap3A_4210 = arith.index_cast %add3A_4209 : i32 to index
      %swap3A_4211 = arith.constant 112 : index
      %swap3A_4212 = tpu.vector_load %arg5[%swap3A_4210, %swap3A_4211] {strides = array<i32>} : memref<1000x128xf32, #tpu.memory_space<vmem>>, vector<16xf32>,
      tpu.vector_store %arg5[%swap3A_4210, %swap3A_4211], %broadcast_in_dim3A_688 {strides = array<i32>} : memref<1000x128xf32, #tpu.memory_space<vmem>>, vector<16xf32>,
      %add3A_4213 = arith.constant 7 : i32
      %add3A_4214 = arith.addi %mul3A_3933, %add3A_4213 : i32
      %swap3A_4215 = arith.index_cast %add3A_4214 : i32 to index
      %swap3A_4216 = arith.constant 0 : index
      %swap3A_4217 = tpu.vector_load %arg5[%swap3A_4215, %swap3A_4216] {strides = array<i32>} : memref<1000x128xf32, #tpu.memory_space<vmem>>, vector<16xf32>,
      tpu.vector_store %arg5[%swap3A_4215, %swap3A_4216], %broadcast_in_dim3A_688 {strides = array<i32>} : memref<1000x128xf32, #tpu.memory_space<vmem>>, vector<16xf32>,
      %add3A_4218 = arith.constant 7 : i32
      %add3A_4219 = arith.addi %mul3A_3933, %add3A_4218 : i32
      %swap3A_4220 = arith.index_cast %add3A_4219 : i32 to index
      %swap3A_4221 = arith.constant 16 : index
      %swap3A_4222 = tpu.vector_load %arg5[%swap3A_4220, %swap3A_4221] {strides = array<i32>} : memref<1000x128xf32, #tpu.memory_space<vmem>>, vector<16xf32>,
      tpu.vector_store %arg5[%swap3A_4220, %swap3A_4221], %broadcast_in_dim3A_688 {strides = array<i32>} : memref<1000x128xf32, #tpu.memory_space<vmem>>, vector<16xf32>,
      %add3A_4223 = arith.constant 7 : i32
      %add3A_4224 = arith.addi %mul3A_3933, %add3A_4223 : i32
      %swap3A_4225 = arith.index_cast %add3A_4224 : i32 to index
      %swap3A_4226 = arith.constant 32 : index
      %swap3A_4227 = tpu.vector_load %arg5[%swap3A_4225, %swap3A_4226] {strides = array<i32>} : memref<1000x128xf32, #tpu.memory_space<vmem>>, vector<16xf32>,
      tpu.vector_store %arg5[%swap3A_4225, %swap3A_4226], %broadcast_in_dim3A_688 {strides = array<i32>} : memref<1000x128xf32, #tpu.memory_space<vmem>>, vector<16xf32>,
      %add3A_4228 = arith.constant 7 : i32
      %add3A_4229 = arith.addi %mul3A_3933, %add3A_4228 : i32
      %swap3A_4230 = arith.index_cast %add3A_4229 : i32 to index
      %swap3A_4231 = arith.constant 48 : index
      %swap3A_4232 = tpu.vector_load %arg5[%swap3A_4230, %swap3A_4231] {strides = array<i32>} : memref<1000x128xf32, #tpu.memory_space<vmem>>, vector<16xf32>,
      tpu.vector_store %arg5[%swap3A_4230, %swap3A_4231], %broadcast_in_dim3A_688 {strides = array<i32>} : memref<1000x128xf32, #tpu.memory_space<vmem>>, vector<16xf32>,
      %add3A_4233 = arith.constant 7 : i32
      %add3A_4234 = arith.addi %mul3A_3933, %add3A_4233 : i32
      %swap3A_4235 = arith.index_cast %add3A_4234 : i32 to index
      %swap3A_4236 = arith.constant 64 : index
      %swap3A_4237 = tpu.vector_load %arg5[%swap3A_4235, %swap3A_4236] {strides = array<i32>} : memref<1000x128xf32, #tpu.memory_space<vmem>>, vector<16xf32>,
      tpu.vector_store %arg5[%swap3A_4235, %swap3A_4236], %broadcast_in_dim3A_688 {strides = array<i32>} : memref<1000x128xf32, #tpu.memory_space<vmem>>, vector<16xf32>,
      %add3A_4238 = arith.constant 7 : i32
      %add3A_4239 = arith.addi %mul3A_3933, %add3A_4238 : i32
      %swap3A_4240 = arith.index_cast %add3A_4239 : i32 to index
      %swap3A_4241 = arith.constant 80 : index
      %swap3A_4242 = tpu.vector_load %arg5[%swap3A_4240, %swap3A_4241] {strides = array<i32>} : memref<1000x128xf32, #tpu.memory_space<vmem>>, vector<16xf32>,
      tpu.vector_store %arg5[%swap3A_4240, %swap3A_4241], %broadcast_in_dim3A_688 {strides = array<i32>} : memref<1000x128xf32, #tpu.memory_space<vmem>>, vector<16xf32>,
      %add3A_4243 = arith.constant 7 : i32
      %add3A_4244 = arith.addi %mul3A_3933, %add3A_4243 : i32
      %swap3A_4245 = arith.index_cast %add3A_4244 : i32 to index
      %swap3A_4246 = arith.constant 96 : index
      %swap3A_4247 = tpu.vector_load %arg5[%swap3A_4245, %swap3A_4246] {strides = array<i32>} : memref<1000x128xf32, #tpu.memory_space<vmem>>, vector<16xf32>,
      tpu.vector_store %arg5[%swap3A_4245, %swap3A_4246], %broadcast_in_dim3A_688 {strides = array<i32>} : memref<1000x128xf32, #tpu.memory_space<vmem>>, vector<16xf32>,
      %add3A_4248 = arith.constant 7 : i32
      %add3A_4249 = arith.addi %mul3A_3933, %add3A_4248 : i32
      %swap3A_4250 = arith.index_cast %add3A_4249 : i32 to index
      %swap3A_4251 = arith.constant 112 : index
      %swap3A_4252 = tpu.vector_load %arg5[%swap3A_4250, %swap3A_4251] {strides = array<i32>} : memref<1000x128xf32, #tpu.memory_space<vmem>>, vector<16xf32>,
      tpu.vector_store %arg5[%swap3A_4250, %swap3A_4251], %broadcast_in_dim3A_688 {strides = array<i32>} : memref<1000x128xf32, #tpu.memory_space<vmem>>, vector<16xf32>,
    }
    %scan3A_692 = arith.constant 125 : i32
    %add3A_693 = arith.constant 0 : i32
    %add3A_694 = arith.addi %add3A, %add3A_693 : i32
    %min3A_695 = arith.constant 399 : i32
    %min3A_696 = arith.minsi %add3A_694, %min3A_695 : i32
    %jit3A_697 = arith.constant 8 : i32
    %div3A_698 = arith.divsi %min3A_696, %jit3A_697 : i32
    %sign3A_699 = arith.constant 0 : i32
    %sign3A_700 = arith.cmpi sgt, %min3A_696, %sign3A_699 : i32
    %sign3A_701 = arith.extui %sign3A_700 : i1 to i32
    %sign3A_702 = arith.constant 0 : i32
    %sign3A_703 = arith.cmpi slt, %min3A_696, %sign3A_702 : i32
    %sign3A_704 = arith.extui %sign3A_703 : i1 to i32
    %sign3A_705 = arith.subi %sign3A_701, %sign3A_704 : i32
    %sign3A_706 = arith.constant 0 : i32
    %sign3A_707 = arith.cmpi sgt, %jit3A_697, %sign3A_706 : i32
    %sign3A_708 = arith.extui %sign3A_707 : i1 to i32
    %sign3A_709 = arith.constant 0 : i32
    %sign3A_710 = arith.cmpi slt, %jit3A_697, %sign3A_709 : i32
    %sign3A_711 = arith.extui %sign3A_710 : i1 to i32
    %sign3A_712 = arith.subi %sign3A_708, %sign3A_711 : i32
    %ne3A_713 = arith.cmpi ne, %sign3A_705, %sign3A_712 : i32
    %rem3A_714 = arith.remsi %min3A_696, %jit3A_697 : i32
    %ne3A_715 = arith.constant 0 : i32
    %ne3A_716 = arith.cmpi ne, %rem3A_714, %ne3A_715 : i32
    %and3A_717 = arith.andi %ne3A_713, %ne3A_716 : i1
    %sub3A_718 = arith.constant 1 : i32
    %sub3A_719 = arith.subi %div3A_698, %sub3A_718 : i32
    %select_n3A_720 = arith.select %and3A_717, %sub3A_719, %div3A_698 : i32
    %jit3A_721 = arith.constant 8 : i32
    %eq3A_722 = arith.constant 0 : i32
    %eq3A_723 = arith.cmpi eq, %jit3A_721, %eq3A_722 : i32
    %jit3A_724 = arith.constant 1 : i32
    %select_n3A_725 = arith.select %eq3A_723, %jit3A_724, %jit3A_721 : i32
    %rem3A_726 = arith.remsi %min3A_696, %select_n3A_725 : i32
    %ne3A_727 = arith.constant 0 : i32
    %ne3A_728 = arith.cmpi ne, %rem3A_726, %ne3A_727 : i32
    %lt3A_729 = arith.constant 0 : i32
    %lt3A_730 = arith.cmpi slt, %rem3A_726, %lt3A_729 : i32
    %lt3A_731 = arith.constant 0 : i32
    %lt3A_732 = arith.cmpi slt, %select_n3A_725, %lt3A_731 : i32
    %ne3A_733 = arith.xori %lt3A_730, %lt3A_732 : i1
    %and3A_734 = arith.andi %ne3A_733, %ne3A_728 : i1
    %add3A_735 = arith.addi %rem3A_726, %select_n3A_725 : i32
    %select_n3A_736 = arith.select %and3A_734, %add3A_735, %rem3A_726 : i32
    %mul3A_737 = arith.constant 128 : i32
    %mul3A_738 = arith.muli %select_n3A_736, %mul3A_737 : i32
    %mul3A_739 = arith.constant 1024 : i32
    %mul3A_740 = arith.muli %select_n3A_720, %mul3A_739 : i32
    %add3A_741 = arith.addi %mul3A_740, %mul3A_738 : i32
    %dma_wait3A = arith.constant 0 : i32
    %dma_wait3A_742 = arith.constant 0 : i32
    %dma_wait3A_743 = tpu.memref_slice %arg4[%dma_wait3A, %dma_wait3A_742] : memref<13x128xi32, #tpu.memory_space<vmem>> -> memref<1x128xi32, #tpu.memory_space<vmem>>
    %dma_wait3A_744 = tpu.memref_squeeze %dma_wait3A_743 : memref<1x128xi32, #tpu.memory_space<vmem>> -> memref<128xi32, #tpu.memory_space<vmem>>
    %dma_wait3A_745 = tpu.memref_slice %arg2[%add3A_741] : memref<51200xi32, #tpu.memory_space<hbm>> -> memref<128xi32, #tpu.memory_space<hbm>>
    %dma_wait3A_746 = arith.constant 0 : i32
    %dma_wait3A_747 = tpu.memref_slice %arg4[%dma_wait3A, %dma_wait3A_746] : memref<13x128xi32, #tpu.memory_space<vmem>> -> memref<1x128xi32, #tpu.memory_space<vmem>>
    %dma_wait3A_748 = tpu.memref_squeeze %dma_wait3A_747 : memref<1x128xi32, #tpu.memory_space<vmem>> -> memref<128xi32, #tpu.memory_space<vmem>>
    %dma_wait3A_749 = tpu.memref_slice %arg2[%add3A_741] : memref<51200xi32, #tpu.memory_space<hbm>> -> memref<128xi32, #tpu.memory_space<hbm>>
    tpu.wait_dma2 semaphore(%arg7 : memref<!tpu.dma_semaphore, #tpu.memory_space<semaphore_mem>>) src(%dma_wait3A_749 : memref<128xi32, #tpu.memory_space<hbm>>) dst(%dma_wait3A_748 : memref<128xi32, #tpu.memory_space<vmem>>)
    %add3A_750 = arith.constant 32 : i32
    %add3A_751 = arith.addi %add3A, %add3A_750 : i32
    %min3A_752 = arith.constant 399 : i32
    %min3A_753 = arith.minsi %add3A_751, %min3A_752 : i32
    %jit3A_754 = arith.constant 8 : i32
    %div3A_755 = arith.divsi %min3A_753, %jit3A_754 : i32
    %sign3A_756 = arith.constant 0 : i32
    %sign3A_757 = arith.cmpi sgt, %min3A_753, %sign3A_756 : i32
    %sign3A_758 = arith.extui %sign3A_757 : i1 to i32
    %sign3A_759 = arith.constant 0 : i32
    %sign3A_760 = arith.cmpi slt, %min3A_753, %sign3A_759 : i32
    %sign3A_761 = arith.extui %sign3A_760 : i1 to i32
    %sign3A_762 = arith.subi %sign3A_758, %sign3A_761 : i32
    %sign3A_763 = arith.constant 0 : i32
    %sign3A_764 = arith.cmpi sgt, %jit3A_754, %sign3A_763 : i32
    %sign3A_765 = arith.extui %sign3A_764 : i1 to i32
    %sign3A_766 = arith.constant 0 : i32
    %sign3A_767 = arith.cmpi slt, %jit3A_754, %sign3A_766 : i32
    %sign3A_768 = arith.extui %sign3A_767 : i1 to i32
    %sign3A_769 = arith.subi %sign3A_765, %sign3A_768 : i32
    %ne3A_770 = arith.cmpi ne, %sign3A_762, %sign3A_769 : i32
    %rem3A_771 = arith.remsi %min3A_753, %jit3A_754 : i32
    %ne3A_772 = arith.constant 0 : i32
    %ne3A_773 = arith.cmpi ne, %rem3A_771, %ne3A_772 : i32
    %and3A_774 = arith.andi %ne3A_770, %ne3A_773 : i1
    %sub3A_775 = arith.constant 1 : i32
    %sub3A_776 = arith.subi %div3A_755, %sub3A_775 : i32
    %select_n3A_777 = arith.select %and3A_774, %sub3A_776, %div3A_755 : i32
    %jit3A_778 = arith.constant 8 : i32
    %eq3A_779 = arith.constant 0 : i32
    %eq3A_780 = arith.cmpi eq, %jit3A_778, %eq3A_779 : i32
    %jit3A_781 = arith.constant 1 : i32
    %select_n3A_782 = arith.select %eq3A_780, %jit3A_781, %jit3A_778 : i32
    %rem3A_783 = arith.remsi %min3A_753, %select_n3A_782 : i32
    %ne3A_784 = arith.constant 0 : i32
    %ne3A_785 = arith.cmpi ne, %rem3A_783, %ne3A_784 : i32
    %lt3A_786 = arith.constant 0 : i32
    %lt3A_787 = arith.cmpi slt, %rem3A_783, %lt3A_786 : i32
    %lt3A_788 = arith.constant 0 : i32
    %lt3A_789 = arith.cmpi slt, %select_n3A_782, %lt3A_788 : i32
    %ne3A_790 = arith.xori %lt3A_787, %lt3A_789 : i1
    %and3A_791 = arith.andi %ne3A_790, %ne3A_785 : i1
    %add3A_792 = arith.addi %rem3A_783, %select_n3A_782 : i32
    %select_n3A_793 = arith.select %and3A_791, %add3A_792, %rem3A_783 : i32
    %mul3A_794 = arith.constant 128 : i32
    %mul3A_795 = arith.muli %select_n3A_793, %mul3A_794 : i32
    %mul3A_796 = arith.constant 1024 : i32
    %mul3A_797 = arith.muli %select_n3A_777, %mul3A_796 : i32
    %add3A_798 = arith.addi %mul3A_797, %mul3A_795 : i32
    %dma_wait3A_799 = arith.constant 1 : i32
    %dma_wait3A_800 = arith.constant 0 : i32
    %dma_wait3A_801 = tpu.memref_slice %arg4[%dma_wait3A_799, %dma_wait3A_800] : memref<13x128xi32, #tpu.memory_space<vmem>> -> memref<1x128xi32, #tpu.memory_space<vmem>>
    %dma_wait3A_802 = tpu.memref_squeeze %dma_wait3A_801 : memref<1x128xi32, #tpu.memory_space<vmem>> -> memref<128xi32, #tpu.memory_space<vmem>>
    %dma_wait3A_803 = tpu.memref_slice %arg2[%add3A_798] : memref<51200xi32, #tpu.memory_space<hbm>> -> memref<128xi32, #tpu.memory_space<hbm>>
    %dma_wait3A_804 = arith.constant 0 : i32
    %dma_wait3A_805 = tpu.memref_slice %arg4[%dma_wait3A_799, %dma_wait3A_804] : memref<13x128xi32, #tpu.memory_space<vmem>> -> memref<1x128xi32, #tpu.memory_space<vmem>>
    %dma_wait3A_806 = tpu.memref_squeeze %dma_wait3A_805 : memref<1x128xi32, #tpu.memory_space<vmem>> -> memref<128xi32, #tpu.memory_space<vmem>>
    %dma_wait3A_807 = tpu.memref_slice %arg2[%add3A_798] : memref<51200xi32, #tpu.memory_space<hbm>> -> memref<128xi32, #tpu.memory_space<hbm>>
    tpu.wait_dma2 semaphore(%arg7 : memref<!tpu.dma_semaphore, #tpu.memory_space<semaphore_mem>>) src(%dma_wait3A_807 : memref<128xi32, #tpu.memory_space<hbm>>) dst(%dma_wait3A_806 : memref<128xi32, #tpu.memory_space<vmem>>)
    %add3A_808 = arith.constant 64 : i32
    %add3A_809 = arith.addi %add3A, %add3A_808 : i32
    %min3A_810 = arith.constant 399 : i32
    %min3A_811 = arith.minsi %add3A_809, %min3A_810 : i32
    %jit3A_812 = arith.constant 8 : i32
    %div3A_813 = arith.divsi %min3A_811, %jit3A_812 : i32
    %sign3A_814 = arith.constant 0 : i32
    %sign3A_815 = arith.cmpi sgt, %min3A_811, %sign3A_814 : i32
    %sign3A_816 = arith.extui %sign3A_815 : i1 to i32
    %sign3A_817 = arith.constant 0 : i32
    %sign3A_818 = arith.cmpi slt, %min3A_811, %sign3A_817 : i32
    %sign3A_819 = arith.extui %sign3A_818 : i1 to i32
    %sign3A_820 = arith.subi %sign3A_816, %sign3A_819 : i32
    %sign3A_821 = arith.constant 0 : i32
    %sign3A_822 = arith.cmpi sgt, %jit3A_812, %sign3A_821 : i32
    %sign3A_823 = arith.extui %sign3A_822 : i1 to i32
    %sign3A_824 = arith.constant 0 : i32
    %sign3A_825 = arith.cmpi slt, %jit3A_812, %sign3A_824 : i32
    %sign3A_826 = arith.extui %sign3A_825 : i1 to i32
    %sign3A_827 = arith.subi %sign3A_823, %sign3A_826 : i32
    %ne3A_828 = arith.cmpi ne, %sign3A_820, %sign3A_827 : i32
    %rem3A_829 = arith.remsi %min3A_811, %jit3A_812 : i32
    %ne3A_830 = arith.constant 0 : i32
    %ne3A_831 = arith.cmpi ne, %rem3A_829, %ne3A_830 : i32
    %and3A_832 = arith.andi %ne3A_828, %ne3A_831 : i1
    %sub3A_833 = arith.constant 1 : i32
    %sub3A_834 = arith.subi %div3A_813, %sub3A_833 : i32
    %select_n3A_835 = arith.select %and3A_832, %sub3A_834, %div3A_813 : i32
    %jit3A_836 = arith.constant 8 : i32
    %eq3A_837 = arith.constant 0 : i32
    %eq3A_838 = arith.cmpi eq, %jit3A_836, %eq3A_837 : i32
    %jit3A_839 = arith.constant 1 : i32
    %select_n3A_840 = arith.select %eq3A_838, %jit3A_839, %jit3A_836 : i32
    %rem3A_841 = arith.remsi %min3A_811, %select_n3A_840 : i32
    %ne3A_842 = arith.constant 0 : i32
    %ne3A_843 = arith.cmpi ne, %rem3A_841, %ne3A_842 : i32
    %lt3A_844 = arith.constant 0 : i32
    %lt3A_845 = arith.cmpi slt, %rem3A_841, %lt3A_844 : i32
    %lt3A_846 = arith.constant 0 : i32
    %lt3A_847 = arith.cmpi slt, %select_n3A_840, %lt3A_846 : i32
    %ne3A_848 = arith.xori %lt3A_845, %lt3A_847 : i1
    %and3A_849 = arith.andi %ne3A_848, %ne3A_843 : i1
    %add3A_850 = arith.addi %rem3A_841, %select_n3A_840 : i32
    %select_n3A_851 = arith.select %and3A_849, %add3A_850, %rem3A_841 : i32
    %mul3A_852 = arith.constant 128 : i32
    %mul3A_853 = arith.muli %select_n3A_851, %mul3A_852 : i32
    %mul3A_854 = arith.constant 1024 : i32
    %mul3A_855 = arith.muli %select_n3A_835, %mul3A_854 : i32
    %add3A_856 = arith.addi %mul3A_855, %mul3A_853 : i32
    %dma_wait3A_857 = arith.constant 2 : i32
    %dma_wait3A_858 = arith.constant 0 : i32
    %dma_wait3A_859 = tpu.memref_slice %arg4[%dma_wait3A_857, %dma_wait3A_858] : memref<13x128xi32, #tpu.memory_space<vmem>> -> memref<1x128xi32, #tpu.memory_space<vmem>>
    %dma_wait3A_860 = tpu.memref_squeeze %dma_wait3A_859 : memref<1x128xi32, #tpu.memory_space<vmem>> -> memref<128xi32, #tpu.memory_space<vmem>>
    %dma_wait3A_861 = tpu.memref_slice %arg2[%add3A_856] : memref<51200xi32, #tpu.memory_space<hbm>> -> memref<128xi32, #tpu.memory_space<hbm>>
    %dma_wait3A_862 = arith.constant 0 : i32
    %dma_wait3A_863 = tpu.memref_slice %arg4[%dma_wait3A_857, %dma_wait3A_862] : memref<13x128xi32, #tpu.memory_space<vmem>> -> memref<1x128xi32, #tpu.memory_space<vmem>>
    %dma_wait3A_864 = tpu.memref_squeeze %dma_wait3A_863 : memref<1x128xi32, #tpu.memory_space<vmem>> -> memref<128xi32, #tpu.memory_space<vmem>>
    %dma_wait3A_865 = tpu.memref_slice %arg2[%add3A_856] : memref<51200xi32, #tpu.memory_space<hbm>> -> memref<128xi32, #tpu.memory_space<hbm>>
    tpu.wait_dma2 semaphore(%arg7 : memref<!tpu.dma_semaphore, #tpu.memory_space<semaphore_mem>>) src(%dma_wait3A_865 : memref<128xi32, #tpu.memory_space<hbm>>) dst(%dma_wait3A_864 : memref<128xi32, #tpu.memory_space<vmem>>)
    %add3A_866 = arith.constant 96 : i32
    %add3A_867 = arith.addi %add3A, %add3A_866 : i32
    %min3A_868 = arith.constant 399 : i32
    %min3A_869 = arith.minsi %add3A_867, %min3A_868 : i32
    %jit3A_870 = arith.constant 8 : i32
    %div3A_871 = arith.divsi %min3A_869, %jit3A_870 : i32
    %sign3A_872 = arith.constant 0 : i32
    %sign3A_873 = arith.cmpi sgt, %min3A_869, %sign3A_872 : i32
    %sign3A_874 = arith.extui %sign3A_873 : i1 to i32
    %sign3A_875 = arith.constant 0 : i32
    %sign3A_876 = arith.cmpi slt, %min3A_869, %sign3A_875 : i32
    %sign3A_877 = arith.extui %sign3A_876 : i1 to i32
    %sign3A_878 = arith.subi %sign3A_874, %sign3A_877 : i32
    %sign3A_879 = arith.constant 0 : i32
    %sign3A_880 = arith.cmpi sgt, %jit3A_870, %sign3A_879 : i32
    %sign3A_881 = arith.extui %sign3A_880 : i1 to i32
    %sign3A_882 = arith.constant 0 : i32
    %sign3A_883 = arith.cmpi slt, %jit3A_870, %sign3A_882 : i32
    %sign3A_884 = arith.extui %sign3A_883 : i1 to i32
    %sign3A_885 = arith.subi %sign3A_881, %sign3A_884 : i32
    %ne3A_886 = arith.cmpi ne, %sign3A_878, %sign3A_885 : i32
    %rem3A_887 = arith.remsi %min3A_869, %jit3A_870 : i32
    %ne3A_888 = arith.constant 0 : i32
    %ne3A_889 = arith.cmpi ne, %rem3A_887, %ne3A_888 : i32
    %and3A_890 = arith.andi %ne3A_886, %ne3A_889 : i1
    %sub3A_891 = arith.constant 1 : i32
    %sub3A_892 = arith.subi %div3A_871, %sub3A_891 : i32
    %select_n3A_893 = arith.select %and3A_890, %sub3A_892, %div3A_871 : i32
    %jit3A_894 = arith.constant 8 : i32
    %eq3A_895 = arith.constant 0 : i32
    %eq3A_896 = arith.cmpi eq, %jit3A_894, %eq3A_895 : i32
    %jit3A_897 = arith.constant 1 : i32
    %select_n3A_898 = arith.select %eq3A_896, %jit3A_897, %jit3A_894 : i32
    %rem3A_899 = arith.remsi %min3A_869, %select_n3A_898 : i32
    %ne3A_900 = arith.constant 0 : i32
    %ne3A_901 = arith.cmpi ne, %rem3A_899, %ne3A_900 : i32
    %lt3A_902 = arith.constant 0 : i32
    %lt3A_903 = arith.cmpi slt, %rem3A_899, %lt3A_902 : i32
    %lt3A_904 = arith.constant 0 : i32
    %lt3A_905 = arith.cmpi slt, %select_n3A_898, %lt3A_904 : i32
    %ne3A_906 = arith.xori %lt3A_903, %lt3A_905 : i1
    %and3A_907 = arith.andi %ne3A_906, %ne3A_901 : i1
    %add3A_908 = arith.addi %rem3A_899, %select_n3A_898 : i32
    %select_n3A_909 = arith.select %and3A_907, %add3A_908, %rem3A_899 : i32
    %mul3A_910 = arith.constant 128 : i32
    %mul3A_911 = arith.muli %select_n3A_909, %mul3A_910 : i32
    %mul3A_912 = arith.constant 1024 : i32
    %mul3A_913 = arith.muli %select_n3A_893, %mul3A_912 : i32
    %add3A_914 = arith.addi %mul3A_913, %mul3A_911 : i32
    %dma_wait3A_915 = arith.constant 3 : i32
    %dma_wait3A_916 = arith.constant 0 : i32
    %dma_wait3A_917 = tpu.memref_slice %arg4[%dma_wait3A_915, %dma_wait3A_916] : memref<13x128xi32, #tpu.memory_space<vmem>> -> memref<1x128xi32, #tpu.memory_space<vmem>>
    %dma_wait3A_918 = tpu.memref_squeeze %dma_wait3A_917 : memref<1x128xi32, #tpu.memory_space<vmem>> -> memref<128xi32, #tpu.memory_space<vmem>>
    %dma_wait3A_919 = tpu.memref_slice %arg2[%add3A_914] : memref<51200xi32, #tpu.memory_space<hbm>> -> memref<128xi32, #tpu.memory_space<hbm>>
    %dma_wait3A_920 = arith.constant 0 : i32
    %dma_wait3A_921 = tpu.memref_slice %arg4[%dma_wait3A_915, %dma_wait3A_920] : memref<13x128xi32, #tpu.memory_space<vmem>> -> memref<1x128xi32, #tpu.memory_space<vmem>>
    %dma_wait3A_922 = tpu.memref_squeeze %dma_wait3A_921 : memref<1x128xi32, #tpu.memory_space<vmem>> -> memref<128xi32, #tpu.memory_space<vmem>>
    %dma_wait3A_923 = tpu.memref_slice %arg2[%add3A_914] : memref<51200xi32, #tpu.memory_space<hbm>> -> memref<128xi32, #tpu.memory_space<hbm>>
    tpu.wait_dma2 semaphore(%arg7 : memref<!tpu.dma_semaphore, #tpu.memory_space<semaphore_mem>>) src(%dma_wait3A_923 : memref<128xi32, #tpu.memory_space<hbm>>) dst(%dma_wait3A_922 : memref<128xi32, #tpu.memory_space<vmem>>)
    %add3A_924 = arith.constant 128 : i32
    %add3A_925 = arith.addi %add3A, %add3A_924 : i32
    %min3A_926 = arith.constant 399 : i32
    %min3A_927 = arith.minsi %add3A_925, %min3A_926 : i32
    %jit3A_928 = arith.constant 8 : i32
    %div3A_929 = arith.divsi %min3A_927, %jit3A_928 : i32
    %sign3A_930 = arith.constant 0 : i32
    %sign3A_931 = arith.cmpi sgt, %min3A_927, %sign3A_930 : i32
    %sign3A_932 = arith.extui %sign3A_931 : i1 to i32
    %sign3A_933 = arith.constant 0 : i32
    %sign3A_934 = arith.cmpi slt, %min3A_927, %sign3A_933 : i32
    %sign3A_935 = arith.extui %sign3A_934 : i1 to i32
    %sign3A_936 = arith.subi %sign3A_932, %sign3A_935 : i32
    %sign3A_937 = arith.constant 0 : i32
    %sign3A_938 = arith.cmpi sgt, %jit3A_928, %sign3A_937 : i32
    %sign3A_939 = arith.extui %sign3A_938 : i1 to i32
    %sign3A_940 = arith.constant 0 : i32
    %sign3A_941 = arith.cmpi slt, %jit3A_928, %sign3A_940 : i32
    %sign3A_942 = arith.extui %sign3A_941 : i1 to i32
    %sign3A_943 = arith.subi %sign3A_939, %sign3A_942 : i32
    %ne3A_944 = arith.cmpi ne, %sign3A_936, %sign3A_943 : i32
    %rem3A_945 = arith.remsi %min3A_927, %jit3A_928 : i32
    %ne3A_946 = arith.constant 0 : i32
    %ne3A_947 = arith.cmpi ne, %rem3A_945, %ne3A_946 : i32
    %and3A_948 = arith.andi %ne3A_944, %ne3A_947 : i1
    %sub3A_949 = arith.constant 1 : i32
    %sub3A_950 = arith.subi %div3A_929, %sub3A_949 : i32
    %select_n3A_951 = arith.select %and3A_948, %sub3A_950, %div3A_929 : i32
    %jit3A_952 = arith.constant 8 : i32
    %eq3A_953 = arith.constant 0 : i32
    %eq3A_954 = arith.cmpi eq, %jit3A_952, %eq3A_953 : i32
    %jit3A_955 = arith.constant 1 : i32
    %select_n3A_956 = arith.select %eq3A_954, %jit3A_955, %jit3A_952 : i32
    %rem3A_957 = arith.remsi %min3A_927, %select_n3A_956 : i32
    %ne3A_958 = arith.constant 0 : i32
    %ne3A_959 = arith.cmpi ne, %rem3A_957, %ne3A_958 : i32
    %lt3A_960 = arith.constant 0 : i32
    %lt3A_961 = arith.cmpi slt, %rem3A_957, %lt3A_960 : i32
    %lt3A_962 = arith.constant 0 : i32
    %lt3A_963 = arith.cmpi slt, %select_n3A_956, %lt3A_962 : i32
    %ne3A_964 = arith.xori %lt3A_961, %lt3A_963 : i1
    %and3A_965 = arith.andi %ne3A_964, %ne3A_959 : i1
    %add3A_966 = arith.addi %rem3A_957, %select_n3A_956 : i32
    %select_n3A_967 = arith.select %and3A_965, %add3A_966, %rem3A_957 : i32
    %mul3A_968 = arith.constant 128 : i32
    %mul3A_969 = arith.muli %select_n3A_967, %mul3A_968 : i32
    %mul3A_970 = arith.constant 1024 : i32
    %mul3A_971 = arith.muli %select_n3A_951, %mul3A_970 : i32
    %add3A_972 = arith.addi %mul3A_971, %mul3A_969 : i32
    %dma_wait3A_973 = arith.constant 4 : i32
    %dma_wait3A_974 = arith.constant 0 : i32
    %dma_wait3A_975 = tpu.memref_slice %arg4[%dma_wait3A_973, %dma_wait3A_974] : memref<13x128xi32, #tpu.memory_space<vmem>> -> memref<1x128xi32, #tpu.memory_space<vmem>>
    %dma_wait3A_976 = tpu.memref_squeeze %dma_wait3A_975 : memref<1x128xi32, #tpu.memory_space<vmem>> -> memref<128xi32, #tpu.memory_space<vmem>>
    %dma_wait3A_977 = tpu.memref_slice %arg2[%add3A_972] : memref<51200xi32, #tpu.memory_space<hbm>> -> memref<128xi32, #tpu.memory_space<hbm>>
    %dma_wait3A_978 = arith.constant 0 : i32
    %dma_wait3A_979 = tpu.memref_slice %arg4[%dma_wait3A_973, %dma_wait3A_978] : memref<13x128xi32, #tpu.memory_space<vmem>> -> memref<1x128xi32, #tpu.memory_space<vmem>>
    %dma_wait3A_980 = tpu.memref_squeeze %dma_wait3A_979 : memref<1x128xi32, #tpu.memory_space<vmem>> -> memref<128xi32, #tpu.memory_space<vmem>>
    %dma_wait3A_981 = tpu.memref_slice %arg2[%add3A_972] : memref<51200xi32, #tpu.memory_space<hbm>> -> memref<128xi32, #tpu.memory_space<hbm>>
    tpu.wait_dma2 semaphore(%arg7 : memref<!tpu.dma_semaphore, #tpu.memory_space<semaphore_mem>>) src(%dma_wait3A_981 : memref<128xi32, #tpu.memory_space<hbm>>) dst(%dma_wait3A_980 : memref<128xi32, #tpu.memory_space<vmem>>)
    %add3A_982 = arith.constant 160 : i32
    %add3A_983 = arith.addi %add3A, %add3A_982 : i32
    %min3A_984 = arith.constant 399 : i32
    %min3A_985 = arith.minsi %add3A_983, %min3A_984 : i32
    %jit3A_986 = arith.constant 8 : i32
    %div3A_987 = arith.divsi %min3A_985, %jit3A_986 : i32
    %sign3A_988 = arith.constant 0 : i32
    %sign3A_989 = arith.cmpi sgt, %min3A_985, %sign3A_988 : i32
    %sign3A_990 = arith.extui %sign3A_989 : i1 to i32
    %sign3A_991 = arith.constant 0 : i32
    %sign3A_992 = arith.cmpi slt, %min3A_985, %sign3A_991 : i32
    %sign3A_993 = arith.extui %sign3A_992 : i1 to i32
    %sign3A_994 = arith.subi %sign3A_990, %sign3A_993 : i32
    %sign3A_995 = arith.constant 0 : i32
    %sign3A_996 = arith.cmpi sgt, %jit3A_986, %sign3A_995 : i32
    %sign3A_997 = arith.extui %sign3A_996 : i1 to i32
    %sign3A_998 = arith.constant 0 : i32
    %sign3A_999 = arith.cmpi slt, %jit3A_986, %sign3A_998 : i32
    %sign3A_1000 = arith.extui %sign3A_999 : i1 to i32
    %sign3A_1001 = arith.subi %sign3A_997, %sign3A_1000 : i32
    %ne3A_1002 = arith.cmpi ne, %sign3A_994, %sign3A_1001 : i32
    %rem3A_1003 = arith.remsi %min3A_985, %jit3A_986 : i32
    %ne3A_1004 = arith.constant 0 : i32
    %ne3A_1005 = arith.cmpi ne, %rem3A_1003, %ne3A_1004 : i32
    %and3A_1006 = arith.andi %ne3A_1002, %ne3A_1005 : i1
    %sub3A_1007 = arith.constant 1 : i32
    %sub3A_1008 = arith.subi %div3A_987, %sub3A_1007 : i32
    %select_n3A_1009 = arith.select %and3A_1006, %sub3A_1008, %div3A_987 : i32
    %jit3A_1010 = arith.constant 8 : i32
    %eq3A_1011 = arith.constant 0 : i32
    %eq3A_1012 = arith.cmpi eq, %jit3A_1010, %eq3A_1011 : i32
    %jit3A_1013 = arith.constant 1 : i32
    %select_n3A_1014 = arith.select %eq3A_1012, %jit3A_1013, %jit3A_1010 : i32
    %rem3A_1015 = arith.remsi %min3A_985, %select_n3A_1014 : i32
    %ne3A_1016 = arith.constant 0 : i32
    %ne3A_1017 = arith.cmpi ne, %rem3A_1015, %ne3A_1016 : i32
    %lt3A_1018 = arith.constant 0 : i32
    %lt3A_1019 = arith.cmpi slt, %rem3A_1015, %lt3A_1018 : i32
    %lt3A_1020 = arith.constant 0 : i32
    %lt3A_1021 = arith.cmpi slt, %select_n3A_1014, %lt3A_1020 : i32
    %ne3A_1022 = arith.xori %lt3A_1019, %lt3A_1021 : i1
    %and3A_1023 = arith.andi %ne3A_1022, %ne3A_1017 : i1
    %add3A_1024 = arith.addi %rem3A_1015, %select_n3A_1014 : i32
    %select_n3A_1025 = arith.select %and3A_1023, %add3A_1024, %rem3A_1015 : i32
    %mul3A_1026 = arith.constant 128 : i32
    %mul3A_1027 = arith.muli %select_n3A_1025, %mul3A_1026 : i32
    %mul3A_1028 = arith.constant 1024 : i32
    %mul3A_1029 = arith.muli %select_n3A_1009, %mul3A_1028 : i32
    %add3A_1030 = arith.addi %mul3A_1029, %mul3A_1027 : i32
    %dma_wait3A_1031 = arith.constant 5 : i32
    %dma_wait3A_1032 = arith.constant 0 : i32
    %dma_wait3A_1033 = tpu.memref_slice %arg4[%dma_wait3A_1031, %dma_wait3A_1032] : memref<13x128xi32, #tpu.memory_space<vmem>> -> memref<1x128xi32, #tpu.memory_space<vmem>>
    %dma_wait3A_1034 = tpu.memref_squeeze %dma_wait3A_1033 : memref<1x128xi32, #tpu.memory_space<vmem>> -> memref<128xi32, #tpu.memory_space<vmem>>
    %dma_wait3A_1035 = tpu.memref_slice %arg2[%add3A_1030] : memref<51200xi32, #tpu.memory_space<hbm>> -> memref<128xi32, #tpu.memory_space<hbm>>
    %dma_wait3A_1036 = arith.constant 0 : i32
    %dma_wait3A_1037 = tpu.memref_slice %arg4[%dma_wait3A_1031, %dma_wait3A_1036] : memref<13x128xi32, #tpu.memory_space<vmem>> -> memref<1x128xi32, #tpu.memory_space<vmem>>
    %dma_wait3A_1038 = tpu.memref_squeeze %dma_wait3A_1037 : memref<1x128xi32, #tpu.memory_space<vmem>> -> memref<128xi32, #tpu.memory_space<vmem>>
    %dma_wait3A_1039 = tpu.memref_slice %arg2[%add3A_1030] : memref<51200xi32, #tpu.memory_space<hbm>> -> memref<128xi32, #tpu.memory_space<hbm>>
    tpu.wait_dma2 semaphore(%arg7 : memref<!tpu.dma_semaphore, #tpu.memory_space<semaphore_mem>>) src(%dma_wait3A_1039 : memref<128xi32, #tpu.memory_space<hbm>>) dst(%dma_wait3A_1038 : memref<128xi32, #tpu.memory_space<vmem>>)
    %add3A_1040 = arith.constant 192 : i32
    %add3A_1041 = arith.addi %add3A, %add3A_1040 : i32
    %min3A_1042 = arith.constant 399 : i32
    %min3A_1043 = arith.minsi %add3A_1041, %min3A_1042 : i32
    %jit3A_1044 = arith.constant 8 : i32
    %div3A_1045 = arith.divsi %min3A_1043, %jit3A_1044 : i32
    %sign3A_1046 = arith.constant 0 : i32
    %sign3A_1047 = arith.cmpi sgt, %min3A_1043, %sign3A_1046 : i32
    %sign3A_1048 = arith.extui %sign3A_1047 : i1 to i32
    %sign3A_1049 = arith.constant 0 : i32
    %sign3A_1050 = arith.cmpi slt, %min3A_1043, %sign3A_1049 : i32
    %sign3A_1051 = arith.extui %sign3A_1050 : i1 to i32
    %sign3A_1052 = arith.subi %sign3A_1048, %sign3A_1051 : i32
    %sign3A_1053 = arith.constant 0 : i32
    %sign3A_1054 = arith.cmpi sgt, %jit3A_1044, %sign3A_1053 : i32
    %sign3A_1055 = arith.extui %sign3A_1054 : i1 to i32
    %sign3A_1056 = arith.constant 0 : i32
    %sign3A_1057 = arith.cmpi slt, %jit3A_1044, %sign3A_1056 : i32
    %sign3A_1058 = arith.extui %sign3A_1057 : i1 to i32
    %sign3A_1059 = arith.subi %sign3A_1055, %sign3A_1058 : i32
    %ne3A_1060 = arith.cmpi ne, %sign3A_1052, %sign3A_1059 : i32
    %rem3A_1061 = arith.remsi %min3A_1043, %jit3A_1044 : i32
    %ne3A_1062 = arith.constant 0 : i32
    %ne3A_1063 = arith.cmpi ne, %rem3A_1061, %ne3A_1062 : i32
    %and3A_1064 = arith.andi %ne3A_1060, %ne3A_1063 : i1
    %sub3A_1065 = arith.constant 1 : i32
    %sub3A_1066 = arith.subi %div3A_1045, %sub3A_1065 : i32
    %select_n3A_1067 = arith.select %and3A_1064, %sub3A_1066, %div3A_1045 : i32
    %jit3A_1068 = arith.constant 8 : i32
    %eq3A_1069 = arith.constant 0 : i32
    %eq3A_1070 = arith.cmpi eq, %jit3A_1068, %eq3A_1069 : i32
    %jit3A_1071 = arith.constant 1 : i32
    %select_n3A_1072 = arith.select %eq3A_1070, %jit3A_1071, %jit3A_1068 : i32
    %rem3A_1073 = arith.remsi %min3A_1043, %select_n3A_1072 : i32
    %ne3A_1074 = arith.constant 0 : i32
    %ne3A_1075 = arith.cmpi ne, %rem3A_1073, %ne3A_1074 : i32
    %lt3A_1076 = arith.constant 0 : i32
    %lt3A_1077 = arith.cmpi slt, %rem3A_1073, %lt3A_1076 : i32
    %lt3A_1078 = arith.constant 0 : i32
    %lt3A_1079 = arith.cmpi slt, %select_n3A_1072, %lt3A_1078 : i32
    %ne3A_1080 = arith.xori %lt3A_1077, %lt3A_1079 : i1
    %and3A_1081 = arith.andi %ne3A_1080, %ne3A_1075 : i1
    %add3A_1082 = arith.addi %rem3A_1073, %select_n3A_1072 : i32
    %select_n3A_1083 = arith.select %and3A_1081, %add3A_1082, %rem3A_1073 : i32
    %mul3A_1084 = arith.constant 128 : i32
    %mul3A_1085 = arith.muli %select_n3A_1083, %mul3A_1084 : i32
    %mul3A_1086 = arith.constant 1024 : i32
    %mul3A_1087 = arith.muli %select_n3A_1067, %mul3A_1086 : i32
    %add3A_1088 = arith.addi %mul3A_1087, %mul3A_1085 : i32
    %dma_wait3A_1089 = arith.constant 6 : i32
    %dma_wait3A_1090 = arith.constant 0 : i32
    %dma_wait3A_1091 = tpu.memref_slice %arg4[%dma_wait3A_1089, %dma_wait3A_1090] : memref<13x128xi32, #tpu.memory_space<vmem>> -> memref<1x128xi32, #tpu.memory_space<vmem>>
    %dma_wait3A_1092 = tpu.memref_squeeze %dma_wait3A_1091 : memref<1x128xi32, #tpu.memory_space<vmem>> -> memref<128xi32, #tpu.memory_space<vmem>>
    %dma_wait3A_1093 = tpu.memref_slice %arg2[%add3A_1088] : memref<51200xi32, #tpu.memory_space<hbm>> -> memref<128xi32, #tpu.memory_space<hbm>>
    %dma_wait3A_1094 = arith.constant 0 : i32
    %dma_wait3A_1095 = tpu.memref_slice %arg4[%dma_wait3A_1089, %dma_wait3A_1094] : memref<13x128xi32, #tpu.memory_space<vmem>> -> memref<1x128xi32, #tpu.memory_space<vmem>>
    %dma_wait3A_1096 = tpu.memref_squeeze %dma_wait3A_1095 : memref<1x128xi32, #tpu.memory_space<vmem>> -> memref<128xi32, #tpu.memory_space<vmem>>
    %dma_wait3A_1097 = tpu.memref_slice %arg2[%add3A_1088] : memref<51200xi32, #tpu.memory_space<hbm>> -> memref<128xi32, #tpu.memory_space<hbm>>
    tpu.wait_dma2 semaphore(%arg7 : memref<!tpu.dma_semaphore, #tpu.memory_space<semaphore_mem>>) src(%dma_wait3A_1097 : memref<128xi32, #tpu.memory_space<hbm>>) dst(%dma_wait3A_1096 : memref<128xi32, #tpu.memory_space<vmem>>)
    %add3A_1098 = arith.constant 224 : i32
    %add3A_1099 = arith.addi %add3A, %add3A_1098 : i32
    %min3A_1100 = arith.constant 399 : i32
    %min3A_1101 = arith.minsi %add3A_1099, %min3A_1100 : i32
    %jit3A_1102 = arith.constant 8 : i32
    %div3A_1103 = arith.divsi %min3A_1101, %jit3A_1102 : i32
    %sign3A_1104 = arith.constant 0 : i32
    %sign3A_1105 = arith.cmpi sgt, %min3A_1101, %sign3A_1104 : i32
    %sign3A_1106 = arith.extui %sign3A_1105 : i1 to i32
    %sign3A_1107 = arith.constant 0 : i32
    %sign3A_1108 = arith.cmpi slt, %min3A_1101, %sign3A_1107 : i32
    %sign3A_1109 = arith.extui %sign3A_1108 : i1 to i32
    %sign3A_1110 = arith.subi %sign3A_1106, %sign3A_1109 : i32
    %sign3A_1111 = arith.constant 0 : i32
    %sign3A_1112 = arith.cmpi sgt, %jit3A_1102, %sign3A_1111 : i32
    %sign3A_1113 = arith.extui %sign3A_1112 : i1 to i32
    %sign3A_1114 = arith.constant 0 : i32
    %sign3A_1115 = arith.cmpi slt, %jit3A_1102, %sign3A_1114 : i32
    %sign3A_1116 = arith.extui %sign3A_1115 : i1 to i32
    %sign3A_1117 = arith.subi %sign3A_1113, %sign3A_1116 : i32
    %ne3A_1118 = arith.cmpi ne, %sign3A_1110, %sign3A_1117 : i32
    %rem3A_1119 = arith.remsi %min3A_1101, %jit3A_1102 : i32
    %ne3A_1120 = arith.constant 0 : i32
    %ne3A_1121 = arith.cmpi ne, %rem3A_1119, %ne3A_1120 : i32
    %and3A_1122 = arith.andi %ne3A_1118, %ne3A_1121 : i1
    %sub3A_1123 = arith.constant 1 : i32
    %sub3A_1124 = arith.subi %div3A_1103, %sub3A_1123 : i32
    %select_n3A_1125 = arith.select %and3A_1122, %sub3A_1124, %div3A_1103 : i32
    %jit3A_1126 = arith.constant 8 : i32
    %eq3A_1127 = arith.constant 0 : i32
    %eq3A_1128 = arith.cmpi eq, %jit3A_1126, %eq3A_1127 : i32
    %jit3A_1129 = arith.constant 1 : i32
    %select_n3A_1130 = arith.select %eq3A_1128, %jit3A_1129, %jit3A_1126 : i32
    %rem3A_1131 = arith.remsi %min3A_1101, %select_n3A_1130 : i32
    %ne3A_1132 = arith.constant 0 : i32
    %ne3A_1133 = arith.cmpi ne, %rem3A_1131, %ne3A_1132 : i32
    %lt3A_1134 = arith.constant 0 : i32
    %lt3A_1135 = arith.cmpi slt, %rem3A_1131, %lt3A_1134 : i32
    %lt3A_1136 = arith.constant 0 : i32
    %lt3A_1137 = arith.cmpi slt, %select_n3A_1130, %lt3A_1136 : i32
    %ne3A_1138 = arith.xori %lt3A_1135, %lt3A_1137 : i1
    %and3A_1139 = arith.andi %ne3A_1138, %ne3A_1133 : i1
    %add3A_1140 = arith.addi %rem3A_1131, %select_n3A_1130 : i32
    %select_n3A_1141 = arith.select %and3A_1139, %add3A_1140, %rem3A_1131 : i32
    %mul3A_1142 = arith.constant 128 : i32
    %mul3A_1143 = arith.muli %select_n3A_1141, %mul3A_1142 : i32
    %mul3A_1144 = arith.constant 1024 : i32
    %mul3A_1145 = arith.muli %select_n3A_1125, %mul3A_1144 : i32
    %add3A_1146 = arith.addi %mul3A_1145, %mul3A_1143 : i32
    %dma_wait3A_1147 = arith.constant 7 : i32
    %dma_wait3A_1148 = arith.constant 0 : i32
    %dma_wait3A_1149 = tpu.memref_slice %arg4[%dma_wait3A_1147, %dma_wait3A_1148] : memref<13x128xi32, #tpu.memory_space<vmem>> -> memref<1x128xi32, #tpu.memory_space<vmem>>
    %dma_wait3A_1150 = tpu.memref_squeeze %dma_wait3A_1149 : memref<1x128xi32, #tpu.memory_space<vmem>> -> memref<128xi32, #tpu.memory_space<vmem>>
    %dma_wait3A_1151 = tpu.memref_slice %arg2[%add3A_1146] : memref<51200xi32, #tpu.memory_space<hbm>> -> memref<128xi32, #tpu.memory_space<hbm>>
    %dma_wait3A_1152 = arith.constant 0 : i32
    %dma_wait3A_1153 = tpu.memref_slice %arg4[%dma_wait3A_1147, %dma_wait3A_1152] : memref<13x128xi32, #tpu.memory_space<vmem>> -> memref<1x128xi32, #tpu.memory_space<vmem>>
    %dma_wait3A_1154 = tpu.memref_squeeze %dma_wait3A_1153 : memref<1x128xi32, #tpu.memory_space<vmem>> -> memref<128xi32, #tpu.memory_space<vmem>>
    %dma_wait3A_1155 = tpu.memref_slice %arg2[%add3A_1146] : memref<51200xi32, #tpu.memory_space<hbm>> -> memref<128xi32, #tpu.memory_space<hbm>>
    tpu.wait_dma2 semaphore(%arg7 : memref<!tpu.dma_semaphore, #tpu.memory_space<semaphore_mem>>) src(%dma_wait3A_1155 : memref<128xi32, #tpu.memory_space<hbm>>) dst(%dma_wait3A_1154 : memref<128xi32, #tpu.memory_space<vmem>>)
    %add3A_1156 = arith.constant 256 : i32
    %add3A_1157 = arith.addi %add3A, %add3A_1156 : i32
    %min3A_1158 = arith.constant 399 : i32
    %min3A_1159 = arith.minsi %add3A_1157, %min3A_1158 : i32
    %jit3A_1160 = arith.constant 8 : i32
    %div3A_1161 = arith.divsi %min3A_1159, %jit3A_1160 : i32
    %sign3A_1162 = arith.constant 0 : i32
    %sign3A_1163 = arith.cmpi sgt, %min3A_1159, %sign3A_1162 : i32
    %sign3A_1164 = arith.extui %sign3A_1163 : i1 to i32
    %sign3A_1165 = arith.constant 0 : i32
    %sign3A_1166 = arith.cmpi slt, %min3A_1159, %sign3A_1165 : i32
    %sign3A_1167 = arith.extui %sign3A_1166 : i1 to i32
    %sign3A_1168 = arith.subi %sign3A_1164, %sign3A_1167 : i32
    %sign3A_1169 = arith.constant 0 : i32
    %sign3A_1170 = arith.cmpi sgt, %jit3A_1160, %sign3A_1169 : i32
    %sign3A_1171 = arith.extui %sign3A_1170 : i1 to i32
    %sign3A_1172 = arith.constant 0 : i32
    %sign3A_1173 = arith.cmpi slt, %jit3A_1160, %sign3A_1172 : i32
    %sign3A_1174 = arith.extui %sign3A_1173 : i1 to i32
    %sign3A_1175 = arith.subi %sign3A_1171, %sign3A_1174 : i32
    %ne3A_1176 = arith.cmpi ne, %sign3A_1168, %sign3A_1175 : i32
    %rem3A_1177 = arith.remsi %min3A_1159, %jit3A_1160 : i32
    %ne3A_1178 = arith.constant 0 : i32
    %ne3A_1179 = arith.cmpi ne, %rem3A_1177, %ne3A_1178 : i32
    %and3A_1180 = arith.andi %ne3A_1176, %ne3A_1179 : i1
    %sub3A_1181 = arith.constant 1 : i32
    %sub3A_1182 = arith.subi %div3A_1161, %sub3A_1181 : i32
    %select_n3A_1183 = arith.select %and3A_1180, %sub3A_1182, %div3A_1161 : i32
    %jit3A_1184 = arith.constant 8 : i32
    %eq3A_1185 = arith.constant 0 : i32
    %eq3A_1186 = arith.cmpi eq, %jit3A_1184, %eq3A_1185 : i32
    %jit3A_1187 = arith.constant 1 : i32
    %select_n3A_1188 = arith.select %eq3A_1186, %jit3A_1187, %jit3A_1184 : i32
    %rem3A_1189 = arith.remsi %min3A_1159, %select_n3A_1188 : i32
    %ne3A_1190 = arith.constant 0 : i32
    %ne3A_1191 = arith.cmpi ne, %rem3A_1189, %ne3A_1190 : i32
    %lt3A_1192 = arith.constant 0 : i32
    %lt3A_1193 = arith.cmpi slt, %rem3A_1189, %lt3A_1192 : i32
    %lt3A_1194 = arith.constant 0 : i32
    %lt3A_1195 = arith.cmpi slt, %select_n3A_1188, %lt3A_1194 : i32
    %ne3A_1196 = arith.xori %lt3A_1193, %lt3A_1195 : i1
    %and3A_1197 = arith.andi %ne3A_1196, %ne3A_1191 : i1
    %add3A_1198 = arith.addi %rem3A_1189, %select_n3A_1188 : i32
    %select_n3A_1199 = arith.select %and3A_1197, %add3A_1198, %rem3A_1189 : i32
    %mul3A_1200 = arith.constant 128 : i32
    %mul3A_1201 = arith.muli %select_n3A_1199, %mul3A_1200 : i32
    %mul3A_1202 = arith.constant 1024 : i32
    %mul3A_1203 = arith.muli %select_n3A_1183, %mul3A_1202 : i32
    %add3A_1204 = arith.addi %mul3A_1203, %mul3A_1201 : i32
    %dma_wait3A_1205 = arith.constant 8 : i32
    %dma_wait3A_1206 = arith.constant 0 : i32
    %dma_wait3A_1207 = tpu.memref_slice %arg4[%dma_wait3A_1205, %dma_wait3A_1206] : memref<13x128xi32, #tpu.memory_space<vmem>> -> memref<1x128xi32, #tpu.memory_space<vmem>>
    %dma_wait3A_1208 = tpu.memref_squeeze %dma_wait3A_1207 : memref<1x128xi32, #tpu.memory_space<vmem>> -> memref<128xi32, #tpu.memory_space<vmem>>
    %dma_wait3A_1209 = tpu.memref_slice %arg2[%add3A_1204] : memref<51200xi32, #tpu.memory_space<hbm>> -> memref<128xi32, #tpu.memory_space<hbm>>
    %dma_wait3A_1210 = arith.constant 0 : i32
    %dma_wait3A_1211 = tpu.memref_slice %arg4[%dma_wait3A_1205, %dma_wait3A_1210] : memref<13x128xi32, #tpu.memory_space<vmem>> -> memref<1x128xi32, #tpu.memory_space<vmem>>
    %dma_wait3A_1212 = tpu.memref_squeeze %dma_wait3A_1211 : memref<1x128xi32, #tpu.memory_space<vmem>> -> memref<128xi32, #tpu.memory_space<vmem>>
    %dma_wait3A_1213 = tpu.memref_slice %arg2[%add3A_1204] : memref<51200xi32, #tpu.memory_space<hbm>> -> memref<128xi32, #tpu.memory_space<hbm>>
    tpu.wait_dma2 semaphore(%arg7 : memref<!tpu.dma_semaphore, #tpu.memory_space<semaphore_mem>>) src(%dma_wait3A_1213 : memref<128xi32, #tpu.memory_space<hbm>>) dst(%dma_wait3A_1212 : memref<128xi32, #tpu.memory_space<vmem>>)
    %add3A_1214 = arith.constant 288 : i32
    %add3A_1215 = arith.addi %add3A, %add3A_1214 : i32
    %min3A_1216 = arith.constant 399 : i32
    %min3A_1217 = arith.minsi %add3A_1215, %min3A_1216 : i32
    %jit3A_1218 = arith.constant 8 : i32
    %div3A_1219 = arith.divsi %min3A_1217, %jit3A_1218 : i32
    %sign3A_1220 = arith.constant 0 : i32
    %sign3A_1221 = arith.cmpi sgt, %min3A_1217, %sign3A_1220 : i32
    %sign3A_1222 = arith.extui %sign3A_1221 : i1 to i32
    %sign3A_1223 = arith.constant 0 : i32
    %sign3A_1224 = arith.cmpi slt, %min3A_1217, %sign3A_1223 : i32
    %sign3A_1225 = arith.extui %sign3A_1224 : i1 to i32
    %sign3A_1226 = arith.subi %sign3A_1222, %sign3A_1225 : i32
    %sign3A_1227 = arith.constant 0 : i32
    %sign3A_1228 = arith.cmpi sgt, %jit3A_1218, %sign3A_1227 : i32
    %sign3A_1229 = arith.extui %sign3A_1228 : i1 to i32
    %sign3A_1230 = arith.constant 0 : i32
    %sign3A_1231 = arith.cmpi slt, %jit3A_1218, %sign3A_1230 : i32
    %sign3A_1232 = arith.extui %sign3A_1231 : i1 to i32
    %sign3A_1233 = arith.subi %sign3A_1229, %sign3A_1232 : i32
    %ne3A_1234 = arith.cmpi ne, %sign3A_1226, %sign3A_1233 : i32
    %rem3A_1235 = arith.remsi %min3A_1217, %jit3A_1218 : i32
    %ne3A_1236 = arith.constant 0 : i32
    %ne3A_1237 = arith.cmpi ne, %rem3A_1235, %ne3A_1236 : i32
    %and3A_1238 = arith.andi %ne3A_1234, %ne3A_1237 : i1
    %sub3A_1239 = arith.constant 1 : i32
    %sub3A_1240 = arith.subi %div3A_1219, %sub3A_1239 : i32
    %select_n3A_1241 = arith.select %and3A_1238, %sub3A_1240, %div3A_1219 : i32
    %jit3A_1242 = arith.constant 8 : i32
    %eq3A_1243 = arith.constant 0 : i32
    %eq3A_1244 = arith.cmpi eq, %jit3A_1242, %eq3A_1243 : i32
    %jit3A_1245 = arith.constant 1 : i32
    %select_n3A_1246 = arith.select %eq3A_1244, %jit3A_1245, %jit3A_1242 : i32
    %rem3A_1247 = arith.remsi %min3A_1217, %select_n3A_1246 : i32
    %ne3A_1248 = arith.constant 0 : i32
    %ne3A_1249 = arith.cmpi ne, %rem3A_1247, %ne3A_1248 : i32
    %lt3A_1250 = arith.constant 0 : i32
    %lt3A_1251 = arith.cmpi slt, %rem3A_1247, %lt3A_1250 : i32
    %lt3A_1252 = arith.constant 0 : i32
    %lt3A_1253 = arith.cmpi slt, %select_n3A_1246, %lt3A_1252 : i32
    %ne3A_1254 = arith.xori %lt3A_1251, %lt3A_1253 : i1
    %and3A_1255 = arith.andi %ne3A_1254, %ne3A_1249 : i1
    %add3A_1256 = arith.addi %rem3A_1247, %select_n3A_1246 : i32
    %select_n3A_1257 = arith.select %and3A_1255, %add3A_1256, %rem3A_1247 : i32
    %mul3A_1258 = arith.constant 128 : i32
    %mul3A_1259 = arith.muli %select_n3A_1257, %mul3A_1258 : i32
    %mul3A_1260 = arith.constant 1024 : i32
    %mul3A_1261 = arith.muli %select_n3A_1241, %mul3A_1260 : i32
    %add3A_1262 = arith.addi %mul3A_1261, %mul3A_1259 : i32
    %dma_wait3A_1263 = arith.constant 9 : i32
    %dma_wait3A_1264 = arith.constant 0 : i32
    %dma_wait3A_1265 = tpu.memref_slice %arg4[%dma_wait3A_1263, %dma_wait3A_1264] : memref<13x128xi32, #tpu.memory_space<vmem>> -> memref<1x128xi32, #tpu.memory_space<vmem>>
    %dma_wait3A_1266 = tpu.memref_squeeze %dma_wait3A_1265 : memref<1x128xi32, #tpu.memory_space<vmem>> -> memref<128xi32, #tpu.memory_space<vmem>>
    %dma_wait3A_1267 = tpu.memref_slice %arg2[%add3A_1262] : memref<51200xi32, #tpu.memory_space<hbm>> -> memref<128xi32, #tpu.memory_space<hbm>>
    %dma_wait3A_1268 = arith.constant 0 : i32
    %dma_wait3A_1269 = tpu.memref_slice %arg4[%dma_wait3A_1263, %dma_wait3A_1268] : memref<13x128xi32, #tpu.memory_space<vmem>> -> memref<1x128xi32, #tpu.memory_space<vmem>>
    %dma_wait3A_1270 = tpu.memref_squeeze %dma_wait3A_1269 : memref<1x128xi32, #tpu.memory_space<vmem>> -> memref<128xi32, #tpu.memory_space<vmem>>
    %dma_wait3A_1271 = tpu.memref_slice %arg2[%add3A_1262] : memref<51200xi32, #tpu.memory_space<hbm>> -> memref<128xi32, #tpu.memory_space<hbm>>
    tpu.wait_dma2 semaphore(%arg7 : memref<!tpu.dma_semaphore, #tpu.memory_space<semaphore_mem>>) src(%dma_wait3A_1271 : memref<128xi32, #tpu.memory_space<hbm>>) dst(%dma_wait3A_1270 : memref<128xi32, #tpu.memory_space<vmem>>)
    %add3A_1272 = arith.constant 320 : i32
    %add3A_1273 = arith.addi %add3A, %add3A_1272 : i32
    %min3A_1274 = arith.constant 399 : i32
    %min3A_1275 = arith.minsi %add3A_1273, %min3A_1274 : i32
    %jit3A_1276 = arith.constant 8 : i32
    %div3A_1277 = arith.divsi %min3A_1275, %jit3A_1276 : i32
    %sign3A_1278 = arith.constant 0 : i32
    %sign3A_1279 = arith.cmpi sgt, %min3A_1275, %sign3A_1278 : i32
    %sign3A_1280 = arith.extui %sign3A_1279 : i1 to i32
    %sign3A_1281 = arith.constant 0 : i32
    %sign3A_1282 = arith.cmpi slt, %min3A_1275, %sign3A_1281 : i32
    %sign3A_1283 = arith.extui %sign3A_1282 : i1 to i32
    %sign3A_1284 = arith.subi %sign3A_1280, %sign3A_1283 : i32
    %sign3A_1285 = arith.constant 0 : i32
    %sign3A_1286 = arith.cmpi sgt, %jit3A_1276, %sign3A_1285 : i32
    %sign3A_1287 = arith.extui %sign3A_1286 : i1 to i32
    %sign3A_1288 = arith.constant 0 : i32
    %sign3A_1289 = arith.cmpi slt, %jit3A_1276, %sign3A_1288 : i32
    %sign3A_1290 = arith.extui %sign3A_1289 : i1 to i32
    %sign3A_1291 = arith.subi %sign3A_1287, %sign3A_1290 : i32
    %ne3A_1292 = arith.cmpi ne, %sign3A_1284, %sign3A_1291 : i32
    %rem3A_1293 = arith.remsi %min3A_1275, %jit3A_1276 : i32
    %ne3A_1294 = arith.constant 0 : i32
    %ne3A_1295 = arith.cmpi ne, %rem3A_1293, %ne3A_1294 : i32
    %and3A_1296 = arith.andi %ne3A_1292, %ne3A_1295 : i1
    %sub3A_1297 = arith.constant 1 : i32
    %sub3A_1298 = arith.subi %div3A_1277, %sub3A_1297 : i32
    %select_n3A_1299 = arith.select %and3A_1296, %sub3A_1298, %div3A_1277 : i32
    %jit3A_1300 = arith.constant 8 : i32
    %eq3A_1301 = arith.constant 0 : i32
    %eq3A_1302 = arith.cmpi eq, %jit3A_1300, %eq3A_1301 : i32
    %jit3A_1303 = arith.constant 1 : i32
    %select_n3A_1304 = arith.select %eq3A_1302, %jit3A_1303, %jit3A_1300 : i32
    %rem3A_1305 = arith.remsi %min3A_1275, %select_n3A_1304 : i32
    %ne3A_1306 = arith.constant 0 : i32
    %ne3A_1307 = arith.cmpi ne, %rem3A_1305, %ne3A_1306 : i32
    %lt3A_1308 = arith.constant 0 : i32
    %lt3A_1309 = arith.cmpi slt, %rem3A_1305, %lt3A_1308 : i32
    %lt3A_1310 = arith.constant 0 : i32
    %lt3A_1311 = arith.cmpi slt, %select_n3A_1304, %lt3A_1310 : i32
    %ne3A_1312 = arith.xori %lt3A_1309, %lt3A_1311 : i1
    %and3A_1313 = arith.andi %ne3A_1312, %ne3A_1307 : i1
    %add3A_1314 = arith.addi %rem3A_1305, %select_n3A_1304 : i32
    %select_n3A_1315 = arith.select %and3A_1313, %add3A_1314, %rem3A_1305 : i32
    %mul3A_1316 = arith.constant 128 : i32
    %mul3A_1317 = arith.muli %select_n3A_1315, %mul3A_1316 : i32
    %mul3A_1318 = arith.constant 1024 : i32
    %mul3A_1319 = arith.muli %select_n3A_1299, %mul3A_1318 : i32
    %add3A_1320 = arith.addi %mul3A_1319, %mul3A_1317 : i32
    %dma_wait3A_1321 = arith.constant 10 : i32
    %dma_wait3A_1322 = arith.constant 0 : i32
    %dma_wait3A_1323 = tpu.memref_slice %arg4[%dma_wait3A_1321, %dma_wait3A_1322] : memref<13x128xi32, #tpu.memory_space<vmem>> -> memref<1x128xi32, #tpu.memory_space<vmem>>
    %dma_wait3A_1324 = tpu.memref_squeeze %dma_wait3A_1323 : memref<1x128xi32, #tpu.memory_space<vmem>> -> memref<128xi32, #tpu.memory_space<vmem>>
    %dma_wait3A_1325 = tpu.memref_slice %arg2[%add3A_1320] : memref<51200xi32, #tpu.memory_space<hbm>> -> memref<128xi32, #tpu.memory_space<hbm>>
    %dma_wait3A_1326 = arith.constant 0 : i32
    %dma_wait3A_1327 = tpu.memref_slice %arg4[%dma_wait3A_1321, %dma_wait3A_1326] : memref<13x128xi32, #tpu.memory_space<vmem>> -> memref<1x128xi32, #tpu.memory_space<vmem>>
    %dma_wait3A_1328 = tpu.memref_squeeze %dma_wait3A_1327 : memref<1x128xi32, #tpu.memory_space<vmem>> -> memref<128xi32, #tpu.memory_space<vmem>>
    %dma_wait3A_1329 = tpu.memref_slice %arg2[%add3A_1320] : memref<51200xi32, #tpu.memory_space<hbm>> -> memref<128xi32, #tpu.memory_space<hbm>>
    tpu.wait_dma2 semaphore(%arg7 : memref<!tpu.dma_semaphore, #tpu.memory_space<semaphore_mem>>) src(%dma_wait3A_1329 : memref<128xi32, #tpu.memory_space<hbm>>) dst(%dma_wait3A_1328 : memref<128xi32, #tpu.memory_space<vmem>>)
    %add3A_1330 = arith.constant 352 : i32
    %add3A_1331 = arith.addi %add3A, %add3A_1330 : i32
    %min3A_1332 = arith.constant 399 : i32
    %min3A_1333 = arith.minsi %add3A_1331, %min3A_1332 : i32
    %jit3A_1334 = arith.constant 8 : i32
    %div3A_1335 = arith.divsi %min3A_1333, %jit3A_1334 : i32
    %sign3A_1336 = arith.constant 0 : i32
    %sign3A_1337 = arith.cmpi sgt, %min3A_1333, %sign3A_1336 : i32
    %sign3A_1338 = arith.extui %sign3A_1337 : i1 to i32
    %sign3A_1339 = arith.constant 0 : i32
    %sign3A_1340 = arith.cmpi slt, %min3A_1333, %sign3A_1339 : i32
    %sign3A_1341 = arith.extui %sign3A_1340 : i1 to i32
    %sign3A_1342 = arith.subi %sign3A_1338, %sign3A_1341 : i32
    %sign3A_1343 = arith.constant 0 : i32
    %sign3A_1344 = arith.cmpi sgt, %jit3A_1334, %sign3A_1343 : i32
    %sign3A_1345 = arith.extui %sign3A_1344 : i1 to i32
    %sign3A_1346 = arith.constant 0 : i32
    %sign3A_1347 = arith.cmpi slt, %jit3A_1334, %sign3A_1346 : i32
    %sign3A_1348 = arith.extui %sign3A_1347 : i1 to i32
    %sign3A_1349 = arith.subi %sign3A_1345, %sign3A_1348 : i32
    %ne3A_1350 = arith.cmpi ne, %sign3A_1342, %sign3A_1349 : i32
    %rem3A_1351 = arith.remsi %min3A_1333, %jit3A_1334 : i32
    %ne3A_1352 = arith.constant 0 : i32
    %ne3A_1353 = arith.cmpi ne, %rem3A_1351, %ne3A_1352 : i32
    %and3A_1354 = arith.andi %ne3A_1350, %ne3A_1353 : i1
    %sub3A_1355 = arith.constant 1 : i32
    %sub3A_1356 = arith.subi %div3A_1335, %sub3A_1355 : i32
    %select_n3A_1357 = arith.select %and3A_1354, %sub3A_1356, %div3A_1335 : i32
    %jit3A_1358 = arith.constant 8 : i32
    %eq3A_1359 = arith.constant 0 : i32
    %eq3A_1360 = arith.cmpi eq, %jit3A_1358, %eq3A_1359 : i32
    %jit3A_1361 = arith.constant 1 : i32
    %select_n3A_1362 = arith.select %eq3A_1360, %jit3A_1361, %jit3A_1358 : i32
    %rem3A_1363 = arith.remsi %min3A_1333, %select_n3A_1362 : i32
    %ne3A_1364 = arith.constant 0 : i32
    %ne3A_1365 = arith.cmpi ne, %rem3A_1363, %ne3A_1364 : i32
    %lt3A_1366 = arith.constant 0 : i32
    %lt3A_1367 = arith.cmpi slt, %rem3A_1363, %lt3A_1366 : i32
    %lt3A_1368 = arith.constant 0 : i32
    %lt3A_1369 = arith.cmpi slt, %select_n3A_1362, %lt3A_1368 : i32
    %ne3A_1370 = arith.xori %lt3A_1367, %lt3A_1369 : i1
    %and3A_1371 = arith.andi %ne3A_1370, %ne3A_1365 : i1
    %add3A_1372 = arith.addi %rem3A_1363, %select_n3A_1362 : i32
    %select_n3A_1373 = arith.select %and3A_1371, %add3A_1372, %rem3A_1363 : i32
    %mul3A_1374 = arith.constant 128 : i32
    %mul3A_1375 = arith.muli %select_n3A_1373, %mul3A_1374 : i32
    %mul3A_1376 = arith.constant 1024 : i32
    %mul3A_1377 = arith.muli %select_n3A_1357, %mul3A_1376 : i32
    %add3A_1378 = arith.addi %mul3A_1377, %mul3A_1375 : i32
    %dma_wait3A_1379 = arith.constant 11 : i32
    %dma_wait3A_1380 = arith.constant 0 : i32
    %dma_wait3A_1381 = tpu.memref_slice %arg4[%dma_wait3A_1379, %dma_wait3A_1380] : memref<13x128xi32, #tpu.memory_space<vmem>> -> memref<1x128xi32, #tpu.memory_space<vmem>>
    %dma_wait3A_1382 = tpu.memref_squeeze %dma_wait3A_1381 : memref<1x128xi32, #tpu.memory_space<vmem>> -> memref<128xi32, #tpu.memory_space<vmem>>
    %dma_wait3A_1383 = tpu.memref_slice %arg2[%add3A_1378] : memref<51200xi32, #tpu.memory_space<hbm>> -> memref<128xi32, #tpu.memory_space<hbm>>
    %dma_wait3A_1384 = arith.constant 0 : i32
    %dma_wait3A_1385 = tpu.memref_slice %arg4[%dma_wait3A_1379, %dma_wait3A_1384] : memref<13x128xi32, #tpu.memory_space<vmem>> -> memref<1x128xi32, #tpu.memory_space<vmem>>
    %dma_wait3A_1386 = tpu.memref_squeeze %dma_wait3A_1385 : memref<1x128xi32, #tpu.memory_space<vmem>> -> memref<128xi32, #tpu.memory_space<vmem>>
    %dma_wait3A_1387 = tpu.memref_slice %arg2[%add3A_1378] : memref<51200xi32, #tpu.memory_space<hbm>> -> memref<128xi32, #tpu.memory_space<hbm>>
    tpu.wait_dma2 semaphore(%arg7 : memref<!tpu.dma_semaphore, #tpu.memory_space<semaphore_mem>>) src(%dma_wait3A_1387 : memref<128xi32, #tpu.memory_space<hbm>>) dst(%dma_wait3A_1386 : memref<128xi32, #tpu.memory_space<vmem>>)
    %convert_element_type3A_1388 = arith.extui %lt3A_1 : i1 to i32
    %cond3A_1389 = arith.constant 0 : i32
    %cond3A_1390 = arith.cmpi ne, %convert_element_type3A_1388, %cond3A_1389 : i32
    scf.if %cond3A_1390 {
      %add3A_3931 = arith.constant 384 : i32
      %add3A_3932 = arith.addi %add3A, %add3A_3931 : i32
      %min3A_3933 = arith.constant 399 : i32
      %min3A_3934 = arith.minsi %add3A_3932, %min3A_3933 : i32
      %jit3A_3935 = arith.constant 8 : i32
      %div3A_3936 = arith.divsi %min3A_3934, %jit3A_3935 : i32
      %sign3A_3937 = arith.constant 0 : i32
      %sign3A_3938 = arith.cmpi sgt, %min3A_3934, %sign3A_3937 : i32
      %sign3A_3939 = arith.extui %sign3A_3938 : i1 to i32
      %sign3A_3940 = arith.constant 0 : i32
      %sign3A_3941 = arith.cmpi slt, %min3A_3934, %sign3A_3940 : i32
      %sign3A_3942 = arith.extui %sign3A_3941 : i1 to i32
      %sign3A_3943 = arith.subi %sign3A_3939, %sign3A_3942 : i32
      %sign3A_3944 = arith.constant 0 : i32
      %sign3A_3945 = arith.cmpi sgt, %jit3A_3935, %sign3A_3944 : i32
      %sign3A_3946 = arith.extui %sign3A_3945 : i1 to i32
      %sign3A_3947 = arith.constant 0 : i32
      %sign3A_3948 = arith.cmpi slt, %jit3A_3935, %sign3A_3947 : i32
      %sign3A_3949 = arith.extui %sign3A_3948 : i1 to i32
      %sign3A_3950 = arith.subi %sign3A_3946, %sign3A_3949 : i32
      %ne3A_3951 = arith.cmpi ne, %sign3A_3943, %sign3A_3950 : i32
      %rem3A_3952 = arith.remsi %min3A_3934, %jit3A_3935 : i32
      %ne3A_3953 = arith.constant 0 : i32
      %ne3A_3954 = arith.cmpi ne, %rem3A_3952, %ne3A_3953 : i32
      %and3A_3955 = arith.andi %ne3A_3951, %ne3A_3954 : i1
      %sub3A_3956 = arith.constant 1 : i32
      %sub3A_3957 = arith.subi %div3A_3936, %sub3A_3956 : i32
      %select_n3A_3958 = arith.select %and3A_3955, %sub3A_3957, %div3A_3936 : i32
      %jit3A_3959 = arith.constant 8 : i32
      %eq3A_3960 = arith.constant 0 : i32
      %eq3A_3961 = arith.cmpi eq, %jit3A_3959, %eq3A_3960 : i32
      %jit3A_3962 = arith.constant 1 : i32
      %select_n3A_3963 = arith.select %eq3A_3961, %jit3A_3962, %jit3A_3959 : i32
      %rem3A_3964 = arith.remsi %min3A_3934, %select_n3A_3963 : i32
      %ne3A_3965 = arith.constant 0 : i32
      %ne3A_3966 = arith.cmpi ne, %rem3A_3964, %ne3A_3965 : i32
      %lt3A_3967 = arith.constant 0 : i32
      %lt3A_3968 = arith.cmpi slt, %rem3A_3964, %lt3A_3967 : i32
      %lt3A_3969 = arith.constant 0 : i32
      %lt3A_3970 = arith.cmpi slt, %select_n3A_3963, %lt3A_3969 : i32
      %ne3A_3971 = arith.xori %lt3A_3968, %lt3A_3970 : i1
      %and3A_3972 = arith.andi %ne3A_3971, %ne3A_3966 : i1
      %add3A_3973 = arith.addi %rem3A_3964, %select_n3A_3963 : i32
      %select_n3A_3974 = arith.select %and3A_3972, %add3A_3973, %rem3A_3964 : i32
      %mul3A_3975 = arith.constant 128 : i32
      %mul3A_3976 = arith.muli %select_n3A_3974, %mul3A_3975 : i32
      %mul3A_3977 = arith.constant 1024 : i32
      %mul3A_3978 = arith.muli %select_n3A_3958, %mul3A_3977 : i32
      %add3A_3979 = arith.addi %mul3A_3978, %mul3A_3976 : i32
      %dma_wait3A_3980 = arith.constant 12 : i32
      %dma_wait3A_3981 = arith.constant 0 : i32
      %dma_wait3A_3982 = tpu.memref_slice %arg4[%dma_wait3A_3980, %dma_wait3A_3981] : memref<13x128xi32, #tpu.memory_space<vmem>> -> memref<1x128xi32, #tpu.memory_space<vmem>>
      %dma_wait3A_3983 = tpu.memref_squeeze %dma_wait3A_3982 : memref<1x128xi32, #tpu.memory_space<vmem>> -> memref<128xi32, #tpu.memory_space<vmem>>
      %dma_wait3A_3984 = tpu.memref_slice %arg2[%add3A_3979] : memref<51200xi32, #tpu.memory_space<hbm>> -> memref<128xi32, #tpu.memory_space<hbm>>
      %dma_wait3A_3985 = arith.constant 0 : i32
      %dma_wait3A_3986 = tpu.memref_slice %arg4[%dma_wait3A_3980, %dma_wait3A_3985] : memref<13x128xi32, #tpu.memory_space<vmem>> -> memref<1x128xi32, #tpu.memory_space<vmem>>
      %dma_wait3A_3987 = tpu.memref_squeeze %dma_wait3A_3986 : memref<1x128xi32, #tpu.memory_space<vmem>> -> memref<128xi32, #tpu.memory_space<vmem>>
      %dma_wait3A_3988 = tpu.memref_slice %arg2[%add3A_3979] : memref<51200xi32, #tpu.memory_space<hbm>> -> memref<128xi32, #tpu.memory_space<hbm>>
      tpu.wait_dma2 semaphore(%arg7 : memref<!tpu.dma_semaphore, #tpu.memory_space<semaphore_mem>>) src(%dma_wait3A_3988 : memref<128xi32, #tpu.memory_space<hbm>>) dst(%dma_wait3A_3987 : memref<128xi32, #tpu.memory_space<vmem>>)
    } else {
    }
    %iota3A = tpu.iota {dimensions = array<i32: 0>} : vector<16xi32>
    %broadcast_in_dim3A_1391 = arith.constant 1.000000e+00 : f32
    %broadcast_in_dim3A_1392 = vector.broadcast %broadcast_in_dim3A_1391 : f32 to vector<16xf32>
    %get3A = arith.constant 0 : i32
    %get3A_1393 = arith.index_cast %get3A : i32 to index
    %get3A_1394 = arith.constant 0 : index
    %get3A_1395 = tpu.vector_load %arg4[%get3A_1393, %get3A_1394] {strides = array<i32>} : memref<13x128xi32, #tpu.memory_space<vmem>>, vector<16xi32>,
    %add3A_1396 = arith.constant 0 : i32
    %add3A_1397 = vector.broadcast %add3A_1396 : i32 to vector<16xi32>
    %add3A_1398 = arith.addi %add3A_1397, %iota3A : vector<16xi32>
    tpu.vector_store_idx %arg5[%get3A_1395, %add3A_1398], %broadcast_in_dim3A_1392 : memref<1000x128xf32, #tpu.memory_space<vmem>>[vector<16xi32>, vector<16xi32>], vector<16xf32>,
    %get3A_1399 = arith.constant 0 : i32
    %get3A_1400 = arith.index_cast %get3A_1399 : i32 to index
    %get3A_1401 = arith.constant 16 : index
    %get3A_1402 = tpu.vector_load %arg4[%get3A_1400, %get3A_1401] {strides = array<i32>} : memref<13x128xi32, #tpu.memory_space<vmem>>, vector<16xi32>,
    %add3A_1403 = arith.constant 16 : i32
    %add3A_1404 = vector.broadcast %add3A_1403 : i32 to vector<16xi32>
    %add3A_1405 = arith.addi %add3A_1404, %iota3A : vector<16xi32>
    tpu.vector_store_idx %arg5[%get3A_1402, %add3A_1405], %broadcast_in_dim3A_1392 : memref<1000x128xf32, #tpu.memory_space<vmem>>[vector<16xi32>, vector<16xi32>], vector<16xf32>,
    %get3A_1406 = arith.constant 0 : i32
    %get3A_1407 = arith.index_cast %get3A_1406 : i32 to index
    %get3A_1408 = arith.constant 32 : index
    %get3A_1409 = tpu.vector_load %arg4[%get3A_1407, %get3A_1408] {strides = array<i32>} : memref<13x128xi32, #tpu.memory_space<vmem>>, vector<16xi32>,
    %add3A_1410 = arith.constant 32 : i32
    %add3A_1411 = vector.broadcast %add3A_1410 : i32 to vector<16xi32>
    %add3A_1412 = arith.addi %add3A_1411, %iota3A : vector<16xi32>
    tpu.vector_store_idx %arg5[%get3A_1409, %add3A_1412], %broadcast_in_dim3A_1392 : memref<1000x128xf32, #tpu.memory_space<vmem>>[vector<16xi32>, vector<16xi32>], vector<16xf32>,
    %get3A_1413 = arith.constant 0 : i32
    %get3A_1414 = arith.index_cast %get3A_1413 : i32 to index
    %get3A_1415 = arith.constant 48 : index
    %get3A_1416 = tpu.vector_load %arg4[%get3A_1414, %get3A_1415] {strides = array<i32>} : memref<13x128xi32, #tpu.memory_space<vmem>>, vector<16xi32>,
    %add3A_1417 = arith.constant 48 : i32
    %add3A_1418 = vector.broadcast %add3A_1417 : i32 to vector<16xi32>
    %add3A_1419 = arith.addi %add3A_1418, %iota3A : vector<16xi32>
    tpu.vector_store_idx %arg5[%get3A_1416, %add3A_1419], %broadcast_in_dim3A_1392 : memref<1000x128xf32, #tpu.memory_space<vmem>>[vector<16xi32>, vector<16xi32>], vector<16xf32>,
    %get3A_1420 = arith.constant 0 : i32
    %get3A_1421 = arith.index_cast %get3A_1420 : i32 to index
    %get3A_1422 = arith.constant 64 : index
    %get3A_1423 = tpu.vector_load %arg4[%get3A_1421, %get3A_1422] {strides = array<i32>} : memref<13x128xi32, #tpu.memory_space<vmem>>, vector<16xi32>,
    %add3A_1424 = arith.constant 64 : i32
    %add3A_1425 = vector.broadcast %add3A_1424 : i32 to vector<16xi32>
    %add3A_1426 = arith.addi %add3A_1425, %iota3A : vector<16xi32>
    tpu.vector_store_idx %arg5[%get3A_1423, %add3A_1426], %broadcast_in_dim3A_1392 : memref<1000x128xf32, #tpu.memory_space<vmem>>[vector<16xi32>, vector<16xi32>], vector<16xf32>,
    %get3A_1427 = arith.constant 0 : i32
    %get3A_1428 = arith.index_cast %get3A_1427 : i32 to index
    %get3A_1429 = arith.constant 80 : index
    %get3A_1430 = tpu.vector_load %arg4[%get3A_1428, %get3A_1429] {strides = array<i32>} : memref<13x128xi32, #tpu.memory_space<vmem>>, vector<16xi32>,
    %add3A_1431 = arith.constant 80 : i32
    %add3A_1432 = vector.broadcast %add3A_1431 : i32 to vector<16xi32>
    %add3A_1433 = arith.addi %add3A_1432, %iota3A : vector<16xi32>
    tpu.vector_store_idx %arg5[%get3A_1430, %add3A_1433], %broadcast_in_dim3A_1392 : memref<1000x128xf32, #tpu.memory_space<vmem>>[vector<16xi32>, vector<16xi32>], vector<16xf32>,
    %get3A_1434 = arith.constant 0 : i32
    %get3A_1435 = arith.index_cast %get3A_1434 : i32 to index
    %get3A_1436 = arith.constant 96 : index
    %get3A_1437 = tpu.vector_load %arg4[%get3A_1435, %get3A_1436] {strides = array<i32>} : memref<13x128xi32, #tpu.memory_space<vmem>>, vector<16xi32>,
    %add3A_1438 = arith.constant 96 : i32
    %add3A_1439 = vector.broadcast %add3A_1438 : i32 to vector<16xi32>
    %add3A_1440 = arith.addi %add3A_1439, %iota3A : vector<16xi32>
    tpu.vector_store_idx %arg5[%get3A_1437, %add3A_1440], %broadcast_in_dim3A_1392 : memref<1000x128xf32, #tpu.memory_space<vmem>>[vector<16xi32>, vector<16xi32>], vector<16xf32>,
    %get3A_1441 = arith.constant 0 : i32
    %get3A_1442 = arith.index_cast %get3A_1441 : i32 to index
    %get3A_1443 = arith.constant 112 : index
    %get3A_1444 = tpu.vector_load %arg4[%get3A_1442, %get3A_1443] {strides = array<i32>} : memref<13x128xi32, #tpu.memory_space<vmem>>, vector<16xi32>,
    %add3A_1445 = arith.constant 112 : i32
    %add3A_1446 = vector.broadcast %add3A_1445 : i32 to vector<16xi32>
    %add3A_1447 = arith.addi %add3A_1446, %iota3A : vector<16xi32>
    tpu.vector_store_idx %arg5[%get3A_1444, %add3A_1447], %broadcast_in_dim3A_1392 : memref<1000x128xf32, #tpu.memory_space<vmem>>[vector<16xi32>, vector<16xi32>], vector<16xf32>,
    %add3A_1448 = arith.constant 0 : i32
    %add3A_1449 = arith.addi %add3A, %add3A_1448 : i32
    %min3A_1450 = arith.constant 399 : i32
    %min3A_1451 = arith.minsi %add3A_1449, %min3A_1450 : i32
    %jit3A_1452 = arith.constant 8 : i32
    %div3A_1453 = arith.divsi %min3A_1451, %jit3A_1452 : i32
    %sign3A_1454 = arith.constant 0 : i32
    %sign3A_1455 = arith.cmpi sgt, %min3A_1451, %sign3A_1454 : i32
    %sign3A_1456 = arith.extui %sign3A_1455 : i1 to i32
    %sign3A_1457 = arith.constant 0 : i32
    %sign3A_1458 = arith.cmpi slt, %min3A_1451, %sign3A_1457 : i32
    %sign3A_1459 = arith.extui %sign3A_1458 : i1 to i32
    %sign3A_1460 = arith.subi %sign3A_1456, %sign3A_1459 : i32
    %sign3A_1461 = arith.constant 0 : i32
    %sign3A_1462 = arith.cmpi sgt, %jit3A_1452, %sign3A_1461 : i32
    %sign3A_1463 = arith.extui %sign3A_1462 : i1 to i32
    %sign3A_1464 = arith.constant 0 : i32
    %sign3A_1465 = arith.cmpi slt, %jit3A_1452, %sign3A_1464 : i32
    %sign3A_1466 = arith.extui %sign3A_1465 : i1 to i32
    %sign3A_1467 = arith.subi %sign3A_1463, %sign3A_1466 : i32
    %ne3A_1468 = arith.cmpi ne, %sign3A_1460, %sign3A_1467 : i32
    %rem3A_1469 = arith.remsi %min3A_1451, %jit3A_1452 : i32
    %ne3A_1470 = arith.constant 0 : i32
    %ne3A_1471 = arith.cmpi ne, %rem3A_1469, %ne3A_1470 : i32
    %and3A_1472 = arith.andi %ne3A_1468, %ne3A_1471 : i1
    %sub3A_1473 = arith.constant 1 : i32
    %sub3A_1474 = arith.subi %div3A_1453, %sub3A_1473 : i32
    %select_n3A_1475 = arith.select %and3A_1472, %sub3A_1474, %div3A_1453 : i32
    %jit3A_1476 = arith.constant 8 : i32
    %eq3A_1477 = arith.constant 0 : i32
    %eq3A_1478 = arith.cmpi eq, %jit3A_1476, %eq3A_1477 : i32
    %jit3A_1479 = arith.constant 1 : i32
    %select_n3A_1480 = arith.select %eq3A_1478, %jit3A_1479, %jit3A_1476 : i32
    %rem3A_1481 = arith.remsi %min3A_1451, %select_n3A_1480 : i32
    %ne3A_1482 = arith.constant 0 : i32
    %ne3A_1483 = arith.cmpi ne, %rem3A_1481, %ne3A_1482 : i32
    %lt3A_1484 = arith.constant 0 : i32
    %lt3A_1485 = arith.cmpi slt, %rem3A_1481, %lt3A_1484 : i32
    %lt3A_1486 = arith.constant 0 : i32
    %lt3A_1487 = arith.cmpi slt, %select_n3A_1480, %lt3A_1486 : i32
    %ne3A_1488 = arith.xori %lt3A_1485, %lt3A_1487 : i1
    %and3A_1489 = arith.andi %ne3A_1488, %ne3A_1483 : i1
    %add3A_1490 = arith.addi %rem3A_1481, %select_n3A_1480 : i32
    %select_n3A_1491 = arith.select %and3A_1489, %add3A_1490, %rem3A_1481 : i32
    %mul3A_1492 = arith.constant 128 : i32
    %mul3A_1493 = arith.muli %select_n3A_1491, %mul3A_1492 : i32
    %dma_start3A_1494 = arith.constant 0 : i32
    %dma_start3A_1495 = tpu.memref_slice %arg3[%select_n3A_1475, %dma_start3A_1494, %mul3A_1493] : memref<50x1000x1024xf32, #tpu.memory_space<hbm>> -> memref<1x1000x128xf32, #tpu.memory_space<hbm>>
    %dma_start3A_1496 = tpu.memref_squeeze %dma_start3A_1495 : memref<1x1000x128xf32, #tpu.memory_space<hbm>> -> memref<1000x128xf32, #tpu.memory_space<hbm>>
    %dma_start3A_1497 = arith.constant 0 : i32
    %dma_start3A_1498 = tpu.memref_slice %arg3[%select_n3A_1475, %dma_start3A_1497, %mul3A_1493] : memref<50x1000x1024xf32, #tpu.memory_space<hbm>> -> memref<1x1000x128xf32, #tpu.memory_space<hbm>>
    %dma_start3A_1499 = tpu.memref_squeeze %dma_start3A_1498 : memref<1x1000x128xf32, #tpu.memory_space<hbm>> -> memref<1000x128xf32, #tpu.memory_space<hbm>>
    tpu.enqueue_dma source(%arg5 : memref<1000x128xf32, #tpu.memory_space<vmem>>) target(%dma_start3A_1499 : memref<1000x128xf32, #tpu.memory_space<hbm>>) target_semaphore(%arg6 : memref<!tpu.dma_semaphore, #tpu.memory_space<semaphore_mem>>)
    %add3A_1500 = arith.constant 0 : i32
    %add3A_1501 = arith.addi %add3A, %add3A_1500 : i32
    %min3A_1502 = arith.constant 399 : i32
    %min3A_1503 = arith.minsi %add3A_1501, %min3A_1502 : i32
    %jit3A_1504 = arith.constant 8 : i32
    %div3A_1505 = arith.divsi %min3A_1503, %jit3A_1504 : i32
    %sign3A_1506 = arith.constant 0 : i32
    %sign3A_1507 = arith.cmpi sgt, %min3A_1503, %sign3A_1506 : i32
    %sign3A_1508 = arith.extui %sign3A_1507 : i1 to i32
    %sign3A_1509 = arith.constant 0 : i32
    %sign3A_1510 = arith.cmpi slt, %min3A_1503, %sign3A_1509 : i32
    %sign3A_1511 = arith.extui %sign3A_1510 : i1 to i32
    %sign3A_1512 = arith.subi %sign3A_1508, %sign3A_1511 : i32
    %sign3A_1513 = arith.constant 0 : i32
    %sign3A_1514 = arith.cmpi sgt, %jit3A_1504, %sign3A_1513 : i32
    %sign3A_1515 = arith.extui %sign3A_1514 : i1 to i32
    %sign3A_1516 = arith.constant 0 : i32
    %sign3A_1517 = arith.cmpi slt, %jit3A_1504, %sign3A_1516 : i32
    %sign3A_1518 = arith.extui %sign3A_1517 : i1 to i32
    %sign3A_1519 = arith.subi %sign3A_1515, %sign3A_1518 : i32
    %ne3A_1520 = arith.cmpi ne, %sign3A_1512, %sign3A_1519 : i32
    %rem3A_1521 = arith.remsi %min3A_1503, %jit3A_1504 : i32
    %ne3A_1522 = arith.constant 0 : i32
    %ne3A_1523 = arith.cmpi ne, %rem3A_1521, %ne3A_1522 : i32
    %and3A_1524 = arith.andi %ne3A_1520, %ne3A_1523 : i1
    %sub3A_1525 = arith.constant 1 : i32
    %sub3A_1526 = arith.subi %div3A_1505, %sub3A_1525 : i32
    %select_n3A_1527 = arith.select %and3A_1524, %sub3A_1526, %div3A_1505 : i32
    %jit3A_1528 = arith.constant 8 : i32
    %eq3A_1529 = arith.constant 0 : i32
    %eq3A_1530 = arith.cmpi eq, %jit3A_1528, %eq3A_1529 : i32
    %jit3A_1531 = arith.constant 1 : i32
    %select_n3A_1532 = arith.select %eq3A_1530, %jit3A_1531, %jit3A_1528 : i32
    %rem3A_1533 = arith.remsi %min3A_1503, %select_n3A_1532 : i32
    %ne3A_1534 = arith.constant 0 : i32
    %ne3A_1535 = arith.cmpi ne, %rem3A_1533, %ne3A_1534 : i32
    %lt3A_1536 = arith.constant 0 : i32
    %lt3A_1537 = arith.cmpi slt, %rem3A_1533, %lt3A_1536 : i32
    %lt3A_1538 = arith.constant 0 : i32
    %lt3A_1539 = arith.cmpi slt, %select_n3A_1532, %lt3A_1538 : i32
    %ne3A_1540 = arith.xori %lt3A_1537, %lt3A_1539 : i1
    %and3A_1541 = arith.andi %ne3A_1540, %ne3A_1535 : i1
    %add3A_1542 = arith.addi %rem3A_1533, %select_n3A_1532 : i32
    %select_n3A_1543 = arith.select %and3A_1541, %add3A_1542, %rem3A_1533 : i32
    %mul3A_1544 = arith.constant 128 : i32
    %mul3A_1545 = arith.muli %select_n3A_1543, %mul3A_1544 : i32
    %dma_wait3A_1546 = arith.constant 0 : i32
    %dma_wait3A_1547 = tpu.memref_slice %arg3[%select_n3A_1527, %dma_wait3A_1546, %mul3A_1545] : memref<50x1000x1024xf32, #tpu.memory_space<hbm>> -> memref<1x1000x128xf32, #tpu.memory_space<hbm>>
    %dma_wait3A_1548 = tpu.memref_squeeze %dma_wait3A_1547 : memref<1x1000x128xf32, #tpu.memory_space<hbm>> -> memref<1000x128xf32, #tpu.memory_space<hbm>>
    %dma_wait3A_1549 = arith.constant 0 : i32
    %dma_wait3A_1550 = tpu.memref_slice %arg3[%select_n3A_1527, %dma_wait3A_1549, %mul3A_1545] : memref<50x1000x1024xf32, #tpu.memory_space<hbm>> -> memref<1x1000x128xf32, #tpu.memory_space<hbm>>
    %dma_wait3A_1551 = tpu.memref_squeeze %dma_wait3A_1550 : memref<1x1000x128xf32, #tpu.memory_space<hbm>> -> memref<1000x128xf32, #tpu.memory_space<hbm>>
    tpu.wait_dma2 semaphore(%arg6 : memref<!tpu.dma_semaphore, #tpu.memory_space<semaphore_mem>>) src(%arg5 : memref<1000x128xf32, #tpu.memory_space<vmem>>) dst(%dma_wait3A_1551 : memref<1000x128xf32, #tpu.memory_space<hbm>>)
    %get3A_1552 = arith.constant 0 : i32
    %get3A_1553 = arith.index_cast %get3A_1552 : i32 to index
    %get3A_1554 = arith.constant 0 : index
    %get3A_1555 = tpu.vector_load %arg4[%get3A_1553, %get3A_1554] {strides = array<i32>} : memref<13x128xi32, #tpu.memory_space<vmem>>, vector<16xi32>,
    %add3A_1556 = arith.constant 0 : i32
    %add3A_1557 = vector.broadcast %add3A_1556 : i32 to vector<16xi32>
    %add3A_1558 = arith.addi %add3A_1557, %iota3A : vector<16xi32>
    tpu.vector_store_idx %arg5[%get3A_1555, %add3A_1558], %broadcast_in_dim3A_688 : memref<1000x128xf32, #tpu.memory_space<vmem>>[vector<16xi32>, vector<16xi32>], vector<16xf32>,
    %get3A_1559 = arith.constant 0 : i32
    %get3A_1560 = arith.index_cast %get3A_1559 : i32 to index
    %get3A_1561 = arith.constant 16 : index
    %get3A_1562 = tpu.vector_load %arg4[%get3A_1560, %get3A_1561] {strides = array<i32>} : memref<13x128xi32, #tpu.memory_space<vmem>>, vector<16xi32>,
    %add3A_1563 = arith.constant 16 : i32
    %add3A_1564 = vector.broadcast %add3A_1563 : i32 to vector<16xi32>
    %add3A_1565 = arith.addi %add3A_1564, %iota3A : vector<16xi32>
    tpu.vector_store_idx %arg5[%get3A_1562, %add3A_1565], %broadcast_in_dim3A_688 : memref<1000x128xf32, #tpu.memory_space<vmem>>[vector<16xi32>, vector<16xi32>], vector<16xf32>,
    %get3A_1566 = arith.constant 0 : i32
    %get3A_1567 = arith.index_cast %get3A_1566 : i32 to index
    %get3A_1568 = arith.constant 32 : index
    %get3A_1569 = tpu.vector_load %arg4[%get3A_1567, %get3A_1568] {strides = array<i32>} : memref<13x128xi32, #tpu.memory_space<vmem>>, vector<16xi32>,
    %add3A_1570 = arith.constant 32 : i32
    %add3A_1571 = vector.broadcast %add3A_1570 : i32 to vector<16xi32>
    %add3A_1572 = arith.addi %add3A_1571, %iota3A : vector<16xi32>
    tpu.vector_store_idx %arg5[%get3A_1569, %add3A_1572], %broadcast_in_dim3A_688 : memref<1000x128xf32, #tpu.memory_space<vmem>>[vector<16xi32>, vector<16xi32>], vector<16xf32>,
    %get3A_1573 = arith.constant 0 : i32
    %get3A_1574 = arith.index_cast %get3A_1573 : i32 to index
    %get3A_1575 = arith.constant 48 : index
    %get3A_1576 = tpu.vector_load %arg4[%get3A_1574, %get3A_1575] {strides = array<i32>} : memref<13x128xi32, #tpu.memory_space<vmem>>, vector<16xi32>,
    %add3A_1577 = arith.constant 48 : i32
    %add3A_1578 = vector.broadcast %add3A_1577 : i32 to vector<16xi32>
    %add3A_1579 = arith.addi %add3A_1578, %iota3A : vector<16xi32>
    tpu.vector_store_idx %arg5[%get3A_1576, %add3A_1579], %broadcast_in_dim3A_688 : memref<1000x128xf32, #tpu.memory_space<vmem>>[vector<16xi32>, vector<16xi32>], vector<16xf32>,
    %get3A_1580 = arith.constant 0 : i32
    %get3A_1581 = arith.index_cast %get3A_1580 : i32 to index
    %get3A_1582 = arith.constant 64 : index
    %get3A_1583 = tpu.vector_load %arg4[%get3A_1581, %get3A_1582] {strides = array<i32>} : memref<13x128xi32, #tpu.memory_space<vmem>>, vector<16xi32>,
    %add3A_1584 = arith.constant 64 : i32
    %add3A_1585 = vector.broadcast %add3A_1584 : i32 to vector<16xi32>
    %add3A_1586 = arith.addi %add3A_1585, %iota3A : vector<16xi32>
    tpu.vector_store_idx %arg5[%get3A_1583, %add3A_1586], %broadcast_in_dim3A_688 : memref<1000x128xf32, #tpu.memory_space<vmem>>[vector<16xi32>, vector<16xi32>], vector<16xf32>,
    %get3A_1587 = arith.constant 0 : i32
    %get3A_1588 = arith.index_cast %get3A_1587 : i32 to index
    %get3A_1589 = arith.constant 80 : index
    %get3A_1590 = tpu.vector_load %arg4[%get3A_1588, %get3A_1589] {strides = array<i32>} : memref<13x128xi32, #tpu.memory_space<vmem>>, vector<16xi32>,
    %add3A_1591 = arith.constant 80 : i32
    %add3A_1592 = vector.broadcast %add3A_1591 : i32 to vector<16xi32>
    %add3A_1593 = arith.addi %add3A_1592, %iota3A : vector<16xi32>
    tpu.vector_store_idx %arg5[%get3A_1590, %add3A_1593], %broadcast_in_dim3A_688 : memref<1000x128xf32, #tpu.memory_space<vmem>>[vector<16xi32>, vector<16xi32>], vector<16xf32>,
    %get3A_1594 = arith.constant 0 : i32
    %get3A_1595 = arith.index_cast %get3A_1594 : i32 to index
    %get3A_1596 = arith.constant 96 : index
    %get3A_1597 = tpu.vector_load %arg4[%get3A_1595, %get3A_1596] {strides = array<i32>} : memref<13x128xi32, #tpu.memory_space<vmem>>, vector<16xi32>,
    %add3A_1598 = arith.constant 96 : i32
    %add3A_1599 = vector.broadcast %add3A_1598 : i32 to vector<16xi32>
    %add3A_1600 = arith.addi %add3A_1599, %iota3A : vector<16xi32>
    tpu.vector_store_idx %arg5[%get3A_1597, %add3A_1600], %broadcast_in_dim3A_688 : memref<1000x128xf32, #tpu.memory_space<vmem>>[vector<16xi32>, vector<16xi32>], vector<16xf32>,
    %get3A_1601 = arith.constant 0 : i32
    %get3A_1602 = arith.index_cast %get3A_1601 : i32 to index
    %get3A_1603 = arith.constant 112 : index
    %get3A_1604 = tpu.vector_load %arg4[%get3A_1602, %get3A_1603] {strides = array<i32>} : memref<13x128xi32, #tpu.memory_space<vmem>>, vector<16xi32>,
    %add3A_1605 = arith.constant 112 : i32
    %add3A_1606 = vector.broadcast %add3A_1605 : i32 to vector<16xi32>
    %add3A_1607 = arith.addi %add3A_1606, %iota3A : vector<16xi32>
    tpu.vector_store_idx %arg5[%get3A_1604, %add3A_1607], %broadcast_in_dim3A_688 : memref<1000x128xf32, #tpu.memory_space<vmem>>[vector<16xi32>, vector<16xi32>], vector<16xf32>,
    %get3A_1608 = arith.constant 1 : i32
    %get3A_1609 = arith.index_cast %get3A_1608 : i32 to index
    %get3A_1610 = arith.constant 0 : index
    %get3A_1611 = tpu.vector_load %arg4[%get3A_1609, %get3A_1610] {strides = array<i32>} : memref<13x128xi32, #tpu.memory_space<vmem>>, vector<16xi32>,
    %add3A_1612 = arith.constant 0 : i32
    %add3A_1613 = vector.broadcast %add3A_1612 : i32 to vector<16xi32>
    %add3A_1614 = arith.addi %add3A_1613, %iota3A : vector<16xi32>
    tpu.vector_store_idx %arg5[%get3A_1611, %add3A_1614], %broadcast_in_dim3A_1392 : memref<1000x128xf32, #tpu.memory_space<vmem>>[vector<16xi32>, vector<16xi32>], vector<16xf32>,
    %get3A_1615 = arith.constant 1 : i32
    %get3A_1616 = arith.index_cast %get3A_1615 : i32 to index
    %get3A_1617 = arith.constant 16 : index
    %get3A_1618 = tpu.vector_load %arg4[%get3A_1616, %get3A_1617] {strides = array<i32>} : memref<13x128xi32, #tpu.memory_space<vmem>>, vector<16xi32>,
    %add3A_1619 = arith.constant 16 : i32
    %add3A_1620 = vector.broadcast %add3A_1619 : i32 to vector<16xi32>
    %add3A_1621 = arith.addi %add3A_1620, %iota3A : vector<16xi32>
    tpu.vector_store_idx %arg5[%get3A_1618, %add3A_1621], %broadcast_in_dim3A_1392 : memref<1000x128xf32, #tpu.memory_space<vmem>>[vector<16xi32>, vector<16xi32>], vector<16xf32>,
    %get3A_1622 = arith.constant 1 : i32
    %get3A_1623 = arith.index_cast %get3A_1622 : i32 to index
    %get3A_1624 = arith.constant 32 : index
    %get3A_1625 = tpu.vector_load %arg4[%get3A_1623, %get3A_1624] {strides = array<i32>} : memref<13x128xi32, #tpu.memory_space<vmem>>, vector<16xi32>,
    %add3A_1626 = arith.constant 32 : i32
    %add3A_1627 = vector.broadcast %add3A_1626 : i32 to vector<16xi32>
    %add3A_1628 = arith.addi %add3A_1627, %iota3A : vector<16xi32>
    tpu.vector_store_idx %arg5[%get3A_1625, %add3A_1628], %broadcast_in_dim3A_1392 : memref<1000x128xf32, #tpu.memory_space<vmem>>[vector<16xi32>, vector<16xi32>], vector<16xf32>,
    %get3A_1629 = arith.constant 1 : i32
    %get3A_1630 = arith.index_cast %get3A_1629 : i32 to index
    %get3A_1631 = arith.constant 48 : index
    %get3A_1632 = tpu.vector_load %arg4[%get3A_1630, %get3A_1631] {strides = array<i32>} : memref<13x128xi32, #tpu.memory_space<vmem>>, vector<16xi32>,
    %add3A_1633 = arith.constant 48 : i32
    %add3A_1634 = vector.broadcast %add3A_1633 : i32 to vector<16xi32>
    %add3A_1635 = arith.addi %add3A_1634, %iota3A : vector<16xi32>
    tpu.vector_store_idx %arg5[%get3A_1632, %add3A_1635], %broadcast_in_dim3A_1392 : memref<1000x128xf32, #tpu.memory_space<vmem>>[vector<16xi32>, vector<16xi32>], vector<16xf32>,
    %get3A_1636 = arith.constant 1 : i32
    %get3A_1637 = arith.index_cast %get3A_1636 : i32 to index
    %get3A_1638 = arith.constant 64 : index
    %get3A_1639 = tpu.vector_load %arg4[%get3A_1637, %get3A_1638] {strides = array<i32>} : memref<13x128xi32, #tpu.memory_space<vmem>>, vector<16xi32>,
    %add3A_1640 = arith.constant 64 : i32
    %add3A_1641 = vector.broadcast %add3A_1640 : i32 to vector<16xi32>
    %add3A_1642 = arith.addi %add3A_1641, %iota3A : vector<16xi32>
    tpu.vector_store_idx %arg5[%get3A_1639, %add3A_1642], %broadcast_in_dim3A_1392 : memref<1000x128xf32, #tpu.memory_space<vmem>>[vector<16xi32>, vector<16xi32>], vector<16xf32>,
    %get3A_1643 = arith.constant 1 : i32
    %get3A_1644 = arith.index_cast %get3A_1643 : i32 to index
    %get3A_1645 = arith.constant 80 : index
    %get3A_1646 = tpu.vector_load %arg4[%get3A_1644, %get3A_1645] {strides = array<i32>} : memref<13x128xi32, #tpu.memory_space<vmem>>, vector<16xi32>,
    %add3A_1647 = arith.constant 80 : i32
    %add3A_1648 = vector.broadcast %add3A_1647 : i32 to vector<16xi32>
    %add3A_1649 = arith.addi %add3A_1648, %iota3A : vector<16xi32>
    tpu.vector_store_idx %arg5[%get3A_1646, %add3A_1649], %broadcast_in_dim3A_1392 : memref<1000x128xf32, #tpu.memory_space<vmem>>[vector<16xi32>, vector<16xi32>], vector<16xf32>,
    %get3A_1650 = arith.constant 1 : i32
    %get3A_1651 = arith.index_cast %get3A_1650 : i32 to index
    %get3A_1652 = arith.constant 96 : index
    %get3A_1653 = tpu.vector_load %arg4[%get3A_1651, %get3A_1652] {strides = array<i32>} : memref<13x128xi32, #tpu.memory_space<vmem>>, vector<16xi32>,
    %add3A_1654 = arith.constant 96 : i32
    %add3A_1655 = vector.broadcast %add3A_1654 : i32 to vector<16xi32>
    %add3A_1656 = arith.addi %add3A_1655, %iota3A : vector<16xi32>
    tpu.vector_store_idx %arg5[%get3A_1653, %add3A_1656], %broadcast_in_dim3A_1392 : memref<1000x128xf32, #tpu.memory_space<vmem>>[vector<16xi32>, vector<16xi32>], vector<16xf32>,
    %get3A_1657 = arith.constant 1 : i32
    %get3A_1658 = arith.index_cast %get3A_1657 : i32 to index
    %get3A_1659 = arith.constant 112 : index
    %get3A_1660 = tpu.vector_load %arg4[%get3A_1658, %get3A_1659] {strides = array<i32>} : memref<13x128xi32, #tpu.memory_space<vmem>>, vector<16xi32>,
    %add3A_1661 = arith.constant 112 : i32
    %add3A_1662 = vector.broadcast %add3A_1661 : i32 to vector<16xi32>
    %add3A_1663 = arith.addi %add3A_1662, %iota3A : vector<16xi32>
    tpu.vector_store_idx %arg5[%get3A_1660, %add3A_1663], %broadcast_in_dim3A_1392 : memref<1000x128xf32, #tpu.memory_space<vmem>>[vector<16xi32>, vector<16xi32>], vector<16xf32>,
    %add3A_1664 = arith.constant 32 : i32
    %add3A_1665 = arith.addi %add3A, %add3A_1664 : i32
    %min3A_1666 = arith.constant 399 : i32
    %min3A_1667 = arith.minsi %add3A_1665, %min3A_1666 : i32
    %jit3A_1668 = arith.constant 8 : i32
    %div3A_1669 = arith.divsi %min3A_1667, %jit3A_1668 : i32
    %sign3A_1670 = arith.constant 0 : i32
    %sign3A_1671 = arith.cmpi sgt, %min3A_1667, %sign3A_1670 : i32
    %sign3A_1672 = arith.extui %sign3A_1671 : i1 to i32
    %sign3A_1673 = arith.constant 0 : i32
    %sign3A_1674 = arith.cmpi slt, %min3A_1667, %sign3A_1673 : i32
    %sign3A_1675 = arith.extui %sign3A_1674 : i1 to i32
    %sign3A_1676 = arith.subi %sign3A_1672, %sign3A_1675 : i32
    %sign3A_1677 = arith.constant 0 : i32
    %sign3A_1678 = arith.cmpi sgt, %jit3A_1668, %sign3A_1677 : i32
    %sign3A_1679 = arith.extui %sign3A_1678 : i1 to i32
    %sign3A_1680 = arith.constant 0 : i32
    %sign3A_1681 = arith.cmpi slt, %jit3A_1668, %sign3A_1680 : i32
    %sign3A_1682 = arith.extui %sign3A_1681 : i1 to i32
    %sign3A_1683 = arith.subi %sign3A_1679, %sign3A_1682 : i32
    %ne3A_1684 = arith.cmpi ne, %sign3A_1676, %sign3A_1683 : i32
    %rem3A_1685 = arith.remsi %min3A_1667, %jit3A_1668 : i32
    %ne3A_1686 = arith.constant 0 : i32
    %ne3A_1687 = arith.cmpi ne, %rem3A_1685, %ne3A_1686 : i32
    %and3A_1688 = arith.andi %ne3A_1684, %ne3A_1687 : i1
    %sub3A_1689 = arith.constant 1 : i32
    %sub3A_1690 = arith.subi %div3A_1669, %sub3A_1689 : i32
    %select_n3A_1691 = arith.select %and3A_1688, %sub3A_1690, %div3A_1669 : i32
    %jit3A_1692 = arith.constant 8 : i32
    %eq3A_1693 = arith.constant 0 : i32
    %eq3A_1694 = arith.cmpi eq, %jit3A_1692, %eq3A_1693 : i32
    %jit3A_1695 = arith.constant 1 : i32
    %select_n3A_1696 = arith.select %eq3A_1694, %jit3A_1695, %jit3A_1692 : i32
    %rem3A_1697 = arith.remsi %min3A_1667, %select_n3A_1696 : i32
    %ne3A_1698 = arith.constant 0 : i32
    %ne3A_1699 = arith.cmpi ne, %rem3A_1697, %ne3A_1698 : i32
    %lt3A_1700 = arith.constant 0 : i32
    %lt3A_1701 = arith.cmpi slt, %rem3A_1697, %lt3A_1700 : i32
    %lt3A_1702 = arith.constant 0 : i32
    %lt3A_1703 = arith.cmpi slt, %select_n3A_1696, %lt3A_1702 : i32
    %ne3A_1704 = arith.xori %lt3A_1701, %lt3A_1703 : i1
    %and3A_1705 = arith.andi %ne3A_1704, %ne3A_1699 : i1
    %add3A_1706 = arith.addi %rem3A_1697, %select_n3A_1696 : i32
    %select_n3A_1707 = arith.select %and3A_1705, %add3A_1706, %rem3A_1697 : i32
    %mul3A_1708 = arith.constant 128 : i32
    %mul3A_1709 = arith.muli %select_n3A_1707, %mul3A_1708 : i32
    %dma_start3A_1710 = arith.constant 0 : i32
    %dma_start3A_1711 = tpu.memref_slice %arg3[%select_n3A_1691, %dma_start3A_1710, %mul3A_1709] : memref<50x1000x1024xf32, #tpu.memory_space<hbm>> -> memref<1x1000x128xf32, #tpu.memory_space<hbm>>
    %dma_start3A_1712 = tpu.memref_squeeze %dma_start3A_1711 : memref<1x1000x128xf32, #tpu.memory_space<hbm>> -> memref<1000x128xf32, #tpu.memory_space<hbm>>
    %dma_start3A_1713 = arith.constant 0 : i32
    %dma_start3A_1714 = tpu.memref_slice %arg3[%select_n3A_1691, %dma_start3A_1713, %mul3A_1709] : memref<50x1000x1024xf32, #tpu.memory_space<hbm>> -> memref<1x1000x128xf32, #tpu.memory_space<hbm>>
    %dma_start3A_1715 = tpu.memref_squeeze %dma_start3A_1714 : memref<1x1000x128xf32, #tpu.memory_space<hbm>> -> memref<1000x128xf32, #tpu.memory_space<hbm>>
    tpu.enqueue_dma source(%arg5 : memref<1000x128xf32, #tpu.memory_space<vmem>>) target(%dma_start3A_1715 : memref<1000x128xf32, #tpu.memory_space<hbm>>) target_semaphore(%arg6 : memref<!tpu.dma_semaphore, #tpu.memory_space<semaphore_mem>>)
    %add3A_1716 = arith.constant 32 : i32
    %add3A_1717 = arith.addi %add3A, %add3A_1716 : i32
    %min3A_1718 = arith.constant 399 : i32
    %min3A_1719 = arith.minsi %add3A_1717, %min3A_1718 : i32
    %jit3A_1720 = arith.constant 8 : i32
    %div3A_1721 = arith.divsi %min3A_1719, %jit3A_1720 : i32
    %sign3A_1722 = arith.constant 0 : i32
    %sign3A_1723 = arith.cmpi sgt, %min3A_1719, %sign3A_1722 : i32
    %sign3A_1724 = arith.extui %sign3A_1723 : i1 to i32
    %sign3A_1725 = arith.constant 0 : i32
    %sign3A_1726 = arith.cmpi slt, %min3A_1719, %sign3A_1725 : i32
    %sign3A_1727 = arith.extui %sign3A_1726 : i1 to i32
    %sign3A_1728 = arith.subi %sign3A_1724, %sign3A_1727 : i32
    %sign3A_1729 = arith.constant 0 : i32
    %sign3A_1730 = arith.cmpi sgt, %jit3A_1720, %sign3A_1729 : i32
    %sign3A_1731 = arith.extui %sign3A_1730 : i1 to i32
    %sign3A_1732 = arith.constant 0 : i32
    %sign3A_1733 = arith.cmpi slt, %jit3A_1720, %sign3A_1732 : i32
    %sign3A_1734 = arith.extui %sign3A_1733 : i1 to i32
    %sign3A_1735 = arith.subi %sign3A_1731, %sign3A_1734 : i32
    %ne3A_1736 = arith.cmpi ne, %sign3A_1728, %sign3A_1735 : i32
    %rem3A_1737 = arith.remsi %min3A_1719, %jit3A_1720 : i32
    %ne3A_1738 = arith.constant 0 : i32
    %ne3A_1739 = arith.cmpi ne, %rem3A_1737, %ne3A_1738 : i32
    %and3A_1740 = arith.andi %ne3A_1736, %ne3A_1739 : i1
    %sub3A_1741 = arith.constant 1 : i32
    %sub3A_1742 = arith.subi %div3A_1721, %sub3A_1741 : i32
    %select_n3A_1743 = arith.select %and3A_1740, %sub3A_1742, %div3A_1721 : i32
    %jit3A_1744 = arith.constant 8 : i32
    %eq3A_1745 = arith.constant 0 : i32
    %eq3A_1746 = arith.cmpi eq, %jit3A_1744, %eq3A_1745 : i32
    %jit3A_1747 = arith.constant 1 : i32
    %select_n3A_1748 = arith.select %eq3A_1746, %jit3A_1747, %jit3A_1744 : i32
    %rem3A_1749 = arith.remsi %min3A_1719, %select_n3A_1748 : i32
    %ne3A_1750 = arith.constant 0 : i32
    %ne3A_1751 = arith.cmpi ne, %rem3A_1749, %ne3A_1750 : i32
    %lt3A_1752 = arith.constant 0 : i32
    %lt3A_1753 = arith.cmpi slt, %rem3A_1749, %lt3A_1752 : i32
    %lt3A_1754 = arith.constant 0 : i32
    %lt3A_1755 = arith.cmpi slt, %select_n3A_1748, %lt3A_1754 : i32
    %ne3A_1756 = arith.xori %lt3A_1753, %lt3A_1755 : i1
    %and3A_1757 = arith.andi %ne3A_1756, %ne3A_1751 : i1
    %add3A_1758 = arith.addi %rem3A_1749, %select_n3A_1748 : i32
    %select_n3A_1759 = arith.select %and3A_1757, %add3A_1758, %rem3A_1749 : i32
    %mul3A_1760 = arith.constant 128 : i32
    %mul3A_1761 = arith.muli %select_n3A_1759, %mul3A_1760 : i32
    %dma_wait3A_1762 = arith.constant 0 : i32
    %dma_wait3A_1763 = tpu.memref_slice %arg3[%select_n3A_1743, %dma_wait3A_1762, %mul3A_1761] : memref<50x1000x1024xf32, #tpu.memory_space<hbm>> -> memref<1x1000x128xf32, #tpu.memory_space<hbm>>
    %dma_wait3A_1764 = tpu.memref_squeeze %dma_wait3A_1763 : memref<1x1000x128xf32, #tpu.memory_space<hbm>> -> memref<1000x128xf32, #tpu.memory_space<hbm>>
    %dma_wait3A_1765 = arith.constant 0 : i32
    %dma_wait3A_1766 = tpu.memref_slice %arg3[%select_n3A_1743, %dma_wait3A_1765, %mul3A_1761] : memref<50x1000x1024xf32, #tpu.memory_space<hbm>> -> memref<1x1000x128xf32, #tpu.memory_space<hbm>>
    %dma_wait3A_1767 = tpu.memref_squeeze %dma_wait3A_1766 : memref<1x1000x128xf32, #tpu.memory_space<hbm>> -> memref<1000x128xf32, #tpu.memory_space<hbm>>
    tpu.wait_dma2 semaphore(%arg6 : memref<!tpu.dma_semaphore, #tpu.memory_space<semaphore_mem>>) src(%arg5 : memref<1000x128xf32, #tpu.memory_space<vmem>>) dst(%dma_wait3A_1767 : memref<1000x128xf32, #tpu.memory_space<hbm>>)
    %get3A_1768 = arith.constant 1 : i32
    %get3A_1769 = arith.index_cast %get3A_1768 : i32 to index
    %get3A_1770 = arith.constant 0 : index
    %get3A_1771 = tpu.vector_load %arg4[%get3A_1769, %get3A_1770] {strides = array<i32>} : memref<13x128xi32, #tpu.memory_space<vmem>>, vector<16xi32>,
    %add3A_1772 = arith.constant 0 : i32
    %add3A_1773 = vector.broadcast %add3A_1772 : i32 to vector<16xi32>
    %add3A_1774 = arith.addi %add3A_1773, %iota3A : vector<16xi32>
    tpu.vector_store_idx %arg5[%get3A_1771, %add3A_1774], %broadcast_in_dim3A_688 : memref<1000x128xf32, #tpu.memory_space<vmem>>[vector<16xi32>, vector<16xi32>], vector<16xf32>,
    %get3A_1775 = arith.constant 1 : i32
    %get3A_1776 = arith.index_cast %get3A_1775 : i32 to index
    %get3A_1777 = arith.constant 16 : index
    %get3A_1778 = tpu.vector_load %arg4[%get3A_1776, %get3A_1777] {strides = array<i32>} : memref<13x128xi32, #tpu.memory_space<vmem>>, vector<16xi32>,
    %add3A_1779 = arith.constant 16 : i32
    %add3A_1780 = vector.broadcast %add3A_1779 : i32 to vector<16xi32>
    %add3A_1781 = arith.addi %add3A_1780, %iota3A : vector<16xi32>
    tpu.vector_store_idx %arg5[%get3A_1778, %add3A_1781], %broadcast_in_dim3A_688 : memref<1000x128xf32, #tpu.memory_space<vmem>>[vector<16xi32>, vector<16xi32>], vector<16xf32>,
    %get3A_1782 = arith.constant 1 : i32
    %get3A_1783 = arith.index_cast %get3A_1782 : i32 to index
    %get3A_1784 = arith.constant 32 : index
    %get3A_1785 = tpu.vector_load %arg4[%get3A_1783, %get3A_1784] {strides = array<i32>} : memref<13x128xi32, #tpu.memory_space<vmem>>, vector<16xi32>,
    %add3A_1786 = arith.constant 32 : i32
    %add3A_1787 = vector.broadcast %add3A_1786 : i32 to vector<16xi32>
    %add3A_1788 = arith.addi %add3A_1787, %iota3A : vector<16xi32>
    tpu.vector_store_idx %arg5[%get3A_1785, %add3A_1788], %broadcast_in_dim3A_688 : memref<1000x128xf32, #tpu.memory_space<vmem>>[vector<16xi32>, vector<16xi32>], vector<16xf32>,
    %get3A_1789 = arith.constant 1 : i32
    %get3A_1790 = arith.index_cast %get3A_1789 : i32 to index
    %get3A_1791 = arith.constant 48 : index
    %get3A_1792 = tpu.vector_load %arg4[%get3A_1790, %get3A_1791] {strides = array<i32>} : memref<13x128xi32, #tpu.memory_space<vmem>>, vector<16xi32>,
    %add3A_1793 = arith.constant 48 : i32
    %add3A_1794 = vector.broadcast %add3A_1793 : i32 to vector<16xi32>
    %add3A_1795 = arith.addi %add3A_1794, %iota3A : vector<16xi32>
    tpu.vector_store_idx %arg5[%get3A_1792, %add3A_1795], %broadcast_in_dim3A_688 : memref<1000x128xf32, #tpu.memory_space<vmem>>[vector<16xi32>, vector<16xi32>], vector<16xf32>,
    %get3A_1796 = arith.constant 1 : i32
    %get3A_1797 = arith.index_cast %get3A_1796 : i32 to index
    %get3A_1798 = arith.constant 64 : index
    %get3A_1799 = tpu.vector_load %arg4[%get3A_1797, %get3A_1798] {strides = array<i32>} : memref<13x128xi32, #tpu.memory_space<vmem>>, vector<16xi32>,
    %add3A_1800 = arith.constant 64 : i32
    %add3A_1801 = vector.broadcast %add3A_1800 : i32 to vector<16xi32>
    %add3A_1802 = arith.addi %add3A_1801, %iota3A : vector<16xi32>
    tpu.vector_store_idx %arg5[%get3A_1799, %add3A_1802], %broadcast_in_dim3A_688 : memref<1000x128xf32, #tpu.memory_space<vmem>>[vector<16xi32>, vector<16xi32>], vector<16xf32>,
    %get3A_1803 = arith.constant 1 : i32
    %get3A_1804 = arith.index_cast %get3A_1803 : i32 to index
    %get3A_1805 = arith.constant 80 : index
    %get3A_1806 = tpu.vector_load %arg4[%get3A_1804, %get3A_1805] {strides = array<i32>} : memref<13x128xi32, #tpu.memory_space<vmem>>, vector<16xi32>,
    %add3A_1807 = arith.constant 80 : i32
    %add3A_1808 = vector.broadcast %add3A_1807 : i32 to vector<16xi32>
    %add3A_1809 = arith.addi %add3A_1808, %iota3A : vector<16xi32>
    tpu.vector_store_idx %arg5[%get3A_1806, %add3A_1809], %broadcast_in_dim3A_688 : memref<1000x128xf32, #tpu.memory_space<vmem>>[vector<16xi32>, vector<16xi32>], vector<16xf32>,
    %get3A_1810 = arith.constant 1 : i32
    %get3A_1811 = arith.index_cast %get3A_1810 : i32 to index
    %get3A_1812 = arith.constant 96 : index
    %get3A_1813 = tpu.vector_load %arg4[%get3A_1811, %get3A_1812] {strides = array<i32>} : memref<13x128xi32, #tpu.memory_space<vmem>>, vector<16xi32>,
    %add3A_1814 = arith.constant 96 : i32
    %add3A_1815 = vector.broadcast %add3A_1814 : i32 to vector<16xi32>
    %add3A_1816 = arith.addi %add3A_1815, %iota3A : vector<16xi32>
    tpu.vector_store_idx %arg5[%get3A_1813, %add3A_1816], %broadcast_in_dim3A_688 : memref<1000x128xf32, #tpu.memory_space<vmem>>[vector<16xi32>, vector<16xi32>], vector<16xf32>,
    %get3A_1817 = arith.constant 1 : i32
    %get3A_1818 = arith.index_cast %get3A_1817 : i32 to index
    %get3A_1819 = arith.constant 112 : index
    %get3A_1820 = tpu.vector_load %arg4[%get3A_1818, %get3A_1819] {strides = array<i32>} : memref<13x128xi32, #tpu.memory_space<vmem>>, vector<16xi32>,
    %add3A_1821 = arith.constant 112 : i32
    %add3A_1822 = vector.broadcast %add3A_1821 : i32 to vector<16xi32>
    %add3A_1823 = arith.addi %add3A_1822, %iota3A : vector<16xi32>
    tpu.vector_store_idx %arg5[%get3A_1820, %add3A_1823], %broadcast_in_dim3A_688 : memref<1000x128xf32, #tpu.memory_space<vmem>>[vector<16xi32>, vector<16xi32>], vector<16xf32>,
    %get3A_1824 = arith.constant 2 : i32
    %get3A_1825 = arith.index_cast %get3A_1824 : i32 to index
    %get3A_1826 = arith.constant 0 : index
    %get3A_1827 = tpu.vector_load %arg4[%get3A_1825, %get3A_1826] {strides = array<i32>} : memref<13x128xi32, #tpu.memory_space<vmem>>, vector<16xi32>,
    %add3A_1828 = arith.constant 0 : i32
    %add3A_1829 = vector.broadcast %add3A_1828 : i32 to vector<16xi32>
    %add3A_1830 = arith.addi %add3A_1829, %iota3A : vector<16xi32>
    tpu.vector_store_idx %arg5[%get3A_1827, %add3A_1830], %broadcast_in_dim3A_1392 : memref<1000x128xf32, #tpu.memory_space<vmem>>[vector<16xi32>, vector<16xi32>], vector<16xf32>,
    %get3A_1831 = arith.constant 2 : i32
    %get3A_1832 = arith.index_cast %get3A_1831 : i32 to index
    %get3A_1833 = arith.constant 16 : index
    %get3A_1834 = tpu.vector_load %arg4[%get3A_1832, %get3A_1833] {strides = array<i32>} : memref<13x128xi32, #tpu.memory_space<vmem>>, vector<16xi32>,
    %add3A_1835 = arith.constant 16 : i32
    %add3A_1836 = vector.broadcast %add3A_1835 : i32 to vector<16xi32>
    %add3A_1837 = arith.addi %add3A_1836, %iota3A : vector<16xi32>
    tpu.vector_store_idx %arg5[%get3A_1834, %add3A_1837], %broadcast_in_dim3A_1392 : memref<1000x128xf32, #tpu.memory_space<vmem>>[vector<16xi32>, vector<16xi32>], vector<16xf32>,
    %get3A_1838 = arith.constant 2 : i32
    %get3A_1839 = arith.index_cast %get3A_1838 : i32 to index
    %get3A_1840 = arith.constant 32 : index
    %get3A_1841 = tpu.vector_load %arg4[%get3A_1839, %get3A_1840] {strides = array<i32>} : memref<13x128xi32, #tpu.memory_space<vmem>>, vector<16xi32>,
    %add3A_1842 = arith.constant 32 : i32
    %add3A_1843 = vector.broadcast %add3A_1842 : i32 to vector<16xi32>
    %add3A_1844 = arith.addi %add3A_1843, %iota3A : vector<16xi32>
    tpu.vector_store_idx %arg5[%get3A_1841, %add3A_1844], %broadcast_in_dim3A_1392 : memref<1000x128xf32, #tpu.memory_space<vmem>>[vector<16xi32>, vector<16xi32>], vector<16xf32>,
    %get3A_1845 = arith.constant 2 : i32
    %get3A_1846 = arith.index_cast %get3A_1845 : i32 to index
    %get3A_1847 = arith.constant 48 : index
    %get3A_1848 = tpu.vector_load %arg4[%get3A_1846, %get3A_1847] {strides = array<i32>} : memref<13x128xi32, #tpu.memory_space<vmem>>, vector<16xi32>,
    %add3A_1849 = arith.constant 48 : i32
    %add3A_1850 = vector.broadcast %add3A_1849 : i32 to vector<16xi32>
    %add3A_1851 = arith.addi %add3A_1850, %iota3A : vector<16xi32>
    tpu.vector_store_idx %arg5[%get3A_1848, %add3A_1851], %broadcast_in_dim3A_1392 : memref<1000x128xf32, #tpu.memory_space<vmem>>[vector<16xi32>, vector<16xi32>], vector<16xf32>,
    %get3A_1852 = arith.constant 2 : i32
    %get3A_1853 = arith.index_cast %get3A_1852 : i32 to index
    %get3A_1854 = arith.constant 64 : index
    %get3A_1855 = tpu.vector_load %arg4[%get3A_1853, %get3A_1854] {strides = array<i32>} : memref<13x128xi32, #tpu.memory_space<vmem>>, vector<16xi32>,
    %add3A_1856 = arith.constant 64 : i32
    %add3A_1857 = vector.broadcast %add3A_1856 : i32 to vector<16xi32>
    %add3A_1858 = arith.addi %add3A_1857, %iota3A : vector<16xi32>
    tpu.vector_store_idx %arg5[%get3A_1855, %add3A_1858], %broadcast_in_dim3A_1392 : memref<1000x128xf32, #tpu.memory_space<vmem>>[vector<16xi32>, vector<16xi32>], vector<16xf32>,
    %get3A_1859 = arith.constant 2 : i32
    %get3A_1860 = arith.index_cast %get3A_1859 : i32 to index
    %get3A_1861 = arith.constant 80 : index
    %get3A_1862 = tpu.vector_load %arg4[%get3A_1860, %get3A_1861] {strides = array<i32>} : memref<13x128xi32, #tpu.memory_space<vmem>>, vector<16xi32>,
    %add3A_1863 = arith.constant 80 : i32
    %add3A_1864 = vector.broadcast %add3A_1863 : i32 to vector<16xi32>
    %add3A_1865 = arith.addi %add3A_1864, %iota3A : vector<16xi32>
    tpu.vector_store_idx %arg5[%get3A_1862, %add3A_1865], %broadcast_in_dim3A_1392 : memref<1000x128xf32, #tpu.memory_space<vmem>>[vector<16xi32>, vector<16xi32>], vector<16xf32>,
    %get3A_1866 = arith.constant 2 : i32
    %get3A_1867 = arith.index_cast %get3A_1866 : i32 to index
    %get3A_1868 = arith.constant 96 : index
    %get3A_1869 = tpu.vector_load %arg4[%get3A_1867, %get3A_1868] {strides = array<i32>} : memref<13x128xi32, #tpu.memory_space<vmem>>, vector<16xi32>,
    %add3A_1870 = arith.constant 96 : i32
    %add3A_1871 = vector.broadcast %add3A_1870 : i32 to vector<16xi32>
    %add3A_1872 = arith.addi %add3A_1871, %iota3A : vector<16xi32>
    tpu.vector_store_idx %arg5[%get3A_1869, %add3A_1872], %broadcast_in_dim3A_1392 : memref<1000x128xf32, #tpu.memory_space<vmem>>[vector<16xi32>, vector<16xi32>], vector<16xf32>,
    %get3A_1873 = arith.constant 2 : i32
    %get3A_1874 = arith.index_cast %get3A_1873 : i32 to index
    %get3A_1875 = arith.constant 112 : index
    %get3A_1876 = tpu.vector_load %arg4[%get3A_1874, %get3A_1875] {strides = array<i32>} : memref<13x128xi32, #tpu.memory_space<vmem>>, vector<16xi32>,
    %add3A_1877 = arith.constant 112 : i32
    %add3A_1878 = vector.broadcast %add3A_1877 : i32 to vector<16xi32>
    %add3A_1879 = arith.addi %add3A_1878, %iota3A : vector<16xi32>
    tpu.vector_store_idx %arg5[%get3A_1876, %add3A_1879], %broadcast_in_dim3A_1392 : memref<1000x128xf32, #tpu.memory_space<vmem>>[vector<16xi32>, vector<16xi32>], vector<16xf32>,
    %add3A_1880 = arith.constant 64 : i32
    %add3A_1881 = arith.addi %add3A, %add3A_1880 : i32
    %min3A_1882 = arith.constant 399 : i32
    %min3A_1883 = arith.minsi %add3A_1881, %min3A_1882 : i32
    %jit3A_1884 = arith.constant 8 : i32
    %div3A_1885 = arith.divsi %min3A_1883, %jit3A_1884 : i32
    %sign3A_1886 = arith.constant 0 : i32
    %sign3A_1887 = arith.cmpi sgt, %min3A_1883, %sign3A_1886 : i32
    %sign3A_1888 = arith.extui %sign3A_1887 : i1 to i32
    %sign3A_1889 = arith.constant 0 : i32
    %sign3A_1890 = arith.cmpi slt, %min3A_1883, %sign3A_1889 : i32
    %sign3A_1891 = arith.extui %sign3A_1890 : i1 to i32
    %sign3A_1892 = arith.subi %sign3A_1888, %sign3A_1891 : i32
    %sign3A_1893 = arith.constant 0 : i32
    %sign3A_1894 = arith.cmpi sgt, %jit3A_1884, %sign3A_1893 : i32
    %sign3A_1895 = arith.extui %sign3A_1894 : i1 to i32
    %sign3A_1896 = arith.constant 0 : i32
    %sign3A_1897 = arith.cmpi slt, %jit3A_1884, %sign3A_1896 : i32
    %sign3A_1898 = arith.extui %sign3A_1897 : i1 to i32
    %sign3A_1899 = arith.subi %sign3A_1895, %sign3A_1898 : i32
    %ne3A_1900 = arith.cmpi ne, %sign3A_1892, %sign3A_1899 : i32
    %rem3A_1901 = arith.remsi %min3A_1883, %jit3A_1884 : i32
    %ne3A_1902 = arith.constant 0 : i32
    %ne3A_1903 = arith.cmpi ne, %rem3A_1901, %ne3A_1902 : i32
    %and3A_1904 = arith.andi %ne3A_1900, %ne3A_1903 : i1
    %sub3A_1905 = arith.constant 1 : i32
    %sub3A_1906 = arith.subi %div3A_1885, %sub3A_1905 : i32
    %select_n3A_1907 = arith.select %and3A_1904, %sub3A_1906, %div3A_1885 : i32
    %jit3A_1908 = arith.constant 8 : i32
    %eq3A_1909 = arith.constant 0 : i32
    %eq3A_1910 = arith.cmpi eq, %jit3A_1908, %eq3A_1909 : i32
    %jit3A_1911 = arith.constant 1 : i32
    %select_n3A_1912 = arith.select %eq3A_1910, %jit3A_1911, %jit3A_1908 : i32
    %rem3A_1913 = arith.remsi %min3A_1883, %select_n3A_1912 : i32
    %ne3A_1914 = arith.constant 0 : i32
    %ne3A_1915 = arith.cmpi ne, %rem3A_1913, %ne3A_1914 : i32
    %lt3A_1916 = arith.constant 0 : i32
    %lt3A_1917 = arith.cmpi slt, %rem3A_1913, %lt3A_1916 : i32
    %lt3A_1918 = arith.constant 0 : i32
    %lt3A_1919 = arith.cmpi slt, %select_n3A_1912, %lt3A_1918 : i32
    %ne3A_1920 = arith.xori %lt3A_1917, %lt3A_1919 : i1
    %and3A_1921 = arith.andi %ne3A_1920, %ne3A_1915 : i1
    %add3A_1922 = arith.addi %rem3A_1913, %select_n3A_1912 : i32
    %select_n3A_1923 = arith.select %and3A_1921, %add3A_1922, %rem3A_1913 : i32
    %mul3A_1924 = arith.constant 128 : i32
    %mul3A_1925 = arith.muli %select_n3A_1923, %mul3A_1924 : i32
    %dma_start3A_1926 = arith.constant 0 : i32
    %dma_start3A_1927 = tpu.memref_slice %arg3[%select_n3A_1907, %dma_start3A_1926, %mul3A_1925] : memref<50x1000x1024xf32, #tpu.memory_space<hbm>> -> memref<1x1000x128xf32, #tpu.memory_space<hbm>>
    %dma_start3A_1928 = tpu.memref_squeeze %dma_start3A_1927 : memref<1x1000x128xf32, #tpu.memory_space<hbm>> -> memref<1000x128xf32, #tpu.memory_space<hbm>>
    %dma_start3A_1929 = arith.constant 0 : i32
    %dma_start3A_1930 = tpu.memref_slice %arg3[%select_n3A_1907, %dma_start3A_1929, %mul3A_1925] : memref<50x1000x1024xf32, #tpu.memory_space<hbm>> -> memref<1x1000x128xf32, #tpu.memory_space<hbm>>
    %dma_start3A_1931 = tpu.memref_squeeze %dma_start3A_1930 : memref<1x1000x128xf32, #tpu.memory_space<hbm>> -> memref<1000x128xf32, #tpu.memory_space<hbm>>
    tpu.enqueue_dma source(%arg5 : memref<1000x128xf32, #tpu.memory_space<vmem>>) target(%dma_start3A_1931 : memref<1000x128xf32, #tpu.memory_space<hbm>>) target_semaphore(%arg6 : memref<!tpu.dma_semaphore, #tpu.memory_space<semaphore_mem>>)
    %add3A_1932 = arith.constant 64 : i32
    %add3A_1933 = arith.addi %add3A, %add3A_1932 : i32
    %min3A_1934 = arith.constant 399 : i32
    %min3A_1935 = arith.minsi %add3A_1933, %min3A_1934 : i32
    %jit3A_1936 = arith.constant 8 : i32
    %div3A_1937 = arith.divsi %min3A_1935, %jit3A_1936 : i32
    %sign3A_1938 = arith.constant 0 : i32
    %sign3A_1939 = arith.cmpi sgt, %min3A_1935, %sign3A_1938 : i32
    %sign3A_1940 = arith.extui %sign3A_1939 : i1 to i32
    %sign3A_1941 = arith.constant 0 : i32
    %sign3A_1942 = arith.cmpi slt, %min3A_1935, %sign3A_1941 : i32
    %sign3A_1943 = arith.extui %sign3A_1942 : i1 to i32
    %sign3A_1944 = arith.subi %sign3A_1940, %sign3A_1943 : i32
    %sign3A_1945 = arith.constant 0 : i32
    %sign3A_1946 = arith.cmpi sgt, %jit3A_1936, %sign3A_1945 : i32
    %sign3A_1947 = arith.extui %sign3A_1946 : i1 to i32
    %sign3A_1948 = arith.constant 0 : i32
    %sign3A_1949 = arith.cmpi slt, %jit3A_1936, %sign3A_1948 : i32
    %sign3A_1950 = arith.extui %sign3A_1949 : i1 to i32
    %sign3A_1951 = arith.subi %sign3A_1947, %sign3A_1950 : i32
    %ne3A_1952 = arith.cmpi ne, %sign3A_1944, %sign3A_1951 : i32
    %rem3A_1953 = arith.remsi %min3A_1935, %jit3A_1936 : i32
    %ne3A_1954 = arith.constant 0 : i32
    %ne3A_1955 = arith.cmpi ne, %rem3A_1953, %ne3A_1954 : i32
    %and3A_1956 = arith.andi %ne3A_1952, %ne3A_1955 : i1
    %sub3A_1957 = arith.constant 1 : i32
    %sub3A_1958 = arith.subi %div3A_1937, %sub3A_1957 : i32
    %select_n3A_1959 = arith.select %and3A_1956, %sub3A_1958, %div3A_1937 : i32
    %jit3A_1960 = arith.constant 8 : i32
    %eq3A_1961 = arith.constant 0 : i32
    %eq3A_1962 = arith.cmpi eq, %jit3A_1960, %eq3A_1961 : i32
    %jit3A_1963 = arith.constant 1 : i32
    %select_n3A_1964 = arith.select %eq3A_1962, %jit3A_1963, %jit3A_1960 : i32
    %rem3A_1965 = arith.remsi %min3A_1935, %select_n3A_1964 : i32
    %ne3A_1966 = arith.constant 0 : i32
    %ne3A_1967 = arith.cmpi ne, %rem3A_1965, %ne3A_1966 : i32
    %lt3A_1968 = arith.constant 0 : i32
    %lt3A_1969 = arith.cmpi slt, %rem3A_1965, %lt3A_1968 : i32
    %lt3A_1970 = arith.constant 0 : i32
    %lt3A_1971 = arith.cmpi slt, %select_n3A_1964, %lt3A_1970 : i32
    %ne3A_1972 = arith.xori %lt3A_1969, %lt3A_1971 : i1
    %and3A_1973 = arith.andi %ne3A_1972, %ne3A_1967 : i1
    %add3A_1974 = arith.addi %rem3A_1965, %select_n3A_1964 : i32
    %select_n3A_1975 = arith.select %and3A_1973, %add3A_1974, %rem3A_1965 : i32
    %mul3A_1976 = arith.constant 128 : i32
    %mul3A_1977 = arith.muli %select_n3A_1975, %mul3A_1976 : i32
    %dma_wait3A_1978 = arith.constant 0 : i32
    %dma_wait3A_1979 = tpu.memref_slice %arg3[%select_n3A_1959, %dma_wait3A_1978, %mul3A_1977] : memref<50x1000x1024xf32, #tpu.memory_space<hbm>> -> memref<1x1000x128xf32, #tpu.memory_space<hbm>>
    %dma_wait3A_1980 = tpu.memref_squeeze %dma_wait3A_1979 : memref<1x1000x128xf32, #tpu.memory_space<hbm>> -> memref<1000x128xf32, #tpu.memory_space<hbm>>
    %dma_wait3A_1981 = arith.constant 0 : i32
    %dma_wait3A_1982 = tpu.memref_slice %arg3[%select_n3A_1959, %dma_wait3A_1981, %mul3A_1977] : memref<50x1000x1024xf32, #tpu.memory_space<hbm>> -> memref<1x1000x128xf32, #tpu.memory_space<hbm>>
    %dma_wait3A_1983 = tpu.memref_squeeze %dma_wait3A_1982 : memref<1x1000x128xf32, #tpu.memory_space<hbm>> -> memref<1000x128xf32, #tpu.memory_space<hbm>>
    tpu.wait_dma2 semaphore(%arg6 : memref<!tpu.dma_semaphore, #tpu.memory_space<semaphore_mem>>) src(%arg5 : memref<1000x128xf32, #tpu.memory_space<vmem>>) dst(%dma_wait3A_1983 : memref<1000x128xf32, #tpu.memory_space<hbm>>)
    %get3A_1984 = arith.constant 2 : i32
    %get3A_1985 = arith.index_cast %get3A_1984 : i32 to index
    %get3A_1986 = arith.constant 0 : index
    %get3A_1987 = tpu.vector_load %arg4[%get3A_1985, %get3A_1986] {strides = array<i32>} : memref<13x128xi32, #tpu.memory_space<vmem>>, vector<16xi32>,
    %add3A_1988 = arith.constant 0 : i32
    %add3A_1989 = vector.broadcast %add3A_1988 : i32 to vector<16xi32>
    %add3A_1990 = arith.addi %add3A_1989, %iota3A : vector<16xi32>
    tpu.vector_store_idx %arg5[%get3A_1987, %add3A_1990], %broadcast_in_dim3A_688 : memref<1000x128xf32, #tpu.memory_space<vmem>>[vector<16xi32>, vector<16xi32>], vector<16xf32>,
    %get3A_1991 = arith.constant 2 : i32
    %get3A_1992 = arith.index_cast %get3A_1991 : i32 to index
    %get3A_1993 = arith.constant 16 : index
    %get3A_1994 = tpu.vector_load %arg4[%get3A_1992, %get3A_1993] {strides = array<i32>} : memref<13x128xi32, #tpu.memory_space<vmem>>, vector<16xi32>,
    %add3A_1995 = arith.constant 16 : i32
    %add3A_1996 = vector.broadcast %add3A_1995 : i32 to vector<16xi32>
    %add3A_1997 = arith.addi %add3A_1996, %iota3A : vector<16xi32>
    tpu.vector_store_idx %arg5[%get3A_1994, %add3A_1997], %broadcast_in_dim3A_688 : memref<1000x128xf32, #tpu.memory_space<vmem>>[vector<16xi32>, vector<16xi32>], vector<16xf32>,
    %get3A_1998 = arith.constant 2 : i32
    %get3A_1999 = arith.index_cast %get3A_1998 : i32 to index
    %get3A_2000 = arith.constant 32 : index
    %get3A_2001 = tpu.vector_load %arg4[%get3A_1999, %get3A_2000] {strides = array<i32>} : memref<13x128xi32, #tpu.memory_space<vmem>>, vector<16xi32>,
    %add3A_2002 = arith.constant 32 : i32
    %add3A_2003 = vector.broadcast %add3A_2002 : i32 to vector<16xi32>
    %add3A_2004 = arith.addi %add3A_2003, %iota3A : vector<16xi32>
    tpu.vector_store_idx %arg5[%get3A_2001, %add3A_2004], %broadcast_in_dim3A_688 : memref<1000x128xf32, #tpu.memory_space<vmem>>[vector<16xi32>, vector<16xi32>], vector<16xf32>,
    %get3A_2005 = arith.constant 2 : i32
    %get3A_2006 = arith.index_cast %get3A_2005 : i32 to index
    %get3A_2007 = arith.constant 48 : index
    %get3A_2008 = tpu.vector_load %arg4[%get3A_2006, %get3A_2007] {strides = array<i32>} : memref<13x128xi32, #tpu.memory_space<vmem>>, vector<16xi32>,
    %add3A_2009 = arith.constant 48 : i32
    %add3A_2010 = vector.broadcast %add3A_2009 : i32 to vector<16xi32>
    %add3A_2011 = arith.addi %add3A_2010, %iota3A : vector<16xi32>
    tpu.vector_store_idx %arg5[%get3A_2008, %add3A_2011], %broadcast_in_dim3A_688 : memref<1000x128xf32, #tpu.memory_space<vmem>>[vector<16xi32>, vector<16xi32>], vector<16xf32>,
    %get3A_2012 = arith.constant 2 : i32
    %get3A_2013 = arith.index_cast %get3A_2012 : i32 to index
    %get3A_2014 = arith.constant 64 : index
    %get3A_2015 = tpu.vector_load %arg4[%get3A_2013, %get3A_2014] {strides = array<i32>} : memref<13x128xi32, #tpu.memory_space<vmem>>, vector<16xi32>,
    %add3A_2016 = arith.constant 64 : i32
    %add3A_2017 = vector.broadcast %add3A_2016 : i32 to vector<16xi32>
    %add3A_2018 = arith.addi %add3A_2017, %iota3A : vector<16xi32>
    tpu.vector_store_idx %arg5[%get3A_2015, %add3A_2018], %broadcast_in_dim3A_688 : memref<1000x128xf32, #tpu.memory_space<vmem>>[vector<16xi32>, vector<16xi32>], vector<16xf32>,
    %get3A_2019 = arith.constant 2 : i32
    %get3A_2020 = arith.index_cast %get3A_2019 : i32 to index
    %get3A_2021 = arith.constant 80 : index
    %get3A_2022 = tpu.vector_load %arg4[%get3A_2020, %get3A_2021] {strides = array<i32>} : memref<13x128xi32, #tpu.memory_space<vmem>>, vector<16xi32>,
    %add3A_2023 = arith.constant 80 : i32
    %add3A_2024 = vector.broadcast %add3A_2023 : i32 to vector<16xi32>
    %add3A_2025 = arith.addi %add3A_2024, %iota3A : vector<16xi32>
    tpu.vector_store_idx %arg5[%get3A_2022, %add3A_2025], %broadcast_in_dim3A_688 : memref<1000x128xf32, #tpu.memory_space<vmem>>[vector<16xi32>, vector<16xi32>], vector<16xf32>,
    %get3A_2026 = arith.constant 2 : i32
    %get3A_2027 = arith.index_cast %get3A_2026 : i32 to index
    %get3A_2028 = arith.constant 96 : index
    %get3A_2029 = tpu.vector_load %arg4[%get3A_2027, %get3A_2028] {strides = array<i32>} : memref<13x128xi32, #tpu.memory_space<vmem>>, vector<16xi32>,
    %add3A_2030 = arith.constant 96 : i32
    %add3A_2031 = vector.broadcast %add3A_2030 : i32 to vector<16xi32>
    %add3A_2032 = arith.addi %add3A_2031, %iota3A : vector<16xi32>
    tpu.vector_store_idx %arg5[%get3A_2029, %add3A_2032], %broadcast_in_dim3A_688 : memref<1000x128xf32, #tpu.memory_space<vmem>>[vector<16xi32>, vector<16xi32>], vector<16xf32>,
    %get3A_2033 = arith.constant 2 : i32
    %get3A_2034 = arith.index_cast %get3A_2033 : i32 to index
    %get3A_2035 = arith.constant 112 : index
    %get3A_2036 = tpu.vector_load %arg4[%get3A_2034, %get3A_2035] {strides = array<i32>} : memref<13x128xi32, #tpu.memory_space<vmem>>, vector<16xi32>,
    %add3A_2037 = arith.constant 112 : i32
    %add3A_2038 = vector.broadcast %add3A_2037 : i32 to vector<16xi32>
    %add3A_2039 = arith.addi %add3A_2038, %iota3A : vector<16xi32>
    tpu.vector_store_idx %arg5[%get3A_2036, %add3A_2039], %broadcast_in_dim3A_688 : memref<1000x128xf32, #tpu.memory_space<vmem>>[vector<16xi32>, vector<16xi32>], vector<16xf32>,
    %get3A_2040 = arith.constant 3 : i32
    %get3A_2041 = arith.index_cast %get3A_2040 : i32 to index
    %get3A_2042 = arith.constant 0 : index
    %get3A_2043 = tpu.vector_load %arg4[%get3A_2041, %get3A_2042] {strides = array<i32>} : memref<13x128xi32, #tpu.memory_space<vmem>>, vector<16xi32>,
    %add3A_2044 = arith.constant 0 : i32
    %add3A_2045 = vector.broadcast %add3A_2044 : i32 to vector<16xi32>
    %add3A_2046 = arith.addi %add3A_2045, %iota3A : vector<16xi32>
    tpu.vector_store_idx %arg5[%get3A_2043, %add3A_2046], %broadcast_in_dim3A_1392 : memref<1000x128xf32, #tpu.memory_space<vmem>>[vector<16xi32>, vector<16xi32>], vector<16xf32>,
    %get3A_2047 = arith.constant 3 : i32
    %get3A_2048 = arith.index_cast %get3A_2047 : i32 to index
    %get3A_2049 = arith.constant 16 : index
    %get3A_2050 = tpu.vector_load %arg4[%get3A_2048, %get3A_2049] {strides = array<i32>} : memref<13x128xi32, #tpu.memory_space<vmem>>, vector<16xi32>,
    %add3A_2051 = arith.constant 16 : i32
    %add3A_2052 = vector.broadcast %add3A_2051 : i32 to vector<16xi32>
    %add3A_2053 = arith.addi %add3A_2052, %iota3A : vector<16xi32>
    tpu.vector_store_idx %arg5[%get3A_2050, %add3A_2053], %broadcast_in_dim3A_1392 : memref<1000x128xf32, #tpu.memory_space<vmem>>[vector<16xi32>, vector<16xi32>], vector<16xf32>,
    %get3A_2054 = arith.constant 3 : i32
    %get3A_2055 = arith.index_cast %get3A_2054 : i32 to index
    %get3A_2056 = arith.constant 32 : index
    %get3A_2057 = tpu.vector_load %arg4[%get3A_2055, %get3A_2056] {strides = array<i32>} : memref<13x128xi32, #tpu.memory_space<vmem>>, vector<16xi32>,
    %add3A_2058 = arith.constant 32 : i32
    %add3A_2059 = vector.broadcast %add3A_2058 : i32 to vector<16xi32>
    %add3A_2060 = arith.addi %add3A_2059, %iota3A : vector<16xi32>
    tpu.vector_store_idx %arg5[%get3A_2057, %add3A_2060], %broadcast_in_dim3A_1392 : memref<1000x128xf32, #tpu.memory_space<vmem>>[vector<16xi32>, vector<16xi32>], vector<16xf32>,
    %get3A_2061 = arith.constant 3 : i32
    %get3A_2062 = arith.index_cast %get3A_2061 : i32 to index
    %get3A_2063 = arith.constant 48 : index
    %get3A_2064 = tpu.vector_load %arg4[%get3A_2062, %get3A_2063] {strides = array<i32>} : memref<13x128xi32, #tpu.memory_space<vmem>>, vector<16xi32>,
    %add3A_2065 = arith.constant 48 : i32
    %add3A_2066 = vector.broadcast %add3A_2065 : i32 to vector<16xi32>
    %add3A_2067 = arith.addi %add3A_2066, %iota3A : vector<16xi32>
    tpu.vector_store_idx %arg5[%get3A_2064, %add3A_2067], %broadcast_in_dim3A_1392 : memref<1000x128xf32, #tpu.memory_space<vmem>>[vector<16xi32>, vector<16xi32>], vector<16xf32>,
    %get3A_2068 = arith.constant 3 : i32
    %get3A_2069 = arith.index_cast %get3A_2068 : i32 to index
    %get3A_2070 = arith.constant 64 : index
    %get3A_2071 = tpu.vector_load %arg4[%get3A_2069, %get3A_2070] {strides = array<i32>} : memref<13x128xi32, #tpu.memory_space<vmem>>, vector<16xi32>,
    %add3A_2072 = arith.constant 64 : i32
    %add3A_2073 = vector.broadcast %add3A_2072 : i32 to vector<16xi32>
    %add3A_2074 = arith.addi %add3A_2073, %iota3A : vector<16xi32>
    tpu.vector_store_idx %arg5[%get3A_2071, %add3A_2074], %broadcast_in_dim3A_1392 : memref<1000x128xf32, #tpu.memory_space<vmem>>[vector<16xi32>, vector<16xi32>], vector<16xf32>,
    %get3A_2075 = arith.constant 3 : i32
    %get3A_2076 = arith.index_cast %get3A_2075 : i32 to index
    %get3A_2077 = arith.constant 80 : index
    %get3A_2078 = tpu.vector_load %arg4[%get3A_2076, %get3A_2077] {strides = array<i32>} : memref<13x128xi32, #tpu.memory_space<vmem>>, vector<16xi32>,
    %add3A_2079 = arith.constant 80 : i32
    %add3A_2080 = vector.broadcast %add3A_2079 : i32 to vector<16xi32>
    %add3A_2081 = arith.addi %add3A_2080, %iota3A : vector<16xi32>
    tpu.vector_store_idx %arg5[%get3A_2078, %add3A_2081], %broadcast_in_dim3A_1392 : memref<1000x128xf32, #tpu.memory_space<vmem>>[vector<16xi32>, vector<16xi32>], vector<16xf32>,
    %get3A_2082 = arith.constant 3 : i32
    %get3A_2083 = arith.index_cast %get3A_2082 : i32 to index
    %get3A_2084 = arith.constant 96 : index
    %get3A_2085 = tpu.vector_load %arg4[%get3A_2083, %get3A_2084] {strides = array<i32>} : memref<13x128xi32, #tpu.memory_space<vmem>>, vector<16xi32>,
    %add3A_2086 = arith.constant 96 : i32
    %add3A_2087 = vector.broadcast %add3A_2086 : i32 to vector<16xi32>
    %add3A_2088 = arith.addi %add3A_2087, %iota3A : vector<16xi32>
    tpu.vector_store_idx %arg5[%get3A_2085, %add3A_2088], %broadcast_in_dim3A_1392 : memref<1000x128xf32, #tpu.memory_space<vmem>>[vector<16xi32>, vector<16xi32>], vector<16xf32>,
    %get3A_2089 = arith.constant 3 : i32
    %get3A_2090 = arith.index_cast %get3A_2089 : i32 to index
    %get3A_2091 = arith.constant 112 : index
    %get3A_2092 = tpu.vector_load %arg4[%get3A_2090, %get3A_2091] {strides = array<i32>} : memref<13x128xi32, #tpu.memory_space<vmem>>, vector<16xi32>,
    %add3A_2093 = arith.constant 112 : i32
    %add3A_2094 = vector.broadcast %add3A_2093 : i32 to vector<16xi32>
    %add3A_2095 = arith.addi %add3A_2094, %iota3A : vector<16xi32>
    tpu.vector_store_idx %arg5[%get3A_2092, %add3A_2095], %broadcast_in_dim3A_1392 : memref<1000x128xf32, #tpu.memory_space<vmem>>[vector<16xi32>, vector<16xi32>], vector<16xf32>,
    %add3A_2096 = arith.constant 96 : i32
    %add3A_2097 = arith.addi %add3A, %add3A_2096 : i32
    %min3A_2098 = arith.constant 399 : i32
    %min3A_2099 = arith.minsi %add3A_2097, %min3A_2098 : i32
    %jit3A_2100 = arith.constant 8 : i32
    %div3A_2101 = arith.divsi %min3A_2099, %jit3A_2100 : i32
    %sign3A_2102 = arith.constant 0 : i32
    %sign3A_2103 = arith.cmpi sgt, %min3A_2099, %sign3A_2102 : i32
    %sign3A_2104 = arith.extui %sign3A_2103 : i1 to i32
    %sign3A_2105 = arith.constant 0 : i32
    %sign3A_2106 = arith.cmpi slt, %min3A_2099, %sign3A_2105 : i32
    %sign3A_2107 = arith.extui %sign3A_2106 : i1 to i32
    %sign3A_2108 = arith.subi %sign3A_2104, %sign3A_2107 : i32
    %sign3A_2109 = arith.constant 0 : i32
    %sign3A_2110 = arith.cmpi sgt, %jit3A_2100, %sign3A_2109 : i32
    %sign3A_2111 = arith.extui %sign3A_2110 : i1 to i32
    %sign3A_2112 = arith.constant 0 : i32
    %sign3A_2113 = arith.cmpi slt, %jit3A_2100, %sign3A_2112 : i32
    %sign3A_2114 = arith.extui %sign3A_2113 : i1 to i32
    %sign3A_2115 = arith.subi %sign3A_2111, %sign3A_2114 : i32
    %ne3A_2116 = arith.cmpi ne, %sign3A_2108, %sign3A_2115 : i32
    %rem3A_2117 = arith.remsi %min3A_2099, %jit3A_2100 : i32
    %ne3A_2118 = arith.constant 0 : i32
    %ne3A_2119 = arith.cmpi ne, %rem3A_2117, %ne3A_2118 : i32
    %and3A_2120 = arith.andi %ne3A_2116, %ne3A_2119 : i1
    %sub3A_2121 = arith.constant 1 : i32
    %sub3A_2122 = arith.subi %div3A_2101, %sub3A_2121 : i32
    %select_n3A_2123 = arith.select %and3A_2120, %sub3A_2122, %div3A_2101 : i32
    %jit3A_2124 = arith.constant 8 : i32
    %eq3A_2125 = arith.constant 0 : i32
    %eq3A_2126 = arith.cmpi eq, %jit3A_2124, %eq3A_2125 : i32
    %jit3A_2127 = arith.constant 1 : i32
    %select_n3A_2128 = arith.select %eq3A_2126, %jit3A_2127, %jit3A_2124 : i32
    %rem3A_2129 = arith.remsi %min3A_2099, %select_n3A_2128 : i32
    %ne3A_2130 = arith.constant 0 : i32
    %ne3A_2131 = arith.cmpi ne, %rem3A_2129, %ne3A_2130 : i32
    %lt3A_2132 = arith.constant 0 : i32
    %lt3A_2133 = arith.cmpi slt, %rem3A_2129, %lt3A_2132 : i32
    %lt3A_2134 = arith.constant 0 : i32
    %lt3A_2135 = arith.cmpi slt, %select_n3A_2128, %lt3A_2134 : i32
    %ne3A_2136 = arith.xori %lt3A_2133, %lt3A_2135 : i1
    %and3A_2137 = arith.andi %ne3A_2136, %ne3A_2131 : i1
    %add3A_2138 = arith.addi %rem3A_2129, %select_n3A_2128 : i32
    %select_n3A_2139 = arith.select %and3A_2137, %add3A_2138, %rem3A_2129 : i32
    %mul3A_2140 = arith.constant 128 : i32
    %mul3A_2141 = arith.muli %select_n3A_2139, %mul3A_2140 : i32
    %dma_start3A_2142 = arith.constant 0 : i32
    %dma_start3A_2143 = tpu.memref_slice %arg3[%select_n3A_2123, %dma_start3A_2142, %mul3A_2141] : memref<50x1000x1024xf32, #tpu.memory_space<hbm>> -> memref<1x1000x128xf32, #tpu.memory_space<hbm>>
    %dma_start3A_2144 = tpu.memref_squeeze %dma_start3A_2143 : memref<1x1000x128xf32, #tpu.memory_space<hbm>> -> memref<1000x128xf32, #tpu.memory_space<hbm>>
    %dma_start3A_2145 = arith.constant 0 : i32
    %dma_start3A_2146 = tpu.memref_slice %arg3[%select_n3A_2123, %dma_start3A_2145, %mul3A_2141] : memref<50x1000x1024xf32, #tpu.memory_space<hbm>> -> memref<1x1000x128xf32, #tpu.memory_space<hbm>>
    %dma_start3A_2147 = tpu.memref_squeeze %dma_start3A_2146 : memref<1x1000x128xf32, #tpu.memory_space<hbm>> -> memref<1000x128xf32, #tpu.memory_space<hbm>>
    tpu.enqueue_dma source(%arg5 : memref<1000x128xf32, #tpu.memory_space<vmem>>) target(%dma_start3A_2147 : memref<1000x128xf32, #tpu.memory_space<hbm>>) target_semaphore(%arg6 : memref<!tpu.dma_semaphore, #tpu.memory_space<semaphore_mem>>)
    %add3A_2148 = arith.constant 96 : i32
    %add3A_2149 = arith.addi %add3A, %add3A_2148 : i32
    %min3A_2150 = arith.constant 399 : i32
    %min3A_2151 = arith.minsi %add3A_2149, %min3A_2150 : i32
    %jit3A_2152 = arith.constant 8 : i32
    %div3A_2153 = arith.divsi %min3A_2151, %jit3A_2152 : i32
    %sign3A_2154 = arith.constant 0 : i32
    %sign3A_2155 = arith.cmpi sgt, %min3A_2151, %sign3A_2154 : i32
    %sign3A_2156 = arith.extui %sign3A_2155 : i1 to i32
    %sign3A_2157 = arith.constant 0 : i32
    %sign3A_2158 = arith.cmpi slt, %min3A_2151, %sign3A_2157 : i32
    %sign3A_2159 = arith.extui %sign3A_2158 : i1 to i32
    %sign3A_2160 = arith.subi %sign3A_2156, %sign3A_2159 : i32
    %sign3A_2161 = arith.constant 0 : i32
    %sign3A_2162 = arith.cmpi sgt, %jit3A_2152, %sign3A_2161 : i32
    %sign3A_2163 = arith.extui %sign3A_2162 : i1 to i32
    %sign3A_2164 = arith.constant 0 : i32
    %sign3A_2165 = arith.cmpi slt, %jit3A_2152, %sign3A_2164 : i32
    %sign3A_2166 = arith.extui %sign3A_2165 : i1 to i32
    %sign3A_2167 = arith.subi %sign3A_2163, %sign3A_2166 : i32
    %ne3A_2168 = arith.cmpi ne, %sign3A_2160, %sign3A_2167 : i32
    %rem3A_2169 = arith.remsi %min3A_2151, %jit3A_2152 : i32
    %ne3A_2170 = arith.constant 0 : i32
    %ne3A_2171 = arith.cmpi ne, %rem3A_2169, %ne3A_2170 : i32
    %and3A_2172 = arith.andi %ne3A_2168, %ne3A_2171 : i1
    %sub3A_2173 = arith.constant 1 : i32
    %sub3A_2174 = arith.subi %div3A_2153, %sub3A_2173 : i32
    %select_n3A_2175 = arith.select %and3A_2172, %sub3A_2174, %div3A_2153 : i32
    %jit3A_2176 = arith.constant 8 : i32
    %eq3A_2177 = arith.constant 0 : i32
    %eq3A_2178 = arith.cmpi eq, %jit3A_2176, %eq3A_2177 : i32
    %jit3A_2179 = arith.constant 1 : i32
    %select_n3A_2180 = arith.select %eq3A_2178, %jit3A_2179, %jit3A_2176 : i32
    %rem3A_2181 = arith.remsi %min3A_2151, %select_n3A_2180 : i32
    %ne3A_2182 = arith.constant 0 : i32
    %ne3A_2183 = arith.cmpi ne, %rem3A_2181, %ne3A_2182 : i32
    %lt3A_2184 = arith.constant 0 : i32
    %lt3A_2185 = arith.cmpi slt, %rem3A_2181, %lt3A_2184 : i32
    %lt3A_2186 = arith.constant 0 : i32
    %lt3A_2187 = arith.cmpi slt, %select_n3A_2180, %lt3A_2186 : i32
    %ne3A_2188 = arith.xori %lt3A_2185, %lt3A_2187 : i1
    %and3A_2189 = arith.andi %ne3A_2188, %ne3A_2183 : i1
    %add3A_2190 = arith.addi %rem3A_2181, %select_n3A_2180 : i32
    %select_n3A_2191 = arith.select %and3A_2189, %add3A_2190, %rem3A_2181 : i32
    %mul3A_2192 = arith.constant 128 : i32
    %mul3A_2193 = arith.muli %select_n3A_2191, %mul3A_2192 : i32
    %dma_wait3A_2194 = arith.constant 0 : i32
    %dma_wait3A_2195 = tpu.memref_slice %arg3[%select_n3A_2175, %dma_wait3A_2194, %mul3A_2193] : memref<50x1000x1024xf32, #tpu.memory_space<hbm>> -> memref<1x1000x128xf32, #tpu.memory_space<hbm>>
    %dma_wait3A_2196 = tpu.memref_squeeze %dma_wait3A_2195 : memref<1x1000x128xf32, #tpu.memory_space<hbm>> -> memref<1000x128xf32, #tpu.memory_space<hbm>>
    %dma_wait3A_2197 = arith.constant 0 : i32
    %dma_wait3A_2198 = tpu.memref_slice %arg3[%select_n3A_2175, %dma_wait3A_2197, %mul3A_2193] : memref<50x1000x1024xf32, #tpu.memory_space<hbm>> -> memref<1x1000x128xf32, #tpu.memory_space<hbm>>
    %dma_wait3A_2199 = tpu.memref_squeeze %dma_wait3A_2198 : memref<1x1000x128xf32, #tpu.memory_space<hbm>> -> memref<1000x128xf32, #tpu.memory_space<hbm>>
    tpu.wait_dma2 semaphore(%arg6 : memref<!tpu.dma_semaphore, #tpu.memory_space<semaphore_mem>>) src(%arg5 : memref<1000x128xf32, #tpu.memory_space<vmem>>) dst(%dma_wait3A_2199 : memref<1000x128xf32, #tpu.memory_space<hbm>>)
    %get3A_2200 = arith.constant 3 : i32
    %get3A_2201 = arith.index_cast %get3A_2200 : i32 to index
    %get3A_2202 = arith.constant 0 : index
    %get3A_2203 = tpu.vector_load %arg4[%get3A_2201, %get3A_2202] {strides = array<i32>} : memref<13x128xi32, #tpu.memory_space<vmem>>, vector<16xi32>,
    %add3A_2204 = arith.constant 0 : i32
    %add3A_2205 = vector.broadcast %add3A_2204 : i32 to vector<16xi32>
    %add3A_2206 = arith.addi %add3A_2205, %iota3A : vector<16xi32>
    tpu.vector_store_idx %arg5[%get3A_2203, %add3A_2206], %broadcast_in_dim3A_688 : memref<1000x128xf32, #tpu.memory_space<vmem>>[vector<16xi32>, vector<16xi32>], vector<16xf32>,
    %get3A_2207 = arith.constant 3 : i32
    %get3A_2208 = arith.index_cast %get3A_2207 : i32 to index
    %get3A_2209 = arith.constant 16 : index
    %get3A_2210 = tpu.vector_load %arg4[%get3A_2208, %get3A_2209] {strides = array<i32>} : memref<13x128xi32, #tpu.memory_space<vmem>>, vector<16xi32>,
    %add3A_2211 = arith.constant 16 : i32
    %add3A_2212 = vector.broadcast %add3A_2211 : i32 to vector<16xi32>
    %add3A_2213 = arith.addi %add3A_2212, %iota3A : vector<16xi32>
    tpu.vector_store_idx %arg5[%get3A_2210, %add3A_2213], %broadcast_in_dim3A_688 : memref<1000x128xf32, #tpu.memory_space<vmem>>[vector<16xi32>, vector<16xi32>], vector<16xf32>,
    %get3A_2214 = arith.constant 3 : i32
    %get3A_2215 = arith.index_cast %get3A_2214 : i32 to index
    %get3A_2216 = arith.constant 32 : index
    %get3A_2217 = tpu.vector_load %arg4[%get3A_2215, %get3A_2216] {strides = array<i32>} : memref<13x128xi32, #tpu.memory_space<vmem>>, vector<16xi32>,
    %add3A_2218 = arith.constant 32 : i32
    %add3A_2219 = vector.broadcast %add3A_2218 : i32 to vector<16xi32>
    %add3A_2220 = arith.addi %add3A_2219, %iota3A : vector<16xi32>
    tpu.vector_store_idx %arg5[%get3A_2217, %add3A_2220], %broadcast_in_dim3A_688 : memref<1000x128xf32, #tpu.memory_space<vmem>>[vector<16xi32>, vector<16xi32>], vector<16xf32>,
    %get3A_2221 = arith.constant 3 : i32
    %get3A_2222 = arith.index_cast %get3A_2221 : i32 to index
    %get3A_2223 = arith.constant 48 : index
    %get3A_2224 = tpu.vector_load %arg4[%get3A_2222, %get3A_2223] {strides = array<i32>} : memref<13x128xi32, #tpu.memory_space<vmem>>, vector<16xi32>,
    %add3A_2225 = arith.constant 48 : i32
    %add3A_2226 = vector.broadcast %add3A_2225 : i32 to vector<16xi32>
    %add3A_2227 = arith.addi %add3A_2226, %iota3A : vector<16xi32>
    tpu.vector_store_idx %arg5[%get3A_2224, %add3A_2227], %broadcast_in_dim3A_688 : memref<1000x128xf32, #tpu.memory_space<vmem>>[vector<16xi32>, vector<16xi32>], vector<16xf32>,
    %get3A_2228 = arith.constant 3 : i32
    %get3A_2229 = arith.index_cast %get3A_2228 : i32 to index
    %get3A_2230 = arith.constant 64 : index
    %get3A_2231 = tpu.vector_load %arg4[%get3A_2229, %get3A_2230] {strides = array<i32>} : memref<13x128xi32, #tpu.memory_space<vmem>>, vector<16xi32>,
    %add3A_2232 = arith.constant 64 : i32
    %add3A_2233 = vector.broadcast %add3A_2232 : i32 to vector<16xi32>
    %add3A_2234 = arith.addi %add3A_2233, %iota3A : vector<16xi32>
    tpu.vector_store_idx %arg5[%get3A_2231, %add3A_2234], %broadcast_in_dim3A_688 : memref<1000x128xf32, #tpu.memory_space<vmem>>[vector<16xi32>, vector<16xi32>], vector<16xf32>,
    %get3A_2235 = arith.constant 3 : i32
    %get3A_2236 = arith.index_cast %get3A_2235 : i32 to index
    %get3A_2237 = arith.constant 80 : index
    %get3A_2238 = tpu.vector_load %arg4[%get3A_2236, %get3A_2237] {strides = array<i32>} : memref<13x128xi32, #tpu.memory_space<vmem>>, vector<16xi32>,
    %add3A_2239 = arith.constant 80 : i32
    %add3A_2240 = vector.broadcast %add3A_2239 : i32 to vector<16xi32>
    %add3A_2241 = arith.addi %add3A_2240, %iota3A : vector<16xi32>
    tpu.vector_store_idx %arg5[%get3A_2238, %add3A_2241], %broadcast_in_dim3A_688 : memref<1000x128xf32, #tpu.memory_space<vmem>>[vector<16xi32>, vector<16xi32>], vector<16xf32>,
    %get3A_2242 = arith.constant 3 : i32
    %get3A_2243 = arith.index_cast %get3A_2242 : i32 to index
    %get3A_2244 = arith.constant 96 : index
    %get3A_2245 = tpu.vector_load %arg4[%get3A_2243, %get3A_2244] {strides = array<i32>} : memref<13x128xi32, #tpu.memory_space<vmem>>, vector<16xi32>,
    %add3A_2246 = arith.constant 96 : i32
    %add3A_2247 = vector.broadcast %add3A_2246 : i32 to vector<16xi32>
    %add3A_2248 = arith.addi %add3A_2247, %iota3A : vector<16xi32>
    tpu.vector_store_idx %arg5[%get3A_2245, %add3A_2248], %broadcast_in_dim3A_688 : memref<1000x128xf32, #tpu.memory_space<vmem>>[vector<16xi32>, vector<16xi32>], vector<16xf32>,
    %get3A_2249 = arith.constant 3 : i32
    %get3A_2250 = arith.index_cast %get3A_2249 : i32 to index
    %get3A_2251 = arith.constant 112 : index
    %get3A_2252 = tpu.vector_load %arg4[%get3A_2250, %get3A_2251] {strides = array<i32>} : memref<13x128xi32, #tpu.memory_space<vmem>>, vector<16xi32>,
    %add3A_2253 = arith.constant 112 : i32
    %add3A_2254 = vector.broadcast %add3A_2253 : i32 to vector<16xi32>
    %add3A_2255 = arith.addi %add3A_2254, %iota3A : vector<16xi32>
    tpu.vector_store_idx %arg5[%get3A_2252, %add3A_2255], %broadcast_in_dim3A_688 : memref<1000x128xf32, #tpu.memory_space<vmem>>[vector<16xi32>, vector<16xi32>], vector<16xf32>,
    %get3A_2256 = arith.constant 4 : i32
    %get3A_2257 = arith.index_cast %get3A_2256 : i32 to index
    %get3A_2258 = arith.constant 0 : index
    %get3A_2259 = tpu.vector_load %arg4[%get3A_2257, %get3A_2258] {strides = array<i32>} : memref<13x128xi32, #tpu.memory_space<vmem>>, vector<16xi32>,
    %add3A_2260 = arith.constant 0 : i32
    %add3A_2261 = vector.broadcast %add3A_2260 : i32 to vector<16xi32>
    %add3A_2262 = arith.addi %add3A_2261, %iota3A : vector<16xi32>
    tpu.vector_store_idx %arg5[%get3A_2259, %add3A_2262], %broadcast_in_dim3A_1392 : memref<1000x128xf32, #tpu.memory_space<vmem>>[vector<16xi32>, vector<16xi32>], vector<16xf32>,
    %get3A_2263 = arith.constant 4 : i32
    %get3A_2264 = arith.index_cast %get3A_2263 : i32 to index
    %get3A_2265 = arith.constant 16 : index
    %get3A_2266 = tpu.vector_load %arg4[%get3A_2264, %get3A_2265] {strides = array<i32>} : memref<13x128xi32, #tpu.memory_space<vmem>>, vector<16xi32>,
    %add3A_2267 = arith.constant 16 : i32
    %add3A_2268 = vector.broadcast %add3A_2267 : i32 to vector<16xi32>
    %add3A_2269 = arith.addi %add3A_2268, %iota3A : vector<16xi32>
    tpu.vector_store_idx %arg5[%get3A_2266, %add3A_2269], %broadcast_in_dim3A_1392 : memref<1000x128xf32, #tpu.memory_space<vmem>>[vector<16xi32>, vector<16xi32>], vector<16xf32>,
    %get3A_2270 = arith.constant 4 : i32
    %get3A_2271 = arith.index_cast %get3A_2270 : i32 to index
    %get3A_2272 = arith.constant 32 : index
    %get3A_2273 = tpu.vector_load %arg4[%get3A_2271, %get3A_2272] {strides = array<i32>} : memref<13x128xi32, #tpu.memory_space<vmem>>, vector<16xi32>,
    %add3A_2274 = arith.constant 32 : i32
    %add3A_2275 = vector.broadcast %add3A_2274 : i32 to vector<16xi32>
    %add3A_2276 = arith.addi %add3A_2275, %iota3A : vector<16xi32>
    tpu.vector_store_idx %arg5[%get3A_2273, %add3A_2276], %broadcast_in_dim3A_1392 : memref<1000x128xf32, #tpu.memory_space<vmem>>[vector<16xi32>, vector<16xi32>], vector<16xf32>,
    %get3A_2277 = arith.constant 4 : i32
    %get3A_2278 = arith.index_cast %get3A_2277 : i32 to index
    %get3A_2279 = arith.constant 48 : index
    %get3A_2280 = tpu.vector_load %arg4[%get3A_2278, %get3A_2279] {strides = array<i32>} : memref<13x128xi32, #tpu.memory_space<vmem>>, vector<16xi32>,
    %add3A_2281 = arith.constant 48 : i32
    %add3A_2282 = vector.broadcast %add3A_2281 : i32 to vector<16xi32>
    %add3A_2283 = arith.addi %add3A_2282, %iota3A : vector<16xi32>
    tpu.vector_store_idx %arg5[%get3A_2280, %add3A_2283], %broadcast_in_dim3A_1392 : memref<1000x128xf32, #tpu.memory_space<vmem>>[vector<16xi32>, vector<16xi32>], vector<16xf32>,
    %get3A_2284 = arith.constant 4 : i32
    %get3A_2285 = arith.index_cast %get3A_2284 : i32 to index
    %get3A_2286 = arith.constant 64 : index
    %get3A_2287 = tpu.vector_load %arg4[%get3A_2285, %get3A_2286] {strides = array<i32>} : memref<13x128xi32, #tpu.memory_space<vmem>>, vector<16xi32>,
    %add3A_2288 = arith.constant 64 : i32
    %add3A_2289 = vector.broadcast %add3A_2288 : i32 to vector<16xi32>
    %add3A_2290 = arith.addi %add3A_2289, %iota3A : vector<16xi32>
    tpu.vector_store_idx %arg5[%get3A_2287, %add3A_2290], %broadcast_in_dim3A_1392 : memref<1000x128xf32, #tpu.memory_space<vmem>>[vector<16xi32>, vector<16xi32>], vector<16xf32>,
    %get3A_2291 = arith.constant 4 : i32
    %get3A_2292 = arith.index_cast %get3A_2291 : i32 to index
    %get3A_2293 = arith.constant 80 : index
    %get3A_2294 = tpu.vector_load %arg4[%get3A_2292, %get3A_2293] {strides = array<i32>} : memref<13x128xi32, #tpu.memory_space<vmem>>, vector<16xi32>,
    %add3A_2295 = arith.constant 80 : i32
    %add3A_2296 = vector.broadcast %add3A_2295 : i32 to vector<16xi32>
    %add3A_2297 = arith.addi %add3A_2296, %iota3A : vector<16xi32>
    tpu.vector_store_idx %arg5[%get3A_2294, %add3A_2297], %broadcast_in_dim3A_1392 : memref<1000x128xf32, #tpu.memory_space<vmem>>[vector<16xi32>, vector<16xi32>], vector<16xf32>,
    %get3A_2298 = arith.constant 4 : i32
    %get3A_2299 = arith.index_cast %get3A_2298 : i32 to index
    %get3A_2300 = arith.constant 96 : index
    %get3A_2301 = tpu.vector_load %arg4[%get3A_2299, %get3A_2300] {strides = array<i32>} : memref<13x128xi32, #tpu.memory_space<vmem>>, vector<16xi32>,
    %add3A_2302 = arith.constant 96 : i32
    %add3A_2303 = vector.broadcast %add3A_2302 : i32 to vector<16xi32>
    %add3A_2304 = arith.addi %add3A_2303, %iota3A : vector<16xi32>
    tpu.vector_store_idx %arg5[%get3A_2301, %add3A_2304], %broadcast_in_dim3A_1392 : memref<1000x128xf32, #tpu.memory_space<vmem>>[vector<16xi32>, vector<16xi32>], vector<16xf32>,
    %get3A_2305 = arith.constant 4 : i32
    %get3A_2306 = arith.index_cast %get3A_2305 : i32 to index
    %get3A_2307 = arith.constant 112 : index
    %get3A_2308 = tpu.vector_load %arg4[%get3A_2306, %get3A_2307] {strides = array<i32>} : memref<13x128xi32, #tpu.memory_space<vmem>>, vector<16xi32>,
    %add3A_2309 = arith.constant 112 : i32
    %add3A_2310 = vector.broadcast %add3A_2309 : i32 to vector<16xi32>
    %add3A_2311 = arith.addi %add3A_2310, %iota3A : vector<16xi32>
    tpu.vector_store_idx %arg5[%get3A_2308, %add3A_2311], %broadcast_in_dim3A_1392 : memref<1000x128xf32, #tpu.memory_space<vmem>>[vector<16xi32>, vector<16xi32>], vector<16xf32>,
    %add3A_2312 = arith.constant 128 : i32
    %add3A_2313 = arith.addi %add3A, %add3A_2312 : i32
    %min3A_2314 = arith.constant 399 : i32
    %min3A_2315 = arith.minsi %add3A_2313, %min3A_2314 : i32
    %jit3A_2316 = arith.constant 8 : i32
    %div3A_2317 = arith.divsi %min3A_2315, %jit3A_2316 : i32
    %sign3A_2318 = arith.constant 0 : i32
    %sign3A_2319 = arith.cmpi sgt, %min3A_2315, %sign3A_2318 : i32
    %sign3A_2320 = arith.extui %sign3A_2319 : i1 to i32
    %sign3A_2321 = arith.constant 0 : i32
    %sign3A_2322 = arith.cmpi slt, %min3A_2315, %sign3A_2321 : i32
    %sign3A_2323 = arith.extui %sign3A_2322 : i1 to i32
    %sign3A_2324 = arith.subi %sign3A_2320, %sign3A_2323 : i32
    %sign3A_2325 = arith.constant 0 : i32
    %sign3A_2326 = arith.cmpi sgt, %jit3A_2316, %sign3A_2325 : i32
    %sign3A_2327 = arith.extui %sign3A_2326 : i1 to i32
    %sign3A_2328 = arith.constant 0 : i32
    %sign3A_2329 = arith.cmpi slt, %jit3A_2316, %sign3A_2328 : i32
    %sign3A_2330 = arith.extui %sign3A_2329 : i1 to i32
    %sign3A_2331 = arith.subi %sign3A_2327, %sign3A_2330 : i32
    %ne3A_2332 = arith.cmpi ne, %sign3A_2324, %sign3A_2331 : i32
    %rem3A_2333 = arith.remsi %min3A_2315, %jit3A_2316 : i32
    %ne3A_2334 = arith.constant 0 : i32
    %ne3A_2335 = arith.cmpi ne, %rem3A_2333, %ne3A_2334 : i32
    %and3A_2336 = arith.andi %ne3A_2332, %ne3A_2335 : i1
    %sub3A_2337 = arith.constant 1 : i32
    %sub3A_2338 = arith.subi %div3A_2317, %sub3A_2337 : i32
    %select_n3A_2339 = arith.select %and3A_2336, %sub3A_2338, %div3A_2317 : i32
    %jit3A_2340 = arith.constant 8 : i32
    %eq3A_2341 = arith.constant 0 : i32
    %eq3A_2342 = arith.cmpi eq, %jit3A_2340, %eq3A_2341 : i32
    %jit3A_2343 = arith.constant 1 : i32
    %select_n3A_2344 = arith.select %eq3A_2342, %jit3A_2343, %jit3A_2340 : i32
    %rem3A_2345 = arith.remsi %min3A_2315, %select_n3A_2344 : i32
    %ne3A_2346 = arith.constant 0 : i32
    %ne3A_2347 = arith.cmpi ne, %rem3A_2345, %ne3A_2346 : i32
    %lt3A_2348 = arith.constant 0 : i32
    %lt3A_2349 = arith.cmpi slt, %rem3A_2345, %lt3A_2348 : i32
    %lt3A_2350 = arith.constant 0 : i32
    %lt3A_2351 = arith.cmpi slt, %select_n3A_2344, %lt3A_2350 : i32
    %ne3A_2352 = arith.xori %lt3A_2349, %lt3A_2351 : i1
    %and3A_2353 = arith.andi %ne3A_2352, %ne3A_2347 : i1
    %add3A_2354 = arith.addi %rem3A_2345, %select_n3A_2344 : i32
    %select_n3A_2355 = arith.select %and3A_2353, %add3A_2354, %rem3A_2345 : i32
    %mul3A_2356 = arith.constant 128 : i32
    %mul3A_2357 = arith.muli %select_n3A_2355, %mul3A_2356 : i32
    %dma_start3A_2358 = arith.constant 0 : i32
    %dma_start3A_2359 = tpu.memref_slice %arg3[%select_n3A_2339, %dma_start3A_2358, %mul3A_2357] : memref<50x1000x1024xf32, #tpu.memory_space<hbm>> -> memref<1x1000x128xf32, #tpu.memory_space<hbm>>
    %dma_start3A_2360 = tpu.memref_squeeze %dma_start3A_2359 : memref<1x1000x128xf32, #tpu.memory_space<hbm>> -> memref<1000x128xf32, #tpu.memory_space<hbm>>
    %dma_start3A_2361 = arith.constant 0 : i32
    %dma_start3A_2362 = tpu.memref_slice %arg3[%select_n3A_2339, %dma_start3A_2361, %mul3A_2357] : memref<50x1000x1024xf32, #tpu.memory_space<hbm>> -> memref<1x1000x128xf32, #tpu.memory_space<hbm>>
    %dma_start3A_2363 = tpu.memref_squeeze %dma_start3A_2362 : memref<1x1000x128xf32, #tpu.memory_space<hbm>> -> memref<1000x128xf32, #tpu.memory_space<hbm>>
    tpu.enqueue_dma source(%arg5 : memref<1000x128xf32, #tpu.memory_space<vmem>>) target(%dma_start3A_2363 : memref<1000x128xf32, #tpu.memory_space<hbm>>) target_semaphore(%arg6 : memref<!tpu.dma_semaphore, #tpu.memory_space<semaphore_mem>>)
    %add3A_2364 = arith.constant 128 : i32
    %add3A_2365 = arith.addi %add3A, %add3A_2364 : i32
    %min3A_2366 = arith.constant 399 : i32
    %min3A_2367 = arith.minsi %add3A_2365, %min3A_2366 : i32
    %jit3A_2368 = arith.constant 8 : i32
    %div3A_2369 = arith.divsi %min3A_2367, %jit3A_2368 : i32
    %sign3A_2370 = arith.constant 0 : i32
    %sign3A_2371 = arith.cmpi sgt, %min3A_2367, %sign3A_2370 : i32
    %sign3A_2372 = arith.extui %sign3A_2371 : i1 to i32
    %sign3A_2373 = arith.constant 0 : i32
    %sign3A_2374 = arith.cmpi slt, %min3A_2367, %sign3A_2373 : i32
    %sign3A_2375 = arith.extui %sign3A_2374 : i1 to i32
    %sign3A_2376 = arith.subi %sign3A_2372, %sign3A_2375 : i32
    %sign3A_2377 = arith.constant 0 : i32
    %sign3A_2378 = arith.cmpi sgt, %jit3A_2368, %sign3A_2377 : i32
    %sign3A_2379 = arith.extui %sign3A_2378 : i1 to i32
    %sign3A_2380 = arith.constant 0 : i32
    %sign3A_2381 = arith.cmpi slt, %jit3A_2368, %sign3A_2380 : i32
    %sign3A_2382 = arith.extui %sign3A_2381 : i1 to i32
    %sign3A_2383 = arith.subi %sign3A_2379, %sign3A_2382 : i32
    %ne3A_2384 = arith.cmpi ne, %sign3A_2376, %sign3A_2383 : i32
    %rem3A_2385 = arith.remsi %min3A_2367, %jit3A_2368 : i32
    %ne3A_2386 = arith.constant 0 : i32
    %ne3A_2387 = arith.cmpi ne, %rem3A_2385, %ne3A_2386 : i32
    %and3A_2388 = arith.andi %ne3A_2384, %ne3A_2387 : i1
    %sub3A_2389 = arith.constant 1 : i32
    %sub3A_2390 = arith.subi %div3A_2369, %sub3A_2389 : i32
    %select_n3A_2391 = arith.select %and3A_2388, %sub3A_2390, %div3A_2369 : i32
    %jit3A_2392 = arith.constant 8 : i32
    %eq3A_2393 = arith.constant 0 : i32
    %eq3A_2394 = arith.cmpi eq, %jit3A_2392, %eq3A_2393 : i32
    %jit3A_2395 = arith.constant 1 : i32
    %select_n3A_2396 = arith.select %eq3A_2394, %jit3A_2395, %jit3A_2392 : i32
    %rem3A_2397 = arith.remsi %min3A_2367, %select_n3A_2396 : i32
    %ne3A_2398 = arith.constant 0 : i32
    %ne3A_2399 = arith.cmpi ne, %rem3A_2397, %ne3A_2398 : i32
    %lt3A_2400 = arith.constant 0 : i32
    %lt3A_2401 = arith.cmpi slt, %rem3A_2397, %lt3A_2400 : i32
    %lt3A_2402 = arith.constant 0 : i32
    %lt3A_2403 = arith.cmpi slt, %select_n3A_2396, %lt3A_2402 : i32
    %ne3A_2404 = arith.xori %lt3A_2401, %lt3A_2403 : i1
    %and3A_2405 = arith.andi %ne3A_2404, %ne3A_2399 : i1
    %add3A_2406 = arith.addi %rem3A_2397, %select_n3A_2396 : i32
    %select_n3A_2407 = arith.select %and3A_2405, %add3A_2406, %rem3A_2397 : i32
    %mul3A_2408 = arith.constant 128 : i32
    %mul3A_2409 = arith.muli %select_n3A_2407, %mul3A_2408 : i32
    %dma_wait3A_2410 = arith.constant 0 : i32
    %dma_wait3A_2411 = tpu.memref_slice %arg3[%select_n3A_2391, %dma_wait3A_2410, %mul3A_2409] : memref<50x1000x1024xf32, #tpu.memory_space<hbm>> -> memref<1x1000x128xf32, #tpu.memory_space<hbm>>
    %dma_wait3A_2412 = tpu.memref_squeeze %dma_wait3A_2411 : memref<1x1000x128xf32, #tpu.memory_space<hbm>> -> memref<1000x128xf32, #tpu.memory_space<hbm>>
    %dma_wait3A_2413 = arith.constant 0 : i32
    %dma_wait3A_2414 = tpu.memref_slice %arg3[%select_n3A_2391, %dma_wait3A_2413, %mul3A_2409] : memref<50x1000x1024xf32, #tpu.memory_space<hbm>> -> memref<1x1000x128xf32, #tpu.memory_space<hbm>>
    %dma_wait3A_2415 = tpu.memref_squeeze %dma_wait3A_2414 : memref<1x1000x128xf32, #tpu.memory_space<hbm>> -> memref<1000x128xf32, #tpu.memory_space<hbm>>
    tpu.wait_dma2 semaphore(%arg6 : memref<!tpu.dma_semaphore, #tpu.memory_space<semaphore_mem>>) src(%arg5 : memref<1000x128xf32, #tpu.memory_space<vmem>>) dst(%dma_wait3A_2415 : memref<1000x128xf32, #tpu.memory_space<hbm>>)
    %get3A_2416 = arith.constant 4 : i32
    %get3A_2417 = arith.index_cast %get3A_2416 : i32 to index
    %get3A_2418 = arith.constant 0 : index
    %get3A_2419 = tpu.vector_load %arg4[%get3A_2417, %get3A_2418] {strides = array<i32>} : memref<13x128xi32, #tpu.memory_space<vmem>>, vector<16xi32>,
    %add3A_2420 = arith.constant 0 : i32
    %add3A_2421 = vector.broadcast %add3A_2420 : i32 to vector<16xi32>
    %add3A_2422 = arith.addi %add3A_2421, %iota3A : vector<16xi32>
    tpu.vector_store_idx %arg5[%get3A_2419, %add3A_2422], %broadcast_in_dim3A_688 : memref<1000x128xf32, #tpu.memory_space<vmem>>[vector<16xi32>, vector<16xi32>], vector<16xf32>,
    %get3A_2423 = arith.constant 4 : i32
    %get3A_2424 = arith.index_cast %get3A_2423 : i32 to index
    %get3A_2425 = arith.constant 16 : index
    %get3A_2426 = tpu.vector_load %arg4[%get3A_2424, %get3A_2425] {strides = array<i32>} : memref<13x128xi32, #tpu.memory_space<vmem>>, vector<16xi32>,
    %add3A_2427 = arith.constant 16 : i32
    %add3A_2428 = vector.broadcast %add3A_2427 : i32 to vector<16xi32>
    %add3A_2429 = arith.addi %add3A_2428, %iota3A : vector<16xi32>
    tpu.vector_store_idx %arg5[%get3A_2426, %add3A_2429], %broadcast_in_dim3A_688 : memref<1000x128xf32, #tpu.memory_space<vmem>>[vector<16xi32>, vector<16xi32>], vector<16xf32>,
    %get3A_2430 = arith.constant 4 : i32
    %get3A_2431 = arith.index_cast %get3A_2430 : i32 to index
    %get3A_2432 = arith.constant 32 : index
    %get3A_2433 = tpu.vector_load %arg4[%get3A_2431, %get3A_2432] {strides = array<i32>} : memref<13x128xi32, #tpu.memory_space<vmem>>, vector<16xi32>,
    %add3A_2434 = arith.constant 32 : i32
    %add3A_2435 = vector.broadcast %add3A_2434 : i32 to vector<16xi32>
    %add3A_2436 = arith.addi %add3A_2435, %iota3A : vector<16xi32>
    tpu.vector_store_idx %arg5[%get3A_2433, %add3A_2436], %broadcast_in_dim3A_688 : memref<1000x128xf32, #tpu.memory_space<vmem>>[vector<16xi32>, vector<16xi32>], vector<16xf32>,
    %get3A_2437 = arith.constant 4 : i32
    %get3A_2438 = arith.index_cast %get3A_2437 : i32 to index
    %get3A_2439 = arith.constant 48 : index
    %get3A_2440 = tpu.vector_load %arg4[%get3A_2438, %get3A_2439] {strides = array<i32>} : memref<13x128xi32, #tpu.memory_space<vmem>>, vector<16xi32>,
    %add3A_2441 = arith.constant 48 : i32
    %add3A_2442 = vector.broadcast %add3A_2441 : i32 to vector<16xi32>
    %add3A_2443 = arith.addi %add3A_2442, %iota3A : vector<16xi32>
    tpu.vector_store_idx %arg5[%get3A_2440, %add3A_2443], %broadcast_in_dim3A_688 : memref<1000x128xf32, #tpu.memory_space<vmem>>[vector<16xi32>, vector<16xi32>], vector<16xf32>,
    %get3A_2444 = arith.constant 4 : i32
    %get3A_2445 = arith.index_cast %get3A_2444 : i32 to index
    %get3A_2446 = arith.constant 64 : index
    %get3A_2447 = tpu.vector_load %arg4[%get3A_2445, %get3A_2446] {strides = array<i32>} : memref<13x128xi32, #tpu.memory_space<vmem>>, vector<16xi32>,
    %add3A_2448 = arith.constant 64 : i32
    %add3A_2449 = vector.broadcast %add3A_2448 : i32 to vector<16xi32>
    %add3A_2450 = arith.addi %add3A_2449, %iota3A : vector<16xi32>
    tpu.vector_store_idx %arg5[%get3A_2447, %add3A_2450], %broadcast_in_dim3A_688 : memref<1000x128xf32, #tpu.memory_space<vmem>>[vector<16xi32>, vector<16xi32>], vector<16xf32>,
    %get3A_2451 = arith.constant 4 : i32
    %get3A_2452 = arith.index_cast %get3A_2451 : i32 to index
    %get3A_2453 = arith.constant 80 : index
    %get3A_2454 = tpu.vector_load %arg4[%get3A_2452, %get3A_2453] {strides = array<i32>} : memref<13x128xi32, #tpu.memory_space<vmem>>, vector<16xi32>,
    %add3A_2455 = arith.constant 80 : i32
    %add3A_2456 = vector.broadcast %add3A_2455 : i32 to vector<16xi32>
    %add3A_2457 = arith.addi %add3A_2456, %iota3A : vector<16xi32>
    tpu.vector_store_idx %arg5[%get3A_2454, %add3A_2457], %broadcast_in_dim3A_688 : memref<1000x128xf32, #tpu.memory_space<vmem>>[vector<16xi32>, vector<16xi32>], vector<16xf32>,
    %get3A_2458 = arith.constant 4 : i32
    %get3A_2459 = arith.index_cast %get3A_2458 : i32 to index
    %get3A_2460 = arith.constant 96 : index
    %get3A_2461 = tpu.vector_load %arg4[%get3A_2459, %get3A_2460] {strides = array<i32>} : memref<13x128xi32, #tpu.memory_space<vmem>>, vector<16xi32>,
    %add3A_2462 = arith.constant 96 : i32
    %add3A_2463 = vector.broadcast %add3A_2462 : i32 to vector<16xi32>
    %add3A_2464 = arith.addi %add3A_2463, %iota3A : vector<16xi32>
    tpu.vector_store_idx %arg5[%get3A_2461, %add3A_2464], %broadcast_in_dim3A_688 : memref<1000x128xf32, #tpu.memory_space<vmem>>[vector<16xi32>, vector<16xi32>], vector<16xf32>,
    %get3A_2465 = arith.constant 4 : i32
    %get3A_2466 = arith.index_cast %get3A_2465 : i32 to index
    %get3A_2467 = arith.constant 112 : index
    %get3A_2468 = tpu.vector_load %arg4[%get3A_2466, %get3A_2467] {strides = array<i32>} : memref<13x128xi32, #tpu.memory_space<vmem>>, vector<16xi32>,
    %add3A_2469 = arith.constant 112 : i32
    %add3A_2470 = vector.broadcast %add3A_2469 : i32 to vector<16xi32>
    %add3A_2471 = arith.addi %add3A_2470, %iota3A : vector<16xi32>
    tpu.vector_store_idx %arg5[%get3A_2468, %add3A_2471], %broadcast_in_dim3A_688 : memref<1000x128xf32, #tpu.memory_space<vmem>>[vector<16xi32>, vector<16xi32>], vector<16xf32>,
    %get3A_2472 = arith.constant 5 : i32
    %get3A_2473 = arith.index_cast %get3A_2472 : i32 to index
    %get3A_2474 = arith.constant 0 : index
    %get3A_2475 = tpu.vector_load %arg4[%get3A_2473, %get3A_2474] {strides = array<i32>} : memref<13x128xi32, #tpu.memory_space<vmem>>, vector<16xi32>,
    %add3A_2476 = arith.constant 0 : i32
    %add3A_2477 = vector.broadcast %add3A_2476 : i32 to vector<16xi32>
    %add3A_2478 = arith.addi %add3A_2477, %iota3A : vector<16xi32>
    tpu.vector_store_idx %arg5[%get3A_2475, %add3A_2478], %broadcast_in_dim3A_1392 : memref<1000x128xf32, #tpu.memory_space<vmem>>[vector<16xi32>, vector<16xi32>], vector<16xf32>,
    %get3A_2479 = arith.constant 5 : i32
    %get3A_2480 = arith.index_cast %get3A_2479 : i32 to index
    %get3A_2481 = arith.constant 16 : index
    %get3A_2482 = tpu.vector_load %arg4[%get3A_2480, %get3A_2481] {strides = array<i32>} : memref<13x128xi32, #tpu.memory_space<vmem>>, vector<16xi32>,
    %add3A_2483 = arith.constant 16 : i32
    %add3A_2484 = vector.broadcast %add3A_2483 : i32 to vector<16xi32>
    %add3A_2485 = arith.addi %add3A_2484, %iota3A : vector<16xi32>
    tpu.vector_store_idx %arg5[%get3A_2482, %add3A_2485], %broadcast_in_dim3A_1392 : memref<1000x128xf32, #tpu.memory_space<vmem>>[vector<16xi32>, vector<16xi32>], vector<16xf32>,
    %get3A_2486 = arith.constant 5 : i32
    %get3A_2487 = arith.index_cast %get3A_2486 : i32 to index
    %get3A_2488 = arith.constant 32 : index
    %get3A_2489 = tpu.vector_load %arg4[%get3A_2487, %get3A_2488] {strides = array<i32>} : memref<13x128xi32, #tpu.memory_space<vmem>>, vector<16xi32>,
    %add3A_2490 = arith.constant 32 : i32
    %add3A_2491 = vector.broadcast %add3A_2490 : i32 to vector<16xi32>
    %add3A_2492 = arith.addi %add3A_2491, %iota3A : vector<16xi32>
    tpu.vector_store_idx %arg5[%get3A_2489, %add3A_2492], %broadcast_in_dim3A_1392 : memref<1000x128xf32, #tpu.memory_space<vmem>>[vector<16xi32>, vector<16xi32>], vector<16xf32>,
    %get3A_2493 = arith.constant 5 : i32
    %get3A_2494 = arith.index_cast %get3A_2493 : i32 to index
    %get3A_2495 = arith.constant 48 : index
    %get3A_2496 = tpu.vector_load %arg4[%get3A_2494, %get3A_2495] {strides = array<i32>} : memref<13x128xi32, #tpu.memory_space<vmem>>, vector<16xi32>,
    %add3A_2497 = arith.constant 48 : i32
    %add3A_2498 = vector.broadcast %add3A_2497 : i32 to vector<16xi32>
    %add3A_2499 = arith.addi %add3A_2498, %iota3A : vector<16xi32>
    tpu.vector_store_idx %arg5[%get3A_2496, %add3A_2499], %broadcast_in_dim3A_1392 : memref<1000x128xf32, #tpu.memory_space<vmem>>[vector<16xi32>, vector<16xi32>], vector<16xf32>,
    %get3A_2500 = arith.constant 5 : i32
    %get3A_2501 = arith.index_cast %get3A_2500 : i32 to index
    %get3A_2502 = arith.constant 64 : index
    %get3A_2503 = tpu.vector_load %arg4[%get3A_2501, %get3A_2502] {strides = array<i32>} : memref<13x128xi32, #tpu.memory_space<vmem>>, vector<16xi32>,
    %add3A_2504 = arith.constant 64 : i32
    %add3A_2505 = vector.broadcast %add3A_2504 : i32 to vector<16xi32>
    %add3A_2506 = arith.addi %add3A_2505, %iota3A : vector<16xi32>
    tpu.vector_store_idx %arg5[%get3A_2503, %add3A_2506], %broadcast_in_dim3A_1392 : memref<1000x128xf32, #tpu.memory_space<vmem>>[vector<16xi32>, vector<16xi32>], vector<16xf32>,
    %get3A_2507 = arith.constant 5 : i32
    %get3A_2508 = arith.index_cast %get3A_2507 : i32 to index
    %get3A_2509 = arith.constant 80 : index
    %get3A_2510 = tpu.vector_load %arg4[%get3A_2508, %get3A_2509] {strides = array<i32>} : memref<13x128xi32, #tpu.memory_space<vmem>>, vector<16xi32>,
    %add3A_2511 = arith.constant 80 : i32
    %add3A_2512 = vector.broadcast %add3A_2511 : i32 to vector<16xi32>
    %add3A_2513 = arith.addi %add3A_2512, %iota3A : vector<16xi32>
    tpu.vector_store_idx %arg5[%get3A_2510, %add3A_2513], %broadcast_in_dim3A_1392 : memref<1000x128xf32, #tpu.memory_space<vmem>>[vector<16xi32>, vector<16xi32>], vector<16xf32>,
    %get3A_2514 = arith.constant 5 : i32
    %get3A_2515 = arith.index_cast %get3A_2514 : i32 to index
    %get3A_2516 = arith.constant 96 : index
    %get3A_2517 = tpu.vector_load %arg4[%get3A_2515, %get3A_2516] {strides = array<i32>} : memref<13x128xi32, #tpu.memory_space<vmem>>, vector<16xi32>,
    %add3A_2518 = arith.constant 96 : i32
    %add3A_2519 = vector.broadcast %add3A_2518 : i32 to vector<16xi32>
    %add3A_2520 = arith.addi %add3A_2519, %iota3A : vector<16xi32>
    tpu.vector_store_idx %arg5[%get3A_2517, %add3A_2520], %broadcast_in_dim3A_1392 : memref<1000x128xf32, #tpu.memory_space<vmem>>[vector<16xi32>, vector<16xi32>], vector<16xf32>,
    %get3A_2521 = arith.constant 5 : i32
    %get3A_2522 = arith.index_cast %get3A_2521 : i32 to index
    %get3A_2523 = arith.constant 112 : index
    %get3A_2524 = tpu.vector_load %arg4[%get3A_2522, %get3A_2523] {strides = array<i32>} : memref<13x128xi32, #tpu.memory_space<vmem>>, vector<16xi32>,
    %add3A_2525 = arith.constant 112 : i32
    %add3A_2526 = vector.broadcast %add3A_2525 : i32 to vector<16xi32>
    %add3A_2527 = arith.addi %add3A_2526, %iota3A : vector<16xi32>
    tpu.vector_store_idx %arg5[%get3A_2524, %add3A_2527], %broadcast_in_dim3A_1392 : memref<1000x128xf32, #tpu.memory_space<vmem>>[vector<16xi32>, vector<16xi32>], vector<16xf32>,
    %add3A_2528 = arith.constant 160 : i32
    %add3A_2529 = arith.addi %add3A, %add3A_2528 : i32
    %min3A_2530 = arith.constant 399 : i32
    %min3A_2531 = arith.minsi %add3A_2529, %min3A_2530 : i32
    %jit3A_2532 = arith.constant 8 : i32
    %div3A_2533 = arith.divsi %min3A_2531, %jit3A_2532 : i32
    %sign3A_2534 = arith.constant 0 : i32
    %sign3A_2535 = arith.cmpi sgt, %min3A_2531, %sign3A_2534 : i32
    %sign3A_2536 = arith.extui %sign3A_2535 : i1 to i32
    %sign3A_2537 = arith.constant 0 : i32
    %sign3A_2538 = arith.cmpi slt, %min3A_2531, %sign3A_2537 : i32
    %sign3A_2539 = arith.extui %sign3A_2538 : i1 to i32
    %sign3A_2540 = arith.subi %sign3A_2536, %sign3A_2539 : i32
    %sign3A_2541 = arith.constant 0 : i32
    %sign3A_2542 = arith.cmpi sgt, %jit3A_2532, %sign3A_2541 : i32
    %sign3A_2543 = arith.extui %sign3A_2542 : i1 to i32
    %sign3A_2544 = arith.constant 0 : i32
    %sign3A_2545 = arith.cmpi slt, %jit3A_2532, %sign3A_2544 : i32
    %sign3A_2546 = arith.extui %sign3A_2545 : i1 to i32
    %sign3A_2547 = arith.subi %sign3A_2543, %sign3A_2546 : i32
    %ne3A_2548 = arith.cmpi ne, %sign3A_2540, %sign3A_2547 : i32
    %rem3A_2549 = arith.remsi %min3A_2531, %jit3A_2532 : i32
    %ne3A_2550 = arith.constant 0 : i32
    %ne3A_2551 = arith.cmpi ne, %rem3A_2549, %ne3A_2550 : i32
    %and3A_2552 = arith.andi %ne3A_2548, %ne3A_2551 : i1
    %sub3A_2553 = arith.constant 1 : i32
    %sub3A_2554 = arith.subi %div3A_2533, %sub3A_2553 : i32
    %select_n3A_2555 = arith.select %and3A_2552, %sub3A_2554, %div3A_2533 : i32
    %jit3A_2556 = arith.constant 8 : i32
    %eq3A_2557 = arith.constant 0 : i32
    %eq3A_2558 = arith.cmpi eq, %jit3A_2556, %eq3A_2557 : i32
    %jit3A_2559 = arith.constant 1 : i32
    %select_n3A_2560 = arith.select %eq3A_2558, %jit3A_2559, %jit3A_2556 : i32
    %rem3A_2561 = arith.remsi %min3A_2531, %select_n3A_2560 : i32
    %ne3A_2562 = arith.constant 0 : i32
    %ne3A_2563 = arith.cmpi ne, %rem3A_2561, %ne3A_2562 : i32
    %lt3A_2564 = arith.constant 0 : i32
    %lt3A_2565 = arith.cmpi slt, %rem3A_2561, %lt3A_2564 : i32
    %lt3A_2566 = arith.constant 0 : i32
    %lt3A_2567 = arith.cmpi slt, %select_n3A_2560, %lt3A_2566 : i32
    %ne3A_2568 = arith.xori %lt3A_2565, %lt3A_2567 : i1
    %and3A_2569 = arith.andi %ne3A_2568, %ne3A_2563 : i1
    %add3A_2570 = arith.addi %rem3A_2561, %select_n3A_2560 : i32
    %select_n3A_2571 = arith.select %and3A_2569, %add3A_2570, %rem3A_2561 : i32
    %mul3A_2572 = arith.constant 128 : i32
    %mul3A_2573 = arith.muli %select_n3A_2571, %mul3A_2572 : i32
    %dma_start3A_2574 = arith.constant 0 : i32
    %dma_start3A_2575 = tpu.memref_slice %arg3[%select_n3A_2555, %dma_start3A_2574, %mul3A_2573] : memref<50x1000x1024xf32, #tpu.memory_space<hbm>> -> memref<1x1000x128xf32, #tpu.memory_space<hbm>>
    %dma_start3A_2576 = tpu.memref_squeeze %dma_start3A_2575 : memref<1x1000x128xf32, #tpu.memory_space<hbm>> -> memref<1000x128xf32, #tpu.memory_space<hbm>>
    %dma_start3A_2577 = arith.constant 0 : i32
    %dma_start3A_2578 = tpu.memref_slice %arg3[%select_n3A_2555, %dma_start3A_2577, %mul3A_2573] : memref<50x1000x1024xf32, #tpu.memory_space<hbm>> -> memref<1x1000x128xf32, #tpu.memory_space<hbm>>
    %dma_start3A_2579 = tpu.memref_squeeze %dma_start3A_2578 : memref<1x1000x128xf32, #tpu.memory_space<hbm>> -> memref<1000x128xf32, #tpu.memory_space<hbm>>
    tpu.enqueue_dma source(%arg5 : memref<1000x128xf32, #tpu.memory_space<vmem>>) target(%dma_start3A_2579 : memref<1000x128xf32, #tpu.memory_space<hbm>>) target_semaphore(%arg6 : memref<!tpu.dma_semaphore, #tpu.memory_space<semaphore_mem>>)
    %add3A_2580 = arith.constant 160 : i32
    %add3A_2581 = arith.addi %add3A, %add3A_2580 : i32
    %min3A_2582 = arith.constant 399 : i32
    %min3A_2583 = arith.minsi %add3A_2581, %min3A_2582 : i32
    %jit3A_2584 = arith.constant 8 : i32
    %div3A_2585 = arith.divsi %min3A_2583, %jit3A_2584 : i32
    %sign3A_2586 = arith.constant 0 : i32
    %sign3A_2587 = arith.cmpi sgt, %min3A_2583, %sign3A_2586 : i32
    %sign3A_2588 = arith.extui %sign3A_2587 : i1 to i32
    %sign3A_2589 = arith.constant 0 : i32
    %sign3A_2590 = arith.cmpi slt, %min3A_2583, %sign3A_2589 : i32
    %sign3A_2591 = arith.extui %sign3A_2590 : i1 to i32
    %sign3A_2592 = arith.subi %sign3A_2588, %sign3A_2591 : i32
    %sign3A_2593 = arith.constant 0 : i32
    %sign3A_2594 = arith.cmpi sgt, %jit3A_2584, %sign3A_2593 : i32
    %sign3A_2595 = arith.extui %sign3A_2594 : i1 to i32
    %sign3A_2596 = arith.constant 0 : i32
    %sign3A_2597 = arith.cmpi slt, %jit3A_2584, %sign3A_2596 : i32
    %sign3A_2598 = arith.extui %sign3A_2597 : i1 to i32
    %sign3A_2599 = arith.subi %sign3A_2595, %sign3A_2598 : i32
    %ne3A_2600 = arith.cmpi ne, %sign3A_2592, %sign3A_2599 : i32
    %rem3A_2601 = arith.remsi %min3A_2583, %jit3A_2584 : i32
    %ne3A_2602 = arith.constant 0 : i32
    %ne3A_2603 = arith.cmpi ne, %rem3A_2601, %ne3A_2602 : i32
    %and3A_2604 = arith.andi %ne3A_2600, %ne3A_2603 : i1
    %sub3A_2605 = arith.constant 1 : i32
    %sub3A_2606 = arith.subi %div3A_2585, %sub3A_2605 : i32
    %select_n3A_2607 = arith.select %and3A_2604, %sub3A_2606, %div3A_2585 : i32
    %jit3A_2608 = arith.constant 8 : i32
    %eq3A_2609 = arith.constant 0 : i32
    %eq3A_2610 = arith.cmpi eq, %jit3A_2608, %eq3A_2609 : i32
    %jit3A_2611 = arith.constant 1 : i32
    %select_n3A_2612 = arith.select %eq3A_2610, %jit3A_2611, %jit3A_2608 : i32
    %rem3A_2613 = arith.remsi %min3A_2583, %select_n3A_2612 : i32
    %ne3A_2614 = arith.constant 0 : i32
    %ne3A_2615 = arith.cmpi ne, %rem3A_2613, %ne3A_2614 : i32
    %lt3A_2616 = arith.constant 0 : i32
    %lt3A_2617 = arith.cmpi slt, %rem3A_2613, %lt3A_2616 : i32
    %lt3A_2618 = arith.constant 0 : i32
    %lt3A_2619 = arith.cmpi slt, %select_n3A_2612, %lt3A_2618 : i32
    %ne3A_2620 = arith.xori %lt3A_2617, %lt3A_2619 : i1
    %and3A_2621 = arith.andi %ne3A_2620, %ne3A_2615 : i1
    %add3A_2622 = arith.addi %rem3A_2613, %select_n3A_2612 : i32
    %select_n3A_2623 = arith.select %and3A_2621, %add3A_2622, %rem3A_2613 : i32
    %mul3A_2624 = arith.constant 128 : i32
    %mul3A_2625 = arith.muli %select_n3A_2623, %mul3A_2624 : i32
    %dma_wait3A_2626 = arith.constant 0 : i32
    %dma_wait3A_2627 = tpu.memref_slice %arg3[%select_n3A_2607, %dma_wait3A_2626, %mul3A_2625] : memref<50x1000x1024xf32, #tpu.memory_space<hbm>> -> memref<1x1000x128xf32, #tpu.memory_space<hbm>>
    %dma_wait3A_2628 = tpu.memref_squeeze %dma_wait3A_2627 : memref<1x1000x128xf32, #tpu.memory_space<hbm>> -> memref<1000x128xf32, #tpu.memory_space<hbm>>
    %dma_wait3A_2629 = arith.constant 0 : i32
    %dma_wait3A_2630 = tpu.memref_slice %arg3[%select_n3A_2607, %dma_wait3A_2629, %mul3A_2625] : memref<50x1000x1024xf32, #tpu.memory_space<hbm>> -> memref<1x1000x128xf32, #tpu.memory_space<hbm>>
    %dma_wait3A_2631 = tpu.memref_squeeze %dma_wait3A_2630 : memref<1x1000x128xf32, #tpu.memory_space<hbm>> -> memref<1000x128xf32, #tpu.memory_space<hbm>>
    tpu.wait_dma2 semaphore(%arg6 : memref<!tpu.dma_semaphore, #tpu.memory_space<semaphore_mem>>) src(%arg5 : memref<1000x128xf32, #tpu.memory_space<vmem>>) dst(%dma_wait3A_2631 : memref<1000x128xf32, #tpu.memory_space<hbm>>)
    %get3A_2632 = arith.constant 5 : i32
    %get3A_2633 = arith.index_cast %get3A_2632 : i32 to index
    %get3A_2634 = arith.constant 0 : index
    %get3A_2635 = tpu.vector_load %arg4[%get3A_2633, %get3A_2634] {strides = array<i32>} : memref<13x128xi32, #tpu.memory_space<vmem>>, vector<16xi32>,
    %add3A_2636 = arith.constant 0 : i32
    %add3A_2637 = vector.broadcast %add3A_2636 : i32 to vector<16xi32>
    %add3A_2638 = arith.addi %add3A_2637, %iota3A : vector<16xi32>
    tpu.vector_store_idx %arg5[%get3A_2635, %add3A_2638], %broadcast_in_dim3A_688 : memref<1000x128xf32, #tpu.memory_space<vmem>>[vector<16xi32>, vector<16xi32>], vector<16xf32>,
    %get3A_2639 = arith.constant 5 : i32
    %get3A_2640 = arith.index_cast %get3A_2639 : i32 to index
    %get3A_2641 = arith.constant 16 : index
    %get3A_2642 = tpu.vector_load %arg4[%get3A_2640, %get3A_2641] {strides = array<i32>} : memref<13x128xi32, #tpu.memory_space<vmem>>, vector<16xi32>,
    %add3A_2643 = arith.constant 16 : i32
    %add3A_2644 = vector.broadcast %add3A_2643 : i32 to vector<16xi32>
    %add3A_2645 = arith.addi %add3A_2644, %iota3A : vector<16xi32>
    tpu.vector_store_idx %arg5[%get3A_2642, %add3A_2645], %broadcast_in_dim3A_688 : memref<1000x128xf32, #tpu.memory_space<vmem>>[vector<16xi32>, vector<16xi32>], vector<16xf32>,
    %get3A_2646 = arith.constant 5 : i32
    %get3A_2647 = arith.index_cast %get3A_2646 : i32 to index
    %get3A_2648 = arith.constant 32 : index
    %get3A_2649 = tpu.vector_load %arg4[%get3A_2647, %get3A_2648] {strides = array<i32>} : memref<13x128xi32, #tpu.memory_space<vmem>>, vector<16xi32>,
    %add3A_2650 = arith.constant 32 : i32
    %add3A_2651 = vector.broadcast %add3A_2650 : i32 to vector<16xi32>
    %add3A_2652 = arith.addi %add3A_2651, %iota3A : vector<16xi32>
    tpu.vector_store_idx %arg5[%get3A_2649, %add3A_2652], %broadcast_in_dim3A_688 : memref<1000x128xf32, #tpu.memory_space<vmem>>[vector<16xi32>, vector<16xi32>], vector<16xf32>,
    %get3A_2653 = arith.constant 5 : i32
    %get3A_2654 = arith.index_cast %get3A_2653 : i32 to index
    %get3A_2655 = arith.constant 48 : index
    %get3A_2656 = tpu.vector_load %arg4[%get3A_2654, %get3A_2655] {strides = array<i32>} : memref<13x128xi32, #tpu.memory_space<vmem>>, vector<16xi32>,
    %add3A_2657 = arith.constant 48 : i32
    %add3A_2658 = vector.broadcast %add3A_2657 : i32 to vector<16xi32>
    %add3A_2659 = arith.addi %add3A_2658, %iota3A : vector<16xi32>
    tpu.vector_store_idx %arg5[%get3A_2656, %add3A_2659], %broadcast_in_dim3A_688 : memref<1000x128xf32, #tpu.memory_space<vmem>>[vector<16xi32>, vector<16xi32>], vector<16xf32>,
    %get3A_2660 = arith.constant 5 : i32
    %get3A_2661 = arith.index_cast %get3A_2660 : i32 to index
    %get3A_2662 = arith.constant 64 : index
    %get3A_2663 = tpu.vector_load %arg4[%get3A_2661, %get3A_2662] {strides = array<i32>} : memref<13x128xi32, #tpu.memory_space<vmem>>, vector<16xi32>,
    %add3A_2664 = arith.constant 64 : i32
    %add3A_2665 = vector.broadcast %add3A_2664 : i32 to vector<16xi32>
    %add3A_2666 = arith.addi %add3A_2665, %iota3A : vector<16xi32>
    tpu.vector_store_idx %arg5[%get3A_2663, %add3A_2666], %broadcast_in_dim3A_688 : memref<1000x128xf32, #tpu.memory_space<vmem>>[vector<16xi32>, vector<16xi32>], vector<16xf32>,
    %get3A_2667 = arith.constant 5 : i32
    %get3A_2668 = arith.index_cast %get3A_2667 : i32 to index
    %get3A_2669 = arith.constant 80 : index
    %get3A_2670 = tpu.vector_load %arg4[%get3A_2668, %get3A_2669] {strides = array<i32>} : memref<13x128xi32, #tpu.memory_space<vmem>>, vector<16xi32>,
    %add3A_2671 = arith.constant 80 : i32
    %add3A_2672 = vector.broadcast %add3A_2671 : i32 to vector<16xi32>
    %add3A_2673 = arith.addi %add3A_2672, %iota3A : vector<16xi32>
    tpu.vector_store_idx %arg5[%get3A_2670, %add3A_2673], %broadcast_in_dim3A_688 : memref<1000x128xf32, #tpu.memory_space<vmem>>[vector<16xi32>, vector<16xi32>], vector<16xf32>,
    %get3A_2674 = arith.constant 5 : i32
    %get3A_2675 = arith.index_cast %get3A_2674 : i32 to index
    %get3A_2676 = arith.constant 96 : index
    %get3A_2677 = tpu.vector_load %arg4[%get3A_2675, %get3A_2676] {strides = array<i32>} : memref<13x128xi32, #tpu.memory_space<vmem>>, vector<16xi32>,
    %add3A_2678 = arith.constant 96 : i32
    %add3A_2679 = vector.broadcast %add3A_2678 : i32 to vector<16xi32>
    %add3A_2680 = arith.addi %add3A_2679, %iota3A : vector<16xi32>
    tpu.vector_store_idx %arg5[%get3A_2677, %add3A_2680], %broadcast_in_dim3A_688 : memref<1000x128xf32, #tpu.memory_space<vmem>>[vector<16xi32>, vector<16xi32>], vector<16xf32>,
    %get3A_2681 = arith.constant 5 : i32
    %get3A_2682 = arith.index_cast %get3A_2681 : i32 to index
    %get3A_2683 = arith.constant 112 : index
    %get3A_2684 = tpu.vector_load %arg4[%get3A_2682, %get3A_2683] {strides = array<i32>} : memref<13x128xi32, #tpu.memory_space<vmem>>, vector<16xi32>,
    %add3A_2685 = arith.constant 112 : i32
    %add3A_2686 = vector.broadcast %add3A_2685 : i32 to vector<16xi32>
    %add3A_2687 = arith.addi %add3A_2686, %iota3A : vector<16xi32>
    tpu.vector_store_idx %arg5[%get3A_2684, %add3A_2687], %broadcast_in_dim3A_688 : memref<1000x128xf32, #tpu.memory_space<vmem>>[vector<16xi32>, vector<16xi32>], vector<16xf32>,
    %get3A_2688 = arith.constant 6 : i32
    %get3A_2689 = arith.index_cast %get3A_2688 : i32 to index
    %get3A_2690 = arith.constant 0 : index
    %get3A_2691 = tpu.vector_load %arg4[%get3A_2689, %get3A_2690] {strides = array<i32>} : memref<13x128xi32, #tpu.memory_space<vmem>>, vector<16xi32>,
    %add3A_2692 = arith.constant 0 : i32
    %add3A_2693 = vector.broadcast %add3A_2692 : i32 to vector<16xi32>
    %add3A_2694 = arith.addi %add3A_2693, %iota3A : vector<16xi32>
    tpu.vector_store_idx %arg5[%get3A_2691, %add3A_2694], %broadcast_in_dim3A_1392 : memref<1000x128xf32, #tpu.memory_space<vmem>>[vector<16xi32>, vector<16xi32>], vector<16xf32>,
    %get3A_2695 = arith.constant 6 : i32
    %get3A_2696 = arith.index_cast %get3A_2695 : i32 to index
    %get3A_2697 = arith.constant 16 : index
    %get3A_2698 = tpu.vector_load %arg4[%get3A_2696, %get3A_2697] {strides = array<i32>} : memref<13x128xi32, #tpu.memory_space<vmem>>, vector<16xi32>,
    %add3A_2699 = arith.constant 16 : i32
    %add3A_2700 = vector.broadcast %add3A_2699 : i32 to vector<16xi32>
    %add3A_2701 = arith.addi %add3A_2700, %iota3A : vector<16xi32>
    tpu.vector_store_idx %arg5[%get3A_2698, %add3A_2701], %broadcast_in_dim3A_1392 : memref<1000x128xf32, #tpu.memory_space<vmem>>[vector<16xi32>, vector<16xi32>], vector<16xf32>,
    %get3A_2702 = arith.constant 6 : i32
    %get3A_2703 = arith.index_cast %get3A_2702 : i32 to index
    %get3A_2704 = arith.constant 32 : index
    %get3A_2705 = tpu.vector_load %arg4[%get3A_2703, %get3A_2704] {strides = array<i32>} : memref<13x128xi32, #tpu.memory_space<vmem>>, vector<16xi32>,
    %add3A_2706 = arith.constant 32 : i32
    %add3A_2707 = vector.broadcast %add3A_2706 : i32 to vector<16xi32>
    %add3A_2708 = arith.addi %add3A_2707, %iota3A : vector<16xi32>
    tpu.vector_store_idx %arg5[%get3A_2705, %add3A_2708], %broadcast_in_dim3A_1392 : memref<1000x128xf32, #tpu.memory_space<vmem>>[vector<16xi32>, vector<16xi32>], vector<16xf32>,
    %get3A_2709 = arith.constant 6 : i32
    %get3A_2710 = arith.index_cast %get3A_2709 : i32 to index
    %get3A_2711 = arith.constant 48 : index
    %get3A_2712 = tpu.vector_load %arg4[%get3A_2710, %get3A_2711] {strides = array<i32>} : memref<13x128xi32, #tpu.memory_space<vmem>>, vector<16xi32>,
    %add3A_2713 = arith.constant 48 : i32
    %add3A_2714 = vector.broadcast %add3A_2713 : i32 to vector<16xi32>
    %add3A_2715 = arith.addi %add3A_2714, %iota3A : vector<16xi32>
    tpu.vector_store_idx %arg5[%get3A_2712, %add3A_2715], %broadcast_in_dim3A_1392 : memref<1000x128xf32, #tpu.memory_space<vmem>>[vector<16xi32>, vector<16xi32>], vector<16xf32>,
    %get3A_2716 = arith.constant 6 : i32
    %get3A_2717 = arith.index_cast %get3A_2716 : i32 to index
    %get3A_2718 = arith.constant 64 : index
    %get3A_2719 = tpu.vector_load %arg4[%get3A_2717, %get3A_2718] {strides = array<i32>} : memref<13x128xi32, #tpu.memory_space<vmem>>, vector<16xi32>,
    %add3A_2720 = arith.constant 64 : i32
    %add3A_2721 = vector.broadcast %add3A_2720 : i32 to vector<16xi32>
    %add3A_2722 = arith.addi %add3A_2721, %iota3A : vector<16xi32>
    tpu.vector_store_idx %arg5[%get3A_2719, %add3A_2722], %broadcast_in_dim3A_1392 : memref<1000x128xf32, #tpu.memory_space<vmem>>[vector<16xi32>, vector<16xi32>], vector<16xf32>,
    %get3A_2723 = arith.constant 6 : i32
    %get3A_2724 = arith.index_cast %get3A_2723 : i32 to index
    %get3A_2725 = arith.constant 80 : index
    %get3A_2726 = tpu.vector_load %arg4[%get3A_2724, %get3A_2725] {strides = array<i32>} : memref<13x128xi32, #tpu.memory_space<vmem>>, vector<16xi32>,
    %add3A_2727 = arith.constant 80 : i32
    %add3A_2728 = vector.broadcast %add3A_2727 : i32 to vector<16xi32>
    %add3A_2729 = arith.addi %add3A_2728, %iota3A : vector<16xi32>
    tpu.vector_store_idx %arg5[%get3A_2726, %add3A_2729], %broadcast_in_dim3A_1392 : memref<1000x128xf32, #tpu.memory_space<vmem>>[vector<16xi32>, vector<16xi32>], vector<16xf32>,
    %get3A_2730 = arith.constant 6 : i32
    %get3A_2731 = arith.index_cast %get3A_2730 : i32 to index
    %get3A_2732 = arith.constant 96 : index
    %get3A_2733 = tpu.vector_load %arg4[%get3A_2731, %get3A_2732] {strides = array<i32>} : memref<13x128xi32, #tpu.memory_space<vmem>>, vector<16xi32>,
    %add3A_2734 = arith.constant 96 : i32
    %add3A_2735 = vector.broadcast %add3A_2734 : i32 to vector<16xi32>
    %add3A_2736 = arith.addi %add3A_2735, %iota3A : vector<16xi32>
    tpu.vector_store_idx %arg5[%get3A_2733, %add3A_2736], %broadcast_in_dim3A_1392 : memref<1000x128xf32, #tpu.memory_space<vmem>>[vector<16xi32>, vector<16xi32>], vector<16xf32>,
    %get3A_2737 = arith.constant 6 : i32
    %get3A_2738 = arith.index_cast %get3A_2737 : i32 to index
    %get3A_2739 = arith.constant 112 : index
    %get3A_2740 = tpu.vector_load %arg4[%get3A_2738, %get3A_2739] {strides = array<i32>} : memref<13x128xi32, #tpu.memory_space<vmem>>, vector<16xi32>,
    %add3A_2741 = arith.constant 112 : i32
    %add3A_2742 = vector.broadcast %add3A_2741 : i32 to vector<16xi32>
    %add3A_2743 = arith.addi %add3A_2742, %iota3A : vector<16xi32>
    tpu.vector_store_idx %arg5[%get3A_2740, %add3A_2743], %broadcast_in_dim3A_1392 : memref<1000x128xf32, #tpu.memory_space<vmem>>[vector<16xi32>, vector<16xi32>], vector<16xf32>,
    %add3A_2744 = arith.constant 192 : i32
    %add3A_2745 = arith.addi %add3A, %add3A_2744 : i32
    %min3A_2746 = arith.constant 399 : i32
    %min3A_2747 = arith.minsi %add3A_2745, %min3A_2746 : i32
    %jit3A_2748 = arith.constant 8 : i32
    %div3A_2749 = arith.divsi %min3A_2747, %jit3A_2748 : i32
    %sign3A_2750 = arith.constant 0 : i32
    %sign3A_2751 = arith.cmpi sgt, %min3A_2747, %sign3A_2750 : i32
    %sign3A_2752 = arith.extui %sign3A_2751 : i1 to i32
    %sign3A_2753 = arith.constant 0 : i32
    %sign3A_2754 = arith.cmpi slt, %min3A_2747, %sign3A_2753 : i32
    %sign3A_2755 = arith.extui %sign3A_2754 : i1 to i32
    %sign3A_2756 = arith.subi %sign3A_2752, %sign3A_2755 : i32
    %sign3A_2757 = arith.constant 0 : i32
    %sign3A_2758 = arith.cmpi sgt, %jit3A_2748, %sign3A_2757 : i32
    %sign3A_2759 = arith.extui %sign3A_2758 : i1 to i32
    %sign3A_2760 = arith.constant 0 : i32
    %sign3A_2761 = arith.cmpi slt, %jit3A_2748, %sign3A_2760 : i32
    %sign3A_2762 = arith.extui %sign3A_2761 : i1 to i32
    %sign3A_2763 = arith.subi %sign3A_2759, %sign3A_2762 : i32
    %ne3A_2764 = arith.cmpi ne, %sign3A_2756, %sign3A_2763 : i32
    %rem3A_2765 = arith.remsi %min3A_2747, %jit3A_2748 : i32
    %ne3A_2766 = arith.constant 0 : i32
    %ne3A_2767 = arith.cmpi ne, %rem3A_2765, %ne3A_2766 : i32
    %and3A_2768 = arith.andi %ne3A_2764, %ne3A_2767 : i1
    %sub3A_2769 = arith.constant 1 : i32
    %sub3A_2770 = arith.subi %div3A_2749, %sub3A_2769 : i32
    %select_n3A_2771 = arith.select %and3A_2768, %sub3A_2770, %div3A_2749 : i32
    %jit3A_2772 = arith.constant 8 : i32
    %eq3A_2773 = arith.constant 0 : i32
    %eq3A_2774 = arith.cmpi eq, %jit3A_2772, %eq3A_2773 : i32
    %jit3A_2775 = arith.constant 1 : i32
    %select_n3A_2776 = arith.select %eq3A_2774, %jit3A_2775, %jit3A_2772 : i32
    %rem3A_2777 = arith.remsi %min3A_2747, %select_n3A_2776 : i32
    %ne3A_2778 = arith.constant 0 : i32
    %ne3A_2779 = arith.cmpi ne, %rem3A_2777, %ne3A_2778 : i32
    %lt3A_2780 = arith.constant 0 : i32
    %lt3A_2781 = arith.cmpi slt, %rem3A_2777, %lt3A_2780 : i32
    %lt3A_2782 = arith.constant 0 : i32
    %lt3A_2783 = arith.cmpi slt, %select_n3A_2776, %lt3A_2782 : i32
    %ne3A_2784 = arith.xori %lt3A_2781, %lt3A_2783 : i1
    %and3A_2785 = arith.andi %ne3A_2784, %ne3A_2779 : i1
    %add3A_2786 = arith.addi %rem3A_2777, %select_n3A_2776 : i32
    %select_n3A_2787 = arith.select %and3A_2785, %add3A_2786, %rem3A_2777 : i32
    %mul3A_2788 = arith.constant 128 : i32
    %mul3A_2789 = arith.muli %select_n3A_2787, %mul3A_2788 : i32
    %dma_start3A_2790 = arith.constant 0 : i32
    %dma_start3A_2791 = tpu.memref_slice %arg3[%select_n3A_2771, %dma_start3A_2790, %mul3A_2789] : memref<50x1000x1024xf32, #tpu.memory_space<hbm>> -> memref<1x1000x128xf32, #tpu.memory_space<hbm>>
    %dma_start3A_2792 = tpu.memref_squeeze %dma_start3A_2791 : memref<1x1000x128xf32, #tpu.memory_space<hbm>> -> memref<1000x128xf32, #tpu.memory_space<hbm>>
    %dma_start3A_2793 = arith.constant 0 : i32
    %dma_start3A_2794 = tpu.memref_slice %arg3[%select_n3A_2771, %dma_start3A_2793, %mul3A_2789] : memref<50x1000x1024xf32, #tpu.memory_space<hbm>> -> memref<1x1000x128xf32, #tpu.memory_space<hbm>>
    %dma_start3A_2795 = tpu.memref_squeeze %dma_start3A_2794 : memref<1x1000x128xf32, #tpu.memory_space<hbm>> -> memref<1000x128xf32, #tpu.memory_space<hbm>>
    tpu.enqueue_dma source(%arg5 : memref<1000x128xf32, #tpu.memory_space<vmem>>) target(%dma_start3A_2795 : memref<1000x128xf32, #tpu.memory_space<hbm>>) target_semaphore(%arg6 : memref<!tpu.dma_semaphore, #tpu.memory_space<semaphore_mem>>)
    %add3A_2796 = arith.constant 192 : i32
    %add3A_2797 = arith.addi %add3A, %add3A_2796 : i32
    %min3A_2798 = arith.constant 399 : i32
    %min3A_2799 = arith.minsi %add3A_2797, %min3A_2798 : i32
    %jit3A_2800 = arith.constant 8 : i32
    %div3A_2801 = arith.divsi %min3A_2799, %jit3A_2800 : i32
    %sign3A_2802 = arith.constant 0 : i32
    %sign3A_2803 = arith.cmpi sgt, %min3A_2799, %sign3A_2802 : i32
    %sign3A_2804 = arith.extui %sign3A_2803 : i1 to i32
    %sign3A_2805 = arith.constant 0 : i32
    %sign3A_2806 = arith.cmpi slt, %min3A_2799, %sign3A_2805 : i32
    %sign3A_2807 = arith.extui %sign3A_2806 : i1 to i32
    %sign3A_2808 = arith.subi %sign3A_2804, %sign3A_2807 : i32
    %sign3A_2809 = arith.constant 0 : i32
    %sign3A_2810 = arith.cmpi sgt, %jit3A_2800, %sign3A_2809 : i32
    %sign3A_2811 = arith.extui %sign3A_2810 : i1 to i32
    %sign3A_2812 = arith.constant 0 : i32
    %sign3A_2813 = arith.cmpi slt, %jit3A_2800, %sign3A_2812 : i32
    %sign3A_2814 = arith.extui %sign3A_2813 : i1 to i32
    %sign3A_2815 = arith.subi %sign3A_2811, %sign3A_2814 : i32
    %ne3A_2816 = arith.cmpi ne, %sign3A_2808, %sign3A_2815 : i32
    %rem3A_2817 = arith.remsi %min3A_2799, %jit3A_2800 : i32
    %ne3A_2818 = arith.constant 0 : i32
    %ne3A_2819 = arith.cmpi ne, %rem3A_2817, %ne3A_2818 : i32
    %and3A_2820 = arith.andi %ne3A_2816, %ne3A_2819 : i1
    %sub3A_2821 = arith.constant 1 : i32
    %sub3A_2822 = arith.subi %div3A_2801, %sub3A_2821 : i32
    %select_n3A_2823 = arith.select %and3A_2820, %sub3A_2822, %div3A_2801 : i32
    %jit3A_2824 = arith.constant 8 : i32
    %eq3A_2825 = arith.constant 0 : i32
    %eq3A_2826 = arith.cmpi eq, %jit3A_2824, %eq3A_2825 : i32
    %jit3A_2827 = arith.constant 1 : i32
    %select_n3A_2828 = arith.select %eq3A_2826, %jit3A_2827, %jit3A_2824 : i32
    %rem3A_2829 = arith.remsi %min3A_2799, %select_n3A_2828 : i32
    %ne3A_2830 = arith.constant 0 : i32
    %ne3A_2831 = arith.cmpi ne, %rem3A_2829, %ne3A_2830 : i32
    %lt3A_2832 = arith.constant 0 : i32
    %lt3A_2833 = arith.cmpi slt, %rem3A_2829, %lt3A_2832 : i32
    %lt3A_2834 = arith.constant 0 : i32
    %lt3A_2835 = arith.cmpi slt, %select_n3A_2828, %lt3A_2834 : i32
    %ne3A_2836 = arith.xori %lt3A_2833, %lt3A_2835 : i1
    %and3A_2837 = arith.andi %ne3A_2836, %ne3A_2831 : i1
    %add3A_2838 = arith.addi %rem3A_2829, %select_n3A_2828 : i32
    %select_n3A_2839 = arith.select %and3A_2837, %add3A_2838, %rem3A_2829 : i32
    %mul3A_2840 = arith.constant 128 : i32
    %mul3A_2841 = arith.muli %select_n3A_2839, %mul3A_2840 : i32
    %dma_wait3A_2842 = arith.constant 0 : i32
    %dma_wait3A_2843 = tpu.memref_slice %arg3[%select_n3A_2823, %dma_wait3A_2842, %mul3A_2841] : memref<50x1000x1024xf32, #tpu.memory_space<hbm>> -> memref<1x1000x128xf32, #tpu.memory_space<hbm>>
    %dma_wait3A_2844 = tpu.memref_squeeze %dma_wait3A_2843 : memref<1x1000x128xf32, #tpu.memory_space<hbm>> -> memref<1000x128xf32, #tpu.memory_space<hbm>>
    %dma_wait3A_2845 = arith.constant 0 : i32
    %dma_wait3A_2846 = tpu.memref_slice %arg3[%select_n3A_2823, %dma_wait3A_2845, %mul3A_2841] : memref<50x1000x1024xf32, #tpu.memory_space<hbm>> -> memref<1x1000x128xf32, #tpu.memory_space<hbm>>
    %dma_wait3A_2847 = tpu.memref_squeeze %dma_wait3A_2846 : memref<1x1000x128xf32, #tpu.memory_space<hbm>> -> memref<1000x128xf32, #tpu.memory_space<hbm>>
    tpu.wait_dma2 semaphore(%arg6 : memref<!tpu.dma_semaphore, #tpu.memory_space<semaphore_mem>>) src(%arg5 : memref<1000x128xf32, #tpu.memory_space<vmem>>) dst(%dma_wait3A_2847 : memref<1000x128xf32, #tpu.memory_space<hbm>>)
    %get3A_2848 = arith.constant 6 : i32
    %get3A_2849 = arith.index_cast %get3A_2848 : i32 to index
    %get3A_2850 = arith.constant 0 : index
    %get3A_2851 = tpu.vector_load %arg4[%get3A_2849, %get3A_2850] {strides = array<i32>} : memref<13x128xi32, #tpu.memory_space<vmem>>, vector<16xi32>,
    %add3A_2852 = arith.constant 0 : i32
    %add3A_2853 = vector.broadcast %add3A_2852 : i32 to vector<16xi32>
    %add3A_2854 = arith.addi %add3A_2853, %iota3A : vector<16xi32>
    tpu.vector_store_idx %arg5[%get3A_2851, %add3A_2854], %broadcast_in_dim3A_688 : memref<1000x128xf32, #tpu.memory_space<vmem>>[vector<16xi32>, vector<16xi32>], vector<16xf32>,
    %get3A_2855 = arith.constant 6 : i32
    %get3A_2856 = arith.index_cast %get3A_2855 : i32 to index
    %get3A_2857 = arith.constant 16 : index
    %get3A_2858 = tpu.vector_load %arg4[%get3A_2856, %get3A_2857] {strides = array<i32>} : memref<13x128xi32, #tpu.memory_space<vmem>>, vector<16xi32>,
    %add3A_2859 = arith.constant 16 : i32
    %add3A_2860 = vector.broadcast %add3A_2859 : i32 to vector<16xi32>
    %add3A_2861 = arith.addi %add3A_2860, %iota3A : vector<16xi32>
    tpu.vector_store_idx %arg5[%get3A_2858, %add3A_2861], %broadcast_in_dim3A_688 : memref<1000x128xf32, #tpu.memory_space<vmem>>[vector<16xi32>, vector<16xi32>], vector<16xf32>,
    %get3A_2862 = arith.constant 6 : i32
    %get3A_2863 = arith.index_cast %get3A_2862 : i32 to index
    %get3A_2864 = arith.constant 32 : index
    %get3A_2865 = tpu.vector_load %arg4[%get3A_2863, %get3A_2864] {strides = array<i32>} : memref<13x128xi32, #tpu.memory_space<vmem>>, vector<16xi32>,
    %add3A_2866 = arith.constant 32 : i32
    %add3A_2867 = vector.broadcast %add3A_2866 : i32 to vector<16xi32>
    %add3A_2868 = arith.addi %add3A_2867, %iota3A : vector<16xi32>
    tpu.vector_store_idx %arg5[%get3A_2865, %add3A_2868], %broadcast_in_dim3A_688 : memref<1000x128xf32, #tpu.memory_space<vmem>>[vector<16xi32>, vector<16xi32>], vector<16xf32>,
    %get3A_2869 = arith.constant 6 : i32
    %get3A_2870 = arith.index_cast %get3A_2869 : i32 to index
    %get3A_2871 = arith.constant 48 : index
    %get3A_2872 = tpu.vector_load %arg4[%get3A_2870, %get3A_2871] {strides = array<i32>} : memref<13x128xi32, #tpu.memory_space<vmem>>, vector<16xi32>,
    %add3A_2873 = arith.constant 48 : i32
    %add3A_2874 = vector.broadcast %add3A_2873 : i32 to vector<16xi32>
    %add3A_2875 = arith.addi %add3A_2874, %iota3A : vector<16xi32>
    tpu.vector_store_idx %arg5[%get3A_2872, %add3A_2875], %broadcast_in_dim3A_688 : memref<1000x128xf32, #tpu.memory_space<vmem>>[vector<16xi32>, vector<16xi32>], vector<16xf32>,
    %get3A_2876 = arith.constant 6 : i32
    %get3A_2877 = arith.index_cast %get3A_2876 : i32 to index
    %get3A_2878 = arith.constant 64 : index
    %get3A_2879 = tpu.vector_load %arg4[%get3A_2877, %get3A_2878] {strides = array<i32>} : memref<13x128xi32, #tpu.memory_space<vmem>>, vector<16xi32>,
    %add3A_2880 = arith.constant 64 : i32
    %add3A_2881 = vector.broadcast %add3A_2880 : i32 to vector<16xi32>
    %add3A_2882 = arith.addi %add3A_2881, %iota3A : vector<16xi32>
    tpu.vector_store_idx %arg5[%get3A_2879, %add3A_2882], %broadcast_in_dim3A_688 : memref<1000x128xf32, #tpu.memory_space<vmem>>[vector<16xi32>, vector<16xi32>], vector<16xf32>,
    %get3A_2883 = arith.constant 6 : i32
    %get3A_2884 = arith.index_cast %get3A_2883 : i32 to index
    %get3A_2885 = arith.constant 80 : index
    %get3A_2886 = tpu.vector_load %arg4[%get3A_2884, %get3A_2885] {strides = array<i32>} : memref<13x128xi32, #tpu.memory_space<vmem>>, vector<16xi32>,
    %add3A_2887 = arith.constant 80 : i32
    %add3A_2888 = vector.broadcast %add3A_2887 : i32 to vector<16xi32>
    %add3A_2889 = arith.addi %add3A_2888, %iota3A : vector<16xi32>
    tpu.vector_store_idx %arg5[%get3A_2886, %add3A_2889], %broadcast_in_dim3A_688 : memref<1000x128xf32, #tpu.memory_space<vmem>>[vector<16xi32>, vector<16xi32>], vector<16xf32>,
    %get3A_2890 = arith.constant 6 : i32
    %get3A_2891 = arith.index_cast %get3A_2890 : i32 to index
    %get3A_2892 = arith.constant 96 : index
    %get3A_2893 = tpu.vector_load %arg4[%get3A_2891, %get3A_2892] {strides = array<i32>} : memref<13x128xi32, #tpu.memory_space<vmem>>, vector<16xi32>,
    %add3A_2894 = arith.constant 96 : i32
    %add3A_2895 = vector.broadcast %add3A_2894 : i32 to vector<16xi32>
    %add3A_2896 = arith.addi %add3A_2895, %iota3A : vector<16xi32>
    tpu.vector_store_idx %arg5[%get3A_2893, %add3A_2896], %broadcast_in_dim3A_688 : memref<1000x128xf32, #tpu.memory_space<vmem>>[vector<16xi32>, vector<16xi32>], vector<16xf32>,
    %get3A_2897 = arith.constant 6 : i32
    %get3A_2898 = arith.index_cast %get3A_2897 : i32 to index
    %get3A_2899 = arith.constant 112 : index
    %get3A_2900 = tpu.vector_load %arg4[%get3A_2898, %get3A_2899] {strides = array<i32>} : memref<13x128xi32, #tpu.memory_space<vmem>>, vector<16xi32>,
    %add3A_2901 = arith.constant 112 : i32
    %add3A_2902 = vector.broadcast %add3A_2901 : i32 to vector<16xi32>
    %add3A_2903 = arith.addi %add3A_2902, %iota3A : vector<16xi32>
    tpu.vector_store_idx %arg5[%get3A_2900, %add3A_2903], %broadcast_in_dim3A_688 : memref<1000x128xf32, #tpu.memory_space<vmem>>[vector<16xi32>, vector<16xi32>], vector<16xf32>,
    %get3A_2904 = arith.constant 7 : i32
    %get3A_2905 = arith.index_cast %get3A_2904 : i32 to index
    %get3A_2906 = arith.constant 0 : index
    %get3A_2907 = tpu.vector_load %arg4[%get3A_2905, %get3A_2906] {strides = array<i32>} : memref<13x128xi32, #tpu.memory_space<vmem>>, vector<16xi32>,
    %add3A_2908 = arith.constant 0 : i32
    %add3A_2909 = vector.broadcast %add3A_2908 : i32 to vector<16xi32>
    %add3A_2910 = arith.addi %add3A_2909, %iota3A : vector<16xi32>
    tpu.vector_store_idx %arg5[%get3A_2907, %add3A_2910], %broadcast_in_dim3A_1392 : memref<1000x128xf32, #tpu.memory_space<vmem>>[vector<16xi32>, vector<16xi32>], vector<16xf32>,
    %get3A_2911 = arith.constant 7 : i32
    %get3A_2912 = arith.index_cast %get3A_2911 : i32 to index
    %get3A_2913 = arith.constant 16 : index
    %get3A_2914 = tpu.vector_load %arg4[%get3A_2912, %get3A_2913] {strides = array<i32>} : memref<13x128xi32, #tpu.memory_space<vmem>>, vector<16xi32>,
    %add3A_2915 = arith.constant 16 : i32
    %add3A_2916 = vector.broadcast %add3A_2915 : i32 to vector<16xi32>
    %add3A_2917 = arith.addi %add3A_2916, %iota3A : vector<16xi32>
    tpu.vector_store_idx %arg5[%get3A_2914, %add3A_2917], %broadcast_in_dim3A_1392 : memref<1000x128xf32, #tpu.memory_space<vmem>>[vector<16xi32>, vector<16xi32>], vector<16xf32>,
    %get3A_2918 = arith.constant 7 : i32
    %get3A_2919 = arith.index_cast %get3A_2918 : i32 to index
    %get3A_2920 = arith.constant 32 : index
    %get3A_2921 = tpu.vector_load %arg4[%get3A_2919, %get3A_2920] {strides = array<i32>} : memref<13x128xi32, #tpu.memory_space<vmem>>, vector<16xi32>,
    %add3A_2922 = arith.constant 32 : i32
    %add3A_2923 = vector.broadcast %add3A_2922 : i32 to vector<16xi32>
    %add3A_2924 = arith.addi %add3A_2923, %iota3A : vector<16xi32>
    tpu.vector_store_idx %arg5[%get3A_2921, %add3A_2924], %broadcast_in_dim3A_1392 : memref<1000x128xf32, #tpu.memory_space<vmem>>[vector<16xi32>, vector<16xi32>], vector<16xf32>,
    %get3A_2925 = arith.constant 7 : i32
    %get3A_2926 = arith.index_cast %get3A_2925 : i32 to index
    %get3A_2927 = arith.constant 48 : index
    %get3A_2928 = tpu.vector_load %arg4[%get3A_2926, %get3A_2927] {strides = array<i32>} : memref<13x128xi32, #tpu.memory_space<vmem>>, vector<16xi32>,
    %add3A_2929 = arith.constant 48 : i32
    %add3A_2930 = vector.broadcast %add3A_2929 : i32 to vector<16xi32>
    %add3A_2931 = arith.addi %add3A_2930, %iota3A : vector<16xi32>
    tpu.vector_store_idx %arg5[%get3A_2928, %add3A_2931], %broadcast_in_dim3A_1392 : memref<1000x128xf32, #tpu.memory_space<vmem>>[vector<16xi32>, vector<16xi32>], vector<16xf32>,
    %get3A_2932 = arith.constant 7 : i32
    %get3A_2933 = arith.index_cast %get3A_2932 : i32 to index
    %get3A_2934 = arith.constant 64 : index
    %get3A_2935 = tpu.vector_load %arg4[%get3A_2933, %get3A_2934] {strides = array<i32>} : memref<13x128xi32, #tpu.memory_space<vmem>>, vector<16xi32>,
    %add3A_2936 = arith.constant 64 : i32
    %add3A_2937 = vector.broadcast %add3A_2936 : i32 to vector<16xi32>
    %add3A_2938 = arith.addi %add3A_2937, %iota3A : vector<16xi32>
    tpu.vector_store_idx %arg5[%get3A_2935, %add3A_2938], %broadcast_in_dim3A_1392 : memref<1000x128xf32, #tpu.memory_space<vmem>>[vector<16xi32>, vector<16xi32>], vector<16xf32>,
    %get3A_2939 = arith.constant 7 : i32
    %get3A_2940 = arith.index_cast %get3A_2939 : i32 to index
    %get3A_2941 = arith.constant 80 : index
    %get3A_2942 = tpu.vector_load %arg4[%get3A_2940, %get3A_2941] {strides = array<i32>} : memref<13x128xi32, #tpu.memory_space<vmem>>, vector<16xi32>,
    %add3A_2943 = arith.constant 80 : i32
    %add3A_2944 = vector.broadcast %add3A_2943 : i32 to vector<16xi32>
    %add3A_2945 = arith.addi %add3A_2944, %iota3A : vector<16xi32>
    tpu.vector_store_idx %arg5[%get3A_2942, %add3A_2945], %broadcast_in_dim3A_1392 : memref<1000x128xf32, #tpu.memory_space<vmem>>[vector<16xi32>, vector<16xi32>], vector<16xf32>,
    %get3A_2946 = arith.constant 7 : i32
    %get3A_2947 = arith.index_cast %get3A_2946 : i32 to index
    %get3A_2948 = arith.constant 96 : index
    %get3A_2949 = tpu.vector_load %arg4[%get3A_2947, %get3A_2948] {strides = array<i32>} : memref<13x128xi32, #tpu.memory_space<vmem>>, vector<16xi32>,
    %add3A_2950 = arith.constant 96 : i32
    %add3A_2951 = vector.broadcast %add3A_2950 : i32 to vector<16xi32>
    %add3A_2952 = arith.addi %add3A_2951, %iota3A : vector<16xi32>
    tpu.vector_store_idx %arg5[%get3A_2949, %add3A_2952], %broadcast_in_dim3A_1392 : memref<1000x128xf32, #tpu.memory_space<vmem>>[vector<16xi32>, vector<16xi32>], vector<16xf32>,
    %get3A_2953 = arith.constant 7 : i32
    %get3A_2954 = arith.index_cast %get3A_2953 : i32 to index
    %get3A_2955 = arith.constant 112 : index
    %get3A_2956 = tpu.vector_load %arg4[%get3A_2954, %get3A_2955] {strides = array<i32>} : memref<13x128xi32, #tpu.memory_space<vmem>>, vector<16xi32>,
    %add3A_2957 = arith.constant 112 : i32
    %add3A_2958 = vector.broadcast %add3A_2957 : i32 to vector<16xi32>
    %add3A_2959 = arith.addi %add3A_2958, %iota3A : vector<16xi32>
    tpu.vector_store_idx %arg5[%get3A_2956, %add3A_2959], %broadcast_in_dim3A_1392 : memref<1000x128xf32, #tpu.memory_space<vmem>>[vector<16xi32>, vector<16xi32>], vector<16xf32>,
    %add3A_2960 = arith.constant 224 : i32
    %add3A_2961 = arith.addi %add3A, %add3A_2960 : i32
    %min3A_2962 = arith.constant 399 : i32
    %min3A_2963 = arith.minsi %add3A_2961, %min3A_2962 : i32
    %jit3A_2964 = arith.constant 8 : i32
    %div3A_2965 = arith.divsi %min3A_2963, %jit3A_2964 : i32
    %sign3A_2966 = arith.constant 0 : i32
    %sign3A_2967 = arith.cmpi sgt, %min3A_2963, %sign3A_2966 : i32
    %sign3A_2968 = arith.extui %sign3A_2967 : i1 to i32
    %sign3A_2969 = arith.constant 0 : i32
    %sign3A_2970 = arith.cmpi slt, %min3A_2963, %sign3A_2969 : i32
    %sign3A_2971 = arith.extui %sign3A_2970 : i1 to i32
    %sign3A_2972 = arith.subi %sign3A_2968, %sign3A_2971 : i32
    %sign3A_2973 = arith.constant 0 : i32
    %sign3A_2974 = arith.cmpi sgt, %jit3A_2964, %sign3A_2973 : i32
    %sign3A_2975 = arith.extui %sign3A_2974 : i1 to i32
    %sign3A_2976 = arith.constant 0 : i32
    %sign3A_2977 = arith.cmpi slt, %jit3A_2964, %sign3A_2976 : i32
    %sign3A_2978 = arith.extui %sign3A_2977 : i1 to i32
    %sign3A_2979 = arith.subi %sign3A_2975, %sign3A_2978 : i32
    %ne3A_2980 = arith.cmpi ne, %sign3A_2972, %sign3A_2979 : i32
    %rem3A_2981 = arith.remsi %min3A_2963, %jit3A_2964 : i32
    %ne3A_2982 = arith.constant 0 : i32
    %ne3A_2983 = arith.cmpi ne, %rem3A_2981, %ne3A_2982 : i32
    %and3A_2984 = arith.andi %ne3A_2980, %ne3A_2983 : i1
    %sub3A_2985 = arith.constant 1 : i32
    %sub3A_2986 = arith.subi %div3A_2965, %sub3A_2985 : i32
    %select_n3A_2987 = arith.select %and3A_2984, %sub3A_2986, %div3A_2965 : i32
    %jit3A_2988 = arith.constant 8 : i32
    %eq3A_2989 = arith.constant 0 : i32
    %eq3A_2990 = arith.cmpi eq, %jit3A_2988, %eq3A_2989 : i32
    %jit3A_2991 = arith.constant 1 : i32
    %select_n3A_2992 = arith.select %eq3A_2990, %jit3A_2991, %jit3A_2988 : i32
    %rem3A_2993 = arith.remsi %min3A_2963, %select_n3A_2992 : i32
    %ne3A_2994 = arith.constant 0 : i32
    %ne3A_2995 = arith.cmpi ne, %rem3A_2993, %ne3A_2994 : i32
    %lt3A_2996 = arith.constant 0 : i32
    %lt3A_2997 = arith.cmpi slt, %rem3A_2993, %lt3A_2996 : i32
    %lt3A_2998 = arith.constant 0 : i32
    %lt3A_2999 = arith.cmpi slt, %select_n3A_2992, %lt3A_2998 : i32
    %ne3A_3000 = arith.xori %lt3A_2997, %lt3A_2999 : i1
    %and3A_3001 = arith.andi %ne3A_3000, %ne3A_2995 : i1
    %add3A_3002 = arith.addi %rem3A_2993, %select_n3A_2992 : i32
    %select_n3A_3003 = arith.select %and3A_3001, %add3A_3002, %rem3A_2993 : i32
    %mul3A_3004 = arith.constant 128 : i32
    %mul3A_3005 = arith.muli %select_n3A_3003, %mul3A_3004 : i32
    %dma_start3A_3006 = arith.constant 0 : i32
    %dma_start3A_3007 = tpu.memref_slice %arg3[%select_n3A_2987, %dma_start3A_3006, %mul3A_3005] : memref<50x1000x1024xf32, #tpu.memory_space<hbm>> -> memref<1x1000x128xf32, #tpu.memory_space<hbm>>
    %dma_start3A_3008 = tpu.memref_squeeze %dma_start3A_3007 : memref<1x1000x128xf32, #tpu.memory_space<hbm>> -> memref<1000x128xf32, #tpu.memory_space<hbm>>
    %dma_start3A_3009 = arith.constant 0 : i32
    %dma_start3A_3010 = tpu.memref_slice %arg3[%select_n3A_2987, %dma_start3A_3009, %mul3A_3005] : memref<50x1000x1024xf32, #tpu.memory_space<hbm>> -> memref<1x1000x128xf32, #tpu.memory_space<hbm>>
    %dma_start3A_3011 = tpu.memref_squeeze %dma_start3A_3010 : memref<1x1000x128xf32, #tpu.memory_space<hbm>> -> memref<1000x128xf32, #tpu.memory_space<hbm>>
    tpu.enqueue_dma source(%arg5 : memref<1000x128xf32, #tpu.memory_space<vmem>>) target(%dma_start3A_3011 : memref<1000x128xf32, #tpu.memory_space<hbm>>) target_semaphore(%arg6 : memref<!tpu.dma_semaphore, #tpu.memory_space<semaphore_mem>>)
    %add3A_3012 = arith.constant 224 : i32
    %add3A_3013 = arith.addi %add3A, %add3A_3012 : i32
    %min3A_3014 = arith.constant 399 : i32
    %min3A_3015 = arith.minsi %add3A_3013, %min3A_3014 : i32
    %jit3A_3016 = arith.constant 8 : i32
    %div3A_3017 = arith.divsi %min3A_3015, %jit3A_3016 : i32
    %sign3A_3018 = arith.constant 0 : i32
    %sign3A_3019 = arith.cmpi sgt, %min3A_3015, %sign3A_3018 : i32
    %sign3A_3020 = arith.extui %sign3A_3019 : i1 to i32
    %sign3A_3021 = arith.constant 0 : i32
    %sign3A_3022 = arith.cmpi slt, %min3A_3015, %sign3A_3021 : i32
    %sign3A_3023 = arith.extui %sign3A_3022 : i1 to i32
    %sign3A_3024 = arith.subi %sign3A_3020, %sign3A_3023 : i32
    %sign3A_3025 = arith.constant 0 : i32
    %sign3A_3026 = arith.cmpi sgt, %jit3A_3016, %sign3A_3025 : i32
    %sign3A_3027 = arith.extui %sign3A_3026 : i1 to i32
    %sign3A_3028 = arith.constant 0 : i32
    %sign3A_3029 = arith.cmpi slt, %jit3A_3016, %sign3A_3028 : i32
    %sign3A_3030 = arith.extui %sign3A_3029 : i1 to i32
    %sign3A_3031 = arith.subi %sign3A_3027, %sign3A_3030 : i32
    %ne3A_3032 = arith.cmpi ne, %sign3A_3024, %sign3A_3031 : i32
    %rem3A_3033 = arith.remsi %min3A_3015, %jit3A_3016 : i32
    %ne3A_3034 = arith.constant 0 : i32
    %ne3A_3035 = arith.cmpi ne, %rem3A_3033, %ne3A_3034 : i32
    %and3A_3036 = arith.andi %ne3A_3032, %ne3A_3035 : i1
    %sub3A_3037 = arith.constant 1 : i32
    %sub3A_3038 = arith.subi %div3A_3017, %sub3A_3037 : i32
    %select_n3A_3039 = arith.select %and3A_3036, %sub3A_3038, %div3A_3017 : i32
    %jit3A_3040 = arith.constant 8 : i32
    %eq3A_3041 = arith.constant 0 : i32
    %eq3A_3042 = arith.cmpi eq, %jit3A_3040, %eq3A_3041 : i32
    %jit3A_3043 = arith.constant 1 : i32
    %select_n3A_3044 = arith.select %eq3A_3042, %jit3A_3043, %jit3A_3040 : i32
    %rem3A_3045 = arith.remsi %min3A_3015, %select_n3A_3044 : i32
    %ne3A_3046 = arith.constant 0 : i32
    %ne3A_3047 = arith.cmpi ne, %rem3A_3045, %ne3A_3046 : i32
    %lt3A_3048 = arith.constant 0 : i32
    %lt3A_3049 = arith.cmpi slt, %rem3A_3045, %lt3A_3048 : i32
    %lt3A_3050 = arith.constant 0 : i32
    %lt3A_3051 = arith.cmpi slt, %select_n3A_3044, %lt3A_3050 : i32
    %ne3A_3052 = arith.xori %lt3A_3049, %lt3A_3051 : i1
    %and3A_3053 = arith.andi %ne3A_3052, %ne3A_3047 : i1
    %add3A_3054 = arith.addi %rem3A_3045, %select_n3A_3044 : i32
    %select_n3A_3055 = arith.select %and3A_3053, %add3A_3054, %rem3A_3045 : i32
    %mul3A_3056 = arith.constant 128 : i32
    %mul3A_3057 = arith.muli %select_n3A_3055, %mul3A_3056 : i32
    %dma_wait3A_3058 = arith.constant 0 : i32
    %dma_wait3A_3059 = tpu.memref_slice %arg3[%select_n3A_3039, %dma_wait3A_3058, %mul3A_3057] : memref<50x1000x1024xf32, #tpu.memory_space<hbm>> -> memref<1x1000x128xf32, #tpu.memory_space<hbm>>
    %dma_wait3A_3060 = tpu.memref_squeeze %dma_wait3A_3059 : memref<1x1000x128xf32, #tpu.memory_space<hbm>> -> memref<1000x128xf32, #tpu.memory_space<hbm>>
    %dma_wait3A_3061 = arith.constant 0 : i32
    %dma_wait3A_3062 = tpu.memref_slice %arg3[%select_n3A_3039, %dma_wait3A_3061, %mul3A_3057] : memref<50x1000x1024xf32, #tpu.memory_space<hbm>> -> memref<1x1000x128xf32, #tpu.memory_space<hbm>>
    %dma_wait3A_3063 = tpu.memref_squeeze %dma_wait3A_3062 : memref<1x1000x128xf32, #tpu.memory_space<hbm>> -> memref<1000x128xf32, #tpu.memory_space<hbm>>
    tpu.wait_dma2 semaphore(%arg6 : memref<!tpu.dma_semaphore, #tpu.memory_space<semaphore_mem>>) src(%arg5 : memref<1000x128xf32, #tpu.memory_space<vmem>>) dst(%dma_wait3A_3063 : memref<1000x128xf32, #tpu.memory_space<hbm>>)
    %get3A_3064 = arith.constant 7 : i32
    %get3A_3065 = arith.index_cast %get3A_3064 : i32 to index
    %get3A_3066 = arith.constant 0 : index
    %get3A_3067 = tpu.vector_load %arg4[%get3A_3065, %get3A_3066] {strides = array<i32>} : memref<13x128xi32, #tpu.memory_space<vmem>>, vector<16xi32>,
    %add3A_3068 = arith.constant 0 : i32
    %add3A_3069 = vector.broadcast %add3A_3068 : i32 to vector<16xi32>
    %add3A_3070 = arith.addi %add3A_3069, %iota3A : vector<16xi32>
    tpu.vector_store_idx %arg5[%get3A_3067, %add3A_3070], %broadcast_in_dim3A_688 : memref<1000x128xf32, #tpu.memory_space<vmem>>[vector<16xi32>, vector<16xi32>], vector<16xf32>,
    %get3A_3071 = arith.constant 7 : i32
    %get3A_3072 = arith.index_cast %get3A_3071 : i32 to index
    %get3A_3073 = arith.constant 16 : index
    %get3A_3074 = tpu.vector_load %arg4[%get3A_3072, %get3A_3073] {strides = array<i32>} : memref<13x128xi32, #tpu.memory_space<vmem>>, vector<16xi32>,
    %add3A_3075 = arith.constant 16 : i32
    %add3A_3076 = vector.broadcast %add3A_3075 : i32 to vector<16xi32>
    %add3A_3077 = arith.addi %add3A_3076, %iota3A : vector<16xi32>
    tpu.vector_store_idx %arg5[%get3A_3074, %add3A_3077], %broadcast_in_dim3A_688 : memref<1000x128xf32, #tpu.memory_space<vmem>>[vector<16xi32>, vector<16xi32>], vector<16xf32>,
    %get3A_3078 = arith.constant 7 : i32
    %get3A_3079 = arith.index_cast %get3A_3078 : i32 to index
    %get3A_3080 = arith.constant 32 : index
    %get3A_3081 = tpu.vector_load %arg4[%get3A_3079, %get3A_3080] {strides = array<i32>} : memref<13x128xi32, #tpu.memory_space<vmem>>, vector<16xi32>,
    %add3A_3082 = arith.constant 32 : i32
    %add3A_3083 = vector.broadcast %add3A_3082 : i32 to vector<16xi32>
    %add3A_3084 = arith.addi %add3A_3083, %iota3A : vector<16xi32>
    tpu.vector_store_idx %arg5[%get3A_3081, %add3A_3084], %broadcast_in_dim3A_688 : memref<1000x128xf32, #tpu.memory_space<vmem>>[vector<16xi32>, vector<16xi32>], vector<16xf32>,
    %get3A_3085 = arith.constant 7 : i32
    %get3A_3086 = arith.index_cast %get3A_3085 : i32 to index
    %get3A_3087 = arith.constant 48 : index
    %get3A_3088 = tpu.vector_load %arg4[%get3A_3086, %get3A_3087] {strides = array<i32>} : memref<13x128xi32, #tpu.memory_space<vmem>>, vector<16xi32>,
    %add3A_3089 = arith.constant 48 : i32
    %add3A_3090 = vector.broadcast %add3A_3089 : i32 to vector<16xi32>
    %add3A_3091 = arith.addi %add3A_3090, %iota3A : vector<16xi32>
    tpu.vector_store_idx %arg5[%get3A_3088, %add3A_3091], %broadcast_in_dim3A_688 : memref<1000x128xf32, #tpu.memory_space<vmem>>[vector<16xi32>, vector<16xi32>], vector<16xf32>,
    %get3A_3092 = arith.constant 7 : i32
    %get3A_3093 = arith.index_cast %get3A_3092 : i32 to index
    %get3A_3094 = arith.constant 64 : index
    %get3A_3095 = tpu.vector_load %arg4[%get3A_3093, %get3A_3094] {strides = array<i32>} : memref<13x128xi32, #tpu.memory_space<vmem>>, vector<16xi32>,
    %add3A_3096 = arith.constant 64 : i32
    %add3A_3097 = vector.broadcast %add3A_3096 : i32 to vector<16xi32>
    %add3A_3098 = arith.addi %add3A_3097, %iota3A : vector<16xi32>
    tpu.vector_store_idx %arg5[%get3A_3095, %add3A_3098], %broadcast_in_dim3A_688 : memref<1000x128xf32, #tpu.memory_space<vmem>>[vector<16xi32>, vector<16xi32>], vector<16xf32>,
    %get3A_3099 = arith.constant 7 : i32
    %get3A_3100 = arith.index_cast %get3A_3099 : i32 to index
    %get3A_3101 = arith.constant 80 : index
    %get3A_3102 = tpu.vector_load %arg4[%get3A_3100, %get3A_3101] {strides = array<i32>} : memref<13x128xi32, #tpu.memory_space<vmem>>, vector<16xi32>,
    %add3A_3103 = arith.constant 80 : i32
    %add3A_3104 = vector.broadcast %add3A_3103 : i32 to vector<16xi32>
    %add3A_3105 = arith.addi %add3A_3104, %iota3A : vector<16xi32>
    tpu.vector_store_idx %arg5[%get3A_3102, %add3A_3105], %broadcast_in_dim3A_688 : memref<1000x128xf32, #tpu.memory_space<vmem>>[vector<16xi32>, vector<16xi32>], vector<16xf32>,
    %get3A_3106 = arith.constant 7 : i32
    %get3A_3107 = arith.index_cast %get3A_3106 : i32 to index
    %get3A_3108 = arith.constant 96 : index
    %get3A_3109 = tpu.vector_load %arg4[%get3A_3107, %get3A_3108] {strides = array<i32>} : memref<13x128xi32, #tpu.memory_space<vmem>>, vector<16xi32>,
    %add3A_3110 = arith.constant 96 : i32
    %add3A_3111 = vector.broadcast %add3A_3110 : i32 to vector<16xi32>
    %add3A_3112 = arith.addi %add3A_3111, %iota3A : vector<16xi32>
    tpu.vector_store_idx %arg5[%get3A_3109, %add3A_3112], %broadcast_in_dim3A_688 : memref<1000x128xf32, #tpu.memory_space<vmem>>[vector<16xi32>, vector<16xi32>], vector<16xf32>,
    %get3A_3113 = arith.constant 7 : i32
    %get3A_3114 = arith.index_cast %get3A_3113 : i32 to index
    %get3A_3115 = arith.constant 112 : index
    %get3A_3116 = tpu.vector_load %arg4[%get3A_3114, %get3A_3115] {strides = array<i32>} : memref<13x128xi32, #tpu.memory_space<vmem>>, vector<16xi32>,
    %add3A_3117 = arith.constant 112 : i32
    %add3A_3118 = vector.broadcast %add3A_3117 : i32 to vector<16xi32>
    %add3A_3119 = arith.addi %add3A_3118, %iota3A : vector<16xi32>
    tpu.vector_store_idx %arg5[%get3A_3116, %add3A_3119], %broadcast_in_dim3A_688 : memref<1000x128xf32, #tpu.memory_space<vmem>>[vector<16xi32>, vector<16xi32>], vector<16xf32>,
    %get3A_3120 = arith.constant 8 : i32
    %get3A_3121 = arith.index_cast %get3A_3120 : i32 to index
    %get3A_3122 = arith.constant 0 : index
    %get3A_3123 = tpu.vector_load %arg4[%get3A_3121, %get3A_3122] {strides = array<i32>} : memref<13x128xi32, #tpu.memory_space<vmem>>, vector<16xi32>,
    %add3A_3124 = arith.constant 0 : i32
    %add3A_3125 = vector.broadcast %add3A_3124 : i32 to vector<16xi32>
    %add3A_3126 = arith.addi %add3A_3125, %iota3A : vector<16xi32>
    tpu.vector_store_idx %arg5[%get3A_3123, %add3A_3126], %broadcast_in_dim3A_1392 : memref<1000x128xf32, #tpu.memory_space<vmem>>[vector<16xi32>, vector<16xi32>], vector<16xf32>,
    %get3A_3127 = arith.constant 8 : i32
    %get3A_3128 = arith.index_cast %get3A_3127 : i32 to index
    %get3A_3129 = arith.constant 16 : index
    %get3A_3130 = tpu.vector_load %arg4[%get3A_3128, %get3A_3129] {strides = array<i32>} : memref<13x128xi32, #tpu.memory_space<vmem>>, vector<16xi32>,
    %add3A_3131 = arith.constant 16 : i32
    %add3A_3132 = vector.broadcast %add3A_3131 : i32 to vector<16xi32>
    %add3A_3133 = arith.addi %add3A_3132, %iota3A : vector<16xi32>
    tpu.vector_store_idx %arg5[%get3A_3130, %add3A_3133], %broadcast_in_dim3A_1392 : memref<1000x128xf32, #tpu.memory_space<vmem>>[vector<16xi32>, vector<16xi32>], vector<16xf32>,
    %get3A_3134 = arith.constant 8 : i32
    %get3A_3135 = arith.index_cast %get3A_3134 : i32 to index
    %get3A_3136 = arith.constant 32 : index
    %get3A_3137 = tpu.vector_load %arg4[%get3A_3135, %get3A_3136] {strides = array<i32>} : memref<13x128xi32, #tpu.memory_space<vmem>>, vector<16xi32>,
    %add3A_3138 = arith.constant 32 : i32
    %add3A_3139 = vector.broadcast %add3A_3138 : i32 to vector<16xi32>
    %add3A_3140 = arith.addi %add3A_3139, %iota3A : vector<16xi32>
    tpu.vector_store_idx %arg5[%get3A_3137, %add3A_3140], %broadcast_in_dim3A_1392 : memref<1000x128xf32, #tpu.memory_space<vmem>>[vector<16xi32>, vector<16xi32>], vector<16xf32>,
    %get3A_3141 = arith.constant 8 : i32
    %get3A_3142 = arith.index_cast %get3A_3141 : i32 to index
    %get3A_3143 = arith.constant 48 : index
    %get3A_3144 = tpu.vector_load %arg4[%get3A_3142, %get3A_3143] {strides = array<i32>} : memref<13x128xi32, #tpu.memory_space<vmem>>, vector<16xi32>,
    %add3A_3145 = arith.constant 48 : i32
    %add3A_3146 = vector.broadcast %add3A_3145 : i32 to vector<16xi32>
    %add3A_3147 = arith.addi %add3A_3146, %iota3A : vector<16xi32>
    tpu.vector_store_idx %arg5[%get3A_3144, %add3A_3147], %broadcast_in_dim3A_1392 : memref<1000x128xf32, #tpu.memory_space<vmem>>[vector<16xi32>, vector<16xi32>], vector<16xf32>,
    %get3A_3148 = arith.constant 8 : i32
    %get3A_3149 = arith.index_cast %get3A_3148 : i32 to index
    %get3A_3150 = arith.constant 64 : index
    %get3A_3151 = tpu.vector_load %arg4[%get3A_3149, %get3A_3150] {strides = array<i32>} : memref<13x128xi32, #tpu.memory_space<vmem>>, vector<16xi32>,
    %add3A_3152 = arith.constant 64 : i32
    %add3A_3153 = vector.broadcast %add3A_3152 : i32 to vector<16xi32>
    %add3A_3154 = arith.addi %add3A_3153, %iota3A : vector<16xi32>
    tpu.vector_store_idx %arg5[%get3A_3151, %add3A_3154], %broadcast_in_dim3A_1392 : memref<1000x128xf32, #tpu.memory_space<vmem>>[vector<16xi32>, vector<16xi32>], vector<16xf32>,
    %get3A_3155 = arith.constant 8 : i32
    %get3A_3156 = arith.index_cast %get3A_3155 : i32 to index
    %get3A_3157 = arith.constant 80 : index
    %get3A_3158 = tpu.vector_load %arg4[%get3A_3156, %get3A_3157] {strides = array<i32>} : memref<13x128xi32, #tpu.memory_space<vmem>>, vector<16xi32>,
    %add3A_3159 = arith.constant 80 : i32
    %add3A_3160 = vector.broadcast %add3A_3159 : i32 to vector<16xi32>
    %add3A_3161 = arith.addi %add3A_3160, %iota3A : vector<16xi32>
    tpu.vector_store_idx %arg5[%get3A_3158, %add3A_3161], %broadcast_in_dim3A_1392 : memref<1000x128xf32, #tpu.memory_space<vmem>>[vector<16xi32>, vector<16xi32>], vector<16xf32>,
    %get3A_3162 = arith.constant 8 : i32
    %get3A_3163 = arith.index_cast %get3A_3162 : i32 to index
    %get3A_3164 = arith.constant 96 : index
    %get3A_3165 = tpu.vector_load %arg4[%get3A_3163, %get3A_3164] {strides = array<i32>} : memref<13x128xi32, #tpu.memory_space<vmem>>, vector<16xi32>,
    %add3A_3166 = arith.constant 96 : i32
    %add3A_3167 = vector.broadcast %add3A_3166 : i32 to vector<16xi32>
    %add3A_3168 = arith.addi %add3A_3167, %iota3A : vector<16xi32>
    tpu.vector_store_idx %arg5[%get3A_3165, %add3A_3168], %broadcast_in_dim3A_1392 : memref<1000x128xf32, #tpu.memory_space<vmem>>[vector<16xi32>, vector<16xi32>], vector<16xf32>,
    %get3A_3169 = arith.constant 8 : i32
    %get3A_3170 = arith.index_cast %get3A_3169 : i32 to index
    %get3A_3171 = arith.constant 112 : index
    %get3A_3172 = tpu.vector_load %arg4[%get3A_3170, %get3A_3171] {strides = array<i32>} : memref<13x128xi32, #tpu.memory_space<vmem>>, vector<16xi32>,
    %add3A_3173 = arith.constant 112 : i32
    %add3A_3174 = vector.broadcast %add3A_3173 : i32 to vector<16xi32>
    %add3A_3175 = arith.addi %add3A_3174, %iota3A : vector<16xi32>
    tpu.vector_store_idx %arg5[%get3A_3172, %add3A_3175], %broadcast_in_dim3A_1392 : memref<1000x128xf32, #tpu.memory_space<vmem>>[vector<16xi32>, vector<16xi32>], vector<16xf32>,
    %add3A_3176 = arith.constant 256 : i32
    %add3A_3177 = arith.addi %add3A, %add3A_3176 : i32
    %min3A_3178 = arith.constant 399 : i32
    %min3A_3179 = arith.minsi %add3A_3177, %min3A_3178 : i32
    %jit3A_3180 = arith.constant 8 : i32
    %div3A_3181 = arith.divsi %min3A_3179, %jit3A_3180 : i32
    %sign3A_3182 = arith.constant 0 : i32
    %sign3A_3183 = arith.cmpi sgt, %min3A_3179, %sign3A_3182 : i32
    %sign3A_3184 = arith.extui %sign3A_3183 : i1 to i32
    %sign3A_3185 = arith.constant 0 : i32
    %sign3A_3186 = arith.cmpi slt, %min3A_3179, %sign3A_3185 : i32
    %sign3A_3187 = arith.extui %sign3A_3186 : i1 to i32
    %sign3A_3188 = arith.subi %sign3A_3184, %sign3A_3187 : i32
    %sign3A_3189 = arith.constant 0 : i32
    %sign3A_3190 = arith.cmpi sgt, %jit3A_3180, %sign3A_3189 : i32
    %sign3A_3191 = arith.extui %sign3A_3190 : i1 to i32
    %sign3A_3192 = arith.constant 0 : i32
    %sign3A_3193 = arith.cmpi slt, %jit3A_3180, %sign3A_3192 : i32
    %sign3A_3194 = arith.extui %sign3A_3193 : i1 to i32
    %sign3A_3195 = arith.subi %sign3A_3191, %sign3A_3194 : i32
    %ne3A_3196 = arith.cmpi ne, %sign3A_3188, %sign3A_3195 : i32
    %rem3A_3197 = arith.remsi %min3A_3179, %jit3A_3180 : i32
    %ne3A_3198 = arith.constant 0 : i32
    %ne3A_3199 = arith.cmpi ne, %rem3A_3197, %ne3A_3198 : i32
    %and3A_3200 = arith.andi %ne3A_3196, %ne3A_3199 : i1
    %sub3A_3201 = arith.constant 1 : i32
    %sub3A_3202 = arith.subi %div3A_3181, %sub3A_3201 : i32
    %select_n3A_3203 = arith.select %and3A_3200, %sub3A_3202, %div3A_3181 : i32
    %jit3A_3204 = arith.constant 8 : i32
    %eq3A_3205 = arith.constant 0 : i32
    %eq3A_3206 = arith.cmpi eq, %jit3A_3204, %eq3A_3205 : i32
    %jit3A_3207 = arith.constant 1 : i32
    %select_n3A_3208 = arith.select %eq3A_3206, %jit3A_3207, %jit3A_3204 : i32
    %rem3A_3209 = arith.remsi %min3A_3179, %select_n3A_3208 : i32
    %ne3A_3210 = arith.constant 0 : i32
    %ne3A_3211 = arith.cmpi ne, %rem3A_3209, %ne3A_3210 : i32
    %lt3A_3212 = arith.constant 0 : i32
    %lt3A_3213 = arith.cmpi slt, %rem3A_3209, %lt3A_3212 : i32
    %lt3A_3214 = arith.constant 0 : i32
    %lt3A_3215 = arith.cmpi slt, %select_n3A_3208, %lt3A_3214 : i32
    %ne3A_3216 = arith.xori %lt3A_3213, %lt3A_3215 : i1
    %and3A_3217 = arith.andi %ne3A_3216, %ne3A_3211 : i1
    %add3A_3218 = arith.addi %rem3A_3209, %select_n3A_3208 : i32
    %select_n3A_3219 = arith.select %and3A_3217, %add3A_3218, %rem3A_3209 : i32
    %mul3A_3220 = arith.constant 128 : i32
    %mul3A_3221 = arith.muli %select_n3A_3219, %mul3A_3220 : i32
    %dma_start3A_3222 = arith.constant 0 : i32
    %dma_start3A_3223 = tpu.memref_slice %arg3[%select_n3A_3203, %dma_start3A_3222, %mul3A_3221] : memref<50x1000x1024xf32, #tpu.memory_space<hbm>> -> memref<1x1000x128xf32, #tpu.memory_space<hbm>>
    %dma_start3A_3224 = tpu.memref_squeeze %dma_start3A_3223 : memref<1x1000x128xf32, #tpu.memory_space<hbm>> -> memref<1000x128xf32, #tpu.memory_space<hbm>>
    %dma_start3A_3225 = arith.constant 0 : i32
    %dma_start3A_3226 = tpu.memref_slice %arg3[%select_n3A_3203, %dma_start3A_3225, %mul3A_3221] : memref<50x1000x1024xf32, #tpu.memory_space<hbm>> -> memref<1x1000x128xf32, #tpu.memory_space<hbm>>
    %dma_start3A_3227 = tpu.memref_squeeze %dma_start3A_3226 : memref<1x1000x128xf32, #tpu.memory_space<hbm>> -> memref<1000x128xf32, #tpu.memory_space<hbm>>
    tpu.enqueue_dma source(%arg5 : memref<1000x128xf32, #tpu.memory_space<vmem>>) target(%dma_start3A_3227 : memref<1000x128xf32, #tpu.memory_space<hbm>>) target_semaphore(%arg6 : memref<!tpu.dma_semaphore, #tpu.memory_space<semaphore_mem>>)
    %add3A_3228 = arith.constant 256 : i32
    %add3A_3229 = arith.addi %add3A, %add3A_3228 : i32
    %min3A_3230 = arith.constant 399 : i32
    %min3A_3231 = arith.minsi %add3A_3229, %min3A_3230 : i32
    %jit3A_3232 = arith.constant 8 : i32
    %div3A_3233 = arith.divsi %min3A_3231, %jit3A_3232 : i32
    %sign3A_3234 = arith.constant 0 : i32
    %sign3A_3235 = arith.cmpi sgt, %min3A_3231, %sign3A_3234 : i32
    %sign3A_3236 = arith.extui %sign3A_3235 : i1 to i32
    %sign3A_3237 = arith.constant 0 : i32
    %sign3A_3238 = arith.cmpi slt, %min3A_3231, %sign3A_3237 : i32
    %sign3A_3239 = arith.extui %sign3A_3238 : i1 to i32
    %sign3A_3240 = arith.subi %sign3A_3236, %sign3A_3239 : i32
    %sign3A_3241 = arith.constant 0 : i32
    %sign3A_3242 = arith.cmpi sgt, %jit3A_3232, %sign3A_3241 : i32
    %sign3A_3243 = arith.extui %sign3A_3242 : i1 to i32
    %sign3A_3244 = arith.constant 0 : i32
    %sign3A_3245 = arith.cmpi slt, %jit3A_3232, %sign3A_3244 : i32
    %sign3A_3246 = arith.extui %sign3A_3245 : i1 to i32
    %sign3A_3247 = arith.subi %sign3A_3243, %sign3A_3246 : i32
    %ne3A_3248 = arith.cmpi ne, %sign3A_3240, %sign3A_3247 : i32
    %rem3A_3249 = arith.remsi %min3A_3231, %jit3A_3232 : i32
    %ne3A_3250 = arith.constant 0 : i32
    %ne3A_3251 = arith.cmpi ne, %rem3A_3249, %ne3A_3250 : i32
    %and3A_3252 = arith.andi %ne3A_3248, %ne3A_3251 : i1
    %sub3A_3253 = arith.constant 1 : i32
    %sub3A_3254 = arith.subi %div3A_3233, %sub3A_3253 : i32
    %select_n3A_3255 = arith.select %and3A_3252, %sub3A_3254, %div3A_3233 : i32
    %jit3A_3256 = arith.constant 8 : i32
    %eq3A_3257 = arith.constant 0 : i32
    %eq3A_3258 = arith.cmpi eq, %jit3A_3256, %eq3A_3257 : i32
    %jit3A_3259 = arith.constant 1 : i32
    %select_n3A_3260 = arith.select %eq3A_3258, %jit3A_3259, %jit3A_3256 : i32
    %rem3A_3261 = arith.remsi %min3A_3231, %select_n3A_3260 : i32
    %ne3A_3262 = arith.constant 0 : i32
    %ne3A_3263 = arith.cmpi ne, %rem3A_3261, %ne3A_3262 : i32
    %lt3A_3264 = arith.constant 0 : i32
    %lt3A_3265 = arith.cmpi slt, %rem3A_3261, %lt3A_3264 : i32
    %lt3A_3266 = arith.constant 0 : i32
    %lt3A_3267 = arith.cmpi slt, %select_n3A_3260, %lt3A_3266 : i32
    %ne3A_3268 = arith.xori %lt3A_3265, %lt3A_3267 : i1
    %and3A_3269 = arith.andi %ne3A_3268, %ne3A_3263 : i1
    %add3A_3270 = arith.addi %rem3A_3261, %select_n3A_3260 : i32
    %select_n3A_3271 = arith.select %and3A_3269, %add3A_3270, %rem3A_3261 : i32
    %mul3A_3272 = arith.constant 128 : i32
    %mul3A_3273 = arith.muli %select_n3A_3271, %mul3A_3272 : i32
    %dma_wait3A_3274 = arith.constant 0 : i32
    %dma_wait3A_3275 = tpu.memref_slice %arg3[%select_n3A_3255, %dma_wait3A_3274, %mul3A_3273] : memref<50x1000x1024xf32, #tpu.memory_space<hbm>> -> memref<1x1000x128xf32, #tpu.memory_space<hbm>>
    %dma_wait3A_3276 = tpu.memref_squeeze %dma_wait3A_3275 : memref<1x1000x128xf32, #tpu.memory_space<hbm>> -> memref<1000x128xf32, #tpu.memory_space<hbm>>
    %dma_wait3A_3277 = arith.constant 0 : i32
    %dma_wait3A_3278 = tpu.memref_slice %arg3[%select_n3A_3255, %dma_wait3A_3277, %mul3A_3273] : memref<50x1000x1024xf32, #tpu.memory_space<hbm>> -> memref<1x1000x128xf32, #tpu.memory_space<hbm>>
    %dma_wait3A_3279 = tpu.memref_squeeze %dma_wait3A_3278 : memref<1x1000x128xf32, #tpu.memory_space<hbm>> -> memref<1000x128xf32, #tpu.memory_space<hbm>>
    tpu.wait_dma2 semaphore(%arg6 : memref<!tpu.dma_semaphore, #tpu.memory_space<semaphore_mem>>) src(%arg5 : memref<1000x128xf32, #tpu.memory_space<vmem>>) dst(%dma_wait3A_3279 : memref<1000x128xf32, #tpu.memory_space<hbm>>)
    %get3A_3280 = arith.constant 8 : i32
    %get3A_3281 = arith.index_cast %get3A_3280 : i32 to index
    %get3A_3282 = arith.constant 0 : index
    %get3A_3283 = tpu.vector_load %arg4[%get3A_3281, %get3A_3282] {strides = array<i32>} : memref<13x128xi32, #tpu.memory_space<vmem>>, vector<16xi32>,
    %add3A_3284 = arith.constant 0 : i32
    %add3A_3285 = vector.broadcast %add3A_3284 : i32 to vector<16xi32>
    %add3A_3286 = arith.addi %add3A_3285, %iota3A : vector<16xi32>
    tpu.vector_store_idx %arg5[%get3A_3283, %add3A_3286], %broadcast_in_dim3A_688 : memref<1000x128xf32, #tpu.memory_space<vmem>>[vector<16xi32>, vector<16xi32>], vector<16xf32>,
    %get3A_3287 = arith.constant 8 : i32
    %get3A_3288 = arith.index_cast %get3A_3287 : i32 to index
    %get3A_3289 = arith.constant 16 : index
    %get3A_3290 = tpu.vector_load %arg4[%get3A_3288, %get3A_3289] {strides = array<i32>} : memref<13x128xi32, #tpu.memory_space<vmem>>, vector<16xi32>,
    %add3A_3291 = arith.constant 16 : i32
    %add3A_3292 = vector.broadcast %add3A_3291 : i32 to vector<16xi32>
    %add3A_3293 = arith.addi %add3A_3292, %iota3A : vector<16xi32>
    tpu.vector_store_idx %arg5[%get3A_3290, %add3A_3293], %broadcast_in_dim3A_688 : memref<1000x128xf32, #tpu.memory_space<vmem>>[vector<16xi32>, vector<16xi32>], vector<16xf32>,
    %get3A_3294 = arith.constant 8 : i32
    %get3A_3295 = arith.index_cast %get3A_3294 : i32 to index
    %get3A_3296 = arith.constant 32 : index
    %get3A_3297 = tpu.vector_load %arg4[%get3A_3295, %get3A_3296] {strides = array<i32>} : memref<13x128xi32, #tpu.memory_space<vmem>>, vector<16xi32>,
    %add3A_3298 = arith.constant 32 : i32
    %add3A_3299 = vector.broadcast %add3A_3298 : i32 to vector<16xi32>
    %add3A_3300 = arith.addi %add3A_3299, %iota3A : vector<16xi32>
    tpu.vector_store_idx %arg5[%get3A_3297, %add3A_3300], %broadcast_in_dim3A_688 : memref<1000x128xf32, #tpu.memory_space<vmem>>[vector<16xi32>, vector<16xi32>], vector<16xf32>,
    %get3A_3301 = arith.constant 8 : i32
    %get3A_3302 = arith.index_cast %get3A_3301 : i32 to index
    %get3A_3303 = arith.constant 48 : index
    %get3A_3304 = tpu.vector_load %arg4[%get3A_3302, %get3A_3303] {strides = array<i32>} : memref<13x128xi32, #tpu.memory_space<vmem>>, vector<16xi32>,
    %add3A_3305 = arith.constant 48 : i32
    %add3A_3306 = vector.broadcast %add3A_3305 : i32 to vector<16xi32>
    %add3A_3307 = arith.addi %add3A_3306, %iota3A : vector<16xi32>
    tpu.vector_store_idx %arg5[%get3A_3304, %add3A_3307], %broadcast_in_dim3A_688 : memref<1000x128xf32, #tpu.memory_space<vmem>>[vector<16xi32>, vector<16xi32>], vector<16xf32>,
    %get3A_3308 = arith.constant 8 : i32
    %get3A_3309 = arith.index_cast %get3A_3308 : i32 to index
    %get3A_3310 = arith.constant 64 : index
    %get3A_3311 = tpu.vector_load %arg4[%get3A_3309, %get3A_3310] {strides = array<i32>} : memref<13x128xi32, #tpu.memory_space<vmem>>, vector<16xi32>,
    %add3A_3312 = arith.constant 64 : i32
    %add3A_3313 = vector.broadcast %add3A_3312 : i32 to vector<16xi32>
    %add3A_3314 = arith.addi %add3A_3313, %iota3A : vector<16xi32>
    tpu.vector_store_idx %arg5[%get3A_3311, %add3A_3314], %broadcast_in_dim3A_688 : memref<1000x128xf32, #tpu.memory_space<vmem>>[vector<16xi32>, vector<16xi32>], vector<16xf32>,
    %get3A_3315 = arith.constant 8 : i32
    %get3A_3316 = arith.index_cast %get3A_3315 : i32 to index
    %get3A_3317 = arith.constant 80 : index
    %get3A_3318 = tpu.vector_load %arg4[%get3A_3316, %get3A_3317] {strides = array<i32>} : memref<13x128xi32, #tpu.memory_space<vmem>>, vector<16xi32>,
    %add3A_3319 = arith.constant 80 : i32
    %add3A_3320 = vector.broadcast %add3A_3319 : i32 to vector<16xi32>
    %add3A_3321 = arith.addi %add3A_3320, %iota3A : vector<16xi32>
    tpu.vector_store_idx %arg5[%get3A_3318, %add3A_3321], %broadcast_in_dim3A_688 : memref<1000x128xf32, #tpu.memory_space<vmem>>[vector<16xi32>, vector<16xi32>], vector<16xf32>,
    %get3A_3322 = arith.constant 8 : i32
    %get3A_3323 = arith.index_cast %get3A_3322 : i32 to index
    %get3A_3324 = arith.constant 96 : index
    %get3A_3325 = tpu.vector_load %arg4[%get3A_3323, %get3A_3324] {strides = array<i32>} : memref<13x128xi32, #tpu.memory_space<vmem>>, vector<16xi32>,
    %add3A_3326 = arith.constant 96 : i32
    %add3A_3327 = vector.broadcast %add3A_3326 : i32 to vector<16xi32>
    %add3A_3328 = arith.addi %add3A_3327, %iota3A : vector<16xi32>
    tpu.vector_store_idx %arg5[%get3A_3325, %add3A_3328], %broadcast_in_dim3A_688 : memref<1000x128xf32, #tpu.memory_space<vmem>>[vector<16xi32>, vector<16xi32>], vector<16xf32>,
    %get3A_3329 = arith.constant 8 : i32
    %get3A_3330 = arith.index_cast %get3A_3329 : i32 to index
    %get3A_3331 = arith.constant 112 : index
    %get3A_3332 = tpu.vector_load %arg4[%get3A_3330, %get3A_3331] {strides = array<i32>} : memref<13x128xi32, #tpu.memory_space<vmem>>, vector<16xi32>,
    %add3A_3333 = arith.constant 112 : i32
    %add3A_3334 = vector.broadcast %add3A_3333 : i32 to vector<16xi32>
    %add3A_3335 = arith.addi %add3A_3334, %iota3A : vector<16xi32>
    tpu.vector_store_idx %arg5[%get3A_3332, %add3A_3335], %broadcast_in_dim3A_688 : memref<1000x128xf32, #tpu.memory_space<vmem>>[vector<16xi32>, vector<16xi32>], vector<16xf32>,
    %get3A_3336 = arith.constant 9 : i32
    %get3A_3337 = arith.index_cast %get3A_3336 : i32 to index
    %get3A_3338 = arith.constant 0 : index
    %get3A_3339 = tpu.vector_load %arg4[%get3A_3337, %get3A_3338] {strides = array<i32>} : memref<13x128xi32, #tpu.memory_space<vmem>>, vector<16xi32>,
    %add3A_3340 = arith.constant 0 : i32
    %add3A_3341 = vector.broadcast %add3A_3340 : i32 to vector<16xi32>
    %add3A_3342 = arith.addi %add3A_3341, %iota3A : vector<16xi32>
    tpu.vector_store_idx %arg5[%get3A_3339, %add3A_3342], %broadcast_in_dim3A_1392 : memref<1000x128xf32, #tpu.memory_space<vmem>>[vector<16xi32>, vector<16xi32>], vector<16xf32>,
    %get3A_3343 = arith.constant 9 : i32
    %get3A_3344 = arith.index_cast %get3A_3343 : i32 to index
    %get3A_3345 = arith.constant 16 : index
    %get3A_3346 = tpu.vector_load %arg4[%get3A_3344, %get3A_3345] {strides = array<i32>} : memref<13x128xi32, #tpu.memory_space<vmem>>, vector<16xi32>,
    %add3A_3347 = arith.constant 16 : i32
    %add3A_3348 = vector.broadcast %add3A_3347 : i32 to vector<16xi32>
    %add3A_3349 = arith.addi %add3A_3348, %iota3A : vector<16xi32>
    tpu.vector_store_idx %arg5[%get3A_3346, %add3A_3349], %broadcast_in_dim3A_1392 : memref<1000x128xf32, #tpu.memory_space<vmem>>[vector<16xi32>, vector<16xi32>], vector<16xf32>,
    %get3A_3350 = arith.constant 9 : i32
    %get3A_3351 = arith.index_cast %get3A_3350 : i32 to index
    %get3A_3352 = arith.constant 32 : index
    %get3A_3353 = tpu.vector_load %arg4[%get3A_3351, %get3A_3352] {strides = array<i32>} : memref<13x128xi32, #tpu.memory_space<vmem>>, vector<16xi32>,
    %add3A_3354 = arith.constant 32 : i32
    %add3A_3355 = vector.broadcast %add3A_3354 : i32 to vector<16xi32>
    %add3A_3356 = arith.addi %add3A_3355, %iota3A : vector<16xi32>
    tpu.vector_store_idx %arg5[%get3A_3353, %add3A_3356], %broadcast_in_dim3A_1392 : memref<1000x128xf32, #tpu.memory_space<vmem>>[vector<16xi32>, vector<16xi32>], vector<16xf32>,
    %get3A_3357 = arith.constant 9 : i32
    %get3A_3358 = arith.index_cast %get3A_3357 : i32 to index
    %get3A_3359 = arith.constant 48 : index
    %get3A_3360 = tpu.vector_load %arg4[%get3A_3358, %get3A_3359] {strides = array<i32>} : memref<13x128xi32, #tpu.memory_space<vmem>>, vector<16xi32>,
    %add3A_3361 = arith.constant 48 : i32
    %add3A_3362 = vector.broadcast %add3A_3361 : i32 to vector<16xi32>
    %add3A_3363 = arith.addi %add3A_3362, %iota3A : vector<16xi32>
    tpu.vector_store_idx %arg5[%get3A_3360, %add3A_3363], %broadcast_in_dim3A_1392 : memref<1000x128xf32, #tpu.memory_space<vmem>>[vector<16xi32>, vector<16xi32>], vector<16xf32>,
    %get3A_3364 = arith.constant 9 : i32
    %get3A_3365 = arith.index_cast %get3A_3364 : i32 to index
    %get3A_3366 = arith.constant 64 : index
    %get3A_3367 = tpu.vector_load %arg4[%get3A_3365, %get3A_3366] {strides = array<i32>} : memref<13x128xi32, #tpu.memory_space<vmem>>, vector<16xi32>,
    %add3A_3368 = arith.constant 64 : i32
    %add3A_3369 = vector.broadcast %add3A_3368 : i32 to vector<16xi32>
    %add3A_3370 = arith.addi %add3A_3369, %iota3A : vector<16xi32>
    tpu.vector_store_idx %arg5[%get3A_3367, %add3A_3370], %broadcast_in_dim3A_1392 : memref<1000x128xf32, #tpu.memory_space<vmem>>[vector<16xi32>, vector<16xi32>], vector<16xf32>,
    %get3A_3371 = arith.constant 9 : i32
    %get3A_3372 = arith.index_cast %get3A_3371 : i32 to index
    %get3A_3373 = arith.constant 80 : index
    %get3A_3374 = tpu.vector_load %arg4[%get3A_3372, %get3A_3373] {strides = array<i32>} : memref<13x128xi32, #tpu.memory_space<vmem>>, vector<16xi32>,
    %add3A_3375 = arith.constant 80 : i32
    %add3A_3376 = vector.broadcast %add3A_3375 : i32 to vector<16xi32>
    %add3A_3377 = arith.addi %add3A_3376, %iota3A : vector<16xi32>
    tpu.vector_store_idx %arg5[%get3A_3374, %add3A_3377], %broadcast_in_dim3A_1392 : memref<1000x128xf32, #tpu.memory_space<vmem>>[vector<16xi32>, vector<16xi32>], vector<16xf32>,
    %get3A_3378 = arith.constant 9 : i32
    %get3A_3379 = arith.index_cast %get3A_3378 : i32 to index
    %get3A_3380 = arith.constant 96 : index
    %get3A_3381 = tpu.vector_load %arg4[%get3A_3379, %get3A_3380] {strides = array<i32>} : memref<13x128xi32, #tpu.memory_space<vmem>>, vector<16xi32>,
    %add3A_3382 = arith.constant 96 : i32
    %add3A_3383 = vector.broadcast %add3A_3382 : i32 to vector<16xi32>
    %add3A_3384 = arith.addi %add3A_3383, %iota3A : vector<16xi32>
    tpu.vector_store_idx %arg5[%get3A_3381, %add3A_3384], %broadcast_in_dim3A_1392 : memref<1000x128xf32, #tpu.memory_space<vmem>>[vector<16xi32>, vector<16xi32>], vector<16xf32>,
    %get3A_3385 = arith.constant 9 : i32
    %get3A_3386 = arith.index_cast %get3A_3385 : i32 to index
    %get3A_3387 = arith.constant 112 : index
    %get3A_3388 = tpu.vector_load %arg4[%get3A_3386, %get3A_3387] {strides = array<i32>} : memref<13x128xi32, #tpu.memory_space<vmem>>, vector<16xi32>,
    %add3A_3389 = arith.constant 112 : i32
    %add3A_3390 = vector.broadcast %add3A_3389 : i32 to vector<16xi32>
    %add3A_3391 = arith.addi %add3A_3390, %iota3A : vector<16xi32>
    tpu.vector_store_idx %arg5[%get3A_3388, %add3A_3391], %broadcast_in_dim3A_1392 : memref<1000x128xf32, #tpu.memory_space<vmem>>[vector<16xi32>, vector<16xi32>], vector<16xf32>,
    %add3A_3392 = arith.constant 288 : i32
    %add3A_3393 = arith.addi %add3A, %add3A_3392 : i32
    %min3A_3394 = arith.constant 399 : i32
    %min3A_3395 = arith.minsi %add3A_3393, %min3A_3394 : i32
    %jit3A_3396 = arith.constant 8 : i32
    %div3A_3397 = arith.divsi %min3A_3395, %jit3A_3396 : i32
    %sign3A_3398 = arith.constant 0 : i32
    %sign3A_3399 = arith.cmpi sgt, %min3A_3395, %sign3A_3398 : i32
    %sign3A_3400 = arith.extui %sign3A_3399 : i1 to i32
    %sign3A_3401 = arith.constant 0 : i32
    %sign3A_3402 = arith.cmpi slt, %min3A_3395, %sign3A_3401 : i32
    %sign3A_3403 = arith.extui %sign3A_3402 : i1 to i32
    %sign3A_3404 = arith.subi %sign3A_3400, %sign3A_3403 : i32
    %sign3A_3405 = arith.constant 0 : i32
    %sign3A_3406 = arith.cmpi sgt, %jit3A_3396, %sign3A_3405 : i32
    %sign3A_3407 = arith.extui %sign3A_3406 : i1 to i32
    %sign3A_3408 = arith.constant 0 : i32
    %sign3A_3409 = arith.cmpi slt, %jit3A_3396, %sign3A_3408 : i32
    %sign3A_3410 = arith.extui %sign3A_3409 : i1 to i32
    %sign3A_3411 = arith.subi %sign3A_3407, %sign3A_3410 : i32
    %ne3A_3412 = arith.cmpi ne, %sign3A_3404, %sign3A_3411 : i32
    %rem3A_3413 = arith.remsi %min3A_3395, %jit3A_3396 : i32
    %ne3A_3414 = arith.constant 0 : i32
    %ne3A_3415 = arith.cmpi ne, %rem3A_3413, %ne3A_3414 : i32
    %and3A_3416 = arith.andi %ne3A_3412, %ne3A_3415 : i1
    %sub3A_3417 = arith.constant 1 : i32
    %sub3A_3418 = arith.subi %div3A_3397, %sub3A_3417 : i32
    %select_n3A_3419 = arith.select %and3A_3416, %sub3A_3418, %div3A_3397 : i32
    %jit3A_3420 = arith.constant 8 : i32
    %eq3A_3421 = arith.constant 0 : i32
    %eq3A_3422 = arith.cmpi eq, %jit3A_3420, %eq3A_3421 : i32
    %jit3A_3423 = arith.constant 1 : i32
    %select_n3A_3424 = arith.select %eq3A_3422, %jit3A_3423, %jit3A_3420 : i32
    %rem3A_3425 = arith.remsi %min3A_3395, %select_n3A_3424 : i32
    %ne3A_3426 = arith.constant 0 : i32
    %ne3A_3427 = arith.cmpi ne, %rem3A_3425, %ne3A_3426 : i32
    %lt3A_3428 = arith.constant 0 : i32
    %lt3A_3429 = arith.cmpi slt, %rem3A_3425, %lt3A_3428 : i32
    %lt3A_3430 = arith.constant 0 : i32
    %lt3A_3431 = arith.cmpi slt, %select_n3A_3424, %lt3A_3430 : i32
    %ne3A_3432 = arith.xori %lt3A_3429, %lt3A_3431 : i1
    %and3A_3433 = arith.andi %ne3A_3432, %ne3A_3427 : i1
    %add3A_3434 = arith.addi %rem3A_3425, %select_n3A_3424 : i32
    %select_n3A_3435 = arith.select %and3A_3433, %add3A_3434, %rem3A_3425 : i32
    %mul3A_3436 = arith.constant 128 : i32
    %mul3A_3437 = arith.muli %select_n3A_3435, %mul3A_3436 : i32
    %dma_start3A_3438 = arith.constant 0 : i32
    %dma_start3A_3439 = tpu.memref_slice %arg3[%select_n3A_3419, %dma_start3A_3438, %mul3A_3437] : memref<50x1000x1024xf32, #tpu.memory_space<hbm>> -> memref<1x1000x128xf32, #tpu.memory_space<hbm>>
    %dma_start3A_3440 = tpu.memref_squeeze %dma_start3A_3439 : memref<1x1000x128xf32, #tpu.memory_space<hbm>> -> memref<1000x128xf32, #tpu.memory_space<hbm>>
    %dma_start3A_3441 = arith.constant 0 : i32
    %dma_start3A_3442 = tpu.memref_slice %arg3[%select_n3A_3419, %dma_start3A_3441, %mul3A_3437] : memref<50x1000x1024xf32, #tpu.memory_space<hbm>> -> memref<1x1000x128xf32, #tpu.memory_space<hbm>>
    %dma_start3A_3443 = tpu.memref_squeeze %dma_start3A_3442 : memref<1x1000x128xf32, #tpu.memory_space<hbm>> -> memref<1000x128xf32, #tpu.memory_space<hbm>>
    tpu.enqueue_dma source(%arg5 : memref<1000x128xf32, #tpu.memory_space<vmem>>) target(%dma_start3A_3443 : memref<1000x128xf32, #tpu.memory_space<hbm>>) target_semaphore(%arg6 : memref<!tpu.dma_semaphore, #tpu.memory_space<semaphore_mem>>)
    %add3A_3444 = arith.constant 288 : i32
    %add3A_3445 = arith.addi %add3A, %add3A_3444 : i32
    %min3A_3446 = arith.constant 399 : i32
    %min3A_3447 = arith.minsi %add3A_3445, %min3A_3446 : i32
    %jit3A_3448 = arith.constant 8 : i32
    %div3A_3449 = arith.divsi %min3A_3447, %jit3A_3448 : i32
    %sign3A_3450 = arith.constant 0 : i32
    %sign3A_3451 = arith.cmpi sgt, %min3A_3447, %sign3A_3450 : i32
    %sign3A_3452 = arith.extui %sign3A_3451 : i1 to i32
    %sign3A_3453 = arith.constant 0 : i32
    %sign3A_3454 = arith.cmpi slt, %min3A_3447, %sign3A_3453 : i32
    %sign3A_3455 = arith.extui %sign3A_3454 : i1 to i32
    %sign3A_3456 = arith.subi %sign3A_3452, %sign3A_3455 : i32
    %sign3A_3457 = arith.constant 0 : i32
    %sign3A_3458 = arith.cmpi sgt, %jit3A_3448, %sign3A_3457 : i32
    %sign3A_3459 = arith.extui %sign3A_3458 : i1 to i32
    %sign3A_3460 = arith.constant 0 : i32
    %sign3A_3461 = arith.cmpi slt, %jit3A_3448, %sign3A_3460 : i32
    %sign3A_3462 = arith.extui %sign3A_3461 : i1 to i32
    %sign3A_3463 = arith.subi %sign3A_3459, %sign3A_3462 : i32
    %ne3A_3464 = arith.cmpi ne, %sign3A_3456, %sign3A_3463 : i32
    %rem3A_3465 = arith.remsi %min3A_3447, %jit3A_3448 : i32
    %ne3A_3466 = arith.constant 0 : i32
    %ne3A_3467 = arith.cmpi ne, %rem3A_3465, %ne3A_3466 : i32
    %and3A_3468 = arith.andi %ne3A_3464, %ne3A_3467 : i1
    %sub3A_3469 = arith.constant 1 : i32
    %sub3A_3470 = arith.subi %div3A_3449, %sub3A_3469 : i32
    %select_n3A_3471 = arith.select %and3A_3468, %sub3A_3470, %div3A_3449 : i32
    %jit3A_3472 = arith.constant 8 : i32
    %eq3A_3473 = arith.constant 0 : i32
    %eq3A_3474 = arith.cmpi eq, %jit3A_3472, %eq3A_3473 : i32
    %jit3A_3475 = arith.constant 1 : i32
    %select_n3A_3476 = arith.select %eq3A_3474, %jit3A_3475, %jit3A_3472 : i32
    %rem3A_3477 = arith.remsi %min3A_3447, %select_n3A_3476 : i32
    %ne3A_3478 = arith.constant 0 : i32
    %ne3A_3479 = arith.cmpi ne, %rem3A_3477, %ne3A_3478 : i32
    %lt3A_3480 = arith.constant 0 : i32
    %lt3A_3481 = arith.cmpi slt, %rem3A_3477, %lt3A_3480 : i32
    %lt3A_3482 = arith.constant 0 : i32
    %lt3A_3483 = arith.cmpi slt, %select_n3A_3476, %lt3A_3482 : i32
    %ne3A_3484 = arith.xori %lt3A_3481, %lt3A_3483 : i1
    %and3A_3485 = arith.andi %ne3A_3484, %ne3A_3479 : i1
    %add3A_3486 = arith.addi %rem3A_3477, %select_n3A_3476 : i32
    %select_n3A_3487 = arith.select %and3A_3485, %add3A_3486, %rem3A_3477 : i32
    %mul3A_3488 = arith.constant 128 : i32
    %mul3A_3489 = arith.muli %select_n3A_3487, %mul3A_3488 : i32
    %dma_wait3A_3490 = arith.constant 0 : i32
    %dma_wait3A_3491 = tpu.memref_slice %arg3[%select_n3A_3471, %dma_wait3A_3490, %mul3A_3489] : memref<50x1000x1024xf32, #tpu.memory_space<hbm>> -> memref<1x1000x128xf32, #tpu.memory_space<hbm>>
    %dma_wait3A_3492 = tpu.memref_squeeze %dma_wait3A_3491 : memref<1x1000x128xf32, #tpu.memory_space<hbm>> -> memref<1000x128xf32, #tpu.memory_space<hbm>>
    %dma_wait3A_3493 = arith.constant 0 : i32
    %dma_wait3A_3494 = tpu.memref_slice %arg3[%select_n3A_3471, %dma_wait3A_3493, %mul3A_3489] : memref<50x1000x1024xf32, #tpu.memory_space<hbm>> -> memref<1x1000x128xf32, #tpu.memory_space<hbm>>
    %dma_wait3A_3495 = tpu.memref_squeeze %dma_wait3A_3494 : memref<1x1000x128xf32, #tpu.memory_space<hbm>> -> memref<1000x128xf32, #tpu.memory_space<hbm>>
    tpu.wait_dma2 semaphore(%arg6 : memref<!tpu.dma_semaphore, #tpu.memory_space<semaphore_mem>>) src(%arg5 : memref<1000x128xf32, #tpu.memory_space<vmem>>) dst(%dma_wait3A_3495 : memref<1000x128xf32, #tpu.memory_space<hbm>>)
    %get3A_3496 = arith.constant 9 : i32
    %get3A_3497 = arith.index_cast %get3A_3496 : i32 to index
    %get3A_3498 = arith.constant 0 : index
    %get3A_3499 = tpu.vector_load %arg4[%get3A_3497, %get3A_3498] {strides = array<i32>} : memref<13x128xi32, #tpu.memory_space<vmem>>, vector<16xi32>,
    %add3A_3500 = arith.constant 0 : i32
    %add3A_3501 = vector.broadcast %add3A_3500 : i32 to vector<16xi32>
    %add3A_3502 = arith.addi %add3A_3501, %iota3A : vector<16xi32>
    tpu.vector_store_idx %arg5[%get3A_3499, %add3A_3502], %broadcast_in_dim3A_688 : memref<1000x128xf32, #tpu.memory_space<vmem>>[vector<16xi32>, vector<16xi32>], vector<16xf32>,
    %get3A_3503 = arith.constant 9 : i32
    %get3A_3504 = arith.index_cast %get3A_3503 : i32 to index
    %get3A_3505 = arith.constant 16 : index
    %get3A_3506 = tpu.vector_load %arg4[%get3A_3504, %get3A_3505] {strides = array<i32>} : memref<13x128xi32, #tpu.memory_space<vmem>>, vector<16xi32>,
    %add3A_3507 = arith.constant 16 : i32
    %add3A_3508 = vector.broadcast %add3A_3507 : i32 to vector<16xi32>
    %add3A_3509 = arith.addi %add3A_3508, %iota3A : vector<16xi32>
    tpu.vector_store_idx %arg5[%get3A_3506, %add3A_3509], %broadcast_in_dim3A_688 : memref<1000x128xf32, #tpu.memory_space<vmem>>[vector<16xi32>, vector<16xi32>], vector<16xf32>,
    %get3A_3510 = arith.constant 9 : i32
    %get3A_3511 = arith.index_cast %get3A_3510 : i32 to index
    %get3A_3512 = arith.constant 32 : index
    %get3A_3513 = tpu.vector_load %arg4[%get3A_3511, %get3A_3512] {strides = array<i32>} : memref<13x128xi32, #tpu.memory_space<vmem>>, vector<16xi32>,
    %add3A_3514 = arith.constant 32 : i32
    %add3A_3515 = vector.broadcast %add3A_3514 : i32 to vector<16xi32>
    %add3A_3516 = arith.addi %add3A_3515, %iota3A : vector<16xi32>
    tpu.vector_store_idx %arg5[%get3A_3513, %add3A_3516], %broadcast_in_dim3A_688 : memref<1000x128xf32, #tpu.memory_space<vmem>>[vector<16xi32>, vector<16xi32>], vector<16xf32>,
    %get3A_3517 = arith.constant 9 : i32
    %get3A_3518 = arith.index_cast %get3A_3517 : i32 to index
    %get3A_3519 = arith.constant 48 : index
    %get3A_3520 = tpu.vector_load %arg4[%get3A_3518, %get3A_3519] {strides = array<i32>} : memref<13x128xi32, #tpu.memory_space<vmem>>, vector<16xi32>,
    %add3A_3521 = arith.constant 48 : i32
    %add3A_3522 = vector.broadcast %add3A_3521 : i32 to vector<16xi32>
    %add3A_3523 = arith.addi %add3A_3522, %iota3A : vector<16xi32>
    tpu.vector_store_idx %arg5[%get3A_3520, %add3A_3523], %broadcast_in_dim3A_688 : memref<1000x128xf32, #tpu.memory_space<vmem>>[vector<16xi32>, vector<16xi32>], vector<16xf32>,
    %get3A_3524 = arith.constant 9 : i32
    %get3A_3525 = arith.index_cast %get3A_3524 : i32 to index
    %get3A_3526 = arith.constant 64 : index
    %get3A_3527 = tpu.vector_load %arg4[%get3A_3525, %get3A_3526] {strides = array<i32>} : memref<13x128xi32, #tpu.memory_space<vmem>>, vector<16xi32>,
    %add3A_3528 = arith.constant 64 : i32
    %add3A_3529 = vector.broadcast %add3A_3528 : i32 to vector<16xi32>
    %add3A_3530 = arith.addi %add3A_3529, %iota3A : vector<16xi32>
    tpu.vector_store_idx %arg5[%get3A_3527, %add3A_3530], %broadcast_in_dim3A_688 : memref<1000x128xf32, #tpu.memory_space<vmem>>[vector<16xi32>, vector<16xi32>], vector<16xf32>,
    %get3A_3531 = arith.constant 9 : i32
    %get3A_3532 = arith.index_cast %get3A_3531 : i32 to index
    %get3A_3533 = arith.constant 80 : index
    %get3A_3534 = tpu.vector_load %arg4[%get3A_3532, %get3A_3533] {strides = array<i32>} : memref<13x128xi32, #tpu.memory_space<vmem>>, vector<16xi32>,
    %add3A_3535 = arith.constant 80 : i32
    %add3A_3536 = vector.broadcast %add3A_3535 : i32 to vector<16xi32>
    %add3A_3537 = arith.addi %add3A_3536, %iota3A : vector<16xi32>
    tpu.vector_store_idx %arg5[%get3A_3534, %add3A_3537], %broadcast_in_dim3A_688 : memref<1000x128xf32, #tpu.memory_space<vmem>>[vector<16xi32>, vector<16xi32>], vector<16xf32>,
    %get3A_3538 = arith.constant 9 : i32
    %get3A_3539 = arith.index_cast %get3A_3538 : i32 to index
    %get3A_3540 = arith.constant 96 : index
    %get3A_3541 = tpu.vector_load %arg4[%get3A_3539, %get3A_3540] {strides = array<i32>} : memref<13x128xi32, #tpu.memory_space<vmem>>, vector<16xi32>,
    %add3A_3542 = arith.constant 96 : i32
    %add3A_3543 = vector.broadcast %add3A_3542 : i32 to vector<16xi32>
    %add3A_3544 = arith.addi %add3A_3543, %iota3A : vector<16xi32>
    tpu.vector_store_idx %arg5[%get3A_3541, %add3A_3544], %broadcast_in_dim3A_688 : memref<1000x128xf32, #tpu.memory_space<vmem>>[vector<16xi32>, vector<16xi32>], vector<16xf32>,
    %get3A_3545 = arith.constant 9 : i32
    %get3A_3546 = arith.index_cast %get3A_3545 : i32 to index
    %get3A_3547 = arith.constant 112 : index
    %get3A_3548 = tpu.vector_load %arg4[%get3A_3546, %get3A_3547] {strides = array<i32>} : memref<13x128xi32, #tpu.memory_space<vmem>>, vector<16xi32>,
    %add3A_3549 = arith.constant 112 : i32
    %add3A_3550 = vector.broadcast %add3A_3549 : i32 to vector<16xi32>
    %add3A_3551 = arith.addi %add3A_3550, %iota3A : vector<16xi32>
    tpu.vector_store_idx %arg5[%get3A_3548, %add3A_3551], %broadcast_in_dim3A_688 : memref<1000x128xf32, #tpu.memory_space<vmem>>[vector<16xi32>, vector<16xi32>], vector<16xf32>,
    %get3A_3552 = arith.constant 10 : i32
    %get3A_3553 = arith.index_cast %get3A_3552 : i32 to index
    %get3A_3554 = arith.constant 0 : index
    %get3A_3555 = tpu.vector_load %arg4[%get3A_3553, %get3A_3554] {strides = array<i32>} : memref<13x128xi32, #tpu.memory_space<vmem>>, vector<16xi32>,
    %add3A_3556 = arith.constant 0 : i32
    %add3A_3557 = vector.broadcast %add3A_3556 : i32 to vector<16xi32>
    %add3A_3558 = arith.addi %add3A_3557, %iota3A : vector<16xi32>
    tpu.vector_store_idx %arg5[%get3A_3555, %add3A_3558], %broadcast_in_dim3A_1392 : memref<1000x128xf32, #tpu.memory_space<vmem>>[vector<16xi32>, vector<16xi32>], vector<16xf32>,
    %get3A_3559 = arith.constant 10 : i32
    %get3A_3560 = arith.index_cast %get3A_3559 : i32 to index
    %get3A_3561 = arith.constant 16 : index
    %get3A_3562 = tpu.vector_load %arg4[%get3A_3560, %get3A_3561] {strides = array<i32>} : memref<13x128xi32, #tpu.memory_space<vmem>>, vector<16xi32>,
    %add3A_3563 = arith.constant 16 : i32
    %add3A_3564 = vector.broadcast %add3A_3563 : i32 to vector<16xi32>
    %add3A_3565 = arith.addi %add3A_3564, %iota3A : vector<16xi32>
    tpu.vector_store_idx %arg5[%get3A_3562, %add3A_3565], %broadcast_in_dim3A_1392 : memref<1000x128xf32, #tpu.memory_space<vmem>>[vector<16xi32>, vector<16xi32>], vector<16xf32>,
    %get3A_3566 = arith.constant 10 : i32
    %get3A_3567 = arith.index_cast %get3A_3566 : i32 to index
    %get3A_3568 = arith.constant 32 : index
    %get3A_3569 = tpu.vector_load %arg4[%get3A_3567, %get3A_3568] {strides = array<i32>} : memref<13x128xi32, #tpu.memory_space<vmem>>, vector<16xi32>,
    %add3A_3570 = arith.constant 32 : i32
    %add3A_3571 = vector.broadcast %add3A_3570 : i32 to vector<16xi32>
    %add3A_3572 = arith.addi %add3A_3571, %iota3A : vector<16xi32>
    tpu.vector_store_idx %arg5[%get3A_3569, %add3A_3572], %broadcast_in_dim3A_1392 : memref<1000x128xf32, #tpu.memory_space<vmem>>[vector<16xi32>, vector<16xi32>], vector<16xf32>,
    %get3A_3573 = arith.constant 10 : i32
    %get3A_3574 = arith.index_cast %get3A_3573 : i32 to index
    %get3A_3575 = arith.constant 48 : index
    %get3A_3576 = tpu.vector_load %arg4[%get3A_3574, %get3A_3575] {strides = array<i32>} : memref<13x128xi32, #tpu.memory_space<vmem>>, vector<16xi32>,
    %add3A_3577 = arith.constant 48 : i32
    %add3A_3578 = vector.broadcast %add3A_3577 : i32 to vector<16xi32>
    %add3A_3579 = arith.addi %add3A_3578, %iota3A : vector<16xi32>
    tpu.vector_store_idx %arg5[%get3A_3576, %add3A_3579], %broadcast_in_dim3A_1392 : memref<1000x128xf32, #tpu.memory_space<vmem>>[vector<16xi32>, vector<16xi32>], vector<16xf32>,
    %get3A_3580 = arith.constant 10 : i32
    %get3A_3581 = arith.index_cast %get3A_3580 : i32 to index
    %get3A_3582 = arith.constant 64 : index
    %get3A_3583 = tpu.vector_load %arg4[%get3A_3581, %get3A_3582] {strides = array<i32>} : memref<13x128xi32, #tpu.memory_space<vmem>>, vector<16xi32>,
    %add3A_3584 = arith.constant 64 : i32
    %add3A_3585 = vector.broadcast %add3A_3584 : i32 to vector<16xi32>
    %add3A_3586 = arith.addi %add3A_3585, %iota3A : vector<16xi32>
    tpu.vector_store_idx %arg5[%get3A_3583, %add3A_3586], %broadcast_in_dim3A_1392 : memref<1000x128xf32, #tpu.memory_space<vmem>>[vector<16xi32>, vector<16xi32>], vector<16xf32>,
    %get3A_3587 = arith.constant 10 : i32
    %get3A_3588 = arith.index_cast %get3A_3587 : i32 to index
    %get3A_3589 = arith.constant 80 : index
    %get3A_3590 = tpu.vector_load %arg4[%get3A_3588, %get3A_3589] {strides = array<i32>} : memref<13x128xi32, #tpu.memory_space<vmem>>, vector<16xi32>,
    %add3A_3591 = arith.constant 80 : i32
    %add3A_3592 = vector.broadcast %add3A_3591 : i32 to vector<16xi32>
    %add3A_3593 = arith.addi %add3A_3592, %iota3A : vector<16xi32>
    tpu.vector_store_idx %arg5[%get3A_3590, %add3A_3593], %broadcast_in_dim3A_1392 : memref<1000x128xf32, #tpu.memory_space<vmem>>[vector<16xi32>, vector<16xi32>], vector<16xf32>,
    %get3A_3594 = arith.constant 10 : i32
    %get3A_3595 = arith.index_cast %get3A_3594 : i32 to index
    %get3A_3596 = arith.constant 96 : index
    %get3A_3597 = tpu.vector_load %arg4[%get3A_3595, %get3A_3596] {strides = array<i32>} : memref<13x128xi32, #tpu.memory_space<vmem>>, vector<16xi32>,
    %add3A_3598 = arith.constant 96 : i32
    %add3A_3599 = vector.broadcast %add3A_3598 : i32 to vector<16xi32>
    %add3A_3600 = arith.addi %add3A_3599, %iota3A : vector<16xi32>
    tpu.vector_store_idx %arg5[%get3A_3597, %add3A_3600], %broadcast_in_dim3A_1392 : memref<1000x128xf32, #tpu.memory_space<vmem>>[vector<16xi32>, vector<16xi32>], vector<16xf32>,
    %get3A_3601 = arith.constant 10 : i32
    %get3A_3602 = arith.index_cast %get3A_3601 : i32 to index
    %get3A_3603 = arith.constant 112 : index
    %get3A_3604 = tpu.vector_load %arg4[%get3A_3602, %get3A_3603] {strides = array<i32>} : memref<13x128xi32, #tpu.memory_space<vmem>>, vector<16xi32>,
    %add3A_3605 = arith.constant 112 : i32
    %add3A_3606 = vector.broadcast %add3A_3605 : i32 to vector<16xi32>
    %add3A_3607 = arith.addi %add3A_3606, %iota3A : vector<16xi32>
    tpu.vector_store_idx %arg5[%get3A_3604, %add3A_3607], %broadcast_in_dim3A_1392 : memref<1000x128xf32, #tpu.memory_space<vmem>>[vector<16xi32>, vector<16xi32>], vector<16xf32>,
    %add3A_3608 = arith.constant 320 : i32
    %add3A_3609 = arith.addi %add3A, %add3A_3608 : i32
    %min3A_3610 = arith.constant 399 : i32
    %min3A_3611 = arith.minsi %add3A_3609, %min3A_3610 : i32
    %jit3A_3612 = arith.constant 8 : i32
    %div3A_3613 = arith.divsi %min3A_3611, %jit3A_3612 : i32
    %sign3A_3614 = arith.constant 0 : i32
    %sign3A_3615 = arith.cmpi sgt, %min3A_3611, %sign3A_3614 : i32
    %sign3A_3616 = arith.extui %sign3A_3615 : i1 to i32
    %sign3A_3617 = arith.constant 0 : i32
    %sign3A_3618 = arith.cmpi slt, %min3A_3611, %sign3A_3617 : i32
    %sign3A_3619 = arith.extui %sign3A_3618 : i1 to i32
    %sign3A_3620 = arith.subi %sign3A_3616, %sign3A_3619 : i32
    %sign3A_3621 = arith.constant 0 : i32
    %sign3A_3622 = arith.cmpi sgt, %jit3A_3612, %sign3A_3621 : i32
    %sign3A_3623 = arith.extui %sign3A_3622 : i1 to i32
    %sign3A_3624 = arith.constant 0 : i32
    %sign3A_3625 = arith.cmpi slt, %jit3A_3612, %sign3A_3624 : i32
    %sign3A_3626 = arith.extui %sign3A_3625 : i1 to i32
    %sign3A_3627 = arith.subi %sign3A_3623, %sign3A_3626 : i32
    %ne3A_3628 = arith.cmpi ne, %sign3A_3620, %sign3A_3627 : i32
    %rem3A_3629 = arith.remsi %min3A_3611, %jit3A_3612 : i32
    %ne3A_3630 = arith.constant 0 : i32
    %ne3A_3631 = arith.cmpi ne, %rem3A_3629, %ne3A_3630 : i32
    %and3A_3632 = arith.andi %ne3A_3628, %ne3A_3631 : i1
    %sub3A_3633 = arith.constant 1 : i32
    %sub3A_3634 = arith.subi %div3A_3613, %sub3A_3633 : i32
    %select_n3A_3635 = arith.select %and3A_3632, %sub3A_3634, %div3A_3613 : i32
    %jit3A_3636 = arith.constant 8 : i32
    %eq3A_3637 = arith.constant 0 : i32
    %eq3A_3638 = arith.cmpi eq, %jit3A_3636, %eq3A_3637 : i32
    %jit3A_3639 = arith.constant 1 : i32
    %select_n3A_3640 = arith.select %eq3A_3638, %jit3A_3639, %jit3A_3636 : i32
    %rem3A_3641 = arith.remsi %min3A_3611, %select_n3A_3640 : i32
    %ne3A_3642 = arith.constant 0 : i32
    %ne3A_3643 = arith.cmpi ne, %rem3A_3641, %ne3A_3642 : i32
    %lt3A_3644 = arith.constant 0 : i32
    %lt3A_3645 = arith.cmpi slt, %rem3A_3641, %lt3A_3644 : i32
    %lt3A_3646 = arith.constant 0 : i32
    %lt3A_3647 = arith.cmpi slt, %select_n3A_3640, %lt3A_3646 : i32
    %ne3A_3648 = arith.xori %lt3A_3645, %lt3A_3647 : i1
    %and3A_3649 = arith.andi %ne3A_3648, %ne3A_3643 : i1
    %add3A_3650 = arith.addi %rem3A_3641, %select_n3A_3640 : i32
    %select_n3A_3651 = arith.select %and3A_3649, %add3A_3650, %rem3A_3641 : i32
    %mul3A_3652 = arith.constant 128 : i32
    %mul3A_3653 = arith.muli %select_n3A_3651, %mul3A_3652 : i32
    %dma_start3A_3654 = arith.constant 0 : i32
    %dma_start3A_3655 = tpu.memref_slice %arg3[%select_n3A_3635, %dma_start3A_3654, %mul3A_3653] : memref<50x1000x1024xf32, #tpu.memory_space<hbm>> -> memref<1x1000x128xf32, #tpu.memory_space<hbm>>
    %dma_start3A_3656 = tpu.memref_squeeze %dma_start3A_3655 : memref<1x1000x128xf32, #tpu.memory_space<hbm>> -> memref<1000x128xf32, #tpu.memory_space<hbm>>
    %dma_start3A_3657 = arith.constant 0 : i32
    %dma_start3A_3658 = tpu.memref_slice %arg3[%select_n3A_3635, %dma_start3A_3657, %mul3A_3653] : memref<50x1000x1024xf32, #tpu.memory_space<hbm>> -> memref<1x1000x128xf32, #tpu.memory_space<hbm>>
    %dma_start3A_3659 = tpu.memref_squeeze %dma_start3A_3658 : memref<1x1000x128xf32, #tpu.memory_space<hbm>> -> memref<1000x128xf32, #tpu.memory_space<hbm>>
    tpu.enqueue_dma source(%arg5 : memref<1000x128xf32, #tpu.memory_space<vmem>>) target(%dma_start3A_3659 : memref<1000x128xf32, #tpu.memory_space<hbm>>) target_semaphore(%arg6 : memref<!tpu.dma_semaphore, #tpu.memory_space<semaphore_mem>>)
    %add3A_3660 = arith.constant 320 : i32
    %add3A_3661 = arith.addi %add3A, %add3A_3660 : i32
    %min3A_3662 = arith.constant 399 : i32
    %min3A_3663 = arith.minsi %add3A_3661, %min3A_3662 : i32
    %jit3A_3664 = arith.constant 8 : i32
    %div3A_3665 = arith.divsi %min3A_3663, %jit3A_3664 : i32
    %sign3A_3666 = arith.constant 0 : i32
    %sign3A_3667 = arith.cmpi sgt, %min3A_3663, %sign3A_3666 : i32
    %sign3A_3668 = arith.extui %sign3A_3667 : i1 to i32
    %sign3A_3669 = arith.constant 0 : i32
    %sign3A_3670 = arith.cmpi slt, %min3A_3663, %sign3A_3669 : i32
    %sign3A_3671 = arith.extui %sign3A_3670 : i1 to i32
    %sign3A_3672 = arith.subi %sign3A_3668, %sign3A_3671 : i32
    %sign3A_3673 = arith.constant 0 : i32
    %sign3A_3674 = arith.cmpi sgt, %jit3A_3664, %sign3A_3673 : i32
    %sign3A_3675 = arith.extui %sign3A_3674 : i1 to i32
    %sign3A_3676 = arith.constant 0 : i32
    %sign3A_3677 = arith.cmpi slt, %jit3A_3664, %sign3A_3676 : i32
    %sign3A_3678 = arith.extui %sign3A_3677 : i1 to i32
    %sign3A_3679 = arith.subi %sign3A_3675, %sign3A_3678 : i32
    %ne3A_3680 = arith.cmpi ne, %sign3A_3672, %sign3A_3679 : i32
    %rem3A_3681 = arith.remsi %min3A_3663, %jit3A_3664 : i32
    %ne3A_3682 = arith.constant 0 : i32
    %ne3A_3683 = arith.cmpi ne, %rem3A_3681, %ne3A_3682 : i32
    %and3A_3684 = arith.andi %ne3A_3680, %ne3A_3683 : i1
    %sub3A_3685 = arith.constant 1 : i32
    %sub3A_3686 = arith.subi %div3A_3665, %sub3A_3685 : i32
    %select_n3A_3687 = arith.select %and3A_3684, %sub3A_3686, %div3A_3665 : i32
    %jit3A_3688 = arith.constant 8 : i32
    %eq3A_3689 = arith.constant 0 : i32
    %eq3A_3690 = arith.cmpi eq, %jit3A_3688, %eq3A_3689 : i32
    %jit3A_3691 = arith.constant 1 : i32
    %select_n3A_3692 = arith.select %eq3A_3690, %jit3A_3691, %jit3A_3688 : i32
    %rem3A_3693 = arith.remsi %min3A_3663, %select_n3A_3692 : i32
    %ne3A_3694 = arith.constant 0 : i32
    %ne3A_3695 = arith.cmpi ne, %rem3A_3693, %ne3A_3694 : i32
    %lt3A_3696 = arith.constant 0 : i32
    %lt3A_3697 = arith.cmpi slt, %rem3A_3693, %lt3A_3696 : i32
    %lt3A_3698 = arith.constant 0 : i32
    %lt3A_3699 = arith.cmpi slt, %select_n3A_3692, %lt3A_3698 : i32
    %ne3A_3700 = arith.xori %lt3A_3697, %lt3A_3699 : i1
    %and3A_3701 = arith.andi %ne3A_3700, %ne3A_3695 : i1
    %add3A_3702 = arith.addi %rem3A_3693, %select_n3A_3692 : i32
    %select_n3A_3703 = arith.select %and3A_3701, %add3A_3702, %rem3A_3693 : i32
    %mul3A_3704 = arith.constant 128 : i32
    %mul3A_3705 = arith.muli %select_n3A_3703, %mul3A_3704 : i32
    %dma_wait3A_3706 = arith.constant 0 : i32
    %dma_wait3A_3707 = tpu.memref_slice %arg3[%select_n3A_3687, %dma_wait3A_3706, %mul3A_3705] : memref<50x1000x1024xf32, #tpu.memory_space<hbm>> -> memref<1x1000x128xf32, #tpu.memory_space<hbm>>
    %dma_wait3A_3708 = tpu.memref_squeeze %dma_wait3A_3707 : memref<1x1000x128xf32, #tpu.memory_space<hbm>> -> memref<1000x128xf32, #tpu.memory_space<hbm>>
    %dma_wait3A_3709 = arith.constant 0 : i32
    %dma_wait3A_3710 = tpu.memref_slice %arg3[%select_n3A_3687, %dma_wait3A_3709, %mul3A_3705] : memref<50x1000x1024xf32, #tpu.memory_space<hbm>> -> memref<1x1000x128xf32, #tpu.memory_space<hbm>>
    %dma_wait3A_3711 = tpu.memref_squeeze %dma_wait3A_3710 : memref<1x1000x128xf32, #tpu.memory_space<hbm>> -> memref<1000x128xf32, #tpu.memory_space<hbm>>
    tpu.wait_dma2 semaphore(%arg6 : memref<!tpu.dma_semaphore, #tpu.memory_space<semaphore_mem>>) src(%arg5 : memref<1000x128xf32, #tpu.memory_space<vmem>>) dst(%dma_wait3A_3711 : memref<1000x128xf32, #tpu.memory_space<hbm>>)
    %get3A_3712 = arith.constant 10 : i32
    %get3A_3713 = arith.index_cast %get3A_3712 : i32 to index
    %get3A_3714 = arith.constant 0 : index
    %get3A_3715 = tpu.vector_load %arg4[%get3A_3713, %get3A_3714] {strides = array<i32>} : memref<13x128xi32, #tpu.memory_space<vmem>>, vector<16xi32>,
    %add3A_3716 = arith.constant 0 : i32
    %add3A_3717 = vector.broadcast %add3A_3716 : i32 to vector<16xi32>
    %add3A_3718 = arith.addi %add3A_3717, %iota3A : vector<16xi32>
    tpu.vector_store_idx %arg5[%get3A_3715, %add3A_3718], %broadcast_in_dim3A_688 : memref<1000x128xf32, #tpu.memory_space<vmem>>[vector<16xi32>, vector<16xi32>], vector<16xf32>,
    %get3A_3719 = arith.constant 10 : i32
    %get3A_3720 = arith.index_cast %get3A_3719 : i32 to index
    %get3A_3721 = arith.constant 16 : index
    %get3A_3722 = tpu.vector_load %arg4[%get3A_3720, %get3A_3721] {strides = array<i32>} : memref<13x128xi32, #tpu.memory_space<vmem>>, vector<16xi32>,
    %add3A_3723 = arith.constant 16 : i32
    %add3A_3724 = vector.broadcast %add3A_3723 : i32 to vector<16xi32>
    %add3A_3725 = arith.addi %add3A_3724, %iota3A : vector<16xi32>
    tpu.vector_store_idx %arg5[%get3A_3722, %add3A_3725], %broadcast_in_dim3A_688 : memref<1000x128xf32, #tpu.memory_space<vmem>>[vector<16xi32>, vector<16xi32>], vector<16xf32>,
    %get3A_3726 = arith.constant 10 : i32
    %get3A_3727 = arith.index_cast %get3A_3726 : i32 to index
    %get3A_3728 = arith.constant 32 : index
    %get3A_3729 = tpu.vector_load %arg4[%get3A_3727, %get3A_3728] {strides = array<i32>} : memref<13x128xi32, #tpu.memory_space<vmem>>, vector<16xi32>,
    %add3A_3730 = arith.constant 32 : i32
    %add3A_3731 = vector.broadcast %add3A_3730 : i32 to vector<16xi32>
    %add3A_3732 = arith.addi %add3A_3731, %iota3A : vector<16xi32>
    tpu.vector_store_idx %arg5[%get3A_3729, %add3A_3732], %broadcast_in_dim3A_688 : memref<1000x128xf32, #tpu.memory_space<vmem>>[vector<16xi32>, vector<16xi32>], vector<16xf32>,
    %get3A_3733 = arith.constant 10 : i32
    %get3A_3734 = arith.index_cast %get3A_3733 : i32 to index
    %get3A_3735 = arith.constant 48 : index
    %get3A_3736 = tpu.vector_load %arg4[%get3A_3734, %get3A_3735] {strides = array<i32>} : memref<13x128xi32, #tpu.memory_space<vmem>>, vector<16xi32>,
    %add3A_3737 = arith.constant 48 : i32
    %add3A_3738 = vector.broadcast %add3A_3737 : i32 to vector<16xi32>
    %add3A_3739 = arith.addi %add3A_3738, %iota3A : vector<16xi32>
    tpu.vector_store_idx %arg5[%get3A_3736, %add3A_3739], %broadcast_in_dim3A_688 : memref<1000x128xf32, #tpu.memory_space<vmem>>[vector<16xi32>, vector<16xi32>], vector<16xf32>,
    %get3A_3740 = arith.constant 10 : i32
    %get3A_3741 = arith.index_cast %get3A_3740 : i32 to index
    %get3A_3742 = arith.constant 64 : index
    %get3A_3743 = tpu.vector_load %arg4[%get3A_3741, %get3A_3742] {strides = array<i32>} : memref<13x128xi32, #tpu.memory_space<vmem>>, vector<16xi32>,
    %add3A_3744 = arith.constant 64 : i32
    %add3A_3745 = vector.broadcast %add3A_3744 : i32 to vector<16xi32>
    %add3A_3746 = arith.addi %add3A_3745, %iota3A : vector<16xi32>
    tpu.vector_store_idx %arg5[%get3A_3743, %add3A_3746], %broadcast_in_dim3A_688 : memref<1000x128xf32, #tpu.memory_space<vmem>>[vector<16xi32>, vector<16xi32>], vector<16xf32>,
    %get3A_3747 = arith.constant 10 : i32
    %get3A_3748 = arith.index_cast %get3A_3747 : i32 to index
    %get3A_3749 = arith.constant 80 : index
    %get3A_3750 = tpu.vector_load %arg4[%get3A_3748, %get3A_3749] {strides = array<i32>} : memref<13x128xi32, #tpu.memory_space<vmem>>, vector<16xi32>,
    %add3A_3751 = arith.constant 80 : i32
    %add3A_3752 = vector.broadcast %add3A_3751 : i32 to vector<16xi32>
    %add3A_3753 = arith.addi %add3A_3752, %iota3A : vector<16xi32>
    tpu.vector_store_idx %arg5[%get3A_3750, %add3A_3753], %broadcast_in_dim3A_688 : memref<1000x128xf32, #tpu.memory_space<vmem>>[vector<16xi32>, vector<16xi32>], vector<16xf32>,
    %get3A_3754 = arith.constant 10 : i32
    %get3A_3755 = arith.index_cast %get3A_3754 : i32 to index
    %get3A_3756 = arith.constant 96 : index
    %get3A_3757 = tpu.vector_load %arg4[%get3A_3755, %get3A_3756] {strides = array<i32>} : memref<13x128xi32, #tpu.memory_space<vmem>>, vector<16xi32>,
    %add3A_3758 = arith.constant 96 : i32
    %add3A_3759 = vector.broadcast %add3A_3758 : i32 to vector<16xi32>
    %add3A_3760 = arith.addi %add3A_3759, %iota3A : vector<16xi32>
    tpu.vector_store_idx %arg5[%get3A_3757, %add3A_3760], %broadcast_in_dim3A_688 : memref<1000x128xf32, #tpu.memory_space<vmem>>[vector<16xi32>, vector<16xi32>], vector<16xf32>,
    %get3A_3761 = arith.constant 10 : i32
    %get3A_3762 = arith.index_cast %get3A_3761 : i32 to index
    %get3A_3763 = arith.constant 112 : index
    %get3A_3764 = tpu.vector_load %arg4[%get3A_3762, %get3A_3763] {strides = array<i32>} : memref<13x128xi32, #tpu.memory_space<vmem>>, vector<16xi32>,
    %add3A_3765 = arith.constant 112 : i32
    %add3A_3766 = vector.broadcast %add3A_3765 : i32 to vector<16xi32>
    %add3A_3767 = arith.addi %add3A_3766, %iota3A : vector<16xi32>
    tpu.vector_store_idx %arg5[%get3A_3764, %add3A_3767], %broadcast_in_dim3A_688 : memref<1000x128xf32, #tpu.memory_space<vmem>>[vector<16xi32>, vector<16xi32>], vector<16xf32>,
    %get3A_3768 = arith.constant 11 : i32
    %get3A_3769 = arith.index_cast %get3A_3768 : i32 to index
    %get3A_3770 = arith.constant 0 : index
    %get3A_3771 = tpu.vector_load %arg4[%get3A_3769, %get3A_3770] {strides = array<i32>} : memref<13x128xi32, #tpu.memory_space<vmem>>, vector<16xi32>,
    %add3A_3772 = arith.constant 0 : i32
    %add3A_3773 = vector.broadcast %add3A_3772 : i32 to vector<16xi32>
    %add3A_3774 = arith.addi %add3A_3773, %iota3A : vector<16xi32>
    tpu.vector_store_idx %arg5[%get3A_3771, %add3A_3774], %broadcast_in_dim3A_1392 : memref<1000x128xf32, #tpu.memory_space<vmem>>[vector<16xi32>, vector<16xi32>], vector<16xf32>,
    %get3A_3775 = arith.constant 11 : i32
    %get3A_3776 = arith.index_cast %get3A_3775 : i32 to index
    %get3A_3777 = arith.constant 16 : index
    %get3A_3778 = tpu.vector_load %arg4[%get3A_3776, %get3A_3777] {strides = array<i32>} : memref<13x128xi32, #tpu.memory_space<vmem>>, vector<16xi32>,
    %add3A_3779 = arith.constant 16 : i32
    %add3A_3780 = vector.broadcast %add3A_3779 : i32 to vector<16xi32>
    %add3A_3781 = arith.addi %add3A_3780, %iota3A : vector<16xi32>
    tpu.vector_store_idx %arg5[%get3A_3778, %add3A_3781], %broadcast_in_dim3A_1392 : memref<1000x128xf32, #tpu.memory_space<vmem>>[vector<16xi32>, vector<16xi32>], vector<16xf32>,
    %get3A_3782 = arith.constant 11 : i32
    %get3A_3783 = arith.index_cast %get3A_3782 : i32 to index
    %get3A_3784 = arith.constant 32 : index
    %get3A_3785 = tpu.vector_load %arg4[%get3A_3783, %get3A_3784] {strides = array<i32>} : memref<13x128xi32, #tpu.memory_space<vmem>>, vector<16xi32>,
    %add3A_3786 = arith.constant 32 : i32
    %add3A_3787 = vector.broadcast %add3A_3786 : i32 to vector<16xi32>
    %add3A_3788 = arith.addi %add3A_3787, %iota3A : vector<16xi32>
    tpu.vector_store_idx %arg5[%get3A_3785, %add3A_3788], %broadcast_in_dim3A_1392 : memref<1000x128xf32, #tpu.memory_space<vmem>>[vector<16xi32>, vector<16xi32>], vector<16xf32>,
    %get3A_3789 = arith.constant 11 : i32
    %get3A_3790 = arith.index_cast %get3A_3789 : i32 to index
    %get3A_3791 = arith.constant 48 : index
    %get3A_3792 = tpu.vector_load %arg4[%get3A_3790, %get3A_3791] {strides = array<i32>} : memref<13x128xi32, #tpu.memory_space<vmem>>, vector<16xi32>,
    %add3A_3793 = arith.constant 48 : i32
    %add3A_3794 = vector.broadcast %add3A_3793 : i32 to vector<16xi32>
    %add3A_3795 = arith.addi %add3A_3794, %iota3A : vector<16xi32>
    tpu.vector_store_idx %arg5[%get3A_3792, %add3A_3795], %broadcast_in_dim3A_1392 : memref<1000x128xf32, #tpu.memory_space<vmem>>[vector<16xi32>, vector<16xi32>], vector<16xf32>,
    %get3A_3796 = arith.constant 11 : i32
    %get3A_3797 = arith.index_cast %get3A_3796 : i32 to index
    %get3A_3798 = arith.constant 64 : index
    %get3A_3799 = tpu.vector_load %arg4[%get3A_3797, %get3A_3798] {strides = array<i32>} : memref<13x128xi32, #tpu.memory_space<vmem>>, vector<16xi32>,
    %add3A_3800 = arith.constant 64 : i32
    %add3A_3801 = vector.broadcast %add3A_3800 : i32 to vector<16xi32>
    %add3A_3802 = arith.addi %add3A_3801, %iota3A : vector<16xi32>
    tpu.vector_store_idx %arg5[%get3A_3799, %add3A_3802], %broadcast_in_dim3A_1392 : memref<1000x128xf32, #tpu.memory_space<vmem>>[vector<16xi32>, vector<16xi32>], vector<16xf32>,
    %get3A_3803 = arith.constant 11 : i32
    %get3A_3804 = arith.index_cast %get3A_3803 : i32 to index
    %get3A_3805 = arith.constant 80 : index
    %get3A_3806 = tpu.vector_load %arg4[%get3A_3804, %get3A_3805] {strides = array<i32>} : memref<13x128xi32, #tpu.memory_space<vmem>>, vector<16xi32>,
    %add3A_3807 = arith.constant 80 : i32
    %add3A_3808 = vector.broadcast %add3A_3807 : i32 to vector<16xi32>
    %add3A_3809 = arith.addi %add3A_3808, %iota3A : vector<16xi32>
    tpu.vector_store_idx %arg5[%get3A_3806, %add3A_3809], %broadcast_in_dim3A_1392 : memref<1000x128xf32, #tpu.memory_space<vmem>>[vector<16xi32>, vector<16xi32>], vector<16xf32>,
    %get3A_3810 = arith.constant 11 : i32
    %get3A_3811 = arith.index_cast %get3A_3810 : i32 to index
    %get3A_3812 = arith.constant 96 : index
    %get3A_3813 = tpu.vector_load %arg4[%get3A_3811, %get3A_3812] {strides = array<i32>} : memref<13x128xi32, #tpu.memory_space<vmem>>, vector<16xi32>,
    %add3A_3814 = arith.constant 96 : i32
    %add3A_3815 = vector.broadcast %add3A_3814 : i32 to vector<16xi32>
    %add3A_3816 = arith.addi %add3A_3815, %iota3A : vector<16xi32>
    tpu.vector_store_idx %arg5[%get3A_3813, %add3A_3816], %broadcast_in_dim3A_1392 : memref<1000x128xf32, #tpu.memory_space<vmem>>[vector<16xi32>, vector<16xi32>], vector<16xf32>,
    %get3A_3817 = arith.constant 11 : i32
    %get3A_3818 = arith.index_cast %get3A_3817 : i32 to index
    %get3A_3819 = arith.constant 112 : index
    %get3A_3820 = tpu.vector_load %arg4[%get3A_3818, %get3A_3819] {strides = array<i32>} : memref<13x128xi32, #tpu.memory_space<vmem>>, vector<16xi32>,
    %add3A_3821 = arith.constant 112 : i32
    %add3A_3822 = vector.broadcast %add3A_3821 : i32 to vector<16xi32>
    %add3A_3823 = arith.addi %add3A_3822, %iota3A : vector<16xi32>
    tpu.vector_store_idx %arg5[%get3A_3820, %add3A_3823], %broadcast_in_dim3A_1392 : memref<1000x128xf32, #tpu.memory_space<vmem>>[vector<16xi32>, vector<16xi32>], vector<16xf32>,
    %add3A_3824 = arith.constant 352 : i32
    %add3A_3825 = arith.addi %add3A, %add3A_3824 : i32
    %min3A_3826 = arith.constant 399 : i32
    %min3A_3827 = arith.minsi %add3A_3825, %min3A_3826 : i32
    %jit3A_3828 = arith.constant 8 : i32
    %div3A_3829 = arith.divsi %min3A_3827, %jit3A_3828 : i32
    %sign3A_3830 = arith.constant 0 : i32
    %sign3A_3831 = arith.cmpi sgt, %min3A_3827, %sign3A_3830 : i32
    %sign3A_3832 = arith.extui %sign3A_3831 : i1 to i32
    %sign3A_3833 = arith.constant 0 : i32
    %sign3A_3834 = arith.cmpi slt, %min3A_3827, %sign3A_3833 : i32
    %sign3A_3835 = arith.extui %sign3A_3834 : i1 to i32
    %sign3A_3836 = arith.subi %sign3A_3832, %sign3A_3835 : i32
    %sign3A_3837 = arith.constant 0 : i32
    %sign3A_3838 = arith.cmpi sgt, %jit3A_3828, %sign3A_3837 : i32
    %sign3A_3839 = arith.extui %sign3A_3838 : i1 to i32
    %sign3A_3840 = arith.constant 0 : i32
    %sign3A_3841 = arith.cmpi slt, %jit3A_3828, %sign3A_3840 : i32
    %sign3A_3842 = arith.extui %sign3A_3841 : i1 to i32
    %sign3A_3843 = arith.subi %sign3A_3839, %sign3A_3842 : i32
    %ne3A_3844 = arith.cmpi ne, %sign3A_3836, %sign3A_3843 : i32
    %rem3A_3845 = arith.remsi %min3A_3827, %jit3A_3828 : i32
    %ne3A_3846 = arith.constant 0 : i32
    %ne3A_3847 = arith.cmpi ne, %rem3A_3845, %ne3A_3846 : i32
    %and3A_3848 = arith.andi %ne3A_3844, %ne3A_3847 : i1
    %sub3A_3849 = arith.constant 1 : i32
    %sub3A_3850 = arith.subi %div3A_3829, %sub3A_3849 : i32
    %select_n3A_3851 = arith.select %and3A_3848, %sub3A_3850, %div3A_3829 : i32
    %jit3A_3852 = arith.constant 8 : i32
    %eq3A_3853 = arith.constant 0 : i32
    %eq3A_3854 = arith.cmpi eq, %jit3A_3852, %eq3A_3853 : i32
    %jit3A_3855 = arith.constant 1 : i32
    %select_n3A_3856 = arith.select %eq3A_3854, %jit3A_3855, %jit3A_3852 : i32
    %rem3A_3857 = arith.remsi %min3A_3827, %select_n3A_3856 : i32
    %ne3A_3858 = arith.constant 0 : i32
    %ne3A_3859 = arith.cmpi ne, %rem3A_3857, %ne3A_3858 : i32
    %lt3A_3860 = arith.constant 0 : i32
    %lt3A_3861 = arith.cmpi slt, %rem3A_3857, %lt3A_3860 : i32
    %lt3A_3862 = arith.constant 0 : i32
    %lt3A_3863 = arith.cmpi slt, %select_n3A_3856, %lt3A_3862 : i32
    %ne3A_3864 = arith.xori %lt3A_3861, %lt3A_3863 : i1
    %and3A_3865 = arith.andi %ne3A_3864, %ne3A_3859 : i1
    %add3A_3866 = arith.addi %rem3A_3857, %select_n3A_3856 : i32
    %select_n3A_3867 = arith.select %and3A_3865, %add3A_3866, %rem3A_3857 : i32
    %mul3A_3868 = arith.constant 128 : i32
    %mul3A_3869 = arith.muli %select_n3A_3867, %mul3A_3868 : i32
    %dma_start3A_3870 = arith.constant 0 : i32
    %dma_start3A_3871 = tpu.memref_slice %arg3[%select_n3A_3851, %dma_start3A_3870, %mul3A_3869] : memref<50x1000x1024xf32, #tpu.memory_space<hbm>> -> memref<1x1000x128xf32, #tpu.memory_space<hbm>>
    %dma_start3A_3872 = tpu.memref_squeeze %dma_start3A_3871 : memref<1x1000x128xf32, #tpu.memory_space<hbm>> -> memref<1000x128xf32, #tpu.memory_space<hbm>>
    %dma_start3A_3873 = arith.constant 0 : i32
    %dma_start3A_3874 = tpu.memref_slice %arg3[%select_n3A_3851, %dma_start3A_3873, %mul3A_3869] : memref<50x1000x1024xf32, #tpu.memory_space<hbm>> -> memref<1x1000x128xf32, #tpu.memory_space<hbm>>
    %dma_start3A_3875 = tpu.memref_squeeze %dma_start3A_3874 : memref<1x1000x128xf32, #tpu.memory_space<hbm>> -> memref<1000x128xf32, #tpu.memory_space<hbm>>
    tpu.enqueue_dma source(%arg5 : memref<1000x128xf32, #tpu.memory_space<vmem>>) target(%dma_start3A_3875 : memref<1000x128xf32, #tpu.memory_space<hbm>>) target_semaphore(%arg6 : memref<!tpu.dma_semaphore, #tpu.memory_space<semaphore_mem>>)
    %convert_element_type3A_3876 = arith.extui %lt3A_1 : i1 to i32
    %cond3A_3877 = arith.constant 0 : i32
    %cond3A_3878 = arith.cmpi ne, %convert_element_type3A_3876, %cond3A_3877 : i32
    scf.if %cond3A_3878 {
      %add3A_3931 = arith.constant 352 : i32
      %add3A_3932 = arith.addi %add3A, %add3A_3931 : i32
      %min3A_3933 = arith.constant 399 : i32
      %min3A_3934 = arith.minsi %add3A_3932, %min3A_3933 : i32
      %jit3A_3935 = arith.constant 8 : i32
      %div3A_3936 = arith.divsi %min3A_3934, %jit3A_3935 : i32
      %sign3A_3937 = arith.constant 0 : i32
      %sign3A_3938 = arith.cmpi sgt, %min3A_3934, %sign3A_3937 : i32
      %sign3A_3939 = arith.extui %sign3A_3938 : i1 to i32
      %sign3A_3940 = arith.constant 0 : i32
      %sign3A_3941 = arith.cmpi slt, %min3A_3934, %sign3A_3940 : i32
      %sign3A_3942 = arith.extui %sign3A_3941 : i1 to i32
      %sign3A_3943 = arith.subi %sign3A_3939, %sign3A_3942 : i32
      %sign3A_3944 = arith.constant 0 : i32
      %sign3A_3945 = arith.cmpi sgt, %jit3A_3935, %sign3A_3944 : i32
      %sign3A_3946 = arith.extui %sign3A_3945 : i1 to i32
      %sign3A_3947 = arith.constant 0 : i32
      %sign3A_3948 = arith.cmpi slt, %jit3A_3935, %sign3A_3947 : i32
      %sign3A_3949 = arith.extui %sign3A_3948 : i1 to i32
      %sign3A_3950 = arith.subi %sign3A_3946, %sign3A_3949 : i32
      %ne3A_3951 = arith.cmpi ne, %sign3A_3943, %sign3A_3950 : i32
      %rem3A_3952 = arith.remsi %min3A_3934, %jit3A_3935 : i32
      %ne3A_3953 = arith.constant 0 : i32
      %ne3A_3954 = arith.cmpi ne, %rem3A_3952, %ne3A_3953 : i32
      %and3A_3955 = arith.andi %ne3A_3951, %ne3A_3954 : i1
      %sub3A_3956 = arith.constant 1 : i32
      %sub3A_3957 = arith.subi %div3A_3936, %sub3A_3956 : i32
      %select_n3A_3958 = arith.select %and3A_3955, %sub3A_3957, %div3A_3936 : i32
      %jit3A_3959 = arith.constant 8 : i32
      %eq3A_3960 = arith.constant 0 : i32
      %eq3A_3961 = arith.cmpi eq, %jit3A_3959, %eq3A_3960 : i32
      %jit3A_3962 = arith.constant 1 : i32
      %select_n3A_3963 = arith.select %eq3A_3961, %jit3A_3962, %jit3A_3959 : i32
      %rem3A_3964 = arith.remsi %min3A_3934, %select_n3A_3963 : i32
      %ne3A_3965 = arith.constant 0 : i32
      %ne3A_3966 = arith.cmpi ne, %rem3A_3964, %ne3A_3965 : i32
      %lt3A_3967 = arith.constant 0 : i32
      %lt3A_3968 = arith.cmpi slt, %rem3A_3964, %lt3A_3967 : i32
      %lt3A_3969 = arith.constant 0 : i32
      %lt3A_3970 = arith.cmpi slt, %select_n3A_3963, %lt3A_3969 : i32
      %ne3A_3971 = arith.xori %lt3A_3968, %lt3A_3970 : i1
      %and3A_3972 = arith.andi %ne3A_3971, %ne3A_3966 : i1
      %add3A_3973 = arith.addi %rem3A_3964, %select_n3A_3963 : i32
      %select_n3A_3974 = arith.select %and3A_3972, %add3A_3973, %rem3A_3964 : i32
      %mul3A_3975 = arith.constant 128 : i32
      %mul3A_3976 = arith.muli %select_n3A_3974, %mul3A_3975 : i32
      %dma_wait3A_3977 = arith.constant 0 : i32
      %dma_wait3A_3978 = tpu.memref_slice %arg3[%select_n3A_3958, %dma_wait3A_3977, %mul3A_3976] : memref<50x1000x1024xf32, #tpu.memory_space<hbm>> -> memref<1x1000x128xf32, #tpu.memory_space<hbm>>
      %dma_wait3A_3979 = tpu.memref_squeeze %dma_wait3A_3978 : memref<1x1000x128xf32, #tpu.memory_space<hbm>> -> memref<1000x128xf32, #tpu.memory_space<hbm>>
      %dma_wait3A_3980 = arith.constant 0 : i32
      %dma_wait3A_3981 = tpu.memref_slice %arg3[%select_n3A_3958, %dma_wait3A_3980, %mul3A_3976] : memref<50x1000x1024xf32, #tpu.memory_space<hbm>> -> memref<1x1000x128xf32, #tpu.memory_space<hbm>>
      %dma_wait3A_3982 = tpu.memref_squeeze %dma_wait3A_3981 : memref<1x1000x128xf32, #tpu.memory_space<hbm>> -> memref<1000x128xf32, #tpu.memory_space<hbm>>
      tpu.wait_dma2 semaphore(%arg6 : memref<!tpu.dma_semaphore, #tpu.memory_space<semaphore_mem>>) src(%arg5 : memref<1000x128xf32, #tpu.memory_space<vmem>>) dst(%dma_wait3A_3982 : memref<1000x128xf32, #tpu.memory_space<hbm>>)
      %get3A_3983 = arith.constant 11 : i32
      %get3A_3984 = arith.index_cast %get3A_3983 : i32 to index
      %get3A_3985 = arith.constant 0 : index
      %get3A_3986 = tpu.vector_load %arg4[%get3A_3984, %get3A_3985] {strides = array<i32>} : memref<13x128xi32, #tpu.memory_space<vmem>>, vector<16xi32>,
      %add3A_3987 = arith.constant 0 : i32
      %add3A_3988 = vector.broadcast %add3A_3987 : i32 to vector<16xi32>
      %add3A_3989 = arith.addi %add3A_3988, %iota3A : vector<16xi32>
      tpu.vector_store_idx %arg5[%get3A_3986, %add3A_3989], %broadcast_in_dim3A_688 : memref<1000x128xf32, #tpu.memory_space<vmem>>[vector<16xi32>, vector<16xi32>], vector<16xf32>,
      %get3A_3990 = arith.constant 11 : i32
      %get3A_3991 = arith.index_cast %get3A_3990 : i32 to index
      %get3A_3992 = arith.constant 16 : index
      %get3A_3993 = tpu.vector_load %arg4[%get3A_3991, %get3A_3992] {strides = array<i32>} : memref<13x128xi32, #tpu.memory_space<vmem>>, vector<16xi32>,
      %add3A_3994 = arith.constant 16 : i32
      %add3A_3995 = vector.broadcast %add3A_3994 : i32 to vector<16xi32>
      %add3A_3996 = arith.addi %add3A_3995, %iota3A : vector<16xi32>
      tpu.vector_store_idx %arg5[%get3A_3993, %add3A_3996], %broadcast_in_dim3A_688 : memref<1000x128xf32, #tpu.memory_space<vmem>>[vector<16xi32>, vector<16xi32>], vector<16xf32>,
      %get3A_3997 = arith.constant 11 : i32
      %get3A_3998 = arith.index_cast %get3A_3997 : i32 to index
      %get3A_3999 = arith.constant 32 : index
      %get3A_4000 = tpu.vector_load %arg4[%get3A_3998, %get3A_3999] {strides = array<i32>} : memref<13x128xi32, #tpu.memory_space<vmem>>, vector<16xi32>,
      %add3A_4001 = arith.constant 32 : i32
      %add3A_4002 = vector.broadcast %add3A_4001 : i32 to vector<16xi32>
      %add3A_4003 = arith.addi %add3A_4002, %iota3A : vector<16xi32>
      tpu.vector_store_idx %arg5[%get3A_4000, %add3A_4003], %broadcast_in_dim3A_688 : memref<1000x128xf32, #tpu.memory_space<vmem>>[vector<16xi32>, vector<16xi32>], vector<16xf32>,
      %get3A_4004 = arith.constant 11 : i32
      %get3A_4005 = arith.index_cast %get3A_4004 : i32 to index
      %get3A_4006 = arith.constant 48 : index
      %get3A_4007 = tpu.vector_load %arg4[%get3A_4005, %get3A_4006] {strides = array<i32>} : memref<13x128xi32, #tpu.memory_space<vmem>>, vector<16xi32>,
      %add3A_4008 = arith.constant 48 : i32
      %add3A_4009 = vector.broadcast %add3A_4008 : i32 to vector<16xi32>
      %add3A_4010 = arith.addi %add3A_4009, %iota3A : vector<16xi32>
      tpu.vector_store_idx %arg5[%get3A_4007, %add3A_4010], %broadcast_in_dim3A_688 : memref<1000x128xf32, #tpu.memory_space<vmem>>[vector<16xi32>, vector<16xi32>], vector<16xf32>,
      %get3A_4011 = arith.constant 11 : i32
      %get3A_4012 = arith.index_cast %get3A_4011 : i32 to index
      %get3A_4013 = arith.constant 64 : index
      %get3A_4014 = tpu.vector_load %arg4[%get3A_4012, %get3A_4013] {strides = array<i32>} : memref<13x128xi32, #tpu.memory_space<vmem>>, vector<16xi32>,
      %add3A_4015 = arith.constant 64 : i32
      %add3A_4016 = vector.broadcast %add3A_4015 : i32 to vector<16xi32>
      %add3A_4017 = arith.addi %add3A_4016, %iota3A : vector<16xi32>
      tpu.vector_store_idx %arg5[%get3A_4014, %add3A_4017], %broadcast_in_dim3A_688 : memref<1000x128xf32, #tpu.memory_space<vmem>>[vector<16xi32>, vector<16xi32>], vector<16xf32>,
      %get3A_4018 = arith.constant 11 : i32
      %get3A_4019 = arith.index_cast %get3A_4018 : i32 to index
      %get3A_4020 = arith.constant 80 : index
      %get3A_4021 = tpu.vector_load %arg4[%get3A_4019, %get3A_4020] {strides = array<i32>} : memref<13x128xi32, #tpu.memory_space<vmem>>, vector<16xi32>,
      %add3A_4022 = arith.constant 80 : i32
      %add3A_4023 = vector.broadcast %add3A_4022 : i32 to vector<16xi32>
      %add3A_4024 = arith.addi %add3A_4023, %iota3A : vector<16xi32>
      tpu.vector_store_idx %arg5[%get3A_4021, %add3A_4024], %broadcast_in_dim3A_688 : memref<1000x128xf32, #tpu.memory_space<vmem>>[vector<16xi32>, vector<16xi32>], vector<16xf32>,
      %get3A_4025 = arith.constant 11 : i32
      %get3A_4026 = arith.index_cast %get3A_4025 : i32 to index
      %get3A_4027 = arith.constant 96 : index
      %get3A_4028 = tpu.vector_load %arg4[%get3A_4026, %get3A_4027] {strides = array<i32>} : memref<13x128xi32, #tpu.memory_space<vmem>>, vector<16xi32>,
      %add3A_4029 = arith.constant 96 : i32
      %add3A_4030 = vector.broadcast %add3A_4029 : i32 to vector<16xi32>
      %add3A_4031 = arith.addi %add3A_4030, %iota3A : vector<16xi32>
      tpu.vector_store_idx %arg5[%get3A_4028, %add3A_4031], %broadcast_in_dim3A_688 : memref<1000x128xf32, #tpu.memory_space<vmem>>[vector<16xi32>, vector<16xi32>], vector<16xf32>,
      %get3A_4032 = arith.constant 11 : i32
      %get3A_4033 = arith.index_cast %get3A_4032 : i32 to index
      %get3A_4034 = arith.constant 112 : index
      %get3A_4035 = tpu.vector_load %arg4[%get3A_4033, %get3A_4034] {strides = array<i32>} : memref<13x128xi32, #tpu.memory_space<vmem>>, vector<16xi32>,
      %add3A_4036 = arith.constant 112 : i32
      %add3A_4037 = vector.broadcast %add3A_4036 : i32 to vector<16xi32>
      %add3A_4038 = arith.addi %add3A_4037, %iota3A : vector<16xi32>
      tpu.vector_store_idx %arg5[%get3A_4035, %add3A_4038], %broadcast_in_dim3A_688 : memref<1000x128xf32, #tpu.memory_space<vmem>>[vector<16xi32>, vector<16xi32>], vector<16xf32>,
      %get3A_4039 = arith.constant 12 : i32
      %get3A_4040 = arith.index_cast %get3A_4039 : i32 to index
      %get3A_4041 = arith.constant 0 : index
      %get3A_4042 = tpu.vector_load %arg4[%get3A_4040, %get3A_4041] {strides = array<i32>} : memref<13x128xi32, #tpu.memory_space<vmem>>, vector<16xi32>,
      %add3A_4043 = arith.constant 0 : i32
      %add3A_4044 = vector.broadcast %add3A_4043 : i32 to vector<16xi32>
      %add3A_4045 = arith.addi %add3A_4044, %iota3A : vector<16xi32>
      tpu.vector_store_idx %arg5[%get3A_4042, %add3A_4045], %broadcast_in_dim3A_1392 : memref<1000x128xf32, #tpu.memory_space<vmem>>[vector<16xi32>, vector<16xi32>], vector<16xf32>,
      %get3A_4046 = arith.constant 12 : i32
      %get3A_4047 = arith.index_cast %get3A_4046 : i32 to index
      %get3A_4048 = arith.constant 16 : index
      %get3A_4049 = tpu.vector_load %arg4[%get3A_4047, %get3A_4048] {strides = array<i32>} : memref<13x128xi32, #tpu.memory_space<vmem>>, vector<16xi32>,
      %add3A_4050 = arith.constant 16 : i32
      %add3A_4051 = vector.broadcast %add3A_4050 : i32 to vector<16xi32>
      %add3A_4052 = arith.addi %add3A_4051, %iota3A : vector<16xi32>
      tpu.vector_store_idx %arg5[%get3A_4049, %add3A_4052], %broadcast_in_dim3A_1392 : memref<1000x128xf32, #tpu.memory_space<vmem>>[vector<16xi32>, vector<16xi32>], vector<16xf32>,
      %get3A_4053 = arith.constant 12 : i32
      %get3A_4054 = arith.index_cast %get3A_4053 : i32 to index
      %get3A_4055 = arith.constant 32 : index
      %get3A_4056 = tpu.vector_load %arg4[%get3A_4054, %get3A_4055] {strides = array<i32>} : memref<13x128xi32, #tpu.memory_space<vmem>>, vector<16xi32>,
      %add3A_4057 = arith.constant 32 : i32
      %add3A_4058 = vector.broadcast %add3A_4057 : i32 to vector<16xi32>
      %add3A_4059 = arith.addi %add3A_4058, %iota3A : vector<16xi32>
      tpu.vector_store_idx %arg5[%get3A_4056, %add3A_4059], %broadcast_in_dim3A_1392 : memref<1000x128xf32, #tpu.memory_space<vmem>>[vector<16xi32>, vector<16xi32>], vector<16xf32>,
      %get3A_4060 = arith.constant 12 : i32
      %get3A_4061 = arith.index_cast %get3A_4060 : i32 to index
      %get3A_4062 = arith.constant 48 : index
      %get3A_4063 = tpu.vector_load %arg4[%get3A_4061, %get3A_4062] {strides = array<i32>} : memref<13x128xi32, #tpu.memory_space<vmem>>, vector<16xi32>,
      %add3A_4064 = arith.constant 48 : i32
      %add3A_4065 = vector.broadcast %add3A_4064 : i32 to vector<16xi32>
      %add3A_4066 = arith.addi %add3A_4065, %iota3A : vector<16xi32>
      tpu.vector_store_idx %arg5[%get3A_4063, %add3A_4066], %broadcast_in_dim3A_1392 : memref<1000x128xf32, #tpu.memory_space<vmem>>[vector<16xi32>, vector<16xi32>], vector<16xf32>,
      %get3A_4067 = arith.constant 12 : i32
      %get3A_4068 = arith.index_cast %get3A_4067 : i32 to index
      %get3A_4069 = arith.constant 64 : index
      %get3A_4070 = tpu.vector_load %arg4[%get3A_4068, %get3A_4069] {strides = array<i32>} : memref<13x128xi32, #tpu.memory_space<vmem>>, vector<16xi32>,
      %add3A_4071 = arith.constant 64 : i32
      %add3A_4072 = vector.broadcast %add3A_4071 : i32 to vector<16xi32>
      %add3A_4073 = arith.addi %add3A_4072, %iota3A : vector<16xi32>
      tpu.vector_store_idx %arg5[%get3A_4070, %add3A_4073], %broadcast_in_dim3A_1392 : memref<1000x128xf32, #tpu.memory_space<vmem>>[vector<16xi32>, vector<16xi32>], vector<16xf32>,
      %get3A_4074 = arith.constant 12 : i32
      %get3A_4075 = arith.index_cast %get3A_4074 : i32 to index
      %get3A_4076 = arith.constant 80 : index
      %get3A_4077 = tpu.vector_load %arg4[%get3A_4075, %get3A_4076] {strides = array<i32>} : memref<13x128xi32, #tpu.memory_space<vmem>>, vector<16xi32>,
      %add3A_4078 = arith.constant 80 : i32
      %add3A_4079 = vector.broadcast %add3A_4078 : i32 to vector<16xi32>
      %add3A_4080 = arith.addi %add3A_4079, %iota3A : vector<16xi32>
      tpu.vector_store_idx %arg5[%get3A_4077, %add3A_4080], %broadcast_in_dim3A_1392 : memref<1000x128xf32, #tpu.memory_space<vmem>>[vector<16xi32>, vector<16xi32>], vector<16xf32>,
      %get3A_4081 = arith.constant 12 : i32
      %get3A_4082 = arith.index_cast %get3A_4081 : i32 to index
      %get3A_4083 = arith.constant 96 : index
      %get3A_4084 = tpu.vector_load %arg4[%get3A_4082, %get3A_4083] {strides = array<i32>} : memref<13x128xi32, #tpu.memory_space<vmem>>, vector<16xi32>,
      %add3A_4085 = arith.constant 96 : i32
      %add3A_4086 = vector.broadcast %add3A_4085 : i32 to vector<16xi32>
      %add3A_4087 = arith.addi %add3A_4086, %iota3A : vector<16xi32>
      tpu.vector_store_idx %arg5[%get3A_4084, %add3A_4087], %broadcast_in_dim3A_1392 : memref<1000x128xf32, #tpu.memory_space<vmem>>[vector<16xi32>, vector<16xi32>], vector<16xf32>,
      %get3A_4088 = arith.constant 12 : i32
      %get3A_4089 = arith.index_cast %get3A_4088 : i32 to index
      %get3A_4090 = arith.constant 112 : index
      %get3A_4091 = tpu.vector_load %arg4[%get3A_4089, %get3A_4090] {strides = array<i32>} : memref<13x128xi32, #tpu.memory_space<vmem>>, vector<16xi32>,
      %add3A_4092 = arith.constant 112 : i32
      %add3A_4093 = vector.broadcast %add3A_4092 : i32 to vector<16xi32>
      %add3A_4094 = arith.addi %add3A_4093, %iota3A : vector<16xi32>
      tpu.vector_store_idx %arg5[%get3A_4091, %add3A_4094], %broadcast_in_dim3A_1392 : memref<1000x128xf32, #tpu.memory_space<vmem>>[vector<16xi32>, vector<16xi32>], vector<16xf32>,
      %add3A_4095 = arith.constant 384 : i32
      %add3A_4096 = arith.addi %add3A, %add3A_4095 : i32
      %min3A_4097 = arith.constant 399 : i32
      %min3A_4098 = arith.minsi %add3A_4096, %min3A_4097 : i32
      %jit3A_4099 = arith.constant 8 : i32
      %div3A_4100 = arith.divsi %min3A_4098, %jit3A_4099 : i32
      %sign3A_4101 = arith.constant 0 : i32
      %sign3A_4102 = arith.cmpi sgt, %min3A_4098, %sign3A_4101 : i32
      %sign3A_4103 = arith.extui %sign3A_4102 : i1 to i32
      %sign3A_4104 = arith.constant 0 : i32
      %sign3A_4105 = arith.cmpi slt, %min3A_4098, %sign3A_4104 : i32
      %sign3A_4106 = arith.extui %sign3A_4105 : i1 to i32
      %sign3A_4107 = arith.subi %sign3A_4103, %sign3A_4106 : i32
      %sign3A_4108 = arith.constant 0 : i32
      %sign3A_4109 = arith.cmpi sgt, %jit3A_4099, %sign3A_4108 : i32
      %sign3A_4110 = arith.extui %sign3A_4109 : i1 to i32
      %sign3A_4111 = arith.constant 0 : i32
      %sign3A_4112 = arith.cmpi slt, %jit3A_4099, %sign3A_4111 : i32
      %sign3A_4113 = arith.extui %sign3A_4112 : i1 to i32
      %sign3A_4114 = arith.subi %sign3A_4110, %sign3A_4113 : i32
      %ne3A_4115 = arith.cmpi ne, %sign3A_4107, %sign3A_4114 : i32
      %rem3A_4116 = arith.remsi %min3A_4098, %jit3A_4099 : i32
      %ne3A_4117 = arith.constant 0 : i32
      %ne3A_4118 = arith.cmpi ne, %rem3A_4116, %ne3A_4117 : i32
      %and3A_4119 = arith.andi %ne3A_4115, %ne3A_4118 : i1
      %sub3A_4120 = arith.constant 1 : i32
      %sub3A_4121 = arith.subi %div3A_4100, %sub3A_4120 : i32
      %select_n3A_4122 = arith.select %and3A_4119, %sub3A_4121, %div3A_4100 : i32
      %jit3A_4123 = arith.constant 8 : i32
      %eq3A_4124 = arith.constant 0 : i32
      %eq3A_4125 = arith.cmpi eq, %jit3A_4123, %eq3A_4124 : i32
      %jit3A_4126 = arith.constant 1 : i32
      %select_n3A_4127 = arith.select %eq3A_4125, %jit3A_4126, %jit3A_4123 : i32
      %rem3A_4128 = arith.remsi %min3A_4098, %select_n3A_4127 : i32
      %ne3A_4129 = arith.constant 0 : i32
      %ne3A_4130 = arith.cmpi ne, %rem3A_4128, %ne3A_4129 : i32
      %lt3A_4131 = arith.constant 0 : i32
      %lt3A_4132 = arith.cmpi slt, %rem3A_4128, %lt3A_4131 : i32
      %lt3A_4133 = arith.constant 0 : i32
      %lt3A_4134 = arith.cmpi slt, %select_n3A_4127, %lt3A_4133 : i32
      %ne3A_4135 = arith.xori %lt3A_4132, %lt3A_4134 : i1
      %and3A_4136 = arith.andi %ne3A_4135, %ne3A_4130 : i1
      %add3A_4137 = arith.addi %rem3A_4128, %select_n3A_4127 : i32
      %select_n3A_4138 = arith.select %and3A_4136, %add3A_4137, %rem3A_4128 : i32
      %mul3A_4139 = arith.constant 128 : i32
      %mul3A_4140 = arith.muli %select_n3A_4138, %mul3A_4139 : i32
      %dma_start3A_4141 = arith.constant 0 : i32
      %dma_start3A_4142 = tpu.memref_slice %arg3[%select_n3A_4122, %dma_start3A_4141, %mul3A_4140] : memref<50x1000x1024xf32, #tpu.memory_space<hbm>> -> memref<1x1000x128xf32, #tpu.memory_space<hbm>>
      %dma_start3A_4143 = tpu.memref_squeeze %dma_start3A_4142 : memref<1x1000x128xf32, #tpu.memory_space<hbm>> -> memref<1000x128xf32, #tpu.memory_space<hbm>>
      %dma_start3A_4144 = arith.constant 0 : i32
      %dma_start3A_4145 = tpu.memref_slice %arg3[%select_n3A_4122, %dma_start3A_4144, %mul3A_4140] : memref<50x1000x1024xf32, #tpu.memory_space<hbm>> -> memref<1x1000x128xf32, #tpu.memory_space<hbm>>
      %dma_start3A_4146 = tpu.memref_squeeze %dma_start3A_4145 : memref<1x1000x128xf32, #tpu.memory_space<hbm>> -> memref<1000x128xf32, #tpu.memory_space<hbm>>
      tpu.enqueue_dma source(%arg5 : memref<1000x128xf32, #tpu.memory_space<vmem>>) target(%dma_start3A_4146 : memref<1000x128xf32, #tpu.memory_space<hbm>>) target_semaphore(%arg6 : memref<!tpu.dma_semaphore, #tpu.memory_space<semaphore_mem>>)
    } else {
    }
    %add3A_3879 = arith.constant 0 : i32
    %add3A_3880 = arith.addi %add3A, %add3A_3879 : i32
    %min3A_3881 = arith.constant 399 : i32
    %min3A_3882 = arith.minsi %add3A_3880, %min3A_3881 : i32
    %jit3A_3883 = arith.constant 8 : i32
    %div3A_3884 = arith.divsi %min3A_3882, %jit3A_3883 : i32
    %sign3A_3885 = arith.constant 0 : i32
    %sign3A_3886 = arith.cmpi sgt, %min3A_3882, %sign3A_3885 : i32
    %sign3A_3887 = arith.extui %sign3A_3886 : i1 to i32
    %sign3A_3888 = arith.constant 0 : i32
    %sign3A_3889 = arith.cmpi slt, %min3A_3882, %sign3A_3888 : i32
    %sign3A_3890 = arith.extui %sign3A_3889 : i1 to i32
    %sign3A_3891 = arith.subi %sign3A_3887, %sign3A_3890 : i32
    %sign3A_3892 = arith.constant 0 : i32
    %sign3A_3893 = arith.cmpi sgt, %jit3A_3883, %sign3A_3892 : i32
    %sign3A_3894 = arith.extui %sign3A_3893 : i1 to i32
    %sign3A_3895 = arith.constant 0 : i32
    %sign3A_3896 = arith.cmpi slt, %jit3A_3883, %sign3A_3895 : i32
    %sign3A_3897 = arith.extui %sign3A_3896 : i1 to i32
    %sign3A_3898 = arith.subi %sign3A_3894, %sign3A_3897 : i32
    %ne3A_3899 = arith.cmpi ne, %sign3A_3891, %sign3A_3898 : i32
    %rem3A_3900 = arith.remsi %min3A_3882, %jit3A_3883 : i32
    %ne3A_3901 = arith.constant 0 : i32
    %ne3A_3902 = arith.cmpi ne, %rem3A_3900, %ne3A_3901 : i32
    %and3A_3903 = arith.andi %ne3A_3899, %ne3A_3902 : i1
    %sub3A_3904 = arith.constant 1 : i32
    %sub3A_3905 = arith.subi %div3A_3884, %sub3A_3904 : i32
    %select_n3A_3906 = arith.select %and3A_3903, %sub3A_3905, %div3A_3884 : i32
    %jit3A_3907 = arith.constant 8 : i32
    %eq3A_3908 = arith.constant 0 : i32
    %eq3A_3909 = arith.cmpi eq, %jit3A_3907, %eq3A_3908 : i32
    %jit3A_3910 = arith.constant 1 : i32
    %select_n3A_3911 = arith.select %eq3A_3909, %jit3A_3910, %jit3A_3907 : i32
    %rem3A_3912 = arith.remsi %min3A_3882, %select_n3A_3911 : i32
    %ne3A_3913 = arith.constant 0 : i32
    %ne3A_3914 = arith.cmpi ne, %rem3A_3912, %ne3A_3913 : i32
    %lt3A_3915 = arith.constant 0 : i32
    %lt3A_3916 = arith.cmpi slt, %rem3A_3912, %lt3A_3915 : i32
    %lt3A_3917 = arith.constant 0 : i32
    %lt3A_3918 = arith.cmpi slt, %select_n3A_3911, %lt3A_3917 : i32
    %ne3A_3919 = arith.xori %lt3A_3916, %lt3A_3918 : i1
    %and3A_3920 = arith.andi %ne3A_3919, %ne3A_3914 : i1
    %add3A_3921 = arith.addi %rem3A_3912, %select_n3A_3911 : i32
    %select_n3A_3922 = arith.select %and3A_3920, %add3A_3921, %rem3A_3912 : i32
    %mul3A_3923 = arith.constant 128 : i32
    %mul3A_3924 = arith.muli %select_n3A_3922, %mul3A_3923 : i32
    %dma_wait3A_3925 = arith.constant 0 : i32
    %dma_wait3A_3926 = tpu.memref_slice %arg3[%select_n3A_3906, %dma_wait3A_3925, %mul3A_3924] : memref<50x1000x1024xf32, #tpu.memory_space<hbm>> -> memref<1x1000x128xf32, #tpu.memory_space<hbm>>
    %dma_wait3A_3927 = tpu.memref_squeeze %dma_wait3A_3926 : memref<1x1000x128xf32, #tpu.memory_space<hbm>> -> memref<1000x128xf32, #tpu.memory_space<hbm>>
    %dma_wait3A_3928 = arith.constant 0 : i32
    %dma_wait3A_3929 = tpu.memref_slice %arg3[%select_n3A_3906, %dma_wait3A_3928, %mul3A_3924] : memref<50x1000x1024xf32, #tpu.memory_space<hbm>> -> memref<1x1000x128xf32, #tpu.memory_space<hbm>>
    %dma_wait3A_3930 = tpu.memref_squeeze %dma_wait3A_3929 : memref<1x1000x128xf32, #tpu.memory_space<hbm>> -> memref<1000x128xf32, #tpu.memory_space<hbm>>
    tpu.wait_dma2 semaphore(%arg6 : memref<!tpu.dma_semaphore, #tpu.memory_space<semaphore_mem>>) src(%arg5 : memref<1000x128xf32, #tpu.memory_space<vmem>>) dst(%dma_wait3A_3930 : memref<1000x128xf32, #tpu.memory_space<hbm>>)
    return
  }
}

</mosaic_0001>

<sc_bundles>
// kernel: kernel.3.cloned.1.call-start
scs
__scs_entry_jumppad:
0x0: {  	(pc) =	sbr.rel $0x88, $3  }
0x1: {  	(tag) =	ssettag $0x0;
	lr =	simm.s32 $0x1  }
0x2: {  	[smem:$0x3FA0] =	sst lr;
	_ =	strace $0xD0000000  }
0x3: {  	_ = 	snop  }
0x4: {  	_ = 	snop  }
0x5: {  	_ = 	snop  }
0x6: {  	_ = 	snop  }
0x7: {  	_ = 	snop  }
__scs_overlays_trampoline_lowered:
0x8: {  	[smem:$0x3FAF] =	sst s0  }
0x9: {  	[smem:$0x3FB0] =	sst s1  }
0xa: {  	[smem:$0x3FB1] =	sst s2  }
0xb: {  	[smem:$0x3FB2] =	sst s3  }
0xc: {  	[smem:$0x3FB3] =	sst s4  }
0xd: {  	[smem:$0x3FB4] =	sst s5  }
0xe: {  	[smem:$0x3FB5] =	sst s6  }
0xf: {  	[smem:$0x3FB6] =	sst s7  }
0x10: {  	[smem:$0x3FB7] =	sst s8  }
0x11: {  	[smem:$0x3FB8] =	sst s9;
	s0 =	simm.s32 @!p0 $0x0  }
0x12: {  	s1 =	sld [smem:$0x3F9E];
	s0 =	simm.s32 @p0 $0x1  }
0x13: {  	[smem:$0x3FB9] =	sst s0;
	s0 =	simm.s32 @!p1 $0x0  }
0x14: {  	s2 =	sld [smem:$0x3F9D];
	s0 =	simm.s32 @p1 $0x1  }
0x15: {  	[smem:$0x3FBA] =	sst s0;
	s0 =	simm.s32 @!p2 $0x0  }
0x16: {  	s3 =	sld [smem:$0x3FDB];
	s0 =	simm.s32 @p2 $0x1  }
0x17: {  	s4 =	simm.s32 $0x1BF5;
	[smem:$0x3FBC] =	sst s0  }
0x18: {  	s0 =	sld [smem:$0x3F9F];
	_ =	swait.ge [sflag:s4], $0x0  }
0x19: {  	s7 =	sld [smem:$0x3FA0]  }
0x1a: {  	s8 =	sadd.s32 $0xFFFFE003, lr  }
0x1b: {  	s9 =	sadd.s32 $0xFFFFFEF7, lr;
	s5 =	simm.s32 $0xFFFFFFFF;
	p2 =	slt.u32 s8, $0xFFFFF086  }
0x1c: {  	p1 =	slt.u32 s9, $0xF7A;
	s5 =	simm.s32 @!p2 $0x0  }
0x1d: {  	s5 =	simm.s32 @p1 $0x1;
	p0 =	seq.s32 s7, s2  }
0x1e: {  	s7 =	smul.u32 @!p0 $0xF7A, s2;
	p2 =	seq.s32 @!p0 s5, $0x0  }
0x1f: {  	s9 =	smul.u32 $0xF7A, s1;
	s8 =	simm.s32 @!p0 $0x1BF5;
	p2 =	por !p2, p0  }
0x20: {  	[sflag:s8] =	ssyncset.s32 @!p0 $0xFFFFF086;
	s6 =	sadd.s32 @!p0 s3, s7;
	s7 =	simm.s32 @!p0 $0x108  }
0x21: {  	s3 =	sadd.s32 s3, s9;
	s6 =	sadd.s32 @!p0 $0x88, s6;
	s7 =	simm.s32 @p2 $0x1082  }
0x22: {  	[simem:s7], [sflag:s8] =	dma.local @!p0 [hbm:s6], $0xF7A  }
0x23: {  	s9 =	sor.u32 $0xD0000000, s2;
	s6 =	simm.s32 $0x108;
	_ =	swait.ge @!p0 [sflag:s8], $0x0  }
0x24: {  	s3 =	sadd.s32 $0x88, s3;
	s6 =	simm.s32 @!p1 $0x1082;
	[sflag:s4] =	ssyncset.s32 $0xFFFFF086  }
0x25: {  	[simem:s6], [sflag:s4] =	dma.local [hbm:s3], $0xF7A  }
0x26: {  	[smem:$0x3FA0] =	sst s1;
	(tag) =	ssettag s2;
	_ =	strace s9  }
0x27: {  	s1 =	sld [smem:$0x3FB0]  }
0x28: {  	s2 =	sld [smem:$0x3FB1]  }
0x29: {  	s4 =	sld [smem:$0x3FB3]  }
0x2a: {  	p0 =	seq.s32 s5, $0x0;
	s5 =	sld [smem:$0x3FB4]  }
0x2b: {  	s6 =	sld [smem:$0x3FB5]  }
0x2c: {  	s7 =	sld [smem:$0x3FB6]  }
0x2d: {  	s3 =	simm.s32 $0x108;
	s8 =	sld [smem:$0x3FB7]  }
0x2e: {  	s3 =	simm.s32 @!p0 $0x1082;
	s9 =	sld [smem:$0x3FB8]  }
0x2f: {  	lr =	sadd.s32 s0, s3;
	s0 =	sld [smem:$0x3FAF]  }
0x30: {  	s3 =	sld [smem:$0x3FB2]  }
0x31: {  	[smem:$0x3FBB] =	sst s10  }
0x32: {  	s10 =	sld [smem:$0x3FB9];
	_ =	sdelay $0x3  }
0x33: {  	p0 =	seq.s32 s10, $0x1;
	s10 =	sld [smem:$0x3FBB];
	_ =	sdelay $0x3  }
0x34: {  	[smem:$0x3FBB] =	sst s10  }
0x35: {  	s10 =	sld [smem:$0x3FBA];
	_ =	sdelay $0x3  }
0x36: {  	p1 =	seq.s32 s10, $0x1;
	s10 =	sld [smem:$0x3FBB];
	_ =	sdelay $0x3  }
0x37: {  	[smem:$0x3FBB] =	sst s10  }
0x38: {  	s10 =	sld [smem:$0x3FBC]  }
0x39: {  	_ = 	snop;
	(pc) =	sbr.ind lr, $3  }
0x3a: {  	_ = 	snop  }
0x3b: {  	_ = 	snop  }
0x3c: {  	p2 =	seq.s32 s10, $0x1;
	s10 =	sld [smem:$0x3FBB]  }
0x3d: {  	_ =	shalt  }
0x3e: {  	_ =	shalt  }
0x3f: {  	_ =	shalt  }
0x40: {  	_ =	shalt  }
0x41: {  	_ =	shalt  }
0x42: {  	_ =	shalt  }
0x43: {  	_ =	shalt  }
0x44: {  	_ =	shalt  }
0x45: {  	_ =	shalt  }
0x46: {  	_ =	shalt  }
0x47: {  	_ =	shalt  }
0x48: {  	_ =	shalt  }
0x49: {  	_ =	shalt  }
0x4a: {  	_ =	shalt  }
0x4b: {  	_ =	shalt  }
0x4c: {  	_ =	shalt  }
0x4d: {  	_ =	shalt  }
0x4e: {  	_ =	shalt  }
0x4f: {  	_ =	shalt  }
0x50: {  	_ =	shalt  }
0x51: {  	_ =	shalt  }
0x52: {  	_ =	shalt  }
0x53: {  	_ =	shalt  }
0x54: {  	_ =	shalt  }
0x55: {  	_ =	shalt  }
0x56: {  	_ =	shalt  }
0x57: {  	_ =	shalt  }
0x58: {  	_ =	shalt  }
0x59: {  	_ =	shalt  }
0x5a: {  	_ =	shalt  }
0x5b: {  	_ =	shalt  }
0x5c: {  	_ =	shalt  }
0x5d: {  	_ =	shalt  }
0x5e: {  	_ =	shalt  }
0x5f: {  	_ =	shalt  }
0x60: {  	_ =	shalt  }
0x61: {  	_ =	shalt  }
0x62: {  	_ =	shalt  }
0x63: {  	_ =	shalt  }
0x64: {  	_ =	shalt  }
0x65: {  	_ =	shalt  }
0x66: {  	_ =	shalt  }
0x67: {  	_ =	shalt  }
0x68: {  	_ =	shalt  }
0x69: {  	_ =	shalt  }
0x6a: {  	_ =	shalt  }
0x6b: {  	_ =	shalt  }
0x6c: {  	_ =	shalt  }
0x6d: {  	_ =	shalt  }
0x6e: {  	_ =	shalt  }
0x6f: {  	_ =	shalt  }
0x70: {  	_ =	shalt  }
0x71: {  	_ =	shalt  }
0x72: {  	_ =	shalt  }
0x73: {  	_ =	shalt  }
0x74: {  	_ =	shalt  }
0x75: {  	_ =	shalt  }
0x76: {  	_ =	shalt  }
0x77: {  	_ =	shalt  }
0x78: {  	_ =	shalt  }
0x79: {  	_ =	shalt  }
0x7a: {  	_ =	shalt  }
0x7b: {  	_ =	shalt  }
0x7c: {  	_ =	shalt  }
0x7d: {  	_ =	shalt  }
0x7e: {  	_ =	shalt  }
0x7f: {  	_ =	shalt  }
0x80: {  	_ =	shalt  }
0x81: {  	_ =	shalt  }
0x82: {  	_ =	shalt  }
0x83: {  	_ =	shalt  }
0x84: {  	_ =	shalt  }
0x85: {  	_ =	shalt  }
0x86: {  	_ =	shalt  }
0x87: {  	_ =	shalt  }
.Lfunc_end0:
.L_simem_size_0:
called_computation_lowered:
.L_overlay_start_0:
0x88: {  	s2 =	sld [smem:$0x3FD9]  }
0x89: {  	s3 =	sld [smem:$0x3FFE];
	_ =	sdelay $0x1  }
0x8a: {  	s1 =	srdreg.scid  }
0x8b: {  	s0 =	sand.u32 $0x1, s1  }
0x8c: {  	s17 =	sshll.u32 s0, $0xA;
	s2 =	sadd.s32 s3, s2  }
0x8d: {  	s2 =	sadd.s32 s2, s17  }
0x8e: {  	[smem:$0x3FC7] =	sst s2  }
0x8f: {  	_ = 	snop  }
0x90: {  	s2 =	sld [smem:$0x3FD0];
	(tm) =	ssettm $0x1  }
0x91: {  	s18 =	sld [smem:$0x3FFB];
	_ =	sdelay $0x3  }
0x92: {  	_ =	strace s18  }
0x93: {  	s3 =	sld [smem:$0x3FFC];
	_ =	sdelay $0x3  }
0x94: {  	_ =	strace s3  }
0x95: {  	s3 =	sld [smem:$0x3FFD];
	_ =	sdelay $0x3  }
0x96: {  	_ =	strace s3  }
0x97: {  	_ =	strace $0x8FFFFFFF  }
0x98: {  	s19 =	sld [smem:$0x3FDB];
	_ =	sdelay $0x1  }
0x99: {  	s4 =	simm.s32 $_scs_section_size  }
0x9a: {  	s5 =	simm.s32 $_size__tile_overlayer_lowered;
	s6 =	simm.s32 $_tile_overlayer_lowered  }
0x9b: {  	s22 =	simm.s32 $0x1BFF;
	s21 =	sshll.u32 s6, $0x1;
	s3 =	sadd.s32 s4, s19  }
0x9c: {  	s7 =	simm.s32 $0x0;
	s20 =	sshll.u32 s5, $0x1;
	s5 =	sadd.s32 s21, s3  }
0x9d: {  	[timem:s7], [sflag:s22] =	dma.local [hbm:s5], s20  }
0x9e: {  	_ =	swait.ge [sflag:s22], s20  }
0x9f: {  	s4 =	ssub.s32 $0x0, s20;
	[sflag:s22] =	ssyncset.done $0x0  }
0xa0: {  	[sflag:s22] =	ssyncadd.s32 s4;
	_ =	sdelay $0x1  }
0xa1: {  	s23 =	simm.s32 $0x1B8B  }
0xa2: {  	_ =	swait.ge [sflag:s23], $0x1  }
0xa3: {  	[sflag:s23] =	ssyncset.done $0x0  }
0xa4: {  	s25 =	simm.s32 $0x1B8E;
	s24 =	sld [smem:$0x3FFE];
	[sflag:s23] =	ssyncadd.s32 $0xFFFFFFFF  }
0xa5: {  	s26 =	simm.s32 $execute0_lowered;
	[smem:$0x3FD2] =	sst s25  }
0xa6: {  	s5 =	sshll.u32 s26, $0x1;
	_ =	strace $0x80000046;
	[dreg:$0x1] =	wrdreg $0xFFFFFFFF  }
0xa7: {  	s28 =	simm.s32 $_size_execute0_lowered;
	s3 =	sadd.s32 s3, s5;
	[dreg:$0x0] =	wrdreg $0x0  }
0xa8: {  	s5 =	sshll.u32 s28, $0x1;
	[dreg:$0x2] =	wrdreg s3  }
0xa9: {  	[dreg:$0x3] =	wrdreg s5  }
0xaa: {  	[dreg:$0x4] =	wrdreg $0xC0  }
0xab: {  	_ =	task [dreg:s7], $0x5FFFF  }
0xac: {  	[dreg:$0x1] =	wrdreg $0xFFFFFFFF  }
0xad: {  	[dreg:$0x0] =	wrdreg $0x60  }
0xae: {  	[dreg:$0x2] =	wrdreg s24  }
0xaf: {  	[dreg:$0x3] =	wrdreg s2  }
0xb0: {  	[dreg:$0x4] =	wrdreg $0x9  }
0xb1: {  	_ =	task.clear_ibuf [dreg:s7], $0x5FFFF;
	_ =	strace $0x90000046  }
0xb2: {  	s29 =	simm.s32 $0x9;
	_ =	strace $0x80000048  }
0xb3: {  	_ =	swait.ge [sflag:s29], $0x1  }
0xb4: {  	[sflag:s29] =	ssyncadd.s32 $0xFFFFFFFF  }
0xb5: {  	_ =	strace $0x90000048  }
0xb6: {  	_ =	sfence  }
0xb7: {  	s30 =	sld [smem:$0x0];
	_ =	sdelay $0x2  }
0xb8: {  	s31 =	sshll.u32 s1, $0xD;
	s1 =	sshrl.u32 s1, $0x2  }
0xb9: {  	s3 =	sand.u32 $0x4000, s31;
	s1 =	sadd.s32 s1, s30  }
0xba: {  	s0 =	sor.u32 s3, s0;
	s1 =	sshll.u32 s1, $0x11  }
0xbb: {  	s0 =	sor.u32 s1, s0  }
0xbc: {  	s0 =	sadd.s32 $0x8F2B, s0  }
0xbd: {  	[sflag:s0] =	ssyncadd.remote.s32 $0x1  }
0xbe: {  	_ =	sfence.sel $0xFFFF  }
0xbf: {  	[dreg:$0x0] =	wrdreg $0xFFFFFFFF;
	(pc) =	sbr.abs _section_cstart, $3  }
0xc0: {  	[dreg:$0x1] =	wrdreg $0xFFFFFFFF  }
0xc1: {  	_ =	task.clear_ibuf [dreg:s7], $0x2FFFF;
	_ =	strace $0x9FFFFFFF  }
0xc2: {  	(tm) =	ssettm $0x7FFFFFFF  }
0xc3: {  	_ =	shalt  }
tec
execute0_lowered:
.L_overlay_start_1:
0x0: {  	(tag) =	ssettag $0x1  }
0x1: {  	s0 =	srdreg.scid;
	s1 =	rddreg [dreg:$0x0]  }
0x2: {  	s31 =	stileid.u32;
	s28 =	rddreg [dreg:$0x1];
	s0 =	sand.u32 $0x1, s0  }
0x3: {  	s2 =	sadd.s32 $0x400, s1;
	s3 =	sshll.u32 s31, $0x1;
	s13 =	sshrl.u32 s31, $0x2  }
0x4: {  	p0 =	sgt.u32 s31, $0x7;
	s24 =	ssub.s32 $0x2, s0;
	s3 =	sor.u32 s0, s3  }
0x5: {  	s5 =	sshll.u32 s13, $0xA;
	s14 =	sor.u32 $0x8, s13;
	s15 =	sor.u32 $0xC, s13  }
0x6: {  	s16 =	sor.u32 $0x10, s13;
	s17 =	sor.u32 $0x14, s13;
	s18 =	sor.u32 $0x18, s13  }
0x7: {  	s19 =	sor.u32 $0x1C, s13;
	s20 =	sor.u32 $0x20, s13;
	s21 =	sor.u32 $0x24, s13  }
0x8: {  	s23 =	sor.u32 $0x28, s13;
	s4 =	sshrl.u32 s24, $0x1;
	s25 =	sshll.u32 s3, $0x7  }
0x9: {  	s7 =	sshll.u32 s14, $0xA;
	s8 =	sshll.u32 s16, $0xA;
	s9 =	sshll.u32 s17, $0xA  }
0xa: {  	s11 =	sshll.u32 s18, $0xA;
	s12 =	sshll.u32 s21, $0xA;
	s0 =	ssub.s32 s24, s4  }
0xb: {  	s4 =	sor.u32 $0x4, s13;
	s1 =	sand.u32 $0x380, s25;
	s25 =	sshll.u32 s23, $0xA  }
0xc: {  	s24 =	sor.u32 $0x2C, s13;
	s6 =	sshll.u32 s4, $0xA;
	s5 =	sor.u32 s5, s1  }
0xd: {  	s10 =	sor.u32 s9, s1;
	s9 =	sshll.u32 s20, $0xA;
	s4 =	smul.u32 $0x1F400, s4  }
0xe: {  	s30 =	smax.u32 s0, $0x1;
	s0 =	simm.s32 $0x800;
	s6 =	sor.u32 s6, s1  }
0xf: {  	s5 =	sshrl.u32 s5, $0x3;
	s9 =	sor.u32 s9, s1;
	s6 =	sshrl.u32 s6, $0x3  }
0x10: {  	s5 =	sadd.s32 s2, s5;
	s9 =	sshrl.u32 s9, $0x3;
	s4 =	sadd.s32 s28, s4  }
0x11: {  	[dreg:$0x3] =	wrdreg s5;
	s26 =	sadd.s32 s2, s6;
	s6 =	sor.u32 s7, s1  }
0x12: {  	s7 =	sshll.u32 s15, $0xA;
	s9 =	sadd.s32 s2, s9;
	[dreg:$0x4] =	wrdreg s26  }
0x13: {  	s5 =	sshrl.u32 s6, $0x3;
	s6 =	sor.u32 s8, s1;
	s8 =	sshll.u32 s19, $0xA  }
0x14: {  	s26 =	smul.u32 $0x1F400, s13;
	s5 =	sadd.s32 s2, s5;
	s6 =	sshrl.u32 s6, $0x3  }
0x15: {  	s8 =	sor.u32 s8, s1;
	[dreg:$0x5] =	wrdreg s5;
	s5 =	sor.u32 s7, s1  }
0x16: {  	s7 =	sor.u32 s11, s1;
	s8 =	sshrl.u32 s8, $0x3;
	s11 =	sshll.u32 s3, $0x4  }
0x17: {  	s3 =	sshll.u32 s3, $0xA;
	s5 =	sshrl.u32 s5, $0x3;
	s7 =	sshrl.u32 s7, $0x3  }
0x18: {  	s8 =	sadd.s32 s2, s8;
	s11 =	sand.u32 $0x70, s11;
	s5 =	sadd.s32 s2, s5  }
0x19: {  	s3 =	sand.u32 $0x1C00, s3;
	s7 =	sadd.s32 s2, s7;
	[dreg:$0x6] =	wrdreg s5  }
0x1a: {  	s5 =	sadd.s32 s2, s6;
	s6 =	sshrl.u32 s10, $0x3;
	s10 =	sshll.u32 s31, $0x5  }
0x1b: {  	s31 =	simm.s32 $0x2;
	s6 =	sadd.s32 s2, s6;
	s10 =	sand.u32 $0x80, s10  }
0x1c: {  	s22 =	sor.u32 s11, s10;
	s10 =	sor.u32 s12, s1;
	s11 =	sor.u32 s25, s1  }
0x1d: {  	s12 =	sshll.u32 s24, $0xA;
	s25 =	smul.u32 $0xFA000, s13;
	s13 =	simm.s32 $0x0  }
0x1e: {  	s24 =	smul.u32 $0x1F400, s24;
	s10 =	sshrl.u32 s10, $0x3;
	s11 =	sshrl.u32 s11, $0x3  }
0x1f: {  	s12 =	sor.u32 s12, s1;
	[smem:$0x7FF] =	sst s13;
	s10 =	sadd.s32 s2, s10  }
0x20: {  	s11 =	sadd.s32 s2, s11;
	s12 =	sshrl.u32 s12, $0x3;
	s3 =	sor.u32 s3, s25  }
0x21: {  	s25 =	smul.u32 $0x1F400, s14;
	s12 =	sadd.s32 s2, s12;
	s2 =	sadd.s32 s22, s2  }
0x22: {  	s22 =	sadd.s32 s28, s26;
	s26 =	smul.u32 $0x1F400, s15;
	s15 =	sadd.s32 s1, s4  }
0x23: {  	s4 =	smul.u32 $0x1F400, s16;
	s3 =	sadd.s32 $0x2EE0000, s3;
	s14 =	sadd.s32 s1, s22  }
0x24: {  	s25 =	sadd.s32 s28, s25;
	s22 =	sadd.s32 s28, s26;
	s26 =	smul.u32 $0x1F400, s17  }
0x25: {  	s4 =	sadd.s32 s28, s4;
	s17 =	sadd.s32 s1, s22;
	s22 =	smul.u32 $0x1F400, s18  }
0x26: {  	s29 =	sadd.s32 $0x1800, s2;
	s18 =	sadd.s32 s1, s4;
	s4 =	smul.u32 $0x1F400, s20  }
0x27: {  	s16 =	sadd.s32 s1, s25;
	s25 =	sadd.s32 s28, s26;
	s26 =	smul.u32 $0x1F400, s19  }
0x28: {  	s19 =	sadd.s32 s1, s25;
	s22 =	sadd.s32 s28, s22;
	s25 =	smul.u32 $0x1F400, s21  }
0x29: {  	s4 =	sadd.s32 s28, s4;
	s26 =	sadd.s32 s28, s26;
	s20 =	sadd.s32 s1, s22  }
0x2a: {  	s21 =	sadd.s32 s1, s26;
	s26 =	smul.u32 $0x1F400, s23;
	s25 =	sadd.s32 s28, s25  }
.Ltmp0:
0x2b: {  	s22 =	sadd.s32 s1, s4;
	s23 =	sadd.s32 s1, s25;
	(pc) =	sbr.rel .LBB2_1-.Ltmp0, $4  }
0x2c: {  	v0 =	vlaneseq.u32;
	s25 =	sadd.s32 s28, s26;
	s26 =	sadd.s32 s28, s24;
	s24 =	sshrl.u32 s3, $0x3  }
0x2d: {  	v1 =	vimm.f32 $0.0e+00;
	v2 =	vimm.f32 $1.000000000e+00;
	v3 =	vor.u32 $0x10, v0;
	s25 =	sadd.s32 s1, s25;
	s26 =	sadd.s32 s1, s26;
	s1 =	sadd.s32 s28, s24  }
0x2e: {  	v4 =	vor.u32 $0x20, v0;
	v5 =	vor.u32 $0x30, v0;
	v6 =	vor.u32 $0x40, v0;
	s2 =	simm.s32 $0x0;
	s24 =	simm.s32 $0x400;
	[dreg:$0x7] =	wrdreg s1  }
0x2f: {  	v7 =	vor.u32 $0x50, v0;
	v8 =	vor.u32 $0x60, v0;
	v9 =	vor.u32 $0x70, v0;
	s28 =	simm.s32 $0x2000;
	s1 =	simm.s32 $0x1;
	_ =	strace $0x80000047  }
.LBB2_5:
0x30: {  	s2 =	sadd.s32 $0x1, s2  }
0x31: {  	p1 =	sne.s32 s2, s30  }
.Ltmp1:
0x32: {  	_ = 	snop;
	(pc) =	sbr.rel @!p1 .LBB2_6-.Ltmp1, $4  }
0x33: {  	_ = 	snop  }
0x34: {  	_ =	swait.ge [sflag:s1], $0x1F400  }
0x35: {  	[sflag:s1] =	ssyncset.done $0x0  }
0x36: {  	[sflag:s1] =	ssyncadd.s32 $0xFFFE0C00  }
.LBB2_1:
0x37: {  	s3 =	rddreg [dreg:$0x3]  }
0x38: {  	[tilespmem:s13], [sflag:$0x2] =	stream.linear.gather [hbm4b:s3+s13], $0x80, $0x38;
	[tilespmem:$0x1FC00] =	vst v63  }
0x39: {  	s4 =	simm.s32 $0x80;
	s3 =	rddreg [dreg:$0x4]  }
0x3a: {  	[tilespmem:s4], [sflag:$0x2] =	stream.linear.gather [hbm4b:s3+s13], $0x80, $0x38;
	[tilespmem:$0x1FC00] =	vst v63  }
0x3b: {  	s3 =	rddreg [dreg:$0x5];
	s4 =	simm.s32 $0x100  }
0x3c: {  	[tilespmem:s4], [sflag:$0x2] =	stream.linear.gather [hbm4b:s3+s13], $0x80, $0x38;
	[tilespmem:$0x1FC00] =	vst v63  }
0x3d: {  	s3 =	rddreg [dreg:$0x6];
	s4 =	simm.s32 $0x180  }
0x3e: {  	[tilespmem:s4], [sflag:$0x2] =	stream.linear.gather [hbm4b:s3+s13], $0x80, $0x38;
	[tilespmem:$0x1FC00] =	vst v63  }
0x3f: {  	s4 =	simm.s32 $0x200  }
0x40: {  	[tilespmem:s4], [sflag:$0x2] =	stream.linear.gather [hbm4b:s5+s13], $0x80, $0x38;
	[tilespmem:$0x1FC00] =	vst v63  }
0x41: {  	s4 =	simm.s32 $0x280  }
0x42: {  	[tilespmem:s4], [sflag:$0x2] =	stream.linear.gather [hbm4b:s6+s13], $0x80, $0x38;
	[tilespmem:$0x1FC00] =	vst v63  }
0x43: {  	s4 =	simm.s32 $0x300  }
0x44: {  	[tilespmem:s4], [sflag:$0x2] =	stream.linear.gather [hbm4b:s7+s13], $0x80, $0x38;
	[tilespmem:$0x1FC00] =	vst v63  }
0x45: {  	s4 =	simm.s32 $0x380  }
0x46: {  	[tilespmem:s4], [sflag:$0x2] =	stream.linear.gather [hbm4b:s8+s13], $0x80, $0x38;
	[tilespmem:$0x1FC00] =	vst v63  }
0x47: {  	_ = 	snop  }
0x48: {  	[tilespmem:s24], [sflag:$0x2] =	stream.linear.gather [hbm4b:s9+s13], $0x80, $0x38;
	[tilespmem:$0x1FC00] =	vst v63  }
0x49: {  	s4 =	simm.s32 $0x480  }
0x4a: {  	[tilespmem:s4], [sflag:$0x2] =	stream.linear.gather [hbm4b:s10+s13], $0x80, $0x38;
	[tilespmem:$0x1FC00] =	vst v63  }
0x4b: {  	s4 =	simm.s32 $0x500  }
0x4c: {  	[tilespmem:s4], [sflag:$0x2] =	stream.linear.gather [hbm4b:s11+s13], $0x80, $0x38;
	[tilespmem:$0x1FC00] =	vst v63  }
0x4d: {  	s4 =	simm.s32 $0x580  }
0x4e: {  	[tilespmem:s4], [sflag:$0x2] =	stream.linear.gather [hbm4b:s12+s13], $0x80, $0x38;
	[tilespmem:$0x1FC00] =	vst v63  }
0x4f: {  	s3 =	simm.s32 @!p0 $0x0;
	s4 =	simm.s32 @!p0 $0x600  }
0x50: {  	[tilespmem:s4], [sflag:$0x2] =	stream.linear.gather @!p0 [hbm4b:s29+s3], $0x80, $0x38;
	[tilespmem:$0x1FC00] =	vst v63  }
0x51: {  	s3 =	simm.s32 $0x0;
	s4 =	simm.s32 $0x1000  }
.LBB2_2:
0x52: {  	p1 =	sne.s32 s4, $0x7C000;
	[tilespmem:s3+$0xBF0] =	vst v1  }
0x53: {  	[tilespmem:s3+$0x800] =	vst v1  }
0x54: {  	[tilespmem:s3+$0x810] =	vst v1  }
0x55: {  	[tilespmem:s3+$0x820] =	vst v1  }
0x56: {  	[tilespmem:s3+$0x830] =	vst v1  }
0x57: {  	[tilespmem:s3+$0x840] =	vst v1  }
0x58: {  	[tilespmem:s3+$0x850] =	vst v1  }
0x59: {  	[tilespmem:s3+$0x860] =	vst v1  }
0x5a: {  	[tilespmem:s3+$0x870] =	vst v1  }
0x5b: {  	[tilespmem:s3+$0x880] =	vst v1  }
0x5c: {  	[tilespmem:s3+$0x890] =	vst v1  }
0x5d: {  	[tilespmem:s3+$0x8A0] =	vst v1  }
0x5e: {  	[tilespmem:s3+$0x8B0] =	vst v1  }
0x5f: {  	[tilespmem:s3+$0x8C0] =	vst v1  }
0x60: {  	[tilespmem:s3+$0x8D0] =	vst v1  }
0x61: {  	[tilespmem:s3+$0x8E0] =	vst v1  }
0x62: {  	[tilespmem:s3+$0x8F0] =	vst v1  }
0x63: {  	[tilespmem:s3+$0x900] =	vst v1  }
0x64: {  	[tilespmem:s3+$0x910] =	vst v1  }
0x65: {  	[tilespmem:s3+$0x920] =	vst v1  }
0x66: {  	[tilespmem:s3+$0x930] =	vst v1  }
0x67: {  	[tilespmem:s3+$0x940] =	vst v1  }
0x68: {  	[tilespmem:s3+$0x950] =	vst v1  }
0x69: {  	[tilespmem:s3+$0x960] =	vst v1  }
0x6a: {  	[tilespmem:s3+$0x970] =	vst v1  }
0x6b: {  	[tilespmem:s3+$0x980] =	vst v1  }
0x6c: {  	[tilespmem:s3+$0x990] =	vst v1  }
0x6d: {  	[tilespmem:s3+$0x9A0] =	vst v1  }
0x6e: {  	[tilespmem:s3+$0x9B0] =	vst v1  }
0x6f: {  	[tilespmem:s3+$0x9C0] =	vst v1  }
0x70: {  	[tilespmem:s3+$0x9D0] =	vst v1  }
0x71: {  	[tilespmem:s3+$0x9E0] =	vst v1  }
0x72: {  	[tilespmem:s3+$0x9F0] =	vst v1  }
0x73: {  	[tilespmem:s3+$0xA00] =	vst v1  }
0x74: {  	[tilespmem:s3+$0xA10] =	vst v1  }
0x75: {  	[tilespmem:s3+$0xA20] =	vst v1  }
0x76: {  	[tilespmem:s3+$0xA30] =	vst v1  }
0x77: {  	[tilespmem:s3+$0xA40] =	vst v1  }
0x78: {  	[tilespmem:s3+$0xA50] =	vst v1  }
0x79: {  	[tilespmem:s3+$0xA60] =	vst v1  }
0x7a: {  	[tilespmem:s3+$0xA70] =	vst v1  }
0x7b: {  	[tilespmem:s3+$0xA80] =	vst v1  }
0x7c: {  	[tilespmem:s3+$0xA90] =	vst v1  }
0x7d: {  	[tilespmem:s3+$0xAA0] =	vst v1  }
0x7e: {  	[tilespmem:s3+$0xAB0] =	vst v1  }
0x7f: {  	[tilespmem:s3+$0xAC0] =	vst v1  }
0x80: {  	[tilespmem:s3+$0xAD0] =	vst v1  }
0x81: {  	[tilespmem:s3+$0xAE0] =	vst v1  }
0x82: {  	[tilespmem:s3+$0xAF0] =	vst v1  }
0x83: {  	[tilespmem:s3+$0xB00] =	vst v1  }
0x84: {  	[tilespmem:s3+$0xB10] =	vst v1  }
0x85: {  	[tilespmem:s3+$0xB20] =	vst v1  }
0x86: {  	[tilespmem:s3+$0xB30] =	vst v1  }
0x87: {  	[tilespmem:s3+$0xB40] =	vst v1  }
0x88: {  	[tilespmem:s3+$0xB50] =	vst v1  }
0x89: {  	[tilespmem:s3+$0xB60] =	vst v1  }
0x8a: {  	[tilespmem:s3+$0xB70] =	vst v1  }
0x8b: {  	[tilespmem:s3+$0xB80] =	vst v1  }
0x8c: {  	[tilespmem:s3+$0xB90] =	vst v1  }
.Ltmp2:
0x8d: {  	[tilespmem:s3+$0xBA0] =	vst v1;
	(pc) =	sbr.rel @p1 .LBB2_2-.Ltmp2, $4  }
0x8e: {  	[tilespmem:s3+$0xBB0] =	vst v1  }
0x8f: {  	[tilespmem:s3+$0xBC0] =	vst v1  }
0x90: {  	[tilespmem:s3+$0xBD0] =	vst v1  }
0x91: {  	[tilespmem:s3+$0xBE0] =	vst v1;
	s3 =	sshra.s32 s4, $0x2;
	s4 =	sadd.s32 $0x1000, s4  }
0x92: {  	[tilespmem:s3+$0xBF0] =	vst v1  }
0x93: {  	[tilespmem:s3+$0x800] =	vst v1  }
0x94: {  	[tilespmem:s3+$0x810] =	vst v1  }
0x95: {  	[tilespmem:s3+$0x820] =	vst v1  }
0x96: {  	[tilespmem:s3+$0x830] =	vst v1  }
0x97: {  	[tilespmem:s3+$0x840] =	vst v1  }
0x98: {  	[tilespmem:s3+$0x850] =	vst v1  }
0x99: {  	[tilespmem:s3+$0x860] =	vst v1  }
0x9a: {  	[tilespmem:s3+$0x870] =	vst v1  }
0x9b: {  	[tilespmem:s3+$0x880] =	vst v1  }
0x9c: {  	[tilespmem:s3+$0x890] =	vst v1  }
0x9d: {  	[tilespmem:s3+$0x8A0] =	vst v1  }
0x9e: {  	[tilespmem:s3+$0x8B0] =	vst v1  }
0x9f: {  	[tilespmem:s3+$0x8C0] =	vst v1  }
0xa0: {  	[tilespmem:s3+$0x8D0] =	vst v1  }
0xa1: {  	[tilespmem:s3+$0x8E0] =	vst v1  }
0xa2: {  	[tilespmem:s3+$0x8F0] =	vst v1  }
0xa3: {  	[tilespmem:s3+$0x900] =	vst v1  }
0xa4: {  	[tilespmem:s3+$0x910] =	vst v1  }
0xa5: {  	[tilespmem:s3+$0x920] =	vst v1  }
0xa6: {  	[tilespmem:s3+$0x930] =	vst v1  }
0xa7: {  	[tilespmem:s3+$0x940] =	vst v1  }
0xa8: {  	[tilespmem:s3+$0x950] =	vst v1  }
0xa9: {  	[tilespmem:s3+$0x960] =	vst v1  }
0xaa: {  	[tilespmem:s3+$0x970] =	vst v1  }
0xab: {  	[tilespmem:s3+$0x980] =	vst v1  }
0xac: {  	[tilespmem:s3+$0x990] =	vst v1  }
0xad: {  	[tilespmem:s3+$0x9A0] =	vst v1  }
0xae: {  	[tilespmem:s3+$0x9B0] =	vst v1  }
0xaf: {  	[tilespmem:s3+$0x9C0] =	vst v1  }
0xb0: {  	[tilespmem:s3+$0x9D0] =	vst v1  }
0xb1: {  	[tilespmem:s3+$0x9E0] =	vst v1  }
0xb2: {  	[tilespmem:s3+$0x9F0] =	vst v1  }
0xb3: {  	[tilespmem:s3+$0xA00] =	vst v1  }
0xb4: {  	[tilespmem:s3+$0xA10] =	vst v1  }
0xb5: {  	[tilespmem:s3+$0xA20] =	vst v1  }
0xb6: {  	[tilespmem:s3+$0xA30] =	vst v1  }
0xb7: {  	[tilespmem:s3+$0xA40] =	vst v1  }
0xb8: {  	[tilespmem:s3+$0xA50] =	vst v1  }
0xb9: {  	[tilespmem:s3+$0xA60] =	vst v1  }
0xba: {  	[tilespmem:s3+$0xA70] =	vst v1  }
0xbb: {  	[tilespmem:s3+$0xA80] =	vst v1  }
0xbc: {  	[tilespmem:s3+$0xA90] =	vst v1  }
0xbd: {  	[tilespmem:s3+$0xAA0] =	vst v1  }
0xbe: {  	[tilespmem:s3+$0xAB0] =	vst v1  }
0xbf: {  	[tilespmem:s3+$0xAC0] =	vst v1  }
0xc0: {  	[tilespmem:s3+$0xAD0] =	vst v1  }
0xc1: {  	[tilespmem:s3+$0xAE0] =	vst v1  }
0xc2: {  	[tilespmem:s3+$0xAF0] =	vst v1  }
0xc3: {  	[tilespmem:s3+$0xB00] =	vst v1  }
0xc4: {  	[tilespmem:s3+$0xB10] =	vst v1  }
0xc5: {  	[tilespmem:s3+$0xB20] =	vst v1  }
0xc6: {  	[tilespmem:s3+$0xB30] =	vst v1  }
0xc7: {  	[tilespmem:s3+$0xB40] =	vst v1  }
0xc8: {  	[tilespmem:s3+$0xB50] =	vst v1  }
0xc9: {  	[tilespmem:s3+$0xB60] =	vst v1  }
0xca: {  	[tilespmem:s3+$0xB70] =	vst v1  }
0xcb: {  	[tilespmem:s3+$0xB80] =	vst v1  }
0xcc: {  	[tilespmem:s3+$0xB90] =	vst v1  }
0xcd: {  	[tilespmem:s3+$0xBA0] =	vst v1  }
0xce: {  	[tilespmem:s3+$0xBB0] =	vst v1  }
0xcf: {  	[tilespmem:s3+$0xBC0] =	vst v1  }
0xd0: {  	[tilespmem:s3+$0xBD0] =	vst v1  }
0xd1: {  	[tilespmem:s3+$0xBE0] =	vst v1  }
0xd2: {  	_ =	swait.ge [sflag:s31], $0x80  }
0xd3: {  	[sflag:s31] =	ssyncset.done $0x0  }
0xd4: {  	[sflag:s31] =	ssyncadd.s32 $0xFFFFFF80  }
0xd5: {  	_ =	swait.ge [sflag:s31], $0x80  }
0xd6: {  	[sflag:s31] =	ssyncset.done $0x0  }
0xd7: {  	[sflag:s31] =	ssyncadd.s32 $0xFFFFFF80  }
0xd8: {  	_ =	swait.ge [sflag:s31], $0x80  }
0xd9: {  	[sflag:s31] =	ssyncset.done $0x0  }
0xda: {  	[sflag:s31] =	ssyncadd.s32 $0xFFFFFF80  }
0xdb: {  	_ =	swait.ge [sflag:s31], $0x80  }
0xdc: {  	[sflag:s31] =	ssyncset.done $0x0  }
0xdd: {  	[sflag:s31] =	ssyncadd.s32 $0xFFFFFF80  }
0xde: {  	_ =	swait.ge [sflag:s31], $0x80  }
0xdf: {  	[sflag:s31] =	ssyncset.done $0x0  }
0xe0: {  	[sflag:s31] =	ssyncadd.s32 $0xFFFFFF80  }
0xe1: {  	_ =	swait.ge [sflag:s31], $0x80  }
0xe2: {  	[sflag:s31] =	ssyncset.done $0x0  }
0xe3: {  	[sflag:s31] =	ssyncadd.s32 $0xFFFFFF80  }
0xe4: {  	_ =	swait.ge [sflag:s31], $0x80  }
0xe5: {  	[sflag:s31] =	ssyncset.done $0x0  }
0xe6: {  	[sflag:s31] =	ssyncadd.s32 $0xFFFFFF80  }
0xe7: {  	_ =	swait.ge [sflag:s31], $0x80  }
0xe8: {  	[sflag:s31] =	ssyncset.done $0x0  }
0xe9: {  	[sflag:s31] =	ssyncadd.s32 $0xFFFFFF80  }
0xea: {  	_ =	swait.ge [sflag:s31], $0x80  }
0xeb: {  	[sflag:s31] =	ssyncset.done $0x0  }
0xec: {  	[sflag:s31] =	ssyncadd.s32 $0xFFFFFF80  }
0xed: {  	_ =	swait.ge [sflag:s31], $0x80  }
0xee: {  	[sflag:s31] =	ssyncset.done $0x0  }
0xef: {  	[sflag:s31] =	ssyncadd.s32 $0xFFFFFF80  }
0xf0: {  	_ =	swait.ge [sflag:s31], $0x80  }
0xf1: {  	[sflag:s31] =	ssyncset.done $0x0  }
0xf2: {  	[sflag:s31] =	ssyncadd.s32 $0xFFFFFF80  }
0xf3: {  	_ =	swait.ge [sflag:s31], $0x80  }
0xf4: {  	[sflag:s31] =	ssyncset.done $0x0  }
0xf5: {  	s3 =	simm.s32 @!p0 $0x2;
	[sflag:s31] =	ssyncadd.s32 $0xFFFFFF80  }
0xf6: {  	_ =	swait.ge @!p0 [sflag:s3], $0x80  }
0xf7: {  	[sflag:s3] =	ssyncset.done @!p0 $0x0  }
0xf8: {  	[sflag:s3] =	ssyncadd.s32 @!p0 $0xFFFFFF80  }
0xf9: {  	v10 =	vld [tilespmem:$0x0];
	_ =	sdelay $0x4  }
0xfa: {  	v10 =	vshll.u32 v10, $0x7  }
0xfb: {  	v10 =	vor.u32 v0, v10;
	_ =	sdelay $0x4  }
0xfc: {  	[tilespmem:v10+s0+$0x0] =	vst.idx.msk $0xffff, v2  }
0xfd: {  	v10 =	vld [tilespmem:$0x10];
	_ =	sdelay $0x4  }
0xfe: {  	v10 =	vshll.u32 v10, $0x7  }
0xff: {  	v10 =	vor.u32 v3, v10;
	_ =	sdelay $0x4  }
0x100: {  	[tilespmem:v10+s0+$0x0] =	vst.idx.msk $0xffff, v2  }
0x101: {  	v10 =	vld [tilespmem:$0x20];
	_ =	sdelay $0x4  }
0x102: {  	v10 =	vshll.u32 v10, $0x7  }
0x103: {  	v10 =	vor.u32 v4, v10;
	_ =	sdelay $0x4  }
0x104: {  	[tilespmem:v10+s0+$0x0] =	vst.idx.msk $0xffff, v2  }
0x105: {  	v10 =	vld [tilespmem:$0x30];
	_ =	sdelay $0x4  }
0x106: {  	v10 =	vshll.u32 v10, $0x7  }
0x107: {  	v10 =	vor.u32 v5, v10;
	_ =	sdelay $0x4  }
0x108: {  	[tilespmem:v10+s0+$0x0] =	vst.idx.msk $0xffff, v2  }
0x109: {  	v10 =	vld [tilespmem:$0x40];
	_ =	sdelay $0x4  }
0x10a: {  	v10 =	vshll.u32 v10, $0x7  }
0x10b: {  	v10 =	vor.u32 v6, v10;
	_ =	sdelay $0x4  }
0x10c: {  	[tilespmem:v10+s0+$0x0] =	vst.idx.msk $0xffff, v2  }
0x10d: {  	v10 =	vld [tilespmem:$0x50];
	_ =	sdelay $0x4  }
0x10e: {  	v10 =	vshll.u32 v10, $0x7  }
0x10f: {  	v10 =	vor.u32 v7, v10;
	_ =	sdelay $0x4  }
0x110: {  	[tilespmem:v10+s0+$0x0] =	vst.idx.msk $0xffff, v2  }
0x111: {  	v10 =	vld [tilespmem:$0x60];
	_ =	sdelay $0x4  }
0x112: {  	v10 =	vshll.u32 v10, $0x7  }
0x113: {  	v10 =	vor.u32 v8, v10;
	_ =	sdelay $0x4  }
0x114: {  	[tilespmem:v10+s0+$0x0] =	vst.idx.msk $0xffff, v2  }
0x115: {  	v10 =	vld [tilespmem:$0x70];
	_ =	sdelay $0x4  }
0x116: {  	v10 =	vshll.u32 v10, $0x7  }
0x117: {  	v10 =	vor.u32 v9, v10;
	_ =	sdelay $0x4  }
0x118: {  	[tilespmem:v10+s0+$0x0] =	vst.idx.msk $0xffff, v2  }
0x119: {  	[hbm4b:s14+s24] =	stream.strided.scatter [tilespmem:s0], [sflag:$0x1], $0x1F400, s28, s24, $0x38;
	[tilespmem:$0x1FC00] =	vst v63  }
0x11a: {  	_ =	swait.ge [sflag:s1], $0x1F400  }
0x11b: {  	[sflag:s1] =	ssyncset.done $0x0  }
0x11c: {  	[sflag:s1] =	ssyncadd.s32 $0xFFFE0C00  }
0x11d: {  	v10 =	vld [tilespmem:$0x0];
	_ =	sdelay $0x4  }
0x11e: {  	v10 =	vshll.u32 v10, $0x7  }
0x11f: {  	v10 =	vor.u32 v0, v10;
	_ =	sdelay $0x4  }
0x120: {  	[tilespmem:v10+s0+$0x0] =	vst.idx.msk $0xffff, v1  }
0x121: {  	v10 =	vld [tilespmem:$0x10];
	_ =	sdelay $0x4  }
0x122: {  	v10 =	vshll.u32 v10, $0x7  }
0x123: {  	v10 =	vor.u32 v3, v10;
	_ =	sdelay $0x4  }
0x124: {  	[tilespmem:v10+s0+$0x0] =	vst.idx.msk $0xffff, v1  }
0x125: {  	v10 =	vld [tilespmem:$0x20];
	_ =	sdelay $0x4  }
0x126: {  	v10 =	vshll.u32 v10, $0x7  }
0x127: {  	v10 =	vor.u32 v4, v10;
	_ =	sdelay $0x4  }
0x128: {  	[tilespmem:v10+s0+$0x0] =	vst.idx.msk $0xffff, v1  }
0x129: {  	v10 =	vld [tilespmem:$0x30];
	_ =	sdelay $0x4  }
0x12a: {  	v10 =	vshll.u32 v10, $0x7  }
0x12b: {  	v10 =	vor.u32 v5, v10;
	_ =	sdelay $0x4  }
0x12c: {  	[tilespmem:v10+s0+$0x0] =	vst.idx.msk $0xffff, v1  }
0x12d: {  	v10 =	vld [tilespmem:$0x40];
	_ =	sdelay $0x4  }
0x12e: {  	v10 =	vshll.u32 v10, $0x7  }
0x12f: {  	v10 =	vor.u32 v6, v10;
	_ =	sdelay $0x4  }
0x130: {  	[tilespmem:v10+s0+$0x0] =	vst.idx.msk $0xffff, v1  }
0x131: {  	v10 =	vld [tilespmem:$0x50];
	_ =	sdelay $0x4  }
0x132: {  	v10 =	vshll.u32 v10, $0x7  }
0x133: {  	v10 =	vor.u32 v7, v10;
	_ =	sdelay $0x4  }
0x134: {  	[tilespmem:v10+s0+$0x0] =	vst.idx.msk $0xffff, v1  }
0x135: {  	v10 =	vld [tilespmem:$0x60];
	_ =	sdelay $0x4  }
0x136: {  	v10 =	vshll.u32 v10, $0x7  }
0x137: {  	v10 =	vor.u32 v8, v10;
	_ =	sdelay $0x4  }
0x138: {  	[tilespmem:v10+s0+$0x0] =	vst.idx.msk $0xffff, v1  }
0x139: {  	v10 =	vld [tilespmem:$0x70];
	_ =	sdelay $0x4  }
0x13a: {  	v10 =	vshll.u32 v10, $0x7  }
0x13b: {  	v10 =	vor.u32 v9, v10;
	_ =	sdelay $0x4  }
0x13c: {  	[tilespmem:v10+s0+$0x0] =	vst.idx.msk $0xffff, v1  }
0x13d: {  	v10 =	vld [tilespmem:$0x80];
	_ =	sdelay $0x4  }
0x13e: {  	v10 =	vshll.u32 v10, $0x7  }
0x13f: {  	v10 =	vor.u32 v0, v10;
	_ =	sdelay $0x4  }
0x140: {  	[tilespmem:v10+s0+$0x0] =	vst.idx.msk $0xffff, v2  }
0x141: {  	v10 =	vld [tilespmem:$0x90];
	_ =	sdelay $0x4  }
0x142: {  	v10 =	vshll.u32 v10, $0x7  }
0x143: {  	v10 =	vor.u32 v3, v10;
	_ =	sdelay $0x4  }
0x144: {  	[tilespmem:v10+s0+$0x0] =	vst.idx.msk $0xffff, v2  }
0x145: {  	v10 =	vld [tilespmem:$0xA0];
	_ =	sdelay $0x4  }
0x146: {  	v10 =	vshll.u32 v10, $0x7  }
0x147: {  	v10 =	vor.u32 v4, v10;
	_ =	sdelay $0x4  }
0x148: {  	[tilespmem:v10+s0+$0x0] =	vst.idx.msk $0xffff, v2  }
0x149: {  	v10 =	vld [tilespmem:$0xB0];
	_ =	sdelay $0x4  }
0x14a: {  	v10 =	vshll.u32 v10, $0x7  }
0x14b: {  	v10 =	vor.u32 v5, v10;
	_ =	sdelay $0x4  }
0x14c: {  	[tilespmem:v10+s0+$0x0] =	vst.idx.msk $0xffff, v2  }
0x14d: {  	v10 =	vld [tilespmem:$0xC0];
	_ =	sdelay $0x4  }
0x14e: {  	v10 =	vshll.u32 v10, $0x7  }
0x14f: {  	v10 =	vor.u32 v6, v10;
	_ =	sdelay $0x4  }
0x150: {  	[tilespmem:v10+s0+$0x0] =	vst.idx.msk $0xffff, v2  }
0x151: {  	v10 =	vld [tilespmem:$0xD0];
	_ =	sdelay $0x4  }
0x152: {  	v10 =	vshll.u32 v10, $0x7  }
0x153: {  	v10 =	vor.u32 v7, v10;
	_ =	sdelay $0x4  }
0x154: {  	[tilespmem:v10+s0+$0x0] =	vst.idx.msk $0xffff, v2  }
0x155: {  	v10 =	vld [tilespmem:$0xE0];
	_ =	sdelay $0x4  }
0x156: {  	v10 =	vshll.u32 v10, $0x7  }
0x157: {  	v10 =	vor.u32 v8, v10;
	_ =	sdelay $0x4  }
0x158: {  	[tilespmem:v10+s0+$0x0] =	vst.idx.msk $0xffff, v2  }
0x159: {  	v10 =	vld [tilespmem:$0xF0];
	_ =	sdelay $0x4  }
0x15a: {  	v10 =	vshll.u32 v10, $0x7  }
0x15b: {  	v10 =	vor.u32 v9, v10;
	_ =	sdelay $0x4  }
0x15c: {  	[tilespmem:v10+s0+$0x0] =	vst.idx.msk $0xffff, v2  }
0x15d: {  	[hbm4b:s15+s24] =	stream.strided.scatter [tilespmem:s0], [sflag:$0x1], $0x1F400, s28, s24, $0x38;
	[tilespmem:$0x1FC00] =	vst v63  }
0x15e: {  	_ =	swait.ge [sflag:s1], $0x1F400  }
0x15f: {  	[sflag:s1] =	ssyncset.done $0x0  }
0x160: {  	[sflag:s1] =	ssyncadd.s32 $0xFFFE0C00  }
0x161: {  	v10 =	vld [tilespmem:$0x80];
	_ =	sdelay $0x4  }
0x162: {  	v10 =	vshll.u32 v10, $0x7  }
0x163: {  	v10 =	vor.u32 v0, v10;
	_ =	sdelay $0x4  }
0x164: {  	[tilespmem:v10+s0+$0x0] =	vst.idx.msk $0xffff, v1  }
0x165: {  	v10 =	vld [tilespmem:$0x90];
	_ =	sdelay $0x4  }
0x166: {  	v10 =	vshll.u32 v10, $0x7  }
0x167: {  	v10 =	vor.u32 v3, v10;
	_ =	sdelay $0x4  }
0x168: {  	[tilespmem:v10+s0+$0x0] =	vst.idx.msk $0xffff, v1  }
0x169: {  	v10 =	vld [tilespmem:$0xA0];
	_ =	sdelay $0x4  }
0x16a: {  	v10 =	vshll.u32 v10, $0x7  }
0x16b: {  	v10 =	vor.u32 v4, v10;
	_ =	sdelay $0x4  }
0x16c: {  	[tilespmem:v10+s0+$0x0] =	vst.idx.msk $0xffff, v1  }
0x16d: {  	v10 =	vld [tilespmem:$0xB0];
	_ =	sdelay $0x4  }
0x16e: {  	v10 =	vshll.u32 v10, $0x7  }
0x16f: {  	v10 =	vor.u32 v5, v10;
	_ =	sdelay $0x4  }
0x170: {  	[tilespmem:v10+s0+$0x0] =	vst.idx.msk $0xffff, v1  }
0x171: {  	v10 =	vld [tilespmem:$0xC0];
	_ =	sdelay $0x4  }
0x172: {  	v10 =	vshll.u32 v10, $0x7  }
0x173: {  	v10 =	vor.u32 v6, v10;
	_ =	sdelay $0x4  }
0x174: {  	[tilespmem:v10+s0+$0x0] =	vst.idx.msk $0xffff, v1  }
0x175: {  	v10 =	vld [tilespmem:$0xD0];
	_ =	sdelay $0x4  }
0x176: {  	v10 =	vshll.u32 v10, $0x7  }
0x177: {  	v10 =	vor.u32 v7, v10;
	_ =	sdelay $0x4  }
0x178: {  	[tilespmem:v10+s0+$0x0] =	vst.idx.msk $0xffff, v1  }
0x179: {  	v10 =	vld [tilespmem:$0xE0];
	_ =	sdelay $0x4  }
0x17a: {  	v10 =	vshll.u32 v10, $0x7  }
0x17b: {  	v10 =	vor.u32 v8, v10;
	_ =	sdelay $0x4  }
0x17c: {  	[tilespmem:v10+s0+$0x0] =	vst.idx.msk $0xffff, v1  }
0x17d: {  	v10 =	vld [tilespmem:$0xF0];
	_ =	sdelay $0x4  }
0x17e: {  	v10 =	vshll.u32 v10, $0x7  }
0x17f: {  	v10 =	vor.u32 v9, v10;
	_ =	sdelay $0x4  }
0x180: {  	[tilespmem:v10+s0+$0x0] =	vst.idx.msk $0xffff, v1  }
0x181: {  	v10 =	vld [tilespmem:$0x100];
	_ =	sdelay $0x4  }
0x182: {  	v10 =	vshll.u32 v10, $0x7  }
0x183: {  	v10 =	vor.u32 v0, v10;
	_ =	sdelay $0x4  }
0x184: {  	[tilespmem:v10+s0+$0x0] =	vst.idx.msk $0xffff, v2  }
0x185: {  	v10 =	vld [tilespmem:$0x110];
	_ =	sdelay $0x4  }
0x186: {  	v10 =	vshll.u32 v10, $0x7  }
0x187: {  	v10 =	vor.u32 v3, v10;
	_ =	sdelay $0x4  }
0x188: {  	[tilespmem:v10+s0+$0x0] =	vst.idx.msk $0xffff, v2  }
0x189: {  	v10 =	vld [tilespmem:$0x120];
	_ =	sdelay $0x4  }
0x18a: {  	v10 =	vshll.u32 v10, $0x7  }
0x18b: {  	v10 =	vor.u32 v4, v10;
	_ =	sdelay $0x4  }
0x18c: {  	[tilespmem:v10+s0+$0x0] =	vst.idx.msk $0xffff, v2  }
0x18d: {  	v10 =	vld [tilespmem:$0x130];
	_ =	sdelay $0x4  }
0x18e: {  	v10 =	vshll.u32 v10, $0x7  }
0x18f: {  	v10 =	vor.u32 v5, v10;
	_ =	sdelay $0x4  }
0x190: {  	[tilespmem:v10+s0+$0x0] =	vst.idx.msk $0xffff, v2  }
0x191: {  	v10 =	vld [tilespmem:$0x140];
	_ =	sdelay $0x4  }
0x192: {  	v10 =	vshll.u32 v10, $0x7  }
0x193: {  	v10 =	vor.u32 v6, v10;
	_ =	sdelay $0x4  }
0x194: {  	[tilespmem:v10+s0+$0x0] =	vst.idx.msk $0xffff, v2  }
0x195: {  	v10 =	vld [tilespmem:$0x150];
	_ =	sdelay $0x4  }
0x196: {  	v10 =	vshll.u32 v10, $0x7  }
0x197: {  	v10 =	vor.u32 v7, v10;
	_ =	sdelay $0x4  }
0x198: {  	[tilespmem:v10+s0+$0x0] =	vst.idx.msk $0xffff, v2  }
0x199: {  	v10 =	vld [tilespmem:$0x160];
	_ =	sdelay $0x4  }
0x19a: {  	v10 =	vshll.u32 v10, $0x7  }
0x19b: {  	v10 =	vor.u32 v8, v10;
	_ =	sdelay $0x4  }
0x19c: {  	[tilespmem:v10+s0+$0x0] =	vst.idx.msk $0xffff, v2  }
0x19d: {  	v10 =	vld [tilespmem:$0x170];
	_ =	sdelay $0x4  }
0x19e: {  	v10 =	vshll.u32 v10, $0x7  }
0x19f: {  	v10 =	vor.u32 v9, v10;
	_ =	sdelay $0x4  }
0x1a0: {  	[tilespmem:v10+s0+$0x0] =	vst.idx.msk $0xffff, v2  }
0x1a1: {  	[hbm4b:s16+s24] =	stream.strided.scatter [tilespmem:s0], [sflag:$0x1], $0x1F400, s28, s24, $0x38;
	[tilespmem:$0x1FC00] =	vst v63  }
0x1a2: {  	_ =	swait.ge [sflag:s1], $0x1F400  }
0x1a3: {  	[sflag:s1] =	ssyncset.done $0x0  }
0x1a4: {  	[sflag:s1] =	ssyncadd.s32 $0xFFFE0C00  }
0x1a5: {  	v10 =	vld [tilespmem:$0x100];
	_ =	sdelay $0x4  }
0x1a6: {  	v10 =	vshll.u32 v10, $0x7  }
0x1a7: {  	v10 =	vor.u32 v0, v10;
	_ =	sdelay $0x4  }
0x1a8: {  	[tilespmem:v10+s0+$0x0] =	vst.idx.msk $0xffff, v1  }
0x1a9: {  	v10 =	vld [tilespmem:$0x110];
	_ =	sdelay $0x4  }
0x1aa: {  	v10 =	vshll.u32 v10, $0x7  }
0x1ab: {  	v10 =	vor.u32 v3, v10;
	_ =	sdelay $0x4  }
0x1ac: {  	[tilespmem:v10+s0+$0x0] =	vst.idx.msk $0xffff, v1  }
0x1ad: {  	v10 =	vld [tilespmem:$0x120];
	_ =	sdelay $0x4  }
0x1ae: {  	v10 =	vshll.u32 v10, $0x7  }
0x1af: {  	v10 =	vor.u32 v4, v10;
	_ =	sdelay $0x4  }
0x1b0: {  	[tilespmem:v10+s0+$0x0] =	vst.idx.msk $0xffff, v1  }
0x1b1: {  	v10 =	vld [tilespmem:$0x130];
	_ =	sdelay $0x4  }
0x1b2: {  	v10 =	vshll.u32 v10, $0x7  }
0x1b3: {  	v10 =	vor.u32 v5, v10;
	_ =	sdelay $0x4  }
0x1b4: {  	[tilespmem:v10+s0+$0x0] =	vst.idx.msk $0xffff, v1  }
0x1b5: {  	v10 =	vld [tilespmem:$0x140];
	_ =	sdelay $0x4  }
0x1b6: {  	v10 =	vshll.u32 v10, $0x7  }
0x1b7: {  	v10 =	vor.u32 v6, v10;
	_ =	sdelay $0x4  }
0x1b8: {  	[tilespmem:v10+s0+$0x0] =	vst.idx.msk $0xffff, v1  }
0x1b9: {  	v10 =	vld [tilespmem:$0x150];
	_ =	sdelay $0x4  }
0x1ba: {  	v10 =	vshll.u32 v10, $0x7  }
0x1bb: {  	v10 =	vor.u32 v7, v10;
	_ =	sdelay $0x4  }
0x1bc: {  	[tilespmem:v10+s0+$0x0] =	vst.idx.msk $0xffff, v1  }
0x1bd: {  	v10 =	vld [tilespmem:$0x160];
	_ =	sdelay $0x4  }
0x1be: {  	v10 =	vshll.u32 v10, $0x7  }
0x1bf: {  	v10 =	vor.u32 v8, v10;
	_ =	sdelay $0x4  }
0x1c0: {  	[tilespmem:v10+s0+$0x0] =	vst.idx.msk $0xffff, v1  }
0x1c1: {  	v10 =	vld [tilespmem:$0x170];
	_ =	sdelay $0x4  }
0x1c2: {  	v10 =	vshll.u32 v10, $0x7  }
0x1c3: {  	v10 =	vor.u32 v9, v10;
	_ =	sdelay $0x4  }
0x1c4: {  	[tilespmem:v10+s0+$0x0] =	vst.idx.msk $0xffff, v1  }
0x1c5: {  	v10 =	vld [tilespmem:$0x180];
	_ =	sdelay $0x4  }
0x1c6: {  	v10 =	vshll.u32 v10, $0x7  }
0x1c7: {  	v10 =	vor.u32 v0, v10;
	_ =	sdelay $0x4  }
0x1c8: {  	[tilespmem:v10+s0+$0x0] =	vst.idx.msk $0xffff, v2  }
0x1c9: {  	v10 =	vld [tilespmem:$0x190];
	_ =	sdelay $0x4  }
0x1ca: {  	v10 =	vshll.u32 v10, $0x7  }
0x1cb: {  	v10 =	vor.u32 v3, v10;
	_ =	sdelay $0x4  }
0x1cc: {  	[tilespmem:v10+s0+$0x0] =	vst.idx.msk $0xffff, v2  }
0x1cd: {  	v10 =	vld [tilespmem:$0x1A0];
	_ =	sdelay $0x4  }
0x1ce: {  	v10 =	vshll.u32 v10, $0x7  }
0x1cf: {  	v10 =	vor.u32 v4, v10;
	_ =	sdelay $0x4  }
0x1d0: {  	[tilespmem:v10+s0+$0x0] =	vst.idx.msk $0xffff, v2  }
0x1d1: {  	v10 =	vld [tilespmem:$0x1B0];
	_ =	sdelay $0x4  }
0x1d2: {  	v10 =	vshll.u32 v10, $0x7  }
0x1d3: {  	v10 =	vor.u32 v5, v10;
	_ =	sdelay $0x4  }
0x1d4: {  	[tilespmem:v10+s0+$0x0] =	vst.idx.msk $0xffff, v2  }
0x1d5: {  	v10 =	vld [tilespmem:$0x1C0];
	_ =	sdelay $0x4  }
0x1d6: {  	v10 =	vshll.u32 v10, $0x7  }
0x1d7: {  	v10 =	vor.u32 v6, v10;
	_ =	sdelay $0x4  }
0x1d8: {  	[tilespmem:v10+s0+$0x0] =	vst.idx.msk $0xffff, v2  }
0x1d9: {  	v10 =	vld [tilespmem:$0x1D0];
	_ =	sdelay $0x4  }
0x1da: {  	v10 =	vshll.u32 v10, $0x7  }
0x1db: {  	v10 =	vor.u32 v7, v10;
	_ =	sdelay $0x4  }
0x1dc: {  	[tilespmem:v10+s0+$0x0] =	vst.idx.msk $0xffff, v2  }
0x1dd: {  	v10 =	vld [tilespmem:$0x1E0];
	_ =	sdelay $0x4  }
0x1de: {  	v10 =	vshll.u32 v10, $0x7  }
0x1df: {  	v10 =	vor.u32 v8, v10;
	_ =	sdelay $0x4  }
0x1e0: {  	[tilespmem:v10+s0+$0x0] =	vst.idx.msk $0xffff, v2  }
0x1e1: {  	v10 =	vld [tilespmem:$0x1F0];
	_ =	sdelay $0x4  }
0x1e2: {  	v10 =	vshll.u32 v10, $0x7  }
0x1e3: {  	v10 =	vor.u32 v9, v10;
	_ =	sdelay $0x4  }
0x1e4: {  	[tilespmem:v10+s0+$0x0] =	vst.idx.msk $0xffff, v2  }
0x1e5: {  	[hbm4b:s17+s24] =	stream.strided.scatter [tilespmem:s0], [sflag:$0x1], $0x1F400, s28, s24, $0x38;
	[tilespmem:$0x1FC00] =	vst v63  }
0x1e6: {  	_ =	swait.ge [sflag:s1], $0x1F400  }
0x1e7: {  	[sflag:s1] =	ssyncset.done $0x0  }
0x1e8: {  	[sflag:s1] =	ssyncadd.s32 $0xFFFE0C00  }
0x1e9: {  	v10 =	vld [tilespmem:$0x180];
	_ =	sdelay $0x4  }
0x1ea: {  	v10 =	vshll.u32 v10, $0x7  }
0x1eb: {  	v10 =	vor.u32 v0, v10;
	_ =	sdelay $0x4  }
0x1ec: {  	[tilespmem:v10+s0+$0x0] =	vst.idx.msk $0xffff, v1  }
0x1ed: {  	v10 =	vld [tilespmem:$0x190];
	_ =	sdelay $0x4  }
0x1ee: {  	v10 =	vshll.u32 v10, $0x7  }
0x1ef: {  	v10 =	vor.u32 v3, v10;
	_ =	sdelay $0x4  }
0x1f0: {  	[tilespmem:v10+s0+$0x0] =	vst.idx.msk $0xffff, v1  }
0x1f1: {  	v10 =	vld [tilespmem:$0x1A0];
	_ =	sdelay $0x4  }
0x1f2: {  	v10 =	vshll.u32 v10, $0x7  }
0x1f3: {  	v10 =	vor.u32 v4, v10;
	_ =	sdelay $0x4  }
0x1f4: {  	[tilespmem:v10+s0+$0x0] =	vst.idx.msk $0xffff, v1  }
0x1f5: {  	v10 =	vld [tilespmem:$0x1B0];
	_ =	sdelay $0x4  }
0x1f6: {  	v10 =	vshll.u32 v10, $0x7  }
0x1f7: {  	v10 =	vor.u32 v5, v10;
	_ =	sdelay $0x4  }
0x1f8: {  	[tilespmem:v10+s0+$0x0] =	vst.idx.msk $0xffff, v1  }
0x1f9: {  	v10 =	vld [tilespmem:$0x1C0];
	_ =	sdelay $0x4  }
0x1fa: {  	v10 =	vshll.u32 v10, $0x7  }
0x1fb: {  	v10 =	vor.u32 v6, v10;
	_ =	sdelay $0x4  }
0x1fc: {  	[tilespmem:v10+s0+$0x0] =	vst.idx.msk $0xffff, v1  }
0x1fd: {  	v10 =	vld [tilespmem:$0x1D0];
	_ =	sdelay $0x4  }
0x1fe: {  	v10 =	vshll.u32 v10, $0x7  }
0x1ff: {  	v10 =	vor.u32 v7, v10;
	_ =	sdelay $0x4  }
0x200: {  	[tilespmem:v10+s0+$0x0] =	vst.idx.msk $0xffff, v1  }
0x201: {  	v10 =	vld [tilespmem:$0x1E0];
	_ =	sdelay $0x4  }
0x202: {  	v10 =	vshll.u32 v10, $0x7  }
0x203: {  	v10 =	vor.u32 v8, v10;
	_ =	sdelay $0x4  }
0x204: {  	[tilespmem:v10+s0+$0x0] =	vst.idx.msk $0xffff, v1  }
0x205: {  	v10 =	vld [tilespmem:$0x1F0];
	_ =	sdelay $0x4  }
0x206: {  	v10 =	vshll.u32 v10, $0x7  }
0x207: {  	v10 =	vor.u32 v9, v10;
	_ =	sdelay $0x4  }
0x208: {  	[tilespmem:v10+s0+$0x0] =	vst.idx.msk $0xffff, v1  }
0x209: {  	v10 =	vld [tilespmem:$0x200];
	_ =	sdelay $0x4  }
0x20a: {  	v10 =	vshll.u32 v10, $0x7  }
0x20b: {  	v10 =	vor.u32 v0, v10;
	_ =	sdelay $0x4  }
0x20c: {  	[tilespmem:v10+s0+$0x0] =	vst.idx.msk $0xffff, v2  }
0x20d: {  	v10 =	vld [tilespmem:$0x210];
	_ =	sdelay $0x4  }
0x20e: {  	v10 =	vshll.u32 v10, $0x7  }
0x20f: {  	v10 =	vor.u32 v3, v10;
	_ =	sdelay $0x4  }
0x210: {  	[tilespmem:v10+s0+$0x0] =	vst.idx.msk $0xffff, v2  }
0x211: {  	v10 =	vld [tilespmem:$0x220];
	_ =	sdelay $0x4  }
0x212: {  	v10 =	vshll.u32 v10, $0x7  }
0x213: {  	v10 =	vor.u32 v4, v10;
	_ =	sdelay $0x4  }
0x214: {  	[tilespmem:v10+s0+$0x0] =	vst.idx.msk $0xffff, v2  }
0x215: {  	v10 =	vld [tilespmem:$0x230];
	_ =	sdelay $0x4  }
0x216: {  	v10 =	vshll.u32 v10, $0x7  }
0x217: {  	v10 =	vor.u32 v5, v10;
	_ =	sdelay $0x4  }
0x218: {  	[tilespmem:v10+s0+$0x0] =	vst.idx.msk $0xffff, v2  }
0x219: {  	v10 =	vld [tilespmem:$0x240];
	_ =	sdelay $0x4  }
0x21a: {  	v10 =	vshll.u32 v10, $0x7  }
0x21b: {  	v10 =	vor.u32 v6, v10;
	_ =	sdelay $0x4  }
0x21c: {  	[tilespmem:v10+s0+$0x0] =	vst.idx.msk $0xffff, v2  }
0x21d: {  	v10 =	vld [tilespmem:$0x250];
	_ =	sdelay $0x4  }
0x21e: {  	v10 =	vshll.u32 v10, $0x7  }
0x21f: {  	v10 =	vor.u32 v7, v10;
	_ =	sdelay $0x4  }
0x220: {  	[tilespmem:v10+s0+$0x0] =	vst.idx.msk $0xffff, v2  }
0x221: {  	v10 =	vld [tilespmem:$0x260];
	_ =	sdelay $0x4  }
0x222: {  	v10 =	vshll.u32 v10, $0x7  }
0x223: {  	v10 =	vor.u32 v8, v10;
	_ =	sdelay $0x4  }
0x224: {  	[tilespmem:v10+s0+$0x0] =	vst.idx.msk $0xffff, v2  }
0x225: {  	v10 =	vld [tilespmem:$0x270];
	_ =	sdelay $0x4  }
0x226: {  	v10 =	vshll.u32 v10, $0x7  }
0x227: {  	v10 =	vor.u32 v9, v10;
	_ =	sdelay $0x4  }
0x228: {  	[tilespmem:v10+s0+$0x0] =	vst.idx.msk $0xffff, v2  }
0x229: {  	[hbm4b:s18+s24] =	stream.strided.scatter [tilespmem:s0], [sflag:$0x1], $0x1F400, s28, s24, $0x38;
	[tilespmem:$0x1FC00] =	vst v63  }
0x22a: {  	_ =	swait.ge [sflag:s1], $0x1F400  }
0x22b: {  	[sflag:s1] =	ssyncset.done $0x0  }
0x22c: {  	[sflag:s1] =	ssyncadd.s32 $0xFFFE0C00  }
0x22d: {  	v10 =	vld [tilespmem:$0x200];
	_ =	sdelay $0x4  }
0x22e: {  	v10 =	vshll.u32 v10, $0x7  }
0x22f: {  	v10 =	vor.u32 v0, v10;
	_ =	sdelay $0x4  }
0x230: {  	[tilespmem:v10+s0+$0x0] =	vst.idx.msk $0xffff, v1  }
0x231: {  	v10 =	vld [tilespmem:$0x210];
	_ =	sdelay $0x4  }
0x232: {  	v10 =	vshll.u32 v10, $0x7  }
0x233: {  	v10 =	vor.u32 v3, v10;
	_ =	sdelay $0x4  }
0x234: {  	[tilespmem:v10+s0+$0x0] =	vst.idx.msk $0xffff, v1  }
0x235: {  	v10 =	vld [tilespmem:$0x220];
	_ =	sdelay $0x4  }
0x236: {  	v10 =	vshll.u32 v10, $0x7  }
0x237: {  	v10 =	vor.u32 v4, v10;
	_ =	sdelay $0x4  }
0x238: {  	[tilespmem:v10+s0+$0x0] =	vst.idx.msk $0xffff, v1  }
0x239: {  	v10 =	vld [tilespmem:$0x230];
	_ =	sdelay $0x4  }
0x23a: {  	v10 =	vshll.u32 v10, $0x7  }
0x23b: {  	v10 =	vor.u32 v5, v10;
	_ =	sdelay $0x4  }
0x23c: {  	[tilespmem:v10+s0+$0x0] =	vst.idx.msk $0xffff, v1  }
0x23d: {  	v10 =	vld [tilespmem:$0x240];
	_ =	sdelay $0x4  }
0x23e: {  	v10 =	vshll.u32 v10, $0x7  }
0x23f: {  	v10 =	vor.u32 v6, v10;
	_ =	sdelay $0x4  }
0x240: {  	[tilespmem:v10+s0+$0x0] =	vst.idx.msk $0xffff, v1  }
0x241: {  	v10 =	vld [tilespmem:$0x250];
	_ =	sdelay $0x4  }
0x242: {  	v10 =	vshll.u32 v10, $0x7  }
0x243: {  	v10 =	vor.u32 v7, v10;
	_ =	sdelay $0x4  }
0x244: {  	[tilespmem:v10+s0+$0x0] =	vst.idx.msk $0xffff, v1  }
0x245: {  	v10 =	vld [tilespmem:$0x260];
	_ =	sdelay $0x4  }
0x246: {  	v10 =	vshll.u32 v10, $0x7  }
0x247: {  	v10 =	vor.u32 v8, v10;
	_ =	sdelay $0x4  }
0x248: {  	[tilespmem:v10+s0+$0x0] =	vst.idx.msk $0xffff, v1  }
0x249: {  	v10 =	vld [tilespmem:$0x270];
	_ =	sdelay $0x4  }
0x24a: {  	v10 =	vshll.u32 v10, $0x7  }
0x24b: {  	v10 =	vor.u32 v9, v10;
	_ =	sdelay $0x4  }
0x24c: {  	[tilespmem:v10+s0+$0x0] =	vst.idx.msk $0xffff, v1  }
0x24d: {  	v10 =	vld [tilespmem:$0x280];
	_ =	sdelay $0x4  }
0x24e: {  	v10 =	vshll.u32 v10, $0x7  }
0x24f: {  	v10 =	vor.u32 v0, v10;
	_ =	sdelay $0x4  }
0x250: {  	[tilespmem:v10+s0+$0x0] =	vst.idx.msk $0xffff, v2  }
0x251: {  	v10 =	vld [tilespmem:$0x290];
	_ =	sdelay $0x4  }
0x252: {  	v10 =	vshll.u32 v10, $0x7  }
0x253: {  	v10 =	vor.u32 v3, v10;
	_ =	sdelay $0x4  }
0x254: {  	[tilespmem:v10+s0+$0x0] =	vst.idx.msk $0xffff, v2  }
0x255: {  	v10 =	vld [tilespmem:$0x2A0];
	_ =	sdelay $0x4  }
0x256: {  	v10 =	vshll.u32 v10, $0x7  }
0x257: {  	v10 =	vor.u32 v4, v10;
	_ =	sdelay $0x4  }
0x258: {  	[tilespmem:v10+s0+$0x0] =	vst.idx.msk $0xffff, v2  }
0x259: {  	v10 =	vld [tilespmem:$0x2B0];
	_ =	sdelay $0x4  }
0x25a: {  	v10 =	vshll.u32 v10, $0x7  }
0x25b: {  	v10 =	vor.u32 v5, v10;
	_ =	sdelay $0x4  }
0x25c: {  	[tilespmem:v10+s0+$0x0] =	vst.idx.msk $0xffff, v2  }
0x25d: {  	v10 =	vld [tilespmem:$0x2C0];
	_ =	sdelay $0x4  }
0x25e: {  	v10 =	vshll.u32 v10, $0x7  }
0x25f: {  	v10 =	vor.u32 v6, v10;
	_ =	sdelay $0x4  }
0x260: {  	[tilespmem:v10+s0+$0x0] =	vst.idx.msk $0xffff, v2  }
0x261: {  	v10 =	vld [tilespmem:$0x2D0];
	_ =	sdelay $0x4  }
0x262: {  	v10 =	vshll.u32 v10, $0x7  }
0x263: {  	v10 =	vor.u32 v7, v10;
	_ =	sdelay $0x4  }
0x264: {  	[tilespmem:v10+s0+$0x0] =	vst.idx.msk $0xffff, v2  }
0x265: {  	v10 =	vld [tilespmem:$0x2E0];
	_ =	sdelay $0x4  }
0x266: {  	v10 =	vshll.u32 v10, $0x7  }
0x267: {  	v10 =	vor.u32 v8, v10;
	_ =	sdelay $0x4  }
0x268: {  	[tilespmem:v10+s0+$0x0] =	vst.idx.msk $0xffff, v2  }
0x269: {  	v10 =	vld [tilespmem:$0x2F0];
	_ =	sdelay $0x4  }
0x26a: {  	v10 =	vshll.u32 v10, $0x7  }
0x26b: {  	v10 =	vor.u32 v9, v10;
	_ =	sdelay $0x4  }
0x26c: {  	[tilespmem:v10+s0+$0x0] =	vst.idx.msk $0xffff, v2  }
0x26d: {  	[hbm4b:s19+s24] =	stream.strided.scatter [tilespmem:s0], [sflag:$0x1], $0x1F400, s28, s24, $0x38;
	[tilespmem:$0x1FC00] =	vst v63  }
0x26e: {  	_ =	swait.ge [sflag:s1], $0x1F400  }
0x26f: {  	[sflag:s1] =	ssyncset.done $0x0  }
0x270: {  	[sflag:s1] =	ssyncadd.s32 $0xFFFE0C00  }
0x271: {  	v10 =	vld [tilespmem:$0x280];
	_ =	sdelay $0x4  }
0x272: {  	v10 =	vshll.u32 v10, $0x7  }
0x273: {  	v10 =	vor.u32 v0, v10;
	_ =	sdelay $0x4  }
0x274: {  	[tilespmem:v10+s0+$0x0] =	vst.idx.msk $0xffff, v1  }
0x275: {  	v10 =	vld [tilespmem:$0x290];
	_ =	sdelay $0x4  }
0x276: {  	v10 =	vshll.u32 v10, $0x7  }
0x277: {  	v10 =	vor.u32 v3, v10;
	_ =	sdelay $0x4  }
0x278: {  	[tilespmem:v10+s0+$0x0] =	vst.idx.msk $0xffff, v1  }
0x279: {  	v10 =	vld [tilespmem:$0x2A0];
	_ =	sdelay $0x4  }
0x27a: {  	v10 =	vshll.u32 v10, $0x7  }
0x27b: {  	v10 =	vor.u32 v4, v10;
	_ =	sdelay $0x4  }
0x27c: {  	[tilespmem:v10+s0+$0x0] =	vst.idx.msk $0xffff, v1  }
0x27d: {  	v10 =	vld [tilespmem:$0x2B0];
	_ =	sdelay $0x4  }
0x27e: {  	v10 =	vshll.u32 v10, $0x7  }
0x27f: {  	v10 =	vor.u32 v5, v10;
	_ =	sdelay $0x4  }
0x280: {  	[tilespmem:v10+s0+$0x0] =	vst.idx.msk $0xffff, v1  }
0x281: {  	v10 =	vld [tilespmem:$0x2C0];
	_ =	sdelay $0x4  }
0x282: {  	v10 =	vshll.u32 v10, $0x7  }
0x283: {  	v10 =	vor.u32 v6, v10;
	_ =	sdelay $0x4  }
0x284: {  	[tilespmem:v10+s0+$0x0] =	vst.idx.msk $0xffff, v1  }
0x285: {  	v10 =	vld [tilespmem:$0x2D0];
	_ =	sdelay $0x4  }
0x286: {  	v10 =	vshll.u32 v10, $0x7  }
0x287: {  	v10 =	vor.u32 v7, v10;
	_ =	sdelay $0x4  }
0x288: {  	[tilespmem:v10+s0+$0x0] =	vst.idx.msk $0xffff, v1  }
0x289: {  	v10 =	vld [tilespmem:$0x2E0];
	_ =	sdelay $0x4  }
0x28a: {  	v10 =	vshll.u32 v10, $0x7  }
0x28b: {  	v10 =	vor.u32 v8, v10;
	_ =	sdelay $0x4  }
0x28c: {  	[tilespmem:v10+s0+$0x0] =	vst.idx.msk $0xffff, v1  }
0x28d: {  	v10 =	vld [tilespmem:$0x2F0];
	_ =	sdelay $0x4  }
0x28e: {  	v10 =	vshll.u32 v10, $0x7  }
0x28f: {  	v10 =	vor.u32 v9, v10;
	_ =	sdelay $0x4  }
0x290: {  	[tilespmem:v10+s0+$0x0] =	vst.idx.msk $0xffff, v1  }
0x291: {  	v10 =	vld [tilespmem:$0x300];
	_ =	sdelay $0x4  }
0x292: {  	v10 =	vshll.u32 v10, $0x7  }
0x293: {  	v10 =	vor.u32 v0, v10;
	_ =	sdelay $0x4  }
0x294: {  	[tilespmem:v10+s0+$0x0] =	vst.idx.msk $0xffff, v2  }
0x295: {  	v10 =	vld [tilespmem:$0x310];
	_ =	sdelay $0x4  }
0x296: {  	v10 =	vshll.u32 v10, $0x7  }
0x297: {  	v10 =	vor.u32 v3, v10;
	_ =	sdelay $0x4  }
0x298: {  	[tilespmem:v10+s0+$0x0] =	vst.idx.msk $0xffff, v2  }
0x299: {  	v10 =	vld [tilespmem:$0x320];
	_ =	sdelay $0x4  }
0x29a: {  	v10 =	vshll.u32 v10, $0x7  }
0x29b: {  	v10 =	vor.u32 v4, v10;
	_ =	sdelay $0x4  }
0x29c: {  	[tilespmem:v10+s0+$0x0] =	vst.idx.msk $0xffff, v2  }
0x29d: {  	v10 =	vld [tilespmem:$0x330];
	_ =	sdelay $0x4  }
0x29e: {  	v10 =	vshll.u32 v10, $0x7  }
0x29f: {  	v10 =	vor.u32 v5, v10;
	_ =	sdelay $0x4  }
0x2a0: {  	[tilespmem:v10+s0+$0x0] =	vst.idx.msk $0xffff, v2  }
0x2a1: {  	v10 =	vld [tilespmem:$0x340];
	_ =	sdelay $0x4  }
0x2a2: {  	v10 =	vshll.u32 v10, $0x7  }
0x2a3: {  	v10 =	vor.u32 v6, v10;
	_ =	sdelay $0x4  }
0x2a4: {  	[tilespmem:v10+s0+$0x0] =	vst.idx.msk $0xffff, v2  }
0x2a5: {  	v10 =	vld [tilespmem:$0x350];
	_ =	sdelay $0x4  }
0x2a6: {  	v10 =	vshll.u32 v10, $0x7  }
0x2a7: {  	v10 =	vor.u32 v7, v10;
	_ =	sdelay $0x4  }
0x2a8: {  	[tilespmem:v10+s0+$0x0] =	vst.idx.msk $0xffff, v2  }
0x2a9: {  	v10 =	vld [tilespmem:$0x360];
	_ =	sdelay $0x4  }
0x2aa: {  	v10 =	vshll.u32 v10, $0x7  }
0x2ab: {  	v10 =	vor.u32 v8, v10;
	_ =	sdelay $0x4  }
0x2ac: {  	[tilespmem:v10+s0+$0x0] =	vst.idx.msk $0xffff, v2  }
0x2ad: {  	v10 =	vld [tilespmem:$0x370];
	_ =	sdelay $0x4  }
0x2ae: {  	v10 =	vshll.u32 v10, $0x7  }
0x2af: {  	v10 =	vor.u32 v9, v10;
	_ =	sdelay $0x4  }
0x2b0: {  	[tilespmem:v10+s0+$0x0] =	vst.idx.msk $0xffff, v2  }
0x2b1: {  	[hbm4b:s20+s24] =	stream.strided.scatter [tilespmem:s0], [sflag:$0x1], $0x1F400, s28, s24, $0x38;
	[tilespmem:$0x1FC00] =	vst v63  }
0x2b2: {  	_ =	swait.ge [sflag:s1], $0x1F400  }
0x2b3: {  	[sflag:s1] =	ssyncset.done $0x0  }
0x2b4: {  	[sflag:s1] =	ssyncadd.s32 $0xFFFE0C00  }
0x2b5: {  	v10 =	vld [tilespmem:$0x300];
	_ =	sdelay $0x4  }
0x2b6: {  	v10 =	vshll.u32 v10, $0x7  }
0x2b7: {  	v10 =	vor.u32 v0, v10;
	_ =	sdelay $0x4  }
0x2b8: {  	[tilespmem:v10+s0+$0x0] =	vst.idx.msk $0xffff, v1  }
0x2b9: {  	v10 =	vld [tilespmem:$0x310];
	_ =	sdelay $0x4  }
0x2ba: {  	v10 =	vshll.u32 v10, $0x7  }
0x2bb: {  	v10 =	vor.u32 v3, v10;
	_ =	sdelay $0x4  }
0x2bc: {  	[tilespmem:v10+s0+$0x0] =	vst.idx.msk $0xffff, v1  }
0x2bd: {  	v10 =	vld [tilespmem:$0x320];
	_ =	sdelay $0x4  }
0x2be: {  	v10 =	vshll.u32 v10, $0x7  }
0x2bf: {  	v10 =	vor.u32 v4, v10;
	_ =	sdelay $0x4  }
0x2c0: {  	[tilespmem:v10+s0+$0x0] =	vst.idx.msk $0xffff, v1  }
0x2c1: {  	v10 =	vld [tilespmem:$0x330];
	_ =	sdelay $0x4  }
0x2c2: {  	v10 =	vshll.u32 v10, $0x7  }
0x2c3: {  	v10 =	vor.u32 v5, v10;
	_ =	sdelay $0x4  }
0x2c4: {  	[tilespmem:v10+s0+$0x0] =	vst.idx.msk $0xffff, v1  }
0x2c5: {  	v10 =	vld [tilespmem:$0x340];
	_ =	sdelay $0x4  }
0x2c6: {  	v10 =	vshll.u32 v10, $0x7  }
0x2c7: {  	v10 =	vor.u32 v6, v10;
	_ =	sdelay $0x4  }
0x2c8: {  	[tilespmem:v10+s0+$0x0] =	vst.idx.msk $0xffff, v1  }
0x2c9: {  	v10 =	vld [tilespmem:$0x350];
	_ =	sdelay $0x4  }
0x2ca: {  	v10 =	vshll.u32 v10, $0x7  }
0x2cb: {  	v10 =	vor.u32 v7, v10;
	_ =	sdelay $0x4  }
0x2cc: {  	[tilespmem:v10+s0+$0x0] =	vst.idx.msk $0xffff, v1  }
0x2cd: {  	v10 =	vld [tilespmem:$0x360];
	_ =	sdelay $0x4  }
0x2ce: {  	v10 =	vshll.u32 v10, $0x7  }
0x2cf: {  	v10 =	vor.u32 v8, v10;
	_ =	sdelay $0x4  }
0x2d0: {  	[tilespmem:v10+s0+$0x0] =	vst.idx.msk $0xffff, v1  }
0x2d1: {  	v10 =	vld [tilespmem:$0x370];
	_ =	sdelay $0x4  }
0x2d2: {  	v10 =	vshll.u32 v10, $0x7  }
0x2d3: {  	v10 =	vor.u32 v9, v10;
	_ =	sdelay $0x4  }
0x2d4: {  	[tilespmem:v10+s0+$0x0] =	vst.idx.msk $0xffff, v1  }
0x2d5: {  	v10 =	vld [tilespmem:$0x380];
	_ =	sdelay $0x4  }
0x2d6: {  	v10 =	vshll.u32 v10, $0x7  }
0x2d7: {  	v10 =	vor.u32 v0, v10;
	_ =	sdelay $0x4  }
0x2d8: {  	[tilespmem:v10+s0+$0x0] =	vst.idx.msk $0xffff, v2  }
0x2d9: {  	v10 =	vld [tilespmem:$0x390];
	_ =	sdelay $0x4  }
0x2da: {  	v10 =	vshll.u32 v10, $0x7  }
0x2db: {  	v10 =	vor.u32 v3, v10;
	_ =	sdelay $0x4  }
0x2dc: {  	[tilespmem:v10+s0+$0x0] =	vst.idx.msk $0xffff, v2  }
0x2dd: {  	v10 =	vld [tilespmem:$0x3A0];
	_ =	sdelay $0x4  }
0x2de: {  	v10 =	vshll.u32 v10, $0x7  }
0x2df: {  	v10 =	vor.u32 v4, v10;
	_ =	sdelay $0x4  }
0x2e0: {  	[tilespmem:v10+s0+$0x0] =	vst.idx.msk $0xffff, v2  }
0x2e1: {  	v10 =	vld [tilespmem:$0x3B0];
	_ =	sdelay $0x4  }
0x2e2: {  	v10 =	vshll.u32 v10, $0x7  }
0x2e3: {  	v10 =	vor.u32 v5, v10;
	_ =	sdelay $0x4  }
0x2e4: {  	[tilespmem:v10+s0+$0x0] =	vst.idx.msk $0xffff, v2  }
0x2e5: {  	v10 =	vld [tilespmem:$0x3C0];
	_ =	sdelay $0x4  }
0x2e6: {  	v10 =	vshll.u32 v10, $0x7  }
0x2e7: {  	v10 =	vor.u32 v6, v10;
	_ =	sdelay $0x4  }
0x2e8: {  	[tilespmem:v10+s0+$0x0] =	vst.idx.msk $0xffff, v2  }
0x2e9: {  	v10 =	vld [tilespmem:$0x3D0];
	_ =	sdelay $0x4  }
0x2ea: {  	v10 =	vshll.u32 v10, $0x7  }
0x2eb: {  	v10 =	vor.u32 v7, v10;
	_ =	sdelay $0x4  }
0x2ec: {  	[tilespmem:v10+s0+$0x0] =	vst.idx.msk $0xffff, v2  }
0x2ed: {  	v10 =	vld [tilespmem:$0x3E0];
	_ =	sdelay $0x4  }
0x2ee: {  	v10 =	vshll.u32 v10, $0x7  }
0x2ef: {  	v10 =	vor.u32 v8, v10;
	_ =	sdelay $0x4  }
0x2f0: {  	[tilespmem:v10+s0+$0x0] =	vst.idx.msk $0xffff, v2  }
0x2f1: {  	v10 =	vld [tilespmem:$0x3F0];
	_ =	sdelay $0x4  }
0x2f2: {  	v10 =	vshll.u32 v10, $0x7  }
0x2f3: {  	v10 =	vor.u32 v9, v10;
	_ =	sdelay $0x4  }
0x2f4: {  	[tilespmem:v10+s0+$0x0] =	vst.idx.msk $0xffff, v2  }
0x2f5: {  	[hbm4b:s21+s24] =	stream.strided.scatter [tilespmem:s0], [sflag:$0x1], $0x1F400, s28, s24, $0x38;
	[tilespmem:$0x1FC00] =	vst v63  }
0x2f6: {  	_ =	swait.ge [sflag:s1], $0x1F400  }
0x2f7: {  	[sflag:s1] =	ssyncset.done $0x0  }
0x2f8: {  	[sflag:s1] =	ssyncadd.s32 $0xFFFE0C00  }
0x2f9: {  	v10 =	vld [tilespmem:$0x380];
	_ =	sdelay $0x4  }
0x2fa: {  	v10 =	vshll.u32 v10, $0x7  }
0x2fb: {  	v10 =	vor.u32 v0, v10;
	_ =	sdelay $0x4  }
0x2fc: {  	[tilespmem:v10+s0+$0x0] =	vst.idx.msk $0xffff, v1  }
0x2fd: {  	v10 =	vld [tilespmem:$0x390];
	_ =	sdelay $0x4  }
0x2fe: {  	v10 =	vshll.u32 v10, $0x7  }
0x2ff: {  	v10 =	vor.u32 v3, v10;
	_ =	sdelay $0x4  }
0x300: {  	[tilespmem:v10+s0+$0x0] =	vst.idx.msk $0xffff, v1  }
0x301: {  	v10 =	vld [tilespmem:$0x3A0];
	_ =	sdelay $0x4  }
0x302: {  	v10 =	vshll.u32 v10, $0x7  }
0x303: {  	v10 =	vor.u32 v4, v10;
	_ =	sdelay $0x4  }
0x304: {  	[tilespmem:v10+s0+$0x0] =	vst.idx.msk $0xffff, v1  }
0x305: {  	v10 =	vld [tilespmem:$0x3B0];
	_ =	sdelay $0x4  }
0x306: {  	v10 =	vshll.u32 v10, $0x7  }
0x307: {  	v10 =	vor.u32 v5, v10;
	_ =	sdelay $0x4  }
0x308: {  	[tilespmem:v10+s0+$0x0] =	vst.idx.msk $0xffff, v1  }
0x309: {  	v10 =	vld [tilespmem:$0x3C0];
	_ =	sdelay $0x4  }
0x30a: {  	v10 =	vshll.u32 v10, $0x7  }
0x30b: {  	v10 =	vor.u32 v6, v10;
	_ =	sdelay $0x4  }
0x30c: {  	[tilespmem:v10+s0+$0x0] =	vst.idx.msk $0xffff, v1  }
0x30d: {  	v10 =	vld [tilespmem:$0x3D0];
	_ =	sdelay $0x4  }
0x30e: {  	v10 =	vshll.u32 v10, $0x7  }
0x30f: {  	v10 =	vor.u32 v7, v10;
	_ =	sdelay $0x4  }
0x310: {  	[tilespmem:v10+s0+$0x0] =	vst.idx.msk $0xffff, v1  }
0x311: {  	v10 =	vld [tilespmem:$0x3E0];
	_ =	sdelay $0x4  }
0x312: {  	v10 =	vshll.u32 v10, $0x7  }
0x313: {  	v10 =	vor.u32 v8, v10;
	_ =	sdelay $0x4  }
0x314: {  	[tilespmem:v10+s0+$0x0] =	vst.idx.msk $0xffff, v1  }
0x315: {  	v10 =	vld [tilespmem:$0x3F0];
	_ =	sdelay $0x4  }
0x316: {  	v10 =	vshll.u32 v10, $0x7  }
0x317: {  	v10 =	vor.u32 v9, v10;
	_ =	sdelay $0x4  }
0x318: {  	[tilespmem:v10+s0+$0x0] =	vst.idx.msk $0xffff, v1  }
0x319: {  	v10 =	vld [tilespmem:$0x400];
	_ =	sdelay $0x4  }
0x31a: {  	v10 =	vshll.u32 v10, $0x7  }
0x31b: {  	v10 =	vor.u32 v0, v10;
	_ =	sdelay $0x4  }
0x31c: {  	[tilespmem:v10+s0+$0x0] =	vst.idx.msk $0xffff, v2  }
0x31d: {  	v10 =	vld [tilespmem:$0x410];
	_ =	sdelay $0x4  }
0x31e: {  	v10 =	vshll.u32 v10, $0x7  }
0x31f: {  	v10 =	vor.u32 v3, v10;
	_ =	sdelay $0x4  }
0x320: {  	[tilespmem:v10+s0+$0x0] =	vst.idx.msk $0xffff, v2  }
0x321: {  	v10 =	vld [tilespmem:$0x420];
	_ =	sdelay $0x4  }
0x322: {  	v10 =	vshll.u32 v10, $0x7  }
0x323: {  	v10 =	vor.u32 v4, v10;
	_ =	sdelay $0x4  }
0x324: {  	[tilespmem:v10+s0+$0x0] =	vst.idx.msk $0xffff, v2  }
0x325: {  	v10 =	vld [tilespmem:$0x430];
	_ =	sdelay $0x4  }
0x326: {  	v10 =	vshll.u32 v10, $0x7  }
0x327: {  	v10 =	vor.u32 v5, v10;
	_ =	sdelay $0x4  }
0x328: {  	[tilespmem:v10+s0+$0x0] =	vst.idx.msk $0xffff, v2  }
0x329: {  	v10 =	vld [tilespmem:$0x440];
	_ =	sdelay $0x4  }
0x32a: {  	v10 =	vshll.u32 v10, $0x7  }
0x32b: {  	v10 =	vor.u32 v6, v10;
	_ =	sdelay $0x4  }
0x32c: {  	[tilespmem:v10+s0+$0x0] =	vst.idx.msk $0xffff, v2  }
0x32d: {  	v10 =	vld [tilespmem:$0x450];
	_ =	sdelay $0x4  }
0x32e: {  	v10 =	vshll.u32 v10, $0x7  }
0x32f: {  	v10 =	vor.u32 v7, v10;
	_ =	sdelay $0x4  }
0x330: {  	[tilespmem:v10+s0+$0x0] =	vst.idx.msk $0xffff, v2  }
0x331: {  	v10 =	vld [tilespmem:$0x460];
	_ =	sdelay $0x4  }
0x332: {  	v10 =	vshll.u32 v10, $0x7  }
0x333: {  	v10 =	vor.u32 v8, v10;
	_ =	sdelay $0x4  }
0x334: {  	[tilespmem:v10+s0+$0x0] =	vst.idx.msk $0xffff, v2  }
0x335: {  	v10 =	vld [tilespmem:$0x470];
	_ =	sdelay $0x4  }
0x336: {  	v10 =	vshll.u32 v10, $0x7  }
0x337: {  	v10 =	vor.u32 v9, v10;
	_ =	sdelay $0x4  }
0x338: {  	[tilespmem:v10+s0+$0x0] =	vst.idx.msk $0xffff, v2  }
0x339: {  	[hbm4b:s22+s24] =	stream.strided.scatter [tilespmem:s0], [sflag:$0x1], $0x1F400, s28, s24, $0x38;
	[tilespmem:$0x1FC00] =	vst v63  }
0x33a: {  	_ =	swait.ge [sflag:s1], $0x1F400  }
0x33b: {  	[sflag:s1] =	ssyncset.done $0x0  }
0x33c: {  	[sflag:s1] =	ssyncadd.s32 $0xFFFE0C00  }
0x33d: {  	v10 =	vld [tilespmem:$0x400];
	_ =	sdelay $0x4  }
0x33e: {  	v10 =	vshll.u32 v10, $0x7  }
0x33f: {  	v10 =	vor.u32 v0, v10;
	_ =	sdelay $0x4  }
0x340: {  	[tilespmem:v10+s0+$0x0] =	vst.idx.msk $0xffff, v1  }
0x341: {  	v10 =	vld [tilespmem:$0x410];
	_ =	sdelay $0x4  }
0x342: {  	v10 =	vshll.u32 v10, $0x7  }
0x343: {  	v10 =	vor.u32 v3, v10;
	_ =	sdelay $0x4  }
0x344: {  	[tilespmem:v10+s0+$0x0] =	vst.idx.msk $0xffff, v1  }
0x345: {  	v10 =	vld [tilespmem:$0x420];
	_ =	sdelay $0x4  }
0x346: {  	v10 =	vshll.u32 v10, $0x7  }
0x347: {  	v10 =	vor.u32 v4, v10;
	_ =	sdelay $0x4  }
0x348: {  	[tilespmem:v10+s0+$0x0] =	vst.idx.msk $0xffff, v1  }
0x349: {  	v10 =	vld [tilespmem:$0x430];
	_ =	sdelay $0x4  }
0x34a: {  	v10 =	vshll.u32 v10, $0x7  }
0x34b: {  	v10 =	vor.u32 v5, v10;
	_ =	sdelay $0x4  }
0x34c: {  	[tilespmem:v10+s0+$0x0] =	vst.idx.msk $0xffff, v1  }
0x34d: {  	v10 =	vld [tilespmem:$0x440];
	_ =	sdelay $0x4  }
0x34e: {  	v10 =	vshll.u32 v10, $0x7  }
0x34f: {  	v10 =	vor.u32 v6, v10;
	_ =	sdelay $0x4  }
0x350: {  	[tilespmem:v10+s0+$0x0] =	vst.idx.msk $0xffff, v1  }
0x351: {  	v10 =	vld [tilespmem:$0x450];
	_ =	sdelay $0x4  }
0x352: {  	v10 =	vshll.u32 v10, $0x7  }
0x353: {  	v10 =	vor.u32 v7, v10;
	_ =	sdelay $0x4  }
0x354: {  	[tilespmem:v10+s0+$0x0] =	vst.idx.msk $0xffff, v1  }
0x355: {  	v10 =	vld [tilespmem:$0x460];
	_ =	sdelay $0x4  }
0x356: {  	v10 =	vshll.u32 v10, $0x7  }
0x357: {  	v10 =	vor.u32 v8, v10;
	_ =	sdelay $0x4  }
0x358: {  	[tilespmem:v10+s0+$0x0] =	vst.idx.msk $0xffff, v1  }
0x359: {  	v10 =	vld [tilespmem:$0x470];
	_ =	sdelay $0x4  }
0x35a: {  	v10 =	vshll.u32 v10, $0x7  }
0x35b: {  	v10 =	vor.u32 v9, v10;
	_ =	sdelay $0x4  }
0x35c: {  	[tilespmem:v10+s0+$0x0] =	vst.idx.msk $0xffff, v1  }
0x35d: {  	v10 =	vld [tilespmem:$0x480];
	_ =	sdelay $0x4  }
0x35e: {  	v10 =	vshll.u32 v10, $0x7  }
0x35f: {  	v10 =	vor.u32 v0, v10;
	_ =	sdelay $0x4  }
0x360: {  	[tilespmem:v10+s0+$0x0] =	vst.idx.msk $0xffff, v2  }
0x361: {  	v10 =	vld [tilespmem:$0x490];
	_ =	sdelay $0x4  }
0x362: {  	v10 =	vshll.u32 v10, $0x7  }
0x363: {  	v10 =	vor.u32 v3, v10;
	_ =	sdelay $0x4  }
0x364: {  	[tilespmem:v10+s0+$0x0] =	vst.idx.msk $0xffff, v2  }
0x365: {  	v10 =	vld [tilespmem:$0x4A0];
	_ =	sdelay $0x4  }
0x366: {  	v10 =	vshll.u32 v10, $0x7  }
0x367: {  	v10 =	vor.u32 v4, v10;
	_ =	sdelay $0x4  }
0x368: {  	[tilespmem:v10+s0+$0x0] =	vst.idx.msk $0xffff, v2  }
0x369: {  	v10 =	vld [tilespmem:$0x4B0];
	_ =	sdelay $0x4  }
0x36a: {  	v10 =	vshll.u32 v10, $0x7  }
0x36b: {  	v10 =	vor.u32 v5, v10;
	_ =	sdelay $0x4  }
0x36c: {  	[tilespmem:v10+s0+$0x0] =	vst.idx.msk $0xffff, v2  }
0x36d: {  	v10 =	vld [tilespmem:$0x4C0];
	_ =	sdelay $0x4  }
0x36e: {  	v10 =	vshll.u32 v10, $0x7  }
0x36f: {  	v10 =	vor.u32 v6, v10;
	_ =	sdelay $0x4  }
0x370: {  	[tilespmem:v10+s0+$0x0] =	vst.idx.msk $0xffff, v2  }
0x371: {  	v10 =	vld [tilespmem:$0x4D0];
	_ =	sdelay $0x4  }
0x372: {  	v10 =	vshll.u32 v10, $0x7  }
0x373: {  	v10 =	vor.u32 v7, v10;
	_ =	sdelay $0x4  }
0x374: {  	[tilespmem:v10+s0+$0x0] =	vst.idx.msk $0xffff, v2  }
0x375: {  	v10 =	vld [tilespmem:$0x4E0];
	_ =	sdelay $0x4  }
0x376: {  	v10 =	vshll.u32 v10, $0x7  }
0x377: {  	v10 =	vor.u32 v8, v10;
	_ =	sdelay $0x4  }
0x378: {  	[tilespmem:v10+s0+$0x0] =	vst.idx.msk $0xffff, v2  }
0x379: {  	v10 =	vld [tilespmem:$0x4F0];
	_ =	sdelay $0x4  }
0x37a: {  	v10 =	vshll.u32 v10, $0x7  }
0x37b: {  	v10 =	vor.u32 v9, v10;
	_ =	sdelay $0x4  }
0x37c: {  	[tilespmem:v10+s0+$0x0] =	vst.idx.msk $0xffff, v2  }
0x37d: {  	[hbm4b:s23+s24] =	stream.strided.scatter [tilespmem:s0], [sflag:$0x1], $0x1F400, s28, s24, $0x38;
	[tilespmem:$0x1FC00] =	vst v63  }
0x37e: {  	_ =	swait.ge [sflag:s1], $0x1F400  }
0x37f: {  	[sflag:s1] =	ssyncset.done $0x0  }
0x380: {  	[sflag:s1] =	ssyncadd.s32 $0xFFFE0C00  }
0x381: {  	v10 =	vld [tilespmem:$0x480];
	_ =	sdelay $0x4  }
0x382: {  	v10 =	vshll.u32 v10, $0x7  }
0x383: {  	v10 =	vor.u32 v0, v10;
	_ =	sdelay $0x4  }
0x384: {  	[tilespmem:v10+s0+$0x0] =	vst.idx.msk $0xffff, v1  }
0x385: {  	v10 =	vld [tilespmem:$0x490];
	_ =	sdelay $0x4  }
0x386: {  	v10 =	vshll.u32 v10, $0x7  }
0x387: {  	v10 =	vor.u32 v3, v10;
	_ =	sdelay $0x4  }
0x388: {  	[tilespmem:v10+s0+$0x0] =	vst.idx.msk $0xffff, v1  }
0x389: {  	v10 =	vld [tilespmem:$0x4A0];
	_ =	sdelay $0x4  }
0x38a: {  	v10 =	vshll.u32 v10, $0x7  }
0x38b: {  	v10 =	vor.u32 v4, v10;
	_ =	sdelay $0x4  }
0x38c: {  	[tilespmem:v10+s0+$0x0] =	vst.idx.msk $0xffff, v1  }
0x38d: {  	v10 =	vld [tilespmem:$0x4B0];
	_ =	sdelay $0x4  }
0x38e: {  	v10 =	vshll.u32 v10, $0x7  }
0x38f: {  	v10 =	vor.u32 v5, v10;
	_ =	sdelay $0x4  }
0x390: {  	[tilespmem:v10+s0+$0x0] =	vst.idx.msk $0xffff, v1  }
0x391: {  	v10 =	vld [tilespmem:$0x4C0];
	_ =	sdelay $0x4  }
0x392: {  	v10 =	vshll.u32 v10, $0x7  }
0x393: {  	v10 =	vor.u32 v6, v10;
	_ =	sdelay $0x4  }
0x394: {  	[tilespmem:v10+s0+$0x0] =	vst.idx.msk $0xffff, v1  }
0x395: {  	v10 =	vld [tilespmem:$0x4D0];
	_ =	sdelay $0x4  }
0x396: {  	v10 =	vshll.u32 v10, $0x7  }
0x397: {  	v10 =	vor.u32 v7, v10;
	_ =	sdelay $0x4  }
0x398: {  	[tilespmem:v10+s0+$0x0] =	vst.idx.msk $0xffff, v1  }
0x399: {  	v10 =	vld [tilespmem:$0x4E0];
	_ =	sdelay $0x4  }
0x39a: {  	v10 =	vshll.u32 v10, $0x7  }
0x39b: {  	v10 =	vor.u32 v8, v10;
	_ =	sdelay $0x4  }
0x39c: {  	[tilespmem:v10+s0+$0x0] =	vst.idx.msk $0xffff, v1  }
0x39d: {  	v10 =	vld [tilespmem:$0x4F0];
	_ =	sdelay $0x4  }
0x39e: {  	v10 =	vshll.u32 v10, $0x7  }
0x39f: {  	v10 =	vor.u32 v9, v10;
	_ =	sdelay $0x4  }
0x3a0: {  	[tilespmem:v10+s0+$0x0] =	vst.idx.msk $0xffff, v1  }
0x3a1: {  	v10 =	vld [tilespmem:$0x500];
	_ =	sdelay $0x4  }
0x3a2: {  	v10 =	vshll.u32 v10, $0x7  }
0x3a3: {  	v10 =	vor.u32 v0, v10;
	_ =	sdelay $0x4  }
0x3a4: {  	[tilespmem:v10+s0+$0x0] =	vst.idx.msk $0xffff, v2  }
0x3a5: {  	v10 =	vld [tilespmem:$0x510];
	_ =	sdelay $0x4  }
0x3a6: {  	v10 =	vshll.u32 v10, $0x7  }
0x3a7: {  	v10 =	vor.u32 v3, v10;
	_ =	sdelay $0x4  }
0x3a8: {  	[tilespmem:v10+s0+$0x0] =	vst.idx.msk $0xffff, v2  }
0x3a9: {  	v10 =	vld [tilespmem:$0x520];
	_ =	sdelay $0x4  }
0x3aa: {  	v10 =	vshll.u32 v10, $0x7  }
0x3ab: {  	v10 =	vor.u32 v4, v10;
	_ =	sdelay $0x4  }
0x3ac: {  	[tilespmem:v10+s0+$0x0] =	vst.idx.msk $0xffff, v2  }
0x3ad: {  	v10 =	vld [tilespmem:$0x530];
	_ =	sdelay $0x4  }
0x3ae: {  	v10 =	vshll.u32 v10, $0x7  }
0x3af: {  	v10 =	vor.u32 v5, v10;
	_ =	sdelay $0x4  }
0x3b0: {  	[tilespmem:v10+s0+$0x0] =	vst.idx.msk $0xffff, v2  }
0x3b1: {  	v10 =	vld [tilespmem:$0x540];
	_ =	sdelay $0x4  }
0x3b2: {  	v10 =	vshll.u32 v10, $0x7  }
0x3b3: {  	v10 =	vor.u32 v6, v10;
	_ =	sdelay $0x4  }
0x3b4: {  	[tilespmem:v10+s0+$0x0] =	vst.idx.msk $0xffff, v2  }
0x3b5: {  	v10 =	vld [tilespmem:$0x550];
	_ =	sdelay $0x4  }
0x3b6: {  	v10 =	vshll.u32 v10, $0x7  }
0x3b7: {  	v10 =	vor.u32 v7, v10;
	_ =	sdelay $0x4  }
0x3b8: {  	[tilespmem:v10+s0+$0x0] =	vst.idx.msk $0xffff, v2  }
0x3b9: {  	v10 =	vld [tilespmem:$0x560];
	_ =	sdelay $0x4  }
0x3ba: {  	v10 =	vshll.u32 v10, $0x7  }
0x3bb: {  	v10 =	vor.u32 v8, v10;
	_ =	sdelay $0x4  }
0x3bc: {  	[tilespmem:v10+s0+$0x0] =	vst.idx.msk $0xffff, v2  }
0x3bd: {  	v10 =	vld [tilespmem:$0x570];
	_ =	sdelay $0x4  }
0x3be: {  	v10 =	vshll.u32 v10, $0x7  }
0x3bf: {  	v10 =	vor.u32 v9, v10;
	_ =	sdelay $0x4  }
0x3c0: {  	[tilespmem:v10+s0+$0x0] =	vst.idx.msk $0xffff, v2  }
0x3c1: {  	[hbm4b:s25+s24] =	stream.strided.scatter [tilespmem:s0], [sflag:$0x1], $0x1F400, s28, s24, $0x38;
	[tilespmem:$0x1FC00] =	vst v63  }
0x3c2: {  	_ =	swait.ge [sflag:s1], $0x1F400  }
0x3c3: {  	[sflag:s1] =	ssyncset.done $0x0  }
0x3c4: {  	[sflag:s1] =	ssyncadd.s32 $0xFFFE0C00  }
0x3c5: {  	v10 =	vld [tilespmem:$0x500];
	_ =	sdelay $0x4  }
0x3c6: {  	v10 =	vshll.u32 v10, $0x7  }
0x3c7: {  	v10 =	vor.u32 v0, v10;
	_ =	sdelay $0x4  }
0x3c8: {  	[tilespmem:v10+s0+$0x0] =	vst.idx.msk $0xffff, v1  }
0x3c9: {  	v10 =	vld [tilespmem:$0x510];
	_ =	sdelay $0x4  }
0x3ca: {  	v10 =	vshll.u32 v10, $0x7  }
0x3cb: {  	v10 =	vor.u32 v3, v10;
	_ =	sdelay $0x4  }
0x3cc: {  	[tilespmem:v10+s0+$0x0] =	vst.idx.msk $0xffff, v1  }
0x3cd: {  	v10 =	vld [tilespmem:$0x520];
	_ =	sdelay $0x4  }
0x3ce: {  	v10 =	vshll.u32 v10, $0x7  }
0x3cf: {  	v10 =	vor.u32 v4, v10;
	_ =	sdelay $0x4  }
0x3d0: {  	[tilespmem:v10+s0+$0x0] =	vst.idx.msk $0xffff, v1  }
0x3d1: {  	v10 =	vld [tilespmem:$0x530];
	_ =	sdelay $0x4  }
0x3d2: {  	v10 =	vshll.u32 v10, $0x7  }
0x3d3: {  	v10 =	vor.u32 v5, v10;
	_ =	sdelay $0x4  }
0x3d4: {  	[tilespmem:v10+s0+$0x0] =	vst.idx.msk $0xffff, v1  }
0x3d5: {  	v10 =	vld [tilespmem:$0x540];
	_ =	sdelay $0x4  }
0x3d6: {  	v10 =	vshll.u32 v10, $0x7  }
0x3d7: {  	v10 =	vor.u32 v6, v10;
	_ =	sdelay $0x4  }
0x3d8: {  	[tilespmem:v10+s0+$0x0] =	vst.idx.msk $0xffff, v1  }
0x3d9: {  	v10 =	vld [tilespmem:$0x550];
	_ =	sdelay $0x4  }
0x3da: {  	v10 =	vshll.u32 v10, $0x7  }
0x3db: {  	v10 =	vor.u32 v7, v10;
	_ =	sdelay $0x4  }
0x3dc: {  	[tilespmem:v10+s0+$0x0] =	vst.idx.msk $0xffff, v1  }
0x3dd: {  	v10 =	vld [tilespmem:$0x560];
	_ =	sdelay $0x4  }
0x3de: {  	v10 =	vshll.u32 v10, $0x7  }
0x3df: {  	v10 =	vor.u32 v8, v10;
	_ =	sdelay $0x4  }
0x3e0: {  	[tilespmem:v10+s0+$0x0] =	vst.idx.msk $0xffff, v1  }
0x3e1: {  	v10 =	vld [tilespmem:$0x570];
	_ =	sdelay $0x4  }
0x3e2: {  	v10 =	vshll.u32 v10, $0x7  }
0x3e3: {  	v10 =	vor.u32 v9, v10;
	_ =	sdelay $0x4  }
0x3e4: {  	[tilespmem:v10+s0+$0x0] =	vst.idx.msk $0xffff, v1  }
0x3e5: {  	v10 =	vld [tilespmem:$0x580];
	_ =	sdelay $0x4  }
0x3e6: {  	v10 =	vshll.u32 v10, $0x7  }
0x3e7: {  	v10 =	vor.u32 v0, v10;
	_ =	sdelay $0x4  }
0x3e8: {  	[tilespmem:v10+s0+$0x0] =	vst.idx.msk $0xffff, v2  }
0x3e9: {  	v10 =	vld [tilespmem:$0x590];
	_ =	sdelay $0x4  }
0x3ea: {  	v10 =	vshll.u32 v10, $0x7  }
0x3eb: {  	v10 =	vor.u32 v3, v10;
	_ =	sdelay $0x4  }
0x3ec: {  	[tilespmem:v10+s0+$0x0] =	vst.idx.msk $0xffff, v2  }
0x3ed: {  	v10 =	vld [tilespmem:$0x5A0];
	_ =	sdelay $0x4  }
0x3ee: {  	v10 =	vshll.u32 v10, $0x7  }
0x3ef: {  	v10 =	vor.u32 v4, v10;
	_ =	sdelay $0x4  }
0x3f0: {  	[tilespmem:v10+s0+$0x0] =	vst.idx.msk $0xffff, v2  }
0x3f1: {  	v10 =	vld [tilespmem:$0x5B0];
	_ =	sdelay $0x4  }
0x3f2: {  	v10 =	vshll.u32 v10, $0x7  }
0x3f3: {  	v10 =	vor.u32 v5, v10;
	_ =	sdelay $0x4  }
0x3f4: {  	[tilespmem:v10+s0+$0x0] =	vst.idx.msk $0xffff, v2  }
0x3f5: {  	v10 =	vld [tilespmem:$0x5C0];
	_ =	sdelay $0x4  }
0x3f6: {  	v10 =	vshll.u32 v10, $0x7  }
0x3f7: {  	v10 =	vor.u32 v6, v10;
	_ =	sdelay $0x4  }
0x3f8: {  	[tilespmem:v10+s0+$0x0] =	vst.idx.msk $0xffff, v2  }
0x3f9: {  	v10 =	vld [tilespmem:$0x5D0];
	_ =	sdelay $0x4  }
0x3fa: {  	v10 =	vshll.u32 v10, $0x7  }
0x3fb: {  	v10 =	vor.u32 v7, v10;
	_ =	sdelay $0x4  }
0x3fc: {  	[tilespmem:v10+s0+$0x0] =	vst.idx.msk $0xffff, v2  }
0x3fd: {  	v10 =	vld [tilespmem:$0x5E0];
	_ =	sdelay $0x4  }
0x3fe: {  	v10 =	vshll.u32 v10, $0x7  }
0x3ff: {  	v10 =	vor.u32 v8, v10;
	_ =	sdelay $0x4  }
0x400: {  	[tilespmem:v10+s0+$0x0] =	vst.idx.msk $0xffff, v2  }
0x401: {  	v10 =	vld [tilespmem:$0x5F0];
	_ =	sdelay $0x4  }
0x402: {  	v10 =	vshll.u32 v10, $0x7  }
0x403: {  	v10 =	vor.u32 v9, v10;
	_ =	sdelay $0x1  }
.Ltmp3:
0x404: {  	_ = 	snop;
	(pc) =	sbr.rel @p0 .LBB2_5-.Ltmp3, $3  }
0x405: {  	_ =	sdelay $0x1  }
0x406: {  	[tilespmem:v10+s0+$0x0] =	vst.idx.msk $0xffff, v2  }
0x407: {  	[hbm4b:s26+s24] =	stream.strided.scatter [tilespmem:s0], [sflag:$0x1], $0x1F400, s28, s24, $0x38;
	[tilespmem:$0x1FC00] =	vst v63  }
0x408: {  	_ =	swait.ge [sflag:s1], $0x1F400  }
0x409: {  	[sflag:s1] =	ssyncset.done $0x0  }
0x40a: {  	[sflag:s1] =	ssyncadd.s32 $0xFFFE0C00  }
0x40b: {  	v10 =	vld [tilespmem:$0x580];
	_ =	sdelay $0x4  }
0x40c: {  	v10 =	vshll.u32 v10, $0x7  }
0x40d: {  	v10 =	vor.u32 v0, v10;
	_ =	sdelay $0x4  }
0x40e: {  	[tilespmem:v10+s0+$0x0] =	vst.idx.msk $0xffff, v1  }
0x40f: {  	v10 =	vld [tilespmem:$0x590];
	_ =	sdelay $0x4  }
0x410: {  	v10 =	vshll.u32 v10, $0x7  }
0x411: {  	v10 =	vor.u32 v3, v10;
	_ =	sdelay $0x4  }
0x412: {  	[tilespmem:v10+s0+$0x0] =	vst.idx.msk $0xffff, v1  }
0x413: {  	v10 =	vld [tilespmem:$0x5A0];
	_ =	sdelay $0x4  }
0x414: {  	v10 =	vshll.u32 v10, $0x7  }
0x415: {  	v10 =	vor.u32 v4, v10;
	_ =	sdelay $0x4  }
0x416: {  	[tilespmem:v10+s0+$0x0] =	vst.idx.msk $0xffff, v1  }
0x417: {  	v10 =	vld [tilespmem:$0x5B0];
	_ =	sdelay $0x4  }
0x418: {  	v10 =	vshll.u32 v10, $0x7  }
0x419: {  	v10 =	vor.u32 v5, v10;
	_ =	sdelay $0x4  }
0x41a: {  	[tilespmem:v10+s0+$0x0] =	vst.idx.msk $0xffff, v1  }
0x41b: {  	v10 =	vld [tilespmem:$0x5C0];
	_ =	sdelay $0x4  }
0x41c: {  	v10 =	vshll.u32 v10, $0x7  }
0x41d: {  	v10 =	vor.u32 v6, v10;
	_ =	sdelay $0x4  }
0x41e: {  	[tilespmem:v10+s0+$0x0] =	vst.idx.msk $0xffff, v1  }
0x41f: {  	v10 =	vld [tilespmem:$0x5D0];
	_ =	sdelay $0x4  }
0x420: {  	v10 =	vshll.u32 v10, $0x7  }
0x421: {  	v10 =	vor.u32 v7, v10;
	_ =	sdelay $0x4  }
0x422: {  	[tilespmem:v10+s0+$0x0] =	vst.idx.msk $0xffff, v1  }
0x423: {  	v10 =	vld [tilespmem:$0x5E0];
	_ =	sdelay $0x4  }
0x424: {  	v10 =	vshll.u32 v10, $0x7  }
0x425: {  	v10 =	vor.u32 v8, v10;
	_ =	sdelay $0x4  }
0x426: {  	[tilespmem:v10+s0+$0x0] =	vst.idx.msk $0xffff, v1  }
0x427: {  	v10 =	vld [tilespmem:$0x5F0];
	_ =	sdelay $0x4  }
0x428: {  	v10 =	vshll.u32 v10, $0x7  }
0x429: {  	v10 =	vor.u32 v9, v10;
	_ =	sdelay $0x4  }
0x42a: {  	[tilespmem:v10+s0+$0x0] =	vst.idx.msk $0xffff, v1  }
0x42b: {  	v10 =	vld [tilespmem:$0x600];
	_ =	sdelay $0x4  }
0x42c: {  	v10 =	vshll.u32 v10, $0x7  }
0x42d: {  	v10 =	vor.u32 v0, v10;
	_ =	sdelay $0x4  }
0x42e: {  	[tilespmem:v10+s0+$0x0] =	vst.idx.msk $0xffff, v2  }
0x42f: {  	v10 =	vld [tilespmem:$0x610];
	_ =	sdelay $0x4  }
0x430: {  	v10 =	vshll.u32 v10, $0x7  }
0x431: {  	v10 =	vor.u32 v3, v10;
	_ =	sdelay $0x4  }
0x432: {  	[tilespmem:v10+s0+$0x0] =	vst.idx.msk $0xffff, v2  }
0x433: {  	v10 =	vld [tilespmem:$0x620];
	_ =	sdelay $0x4  }
0x434: {  	v10 =	vshll.u32 v10, $0x7  }
0x435: {  	v10 =	vor.u32 v4, v10;
	_ =	sdelay $0x4  }
0x436: {  	[tilespmem:v10+s0+$0x0] =	vst.idx.msk $0xffff, v2  }
0x437: {  	v10 =	vld [tilespmem:$0x630];
	_ =	sdelay $0x4  }
0x438: {  	v10 =	vshll.u32 v10, $0x7  }
0x439: {  	v10 =	vor.u32 v5, v10;
	_ =	sdelay $0x4  }
0x43a: {  	[tilespmem:v10+s0+$0x0] =	vst.idx.msk $0xffff, v2  }
0x43b: {  	v10 =	vld [tilespmem:$0x640];
	_ =	sdelay $0x4  }
0x43c: {  	v10 =	vshll.u32 v10, $0x7  }
0x43d: {  	v10 =	vor.u32 v6, v10;
	_ =	sdelay $0x4  }
0x43e: {  	[tilespmem:v10+s0+$0x0] =	vst.idx.msk $0xffff, v2  }
0x43f: {  	v10 =	vld [tilespmem:$0x650];
	_ =	sdelay $0x4  }
0x440: {  	v10 =	vshll.u32 v10, $0x7  }
0x441: {  	v10 =	vor.u32 v7, v10;
	_ =	sdelay $0x4  }
0x442: {  	[tilespmem:v10+s0+$0x0] =	vst.idx.msk $0xffff, v2  }
0x443: {  	v10 =	vld [tilespmem:$0x660];
	_ =	sdelay $0x4  }
0x444: {  	v10 =	vshll.u32 v10, $0x7  }
0x445: {  	v10 =	vor.u32 v8, v10;
	_ =	sdelay $0x4  }
0x446: {  	[tilespmem:v10+s0+$0x0] =	vst.idx.msk $0xffff, v2  }
0x447: {  	v10 =	vld [tilespmem:$0x670];
	_ =	sdelay $0x4  }
0x448: {  	v10 =	vshll.u32 v10, $0x7  }
0x449: {  	v10 =	vor.u32 v9, v10;
	_ =	sdelay $0x1  }
.Ltmp4:
0x44a: {  	_ = 	snop;
	(pc) =	sbr.rel .LBB2_5-.Ltmp4, $3  }
0x44b: {  	_ =	sdelay $0x1  }
0x44c: {  	s3 =	rddreg [dreg:$0x7];
	[tilespmem:v10+s0+$0x0] =	vst.idx.msk $0xffff, v2  }
0x44d: {  	[hbm4b:s3+s24] =	stream.strided.scatter [tilespmem:s0], [sflag:$0x1], $0x1F400, s28, s24, $0x38;
	[tilespmem:$0x1FC00] =	vst v63  }
.LBB2_6:
0x44e: {  	_ =	sfence.sel $0x180000  }
0x44f: {  	[bflag:$0x0] =	sbarrier.arrive $0xFFFF  }
0x450: {  	_ =	strace $0x90000047  }
0x451: {  	s0 =	stileid.u32;
	[bflag:$0x2] =	sbarrier.arrive $0xFFFF  }
0x452: {  	p0 =	sne.s32 s0, $0x0;
	s0 =	rddreg [dreg:$0x2]  }
0x453: {  	s0 =	sadd.s32 @!p0 $0x100000, s0  }
0x454: {  	[sflag:s0] =	ssyncadd.tile.s32 @!p0 $0x1;
	_ =	shalt  }
.Lfunc_end2:
_tile_overlayer_lowered:
.L_overlay_start_2:
0x455: {  	(tag) =	ssettag $0x2  }
0x456: {  	s0 =	rddreg [dreg:$0x0];
	s2 =	stileid.u32  }
0x457: {  	s1 =	rddreg [dreg:$0x1];
	p0 =	sne.s32 s2, $0x0  }
0x458: {  	s3 =	rddreg [dreg:$0x2];
	[bflag:$0x3] =	sbarrier.arrive $0xFFFF;
	s2 =	simm.s32 @!p0 $0x1C03  }
0x459: {  	[timem:s3], [sflag:s2] =	dma.local @!p0 [hbm:s0], s1  }
0x45a: {  	s0 =	simm.s32 @!p0 $0x3  }
0x45b: {  	_ =	swait.ge @!p0 [sflag:s0], s1  }
0x45c: {  	s1 =	ssub.s32 @!p0 $0x0, s1;
	[sflag:s0] =	ssyncset.done @!p0 $0x0  }
0x45d: {  	[sflag:s0] =	ssyncadd.s32 @!p0 s1  }
0x45e: {  	[bflag:$0x3] =	sbarrier.arrive $0xFFFF  }
0x45f: {  	_ =	shalt  }

</sc_bundles>
